<compile_context>
chip_gen: v7x
topology: tpu7x:2x2x1
jax: 0.10.2.dev20260603
libtpu: 0.0.44.dev20260713+nightly
codegen_flags: <defaults>
</compile_context>

<pallas_src>
import functools

import jax
import jax.numpy as jnp
from jax import lax
from jax.experimental import pallas as pl
from jax.experimental.pallas import tpu as pltpu
from jax.experimental.pallas import tpu_sc as plsc

B = 8; NP = 512; EP = 1024; D = 128; H = 4
N = B * NP; E = B * EP
KV = NP // 2; KE = EP // 2
DH = D // H


def _nt(a, b):
    return jax.lax.dot_general(a, b, (((1,), (1,)), ((), ())))


def _tn(a, b):
    return jax.lax.dot_general(a, b, (((0,), (0,)), ((), ())))


def _gcn_deg_mm_body(np_, x_ref, agg_ref, dst_ref, w_ref, o_ref):
    g = pl.program_id(0)
    ne = dst_ref.shape[2]
    dst_row = dst_ref[0]
    node_col = jax.lax.broadcasted_iota(jnp.int32, (np_, ne), 0) + g * np_
    onehot = (jnp.broadcast_to(dst_row, (np_, ne)) == node_col).astype(jnp.float32)
    deg = jnp.sum(onehot, axis=1, keepdims=True)
    xb = (agg_ref[0] + x_ref[0]) / (deg + 1.0)
    o_ref[0] = jax.nn.relu(xb @ w_ref[...])


def _gcn_mm(x, agg, dst, w, np_, ne):
    nb = x.shape[0] // np_
    x3 = x.reshape(nb, np_, D)
    agg3 = agg.reshape(nb, np_, D)
    dst3 = dst.reshape(nb, 1, ne)
    out = pl.pallas_call(
        functools.partial(_gcn_deg_mm_body, np_),
        grid=(nb,),
        in_specs=[pl.BlockSpec((1, np_, D), lambda i: (i, 0, 0)),
                  pl.BlockSpec((1, np_, D), lambda i: (i, 0, 0)),
                  pl.BlockSpec((1, 1, ne), lambda i: (i, 0, 0)),
                  pl.BlockSpec((D, D), lambda i: (0, 0))],
        out_specs=pl.BlockSpec((1, np_, D), lambda i: (i, 0, 0)),
        out_shape=jax.ShapeDtypeStruct((nb, np_, D), jnp.float32),
    )(x3, agg3, dst3, w)
    return out.reshape(x.shape[0], D)


def _mix_body(h_ref, t_ref, w_ref, o_ref):
    o_ref[...] = jax.nn.relu(h_ref[...] + t_ref[...] @ w_ref[...])


def _mix_mm(h, t, w, rows_per_block=1024):
    n = h.shape[0]
    rb = rows_per_block
    return pl.pallas_call(
        _mix_body,
        grid=(n // rb,),
        in_specs=[pl.BlockSpec((rb, D), lambda i: (i, 0)),
                  pl.BlockSpec((rb, D), lambda i: (i, 0)),
                  pl.BlockSpec((D, D), lambda i: (0, 0))],
        out_specs=pl.BlockSpec((rb, D), lambda i: (i, 0)),
        out_shape=jax.ShapeDtypeStruct((n, D), jnp.float32),
    )(h, t, w)


def _qkv_body(x_ref, wq_ref, wk_ref, wv_ref, q_ref, k_ref, v_ref):
    x = x_ref[0]
    q_ref[0] = x @ wq_ref[...]
    k_ref[0] = x @ wk_ref[...]
    v_ref[0] = x @ wv_ref[...]


def _qkv(xd, Wq, Wk, Wv):
    Bq, L, _ = xd.shape
    w_spec = pl.BlockSpec((D, D), lambda g: (0, 0))
    x_spec = pl.BlockSpec((1, L, D), lambda g: (g, 0, 0))
    return pl.pallas_call(
        _qkv_body,
        grid=(Bq,),
        in_specs=[x_spec, w_spec, w_spec, w_spec],
        out_specs=[x_spec, x_spec, x_spec],
        out_shape=[jax.ShapeDtypeStruct((Bq, L, D), jnp.float32)] * 3,
    )(xd, Wq, Wk, Wv)


def _mixqkv_body(h_ref, t_ref, wm_ref, wq_ref, wk_ref, wv_ref,
                 q_ref, k_ref, v_ref):
    x = jax.nn.relu(h_ref[0] + t_ref[0] @ wm_ref[...])
    q_ref[0] = x @ wq_ref[...]
    k_ref[0] = x @ wk_ref[...]
    v_ref[0] = x @ wv_ref[...]


def _mix_qkv(h, t3, Wm, Wq, Wk, Wv, L):
    Bq = h.shape[0] // L
    h3 = h.reshape(Bq, L, D)
    if t3.ndim == 2:
        t3 = t3.reshape(Bq, L, D)
    w_spec = pl.BlockSpec((D, D), lambda g: (0, 0))
    x_spec = pl.BlockSpec((1, L, D), lambda g: (g, 0, 0))
    return pl.pallas_call(
        _mixqkv_body,
        grid=(Bq,),
        in_specs=[x_spec, x_spec, w_spec, w_spec, w_spec, w_spec],
        out_specs=[x_spec, x_spec, x_spec],
        out_shape=[jax.ShapeDtypeStruct((Bq, L, D), jnp.float32)] * 3,
    )(h3, t3, Wm, Wq, Wk, Wv)


_NW = 32
_GRW = E // _NW
_GADD = None


def _gadd_body(vh_hbm, si_hbm, di_hbm, out_hbm, ia, ib, bufa, bufb, sema, semb):
    c = lax.axis_index("c")
    s = lax.axis_index("s")
    w = s * 2 + c
    pltpu.sync_copy(si_hbm.at[w], ia)
    pltpu.sync_copy(di_hbm.at[w], ib)
    cps = []
    for j in range(_GRW // 128):
        cps.append(pltpu.async_copy(vh_hbm.at[ia.at[j]], bufa.at[pl.ds(j * 128, 128)], sema))
    for cp in cps:
        cp.wait()
    cps = []
    for j in range(_GRW // 128):
        cps.append(pltpu.async_copy(vh_hbm.at[ib.at[j]], bufa.at[pl.ds(j * 128, 128)], semb, add=True))
    for cp in cps:
        cp.wait()
    pltpu.sync_copy(bufa, out_hbm.at[pl.ds(w * _GRW, _GRW)])


def _gather_add(vh, src3, dst3):
    global _GADD
    if _GADD is None:
        _GADD = pl.kernel(
            _gadd_body,
            out_type=jax.ShapeDtypeStruct((E, D), jnp.float32),
            mesh=plsc.VectorSubcoreMesh(core_axis_name="c", subcore_axis_name="s"),
            scratch_types=[
                pltpu.VMEM((_GRW // 128, 128), jnp.int32),
                pltpu.VMEM((_GRW // 128, 128), jnp.int32),
                pltpu.VMEM((_GRW, D), jnp.float32),
                pltpu.VMEM((_GRW, D), jnp.float32),
                pltpu.SemaphoreType.DMA,
                pltpu.SemaphoreType.DMA,
            ],
        )
    return _GADD(vh, src3, dst3)


def _att_core(q, k, v):
    Bq, L, _ = q.shape
    qh = q.reshape(Bq, L, H, DH).transpose(0, 2, 1, 3)
    kh = k.reshape(Bq, L, H, DH).transpose(0, 2, 1, 3)
    vh = v.reshape(Bq, L, H, DH).transpose(0, 2, 1, 3)
    scores = jnp.einsum('bhqd,bhkd->bhqk', qh, kh) / jnp.sqrt(jnp.float32(DH))
    att = jax.nn.softmax(scores, axis=-1)
    out = jnp.einsum('bhqk,bhkd->bhqd', att, vh).transpose(0, 2, 1, 3).reshape(Bq, L, D)
    return out


def _wo_body(x_ref, wo_ref, o_ref):
    o_ref[0] = x_ref[0] @ wo_ref[...]


def _wo_mm(xd, Wo):
    Bq, L, _ = xd.shape
    x_spec = pl.BlockSpec((1, L, D), lambda g: (g, 0, 0))
    return pl.pallas_call(
        _wo_body,
        grid=(Bq,),
        in_specs=[x_spec, pl.BlockSpec((D, D), lambda g: (0, 0))],
        out_specs=x_spec,
        out_shape=jax.ShapeDtypeStruct((Bq, L, D), jnp.float32),
    )(xd, Wo)


def _pool_body(K, x_ref, s_ref, sub_ref, perm_ref):
    L = x_ref.shape[1]
    x = x_ref[0]
    s_col = s_ref[0]
    s_row = jnp.transpose(s_col)
    sc = jnp.broadcast_to(s_col, (L, L))
    sr = jnp.broadcast_to(s_row, (L, L))
    ii = jax.lax.broadcasted_iota(jnp.int32, (L, L), 1)
    jj = jax.lax.broadcasted_iota(jnp.int32, (L, L), 0)
    beats = (sr > sc) | ((sr == sc) & (ii < jj))
    rank_col = jnp.sum(beats.astype(jnp.float32), axis=1, keepdims=True)
    r_lk = jax.lax.broadcasted_iota(jnp.int32, (L, K), 1).astype(jnp.float32)
    oh = (jnp.broadcast_to(rank_col, (L, K)) == r_lk).astype(jnp.float32)
    sub = _tn(oh, x)
    vals = _tn(oh, s_col)
    iota_col = jax.lax.broadcasted_iota(jnp.int32, (L, 1), 0).astype(jnp.float32)
    perm = _tn(oh, iota_col)
    sub_ref[0] = sub * jnp.tanh(vals)
    perm_ref[0] = perm.astype(jnp.int32)


def _pool(xd, scores, K):
    Bq, L, _ = xd.shape
    return pl.pallas_call(
        functools.partial(_pool_body, K),
        grid=(Bq,),
        in_specs=[pl.BlockSpec((1, L, D), lambda g: (g, 0, 0)),
                  pl.BlockSpec((1, L, 1), lambda g: (g, 0, 0))],
        out_specs=[pl.BlockSpec((1, K, D), lambda g: (g, 0, 0)),
                   pl.BlockSpec((1, K, 1), lambda g: (g, 0, 0))],
        out_shape=[jax.ShapeDtypeStruct((Bq, K, D), jnp.float32),
                   jax.ShapeDtypeStruct((Bq, K, 1), jnp.int32)],
    )(xd, scores)


def _encoder(xd, Wq, Wk, Wv, Wo):
    q, k, v = _qkv(xd, Wq, Wk, Wv)
    mid = _att_core(q, k, v)
    return _wo_mm(mid, Wo)


def _poolqkv_body(K, x_ref, s_ref, wq_ref, wk_ref, wv_ref,
                  sub_ref, perm_ref, q_ref, k_ref, v_ref):
    _pool_body(K, x_ref, s_ref, sub_ref, perm_ref)
    x = x_ref[0]
    q_ref[0] = x @ wq_ref[...]
    k_ref[0] = x @ wk_ref[...]
    v_ref[0] = x @ wv_ref[...]


def _pool_qkv(xd, scores, K, Wq, Wk, Wv):
    Bq, L, _ = xd.shape
    w_spec = pl.BlockSpec((D, D), lambda g: (0, 0))
    x_spec = pl.BlockSpec((1, L, D), lambda g: (g, 0, 0))
    return pl.pallas_call(
        functools.partial(_poolqkv_body, K),
        grid=(Bq,),
        in_specs=[x_spec,
                  pl.BlockSpec((1, L, 1), lambda g: (g, 0, 0)),
                  w_spec, w_spec, w_spec],
        out_specs=[pl.BlockSpec((1, K, D), lambda g: (g, 0, 0)),
                   pl.BlockSpec((1, K, 1), lambda g: (g, 0, 0)),
                   x_spec, x_spec, x_spec],
        out_shape=[jax.ShapeDtypeStruct((Bq, K, D), jnp.float32),
                   jax.ShapeDtypeStruct((Bq, K, 1), jnp.int32),
                   jax.ShapeDtypeStruct((Bq, L, D), jnp.float32),
                   jax.ShapeDtypeStruct((Bq, L, D), jnp.float32),
                   jax.ShapeDtypeStruct((Bq, L, D), jnp.float32)],
    )(xd, scores, Wq, Wk, Wv)


def _score(enc, pv):
    pn = pv / (jnp.linalg.norm(pv) + 1e-12)
    return (enc @ pn)[..., None]


def kernel(sparse_x, edge_index, batch, e_x, e_edge_index, e_batch,
           Wv_g, We_g, Wev, Wve, Wq, Wk, Wva, Wo, p):
    src, dst = edge_index[0], edge_index[1]
    esrc, edst = e_edge_index[0], e_edge_index[1]

    v_agg = jax.ops.segment_sum(sparse_x[src], dst, num_segments=N)
    e_agg = jax.ops.segment_sum(e_x[esrc], edst, num_segments=E)
    v_h = _gcn_mm(sparse_x, v_agg, dst, Wv_g, NP, EP)
    e_h = _gcn_mm(e_x, e_agg, edst, We_g, EP, 2 * EP)

    t_v = jax.ops.segment_sum(e_h, src, num_segments=N) + jax.ops.segment_sum(e_h, dst, num_segments=N)
    g2 = _gather_add(v_h, src.reshape(_NW, _GRW // 128, 128), dst.reshape(_NW, _GRW // 128, 128))

    qv, kv, vv = _mix_qkv(v_h, t_v, Wev, Wq[0], Wk[0], Wva[0], NP)
    enc1 = _wo_mm(_att_core(qv, kv, vv), Wo[0])
    v1, p1, q2v, k2v, v2v = _pool_qkv(enc1, _score(enc1, p[0]), KV, Wq[1], Wk[1], Wva[1])
    enc2 = _wo_mm(_att_core(q2v, k2v, v2v), Wo[1])
    v2, p2 = _pool(enc2, _score(enc2, p[1]), KV)
    qe, ke, ve = _mix_qkv(e_h, g2, Wve, Wq[2], Wk[2], Wva[2], EP)
    ee1 = _wo_mm(_att_core(qe, ke, ve), Wo[2])
    e1, q1, q4v, k4v, v4v = _pool_qkv(ee1, _score(ee1, p[2]), KE, Wq[3], Wk[3], Wva[3])
    ee2 = _wo_mm(_att_core(q4v, k4v, v4v), Wo[3])
    e2, q2 = _pool(ee2, _score(ee2, p[3]), KE)

    out = jnp.concatenate([v1.reshape(-1, D), v2.reshape(-1, D),
                           e1.reshape(-1, D), e2.reshape(-1, D)], axis=0)
    return (out, p1.reshape(B, KV), p2.reshape(B, KV),
            q1.reshape(B, KE), q2.reshape(B, KE))

# --- scband reference (transcript-rebuilt; emitter-appended) ---
"""Pipeline reference for scband-cens-sub-encoder-5403068858791 (READ-ONLY COPY).

The authoritative reference and input builder live on the scoring server;
editing this copy changes nothing except your own understanding.
"""

import jax, jax.numpy as jnp
import numpy as np

B = 8; NP = 512; EP = 1024; D = 128; H = 4
N = B * NP; E = B * EP; EEP = 2048
RATIO = 0.5
KV = int(NP * RATIO); KE = int(EP * RATIO)


def setup_inputs(seed: int = 0) -> dict:
    key = jax.random.key(seed)
    ks = jax.random.split(key, 20)
    sparse_x = jax.random.normal(ks[0], (N, D), dtype=jnp.float32)
    off_n = (jnp.arange(B, dtype=jnp.int32) * NP)[:, None]
    src = (jax.random.randint(ks[1], (B, EP), 0, NP, dtype=jnp.int32) + off_n).reshape(-1)
    dst = (jax.random.randint(ks[2], (B, EP), 0, NP, dtype=jnp.int32) + off_n).reshape(-1)
    edge_index = jnp.stack([src, dst])
    batch = jnp.repeat(jnp.arange(B, dtype=jnp.int32), NP)
    e_x = jax.random.normal(ks[3], (E, D), dtype=jnp.float32)
    off_e = (jnp.arange(B, dtype=jnp.int32) * EP)[:, None]
    esrc = (jax.random.randint(ks[4], (B, EEP), 0, EP, dtype=jnp.int32) + off_e).reshape(-1)
    edst = (jax.random.randint(ks[5], (B, EEP), 0, EP, dtype=jnp.int32) + off_e).reshape(-1)
    e_edge_index = jnp.stack([esrc, edst])
    e_batch = jnp.repeat(jnp.arange(B, dtype=jnp.int32), EP)
    s = 0.05
    Wv_g = jax.random.normal(ks[6], (D, D), dtype=jnp.float32) * s
    We_g = jax.random.normal(ks[7], (D, D), dtype=jnp.float32) * s
    Wev = jax.random.normal(ks[8], (D, D), dtype=jnp.float32) * s
    Wve = jax.random.normal(ks[9], (D, D), dtype=jnp.float32) * s
    Wq = jax.random.normal(ks[10], (4, D, D), dtype=jnp.float32) * s
    Wk = jax.random.normal(ks[11], (4, D, D), dtype=jnp.float32) * s
    Wva = jax.random.normal(ks[12], (4, D, D), dtype=jnp.float32) * s
    Wo = jax.random.normal(ks[13], (4, D, D), dtype=jnp.float32) * s
    p = jax.random.normal(ks[14], (4, D), dtype=jnp.float32)
    return {"sparse_x": sparse_x, "edge_index": edge_index, "batch": batch,
            "e_x": e_x, "e_edge_index": e_edge_index, "e_batch": e_batch,
            "Wv_g": Wv_g, "We_g": We_g, "Wev": Wev, "Wve": Wve,
            "Wq": Wq, "Wk": Wk, "Wva": Wva, "Wo": Wo, "p": p}


def _gcn_agg(x, src, dst, n):
    agg = jax.ops.segment_sum(x[src], dst, num_segments=n)
    deg = jax.ops.segment_sum(jnp.ones((src.shape[0], 1), x.dtype), dst, num_segments=n)
    return (agg + x) / (deg + 1.0)


def _mha(x, Wq, Wk, Wv, Wo, mask):
    Bq, L, Dm = x.shape
    dh = Dm // H
    q = (x @ Wq).reshape(Bq, L, H, dh).transpose(0, 2, 1, 3)
    k = (x @ Wk).reshape(Bq, L, H, dh).transpose(0, 2, 1, 3)
    v = (x @ Wv).reshape(Bq, L, H, dh).transpose(0, 2, 1, 3)
    scores = jnp.einsum('bhqd,bhkd->bhqk', q, k) / jnp.sqrt(jnp.float32(dh))
    bias = jnp.where(mask[:, None, None, :], 0.0, -1e9).astype(scores.dtype)
    att = jax.nn.softmax(scores + bias, axis=-1)
    out = jnp.einsum('bhqk,bhkd->bhqd', att, v).transpose(0, 2, 1, 3).reshape(Bq, L, Dm)
    return out @ Wo


def _topk_pool(x, pv, k):
    # PyG TopKPooling: score = x @ p / ||p||; keep top-k per graph; gate kept x by tanh(score)
    score = x @ (pv / (jnp.linalg.norm(pv) + 1e-12))
    vals, idx = jax.lax.top_k(score, k)
    gathered = jnp.take_along_axis(x, idx[..., None], axis=1)
    return gathered * jnp.tanh(vals)[..., None], idx


def reference(sparse_x, edge_index, batch, e_x, e_edge_index, e_batch,
              Wv_g, We_g, Wev, Wve, Wq, Wk, Wva, Wo, p):
    src, dst = edge_index[0], edge_index[1]
    esrc, edst = e_edge_index[0], e_edge_index[1]
    # CensGCN co-embedding block: node GCN, edge GCN, cross mixing via incidence T
    v_h = jax.nn.relu(_gcn_agg(sparse_x, src, dst, N) @ Wv_g)
    e_h = jax.nn.relu(_gcn_agg(e_x, esrc, edst, E) @ We_g)
    t_v = jax.ops.segment_sum(e_h, src, num_segments=N) + jax.ops.segment_sum(e_h, dst, num_segments=N)
    v_out = jax.nn.relu(v_h + t_v @ Wev)
    e_out = jax.nn.relu(e_h + (v_h[src] + v_h[dst]) @ Wve)
    # to_dense_batch (equal-sized graphs -> full mask)
    v_xd = v_out.reshape(B, NP, D)
    v_mask = jnp.ones((B, NP), dtype=bool)
    e_xd = e_out.reshape(B, EP, D)
    e_mask = jnp.ones((B, EP), dtype=bool)
    # select_sub1 / select_sub2 on node graphs
    enc1 = _mha(v_xd, Wq[0], Wk[0], Wva[0], Wo[0], v_mask)
    v_sub1, v_perm1 = _topk_pool(enc1, p[0], KV)
    enc2 = _mha(enc1, Wq[1], Wk[1], Wva[1], Wo[1], v_mask)
    v_sub2, v_perm2 = _topk_pool(enc2, p[1], KV)
    # select_sub4 / select_sub5 on edge (line) graphs
    eenc1 = _mha(e_xd, Wq[2], Wk[2], Wva[2], Wo[2], e_mask)
    e_sub1, e_perm1 = _topk_pool(eenc1, p[2], KE)
    eenc2 = _mha(eenc1, Wq[3], Wk[3], Wva[3], Wo[3], e_mask)
    e_sub2, e_perm2 = _topk_pool(eenc2, p[3], KE)
    out = jnp.concatenate([v_sub1.reshape(-1, D), v_sub2.reshape(-1, D),
                           e_sub1.reshape(-1, D), e_sub2.reshape(-1, D)], axis=0)
    return (out, v_perm1, v_perm2, e_perm1, e_perm2)

if __name__ == "__main__":
    import jax
    _d = setup_inputs()
    print(jax.jit(kernel)(*tuple(_d.values())))

</pallas_src>

<mosaic_0001>
#map = affine_map<(d0, d1) -> (0, 0)>
#map1 = affine_map<(d0, d1) -> (0, 0, 0)>
module attributes {stable_mosaic.version = 14 : i64} {
  func.func @_gadd_body(%arg0: i32, %arg1: i32, %arg2: memref<4096x128xf32, #tpu.memory_space<hbm>>, %arg3: memref<32x2x128xi32, #tpu.memory_space<hbm>>, %arg4: memref<32x2x128xi32, #tpu.memory_space<hbm>>, %arg5: memref<8192x128xf32, #tpu.memory_space<hbm>>, %arg6: memref<2x128xi32, #tpu.memory_space<vmem>>, %arg7: memref<2x128xi32, #tpu.memory_space<vmem>>, %arg8: memref<256x128xf32, #tpu.memory_space<vmem>>, %arg9: memref<256x128xf32, #tpu.memory_space<vmem>>, %arg10: memref<!tpu.dma_semaphore, #tpu.memory_space<semaphore_mem>>, %arg11: memref<!tpu.dma_semaphore, #tpu.memory_space<semaphore_mem>>) attributes {dimension_semantics = [#tpu.dimension_semantics<core_parallel>, #tpu.dimension_semantics<subcore_parallel>], iteration_bounds = array<i64: 2, 16>, scalar_prefetch = 0 : i64, scratch_operands = 6 : i64, tpu.core_type = #tpu.core_type<sc_vector_subcore>, window_params = [{transform_indices = #map}, {transform_indices = #map1}, {transform_indices = #map1}, {transform_indices = #map}]} {
    %mul3A = arith.constant 2 : i32
    %mul3A_0 = arith.muli %arg1, %mul3A : i32
    %add3A = arith.addi %mul3A_0, %arg0 : i32
    "tpu.region"() ({
      %run_scoped3A = tpu.sem_alloc : memref<!tpu.dma_semaphore, #tpu.memory_space<semaphore_mem>>
      %dma_start3A_81 = arith.constant 0 : i32
      %dma_start3A_82 = arith.constant 0 : i32
      %dma_start3A_83 = tpu.memref_slice %arg3[%add3A, %dma_start3A_81, %dma_start3A_82] : memref<32x2x128xi32, #tpu.memory_space<hbm>> -> memref<1x2x128xi32, #tpu.memory_space<hbm>>
      %dma_start3A_84 = tpu.memref_squeeze %dma_start3A_83 : memref<1x2x128xi32, #tpu.memory_space<hbm>> -> memref<2x128xi32, #tpu.memory_space<hbm>>
      %dma_start3A_85 = arith.constant 0 : i32
      %dma_start3A_86 = arith.constant 0 : i32
      %dma_start3A_87 = tpu.memref_slice %arg3[%add3A, %dma_start3A_85, %dma_start3A_86] : memref<32x2x128xi32, #tpu.memory_space<hbm>> -> memref<1x2x128xi32, #tpu.memory_space<hbm>>
      %dma_start3A_88 = tpu.memref_squeeze %dma_start3A_87 : memref<1x2x128xi32, #tpu.memory_space<hbm>> -> memref<2x128xi32, #tpu.memory_space<hbm>>
      tpu.enqueue_dma source(%dma_start3A_88 : memref<2x128xi32, #tpu.memory_space<hbm>>) target(%arg6 : memref<2x128xi32, #tpu.memory_space<vmem>>) target_semaphore(%run_scoped3A : memref<!tpu.dma_semaphore, #tpu.memory_space<semaphore_mem>>)
      %dma_wait3A_89 = arith.constant 0 : i32
      %dma_wait3A_90 = arith.constant 0 : i32
      %dma_wait3A_91 = tpu.memref_slice %arg3[%add3A, %dma_wait3A_89, %dma_wait3A_90] : memref<32x2x128xi32, #tpu.memory_space<hbm>> -> memref<1x2x128xi32, #tpu.memory_space<hbm>>
      %dma_wait3A_92 = tpu.memref_squeeze %dma_wait3A_91 : memref<1x2x128xi32, #tpu.memory_space<hbm>> -> memref<2x128xi32, #tpu.memory_space<hbm>>
      %dma_wait3A_93 = arith.constant 0 : i32
      %dma_wait3A_94 = arith.constant 0 : i32
      %dma_wait3A_95 = tpu.memref_slice %arg3[%add3A, %dma_wait3A_93, %dma_wait3A_94] : memref<32x2x128xi32, #tpu.memory_space<hbm>> -> memref<1x2x128xi32, #tpu.memory_space<hbm>>
      %dma_wait3A_96 = tpu.memref_squeeze %dma_wait3A_95 : memref<1x2x128xi32, #tpu.memory_space<hbm>> -> memref<2x128xi32, #tpu.memory_space<hbm>>
      tpu.wait_dma2 semaphore(%run_scoped3A : memref<!tpu.dma_semaphore, #tpu.memory_space<semaphore_mem>>) src(%dma_wait3A_96 : memref<2x128xi32, #tpu.memory_space<hbm>>) dst(%arg6 : memref<2x128xi32, #tpu.memory_space<vmem>>)
      tpu.yield
    }) : () -> ()
    "tpu.region"() ({
      %run_scoped3A = tpu.sem_alloc : memref<!tpu.dma_semaphore, #tpu.memory_space<semaphore_mem>>
      %dma_start3A_81 = arith.constant 0 : i32
      %dma_start3A_82 = arith.constant 0 : i32
      %dma_start3A_83 = tpu.memref_slice %arg4[%add3A, %dma_start3A_81, %dma_start3A_82] : memref<32x2x128xi32, #tpu.memory_space<hbm>> -> memref<1x2x128xi32, #tpu.memory_space<hbm>>
      %dma_start3A_84 = tpu.memref_squeeze %dma_start3A_83 : memref<1x2x128xi32, #tpu.memory_space<hbm>> -> memref<2x128xi32, #tpu.memory_space<hbm>>
      %dma_start3A_85 = arith.constant 0 : i32
      %dma_start3A_86 = arith.constant 0 : i32
      %dma_start3A_87 = tpu.memref_slice %arg4[%add3A, %dma_start3A_85, %dma_start3A_86] : memref<32x2x128xi32, #tpu.memory_space<hbm>> -> memref<1x2x128xi32, #tpu.memory_space<hbm>>
      %dma_start3A_88 = tpu.memref_squeeze %dma_start3A_87 : memref<1x2x128xi32, #tpu.memory_space<hbm>> -> memref<2x128xi32, #tpu.memory_space<hbm>>
      tpu.enqueue_dma source(%dma_start3A_88 : memref<2x128xi32, #tpu.memory_space<hbm>>) target(%arg7 : memref<2x128xi32, #tpu.memory_space<vmem>>) target_semaphore(%run_scoped3A : memref<!tpu.dma_semaphore, #tpu.memory_space<semaphore_mem>>)
      %dma_wait3A_89 = arith.constant 0 : i32
      %dma_wait3A_90 = arith.constant 0 : i32
      %dma_wait3A_91 = tpu.memref_slice %arg4[%add3A, %dma_wait3A_89, %dma_wait3A_90] : memref<32x2x128xi32, #tpu.memory_space<hbm>> -> memref<1x2x128xi32, #tpu.memory_space<hbm>>
      %dma_wait3A_92 = tpu.memref_squeeze %dma_wait3A_91 : memref<1x2x128xi32, #tpu.memory_space<hbm>> -> memref<2x128xi32, #tpu.memory_space<hbm>>
      %dma_wait3A_93 = arith.constant 0 : i32
      %dma_wait3A_94 = arith.constant 0 : i32
      %dma_wait3A_95 = tpu.memref_slice %arg4[%add3A, %dma_wait3A_93, %dma_wait3A_94] : memref<32x2x128xi32, #tpu.memory_space<hbm>> -> memref<1x2x128xi32, #tpu.memory_space<hbm>>
      %dma_wait3A_96 = tpu.memref_squeeze %dma_wait3A_95 : memref<1x2x128xi32, #tpu.memory_space<hbm>> -> memref<2x128xi32, #tpu.memory_space<hbm>>
      tpu.wait_dma2 semaphore(%run_scoped3A : memref<!tpu.dma_semaphore, #tpu.memory_space<semaphore_mem>>) src(%dma_wait3A_96 : memref<2x128xi32, #tpu.memory_space<hbm>>) dst(%arg7 : memref<2x128xi32, #tpu.memory_space<vmem>>)
      tpu.yield
    }) : () -> ()
    %dma_start3A = arith.constant 0 : i32
    %dma_start3A_1 = arith.constant 0 : i32
    %dma_start3A_2 = arith.constant 0 : i32
    %dma_start3A_3 = tpu.memref_slice %arg8[%dma_start3A_1, %dma_start3A_2] : memref<256x128xf32, #tpu.memory_space<vmem>> -> memref<128x128xf32, #tpu.memory_space<vmem>>
    %dma_start3A_4 = arith.constant 0 : i32
    %dma_start3A_5 = tpu.memref_slice %arg6[%dma_start3A, %dma_start3A_4] : memref<2x128xi32, #tpu.memory_space<vmem>> -> memref<1x128xi32, #tpu.memory_space<vmem>>
    %dma_start3A_6 = tpu.memref_squeeze %dma_start3A_5 : memref<1x128xi32, #tpu.memory_space<vmem>> -> memref<128xi32, #tpu.memory_space<vmem>>
    %dma_start3A_7 = arith.constant 0 : i32
    %dma_start3A_8 = arith.constant 0 : i32
    %dma_start3A_9 = tpu.memref_slice %arg2[%dma_start3A_7, %dma_start3A_8] : memref<4096x128xf32, #tpu.memory_space<hbm>> -> memref<4096x128xf32, #tpu.memory_space<hbm>>
    tpu.enqueue_indirect_dma source(%dma_start3A_9 : memref<4096x128xf32, #tpu.memory_space<hbm>>) target(%dma_start3A_3 : memref<128x128xf32, #tpu.memory_space<vmem>>) offsets(%dma_start3A_6 : memref<128xi32, #tpu.memory_space<vmem>>) semaphore(%arg10 : memref<!tpu.dma_semaphore, #tpu.memory_space<semaphore_mem>>)
    %dma_start3A_10 = arith.constant 1 : i32
    %dma_start3A_11 = arith.constant 128 : i32
    %dma_start3A_12 = arith.constant 0 : i32
    %dma_start3A_13 = tpu.memref_slice %arg8[%dma_start3A_11, %dma_start3A_12] : memref<256x128xf32, #tpu.memory_space<vmem>> -> memref<128x128xf32, #tpu.memory_space<vmem>>
    %dma_start3A_14 = arith.constant 0 : i32
    %dma_start3A_15 = tpu.memref_slice %arg6[%dma_start3A_10, %dma_start3A_14] : memref<2x128xi32, #tpu.memory_space<vmem>> -> memref<1x128xi32, #tpu.memory_space<vmem>>
    %dma_start3A_16 = tpu.memref_squeeze %dma_start3A_15 : memref<1x128xi32, #tpu.memory_space<vmem>> -> memref<128xi32, #tpu.memory_space<vmem>>
    %dma_start3A_17 = arith.constant 0 : i32
    %dma_start3A_18 = arith.constant 0 : i32
    %dma_start3A_19 = tpu.memref_slice %arg2[%dma_start3A_17, %dma_start3A_18] : memref<4096x128xf32, #tpu.memory_space<hbm>> -> memref<4096x128xf32, #tpu.memory_space<hbm>>
    tpu.enqueue_indirect_dma source(%dma_start3A_19 : memref<4096x128xf32, #tpu.memory_space<hbm>>) target(%dma_start3A_13 : memref<128x128xf32, #tpu.memory_space<vmem>>) offsets(%dma_start3A_16 : memref<128xi32, #tpu.memory_space<vmem>>) semaphore(%arg10 : memref<!tpu.dma_semaphore, #tpu.memory_space<semaphore_mem>>)
    %dma_wait3A = arith.constant 0 : i32
    %dma_wait3A_20 = arith.constant 0 : i32
    %dma_wait3A_21 = arith.constant 0 : i32
    %dma_wait3A_22 = tpu.memref_slice %arg8[%dma_wait3A_20, %dma_wait3A_21] : memref<256x128xf32, #tpu.memory_space<vmem>> -> memref<128x128xf32, #tpu.memory_space<vmem>>
    %dma_wait3A_23 = arith.constant 0 : i32
    %dma_wait3A_24 = tpu.memref_slice %arg6[%dma_wait3A, %dma_wait3A_23] : memref<2x128xi32, #tpu.memory_space<vmem>> -> memref<1x128xi32, #tpu.memory_space<vmem>>
    %dma_wait3A_25 = tpu.memref_squeeze %dma_wait3A_24 : memref<1x128xi32, #tpu.memory_space<vmem>> -> memref<128xi32, #tpu.memory_space<vmem>>
    %dma_wait3A_26 = arith.constant 0 : i32
    %dma_wait3A_27 = arith.constant 0 : i32
    %dma_wait3A_28 = tpu.memref_slice %arg2[%dma_wait3A_26, %dma_wait3A_27] : memref<4096x128xf32, #tpu.memory_space<hbm>> -> memref<4096x128xf32, #tpu.memory_space<hbm>>
    tpu.wait_indirect_dma semaphore(%arg10 : memref<!tpu.dma_semaphore, #tpu.memory_space<semaphore_mem>>) src(%dma_wait3A_28 : memref<4096x128xf32, #tpu.memory_space<hbm>>) dst(%dma_wait3A_22 : memref<128x128xf32, #tpu.memory_space<vmem>>)
    %dma_wait3A_29 = arith.constant 1 : i32
    %dma_wait3A_30 = arith.constant 128 : i32
    %dma_wait3A_31 = arith.constant 0 : i32
    %dma_wait3A_32 = tpu.memref_slice %arg8[%dma_wait3A_30, %dma_wait3A_31] : memref<256x128xf32, #tpu.memory_space<vmem>> -> memref<128x128xf32, #tpu.memory_space<vmem>>
    %dma_wait3A_33 = arith.constant 0 : i32
    %dma_wait3A_34 = tpu.memref_slice %arg6[%dma_wait3A_29, %dma_wait3A_33] : memref<2x128xi32, #tpu.memory_space<vmem>> -> memref<1x128xi32, #tpu.memory_space<vmem>>
    %dma_wait3A_35 = tpu.memref_squeeze %dma_wait3A_34 : memref<1x128xi32, #tpu.memory_space<vmem>> -> memref<128xi32, #tpu.memory_space<vmem>>
    %dma_wait3A_36 = arith.constant 0 : i32
    %dma_wait3A_37 = arith.constant 0 : i32
    %dma_wait3A_38 = tpu.memref_slice %arg2[%dma_wait3A_36, %dma_wait3A_37] : memref<4096x128xf32, #tpu.memory_space<hbm>> -> memref<4096x128xf32, #tpu.memory_space<hbm>>
    tpu.wait_indirect_dma semaphore(%arg10 : memref<!tpu.dma_semaphore, #tpu.memory_space<semaphore_mem>>) src(%dma_wait3A_38 : memref<4096x128xf32, #tpu.memory_space<hbm>>) dst(%dma_wait3A_32 : memref<128x128xf32, #tpu.memory_space<vmem>>)
    %dma_start3A_39 = arith.constant 0 : i32
    %dma_start3A_40 = arith.constant 0 : i32
    %dma_start3A_41 = arith.constant 0 : i32
    %dma_start3A_42 = tpu.memref_slice %arg8[%dma_start3A_40, %dma_start3A_41] : memref<256x128xf32, #tpu.memory_space<vmem>> -> memref<128x128xf32, #tpu.memory_space<vmem>>
    %dma_start3A_43 = arith.constant 0 : i32
    %dma_start3A_44 = tpu.memref_slice %arg7[%dma_start3A_39, %dma_start3A_43] : memref<2x128xi32, #tpu.memory_space<vmem>> -> memref<1x128xi32, #tpu.memory_space<vmem>>
    %dma_start3A_45 = tpu.memref_squeeze %dma_start3A_44 : memref<1x128xi32, #tpu.memory_space<vmem>> -> memref<128xi32, #tpu.memory_space<vmem>>
    %dma_start3A_46 = arith.constant 0 : i32
    %dma_start3A_47 = arith.constant 0 : i32
    %dma_start3A_48 = tpu.memref_slice %arg2[%dma_start3A_46, %dma_start3A_47] : memref<4096x128xf32, #tpu.memory_space<hbm>> -> memref<4096x128xf32, #tpu.memory_space<hbm>>
    tpu.enqueue_indirect_dma source(%dma_start3A_48 : memref<4096x128xf32, #tpu.memory_space<hbm>>) target(%dma_start3A_42 : memref<128x128xf32, #tpu.memory_space<vmem>>) offsets(%dma_start3A_45 : memref<128xi32, #tpu.memory_space<vmem>>) semaphore(%arg11 : memref<!tpu.dma_semaphore, #tpu.memory_space<semaphore_mem>>) {add = true}
    %dma_start3A_49 = arith.constant 1 : i32
    %dma_start3A_50 = arith.constant 128 : i32
    %dma_start3A_51 = arith.constant 0 : i32
    %dma_start3A_52 = tpu.memref_slice %arg8[%dma_start3A_50, %dma_start3A_51] : memref<256x128xf32, #tpu.memory_space<vmem>> -> memref<128x128xf32, #tpu.memory_space<vmem>>
    %dma_start3A_53 = arith.constant 0 : i32
    %dma_start3A_54 = tpu.memref_slice %arg7[%dma_start3A_49, %dma_start3A_53] : memref<2x128xi32, #tpu.memory_space<vmem>> -> memref<1x128xi32, #tpu.memory_space<vmem>>
    %dma_start3A_55 = tpu.memref_squeeze %dma_start3A_54 : memref<1x128xi32, #tpu.memory_space<vmem>> -> memref<128xi32, #tpu.memory_space<vmem>>
    %dma_start3A_56 = arith.constant 0 : i32
    %dma_start3A_57 = arith.constant 0 : i32
    %dma_start3A_58 = tpu.memref_slice %arg2[%dma_start3A_56, %dma_start3A_57] : memref<4096x128xf32, #tpu.memory_space<hbm>> -> memref<4096x128xf32, #tpu.memory_space<hbm>>
    tpu.enqueue_indirect_dma source(%dma_start3A_58 : memref<4096x128xf32, #tpu.memory_space<hbm>>) target(%dma_start3A_52 : memref<128x128xf32, #tpu.memory_space<vmem>>) offsets(%dma_start3A_55 : memref<128xi32, #tpu.memory_space<vmem>>) semaphore(%arg11 : memref<!tpu.dma_semaphore, #tpu.memory_space<semaphore_mem>>) {add = true}
    %dma_wait3A_59 = arith.constant 0 : i32
    %dma_wait3A_60 = arith.constant 0 : i32
    %dma_wait3A_61 = arith.constant 0 : i32
    %dma_wait3A_62 = tpu.memref_slice %arg8[%dma_wait3A_60, %dma_wait3A_61] : memref<256x128xf32, #tpu.memory_space<vmem>> -> memref<128x128xf32, #tpu.memory_space<vmem>>
    %dma_wait3A_63 = arith.constant 0 : i32
    %dma_wait3A_64 = tpu.memref_slice %arg7[%dma_wait3A_59, %dma_wait3A_63] : memref<2x128xi32, #tpu.memory_space<vmem>> -> memref<1x128xi32, #tpu.memory_space<vmem>>
    %dma_wait3A_65 = tpu.memref_squeeze %dma_wait3A_64 : memref<1x128xi32, #tpu.memory_space<vmem>> -> memref<128xi32, #tpu.memory_space<vmem>>
    %dma_wait3A_66 = arith.constant 0 : i32
    %dma_wait3A_67 = arith.constant 0 : i32
    %dma_wait3A_68 = tpu.memref_slice %arg2[%dma_wait3A_66, %dma_wait3A_67] : memref<4096x128xf32, #tpu.memory_space<hbm>> -> memref<4096x128xf32, #tpu.memory_space<hbm>>
    tpu.wait_indirect_dma semaphore(%arg11 : memref<!tpu.dma_semaphore, #tpu.memory_space<semaphore_mem>>) src(%dma_wait3A_68 : memref<4096x128xf32, #tpu.memory_space<hbm>>) dst(%dma_wait3A_62 : memref<128x128xf32, #tpu.memory_space<vmem>>)
    %dma_wait3A_69 = arith.constant 1 : i32
    %dma_wait3A_70 = arith.constant 128 : i32
    %dma_wait3A_71 = arith.constant 0 : i32
    %dma_wait3A_72 = tpu.memref_slice %arg8[%dma_wait3A_70, %dma_wait3A_71] : memref<256x128xf32, #tpu.memory_space<vmem>> -> memref<128x128xf32, #tpu.memory_space<vmem>>
    %dma_wait3A_73 = arith.constant 0 : i32
    %dma_wait3A_74 = tpu.memref_slice %arg7[%dma_wait3A_69, %dma_wait3A_73] : memref<2x128xi32, #tpu.memory_space<vmem>> -> memref<1x128xi32, #tpu.memory_space<vmem>>
    %dma_wait3A_75 = tpu.memref_squeeze %dma_wait3A_74 : memref<1x128xi32, #tpu.memory_space<vmem>> -> memref<128xi32, #tpu.memory_space<vmem>>
    %dma_wait3A_76 = arith.constant 0 : i32
    %dma_wait3A_77 = arith.constant 0 : i32
    %dma_wait3A_78 = tpu.memref_slice %arg2[%dma_wait3A_76, %dma_wait3A_77] : memref<4096x128xf32, #tpu.memory_space<hbm>> -> memref<4096x128xf32, #tpu.memory_space<hbm>>
    tpu.wait_indirect_dma semaphore(%arg11 : memref<!tpu.dma_semaphore, #tpu.memory_space<semaphore_mem>>) src(%dma_wait3A_78 : memref<4096x128xf32, #tpu.memory_space<hbm>>) dst(%dma_wait3A_72 : memref<128x128xf32, #tpu.memory_space<vmem>>)
    %mul3A_79 = arith.constant 256 : i32
    %mul3A_80 = arith.muli %add3A, %mul3A_79 : i32
    "tpu.region"() ({
      %run_scoped3A = tpu.sem_alloc : memref<!tpu.dma_semaphore, #tpu.memory_space<semaphore_mem>>
      %dma_start3A_81 = arith.constant 0 : i32
      %dma_start3A_82 = tpu.memref_slice %arg5[%mul3A_80, %dma_start3A_81] : memref<8192x128xf32, #tpu.memory_space<hbm>> -> memref<256x128xf32, #tpu.memory_space<hbm>>
      %dma_start3A_83 = arith.constant 0 : i32
      %dma_start3A_84 = tpu.memref_slice %arg5[%mul3A_80, %dma_start3A_83] : memref<8192x128xf32, #tpu.memory_space<hbm>> -> memref<256x128xf32, #tpu.memory_space<hbm>>
      tpu.enqueue_dma source(%arg8 : memref<256x128xf32, #tpu.memory_space<vmem>>) target(%dma_start3A_84 : memref<256x128xf32, #tpu.memory_space<hbm>>) target_semaphore(%run_scoped3A : memref<!tpu.dma_semaphore, #tpu.memory_space<semaphore_mem>>)
      %dma_wait3A_85 = arith.constant 0 : i32
      %dma_wait3A_86 = tpu.memref_slice %arg5[%mul3A_80, %dma_wait3A_85] : memref<8192x128xf32, #tpu.memory_space<hbm>> -> memref<256x128xf32, #tpu.memory_space<hbm>>
      %dma_wait3A_87 = arith.constant 0 : i32
      %dma_wait3A_88 = tpu.memref_slice %arg5[%mul3A_80, %dma_wait3A_87] : memref<8192x128xf32, #tpu.memory_space<hbm>> -> memref<256x128xf32, #tpu.memory_space<hbm>>
      tpu.wait_dma2 semaphore(%run_scoped3A : memref<!tpu.dma_semaphore, #tpu.memory_space<semaphore_mem>>) src(%arg8 : memref<256x128xf32, #tpu.memory_space<vmem>>) dst(%dma_wait3A_88 : memref<256x128xf32, #tpu.memory_space<hbm>>)
      tpu.yield
    }) : () -> ()
    return
  }
}

module attributes {stable_mosaic.version = 14 : i64} {
  func.func @_gcn_deg_mm_body(%arg0: i32, %arg1: memref<1x1024x128xf32, #tpu.memory_space<vmem>>, %arg2: memref<1x1024x128xf32, #tpu.memory_space<vmem>>, %arg3: memref<1x1x2048xi32, #tpu.memory_space<vmem>>, %arg4: memref<128x128xf32, #tpu.memory_space<vmem>>, %arg5: memref<1x1024x128xf32, #tpu.memory_space<vmem>>) attributes {dimension_semantics = [#tpu.dimension_semantics<arbitrary>], iteration_bounds = array<i64: 8>, scalar_prefetch = 0 : i64, scratch_operands = 0 : i64, tpu.core_type = #tpu.core_type<tc>, window_params = [{transform_indices = @transform_0, window_bounds = array<i64: 1, 1024, 128>}, {transform_indices = @transform_1, window_bounds = array<i64: 1, 1024, 128>}, {transform_indices = @transform_2, window_bounds = array<i64: 1, 1, 2048>}, {pipeline_mode = #tpu.pipeline_mode<synchronous>, transform_indices = @transform_3, window_bounds = array<i64: 128, 128>}, {transform_indices = @transform_4, window_bounds = array<i64: 1, 1024, 128>}]} {
    %get3A = arith.constant 0 : index
    %get3A_0 = arith.constant 0 : index
    %get3A_1 = arith.constant 0 : index
    %get3A_2 = vector.load %arg3[%get3A, %get3A_0, %get3A_1] : memref<1x1x2048xi32, #tpu.memory_space<vmem>>, vector<1x1x2048xi32>
    %get3A_3 = vector.shape_cast %get3A_2 : vector<1x1x2048xi32> to vector<1x2048xi32>
    %iota3A = tpu.iota {dimensions = array<i32: 0>} : vector<1024x2048xi32>
    %mul3A = arith.constant 1024 : i32
    %mul3A_4 = arith.muli %arg0, %mul3A : i32
    %add3A = vector.broadcast %mul3A_4 : i32 to vector<1024x2048xi32>
    %add3A_5 = arith.addi %iota3A, %add3A : vector<1024x2048xi32>
    %broadcast_in_dim3A = vector.shape_cast %get3A_3 : vector<1x2048xi32> to vector<1x2048xi32>
    %broadcast_in_dim3A_6 = vector.broadcast %broadcast_in_dim3A : vector<1x2048xi32> to vector<1024x2048xi32>
    %eq3A = arith.cmpi eq, %broadcast_in_dim3A_6, %add3A_5 : vector<1024x2048xi32>
    %convert_element_type3A = arith.extui %eq3A : vector<1024x2048xi1> to vector<1024x2048xi32>
    %convert_element_type3A_7 = arith.sitofp %convert_element_type3A : vector<1024x2048xi32> to vector<1024x2048xf32>
    %reduce_sum3A = arith.constant dense<0.000000e+00> : vector<1024xf32>
    %reduce_sum3A_8 = vector.multi_reduction <add>, %convert_element_type3A_7, %reduce_sum3A [1] : vector<1024x2048xf32> to vector<1024xf32>
    %broadcast_in_dim3A_9 = vector.shape_cast %reduce_sum3A_8 : vector<1024xf32> to vector<1024x1xf32>
    %get3A_10 = arith.constant 0 : index
    %get3A_11 = arith.constant 0 : index
    %get3A_12 = arith.constant 0 : index
    %get3A_13 = vector.load %arg2[%get3A_10, %get3A_11, %get3A_12] : memref<1x1024x128xf32, #tpu.memory_space<vmem>>, vector<1x1024x128xf32>
    %get3A_14 = vector.shape_cast %get3A_13 : vector<1x1024x128xf32> to vector<1024x128xf32>
    %get3A_15 = arith.constant 0 : index
    %get3A_16 = arith.constant 0 : index
    %get3A_17 = arith.constant 0 : index
    %get3A_18 = vector.load %arg1[%get3A_15, %get3A_16, %get3A_17] : memref<1x1024x128xf32, #tpu.memory_space<vmem>>, vector<1x1024x128xf32>
    %get3A_19 = vector.shape_cast %get3A_18 : vector<1x1024x128xf32> to vector<1024x128xf32>
    %add3A_20 = arith.addf %get3A_14, %get3A_19 : vector<1024x128xf32>
    %add3A_21 = arith.constant 1.000000e+00 : f32
    %add3A_22 = vector.broadcast %add3A_21 : f32 to vector<1024x1xf32>
    %add3A_23 = arith.addf %broadcast_in_dim3A_9, %add3A_22 : vector<1024x1xf32>
    %div3A = vector.broadcast %add3A_23 : vector<1024x1xf32> to vector<1024x128xf32>
    %div3A_24 = arith.divf %add3A_20, %div3A : vector<1024x128xf32>
    %get3A_25 = arith.constant 0 : index
    %get3A_26 = arith.constant 0 : index
    %get3A_27 = vector.load %arg4[%get3A_25, %get3A_26] : memref<128x128xf32, #tpu.memory_space<vmem>>, vector<128x128xf32>
    %dot_general3A = arith.constant dense<0.000000e+00> : vector<1024x128xf32>
    %dot_general3A_28 = tpu.matmul %div3A_24, %get3A_27, %dot_general3A {dimension_numbers = #tpu.dot_dimension_numbers<[1], [0], [0], [1], [0, 0, 1, 1], [], []>, transpose_lhs_hint = false} : vector<1024x128xf32>, vector<128x128xf32>, vector<1024x128xf32> -> vector<1024x128xf32>
    %max3A = arith.constant 0.000000e+00 : f32
    %max3A_29 = vector.broadcast %max3A : f32 to vector<1024x128xf32>
    %max3A_30 = arith.maximumf %dot_general3A_28, %max3A_29 : vector<1024x128xf32>
    %swap3A = arith.constant 0 : index
    %swap3A_31 = arith.constant 0 : index
    %swap3A_32 = arith.constant 0 : index
    %swap3A_33 = vector.load %arg5[%swap3A, %swap3A_31, %swap3A_32] : memref<1x1024x128xf32, #tpu.memory_space<vmem>>, vector<1x1024x128xf32>
    %swap3A_34 = vector.shape_cast %swap3A_33 : vector<1x1024x128xf32> to vector<1024x128xf32>
    %swap3A_35 = vector.shape_cast %max3A_30 : vector<1024x128xf32> to vector<1x1024x128xf32>
    tpu.vector_store %arg5[%swap3A, %swap3A_31, %swap3A_32], %swap3A_35 {strides = array<i32>} : memref<1x1024x128xf32, #tpu.memory_space<vmem>>, vector<1x1024x128xf32>,
    return
  }
  func.func @transform_0(%arg0: i32) -> (i32, i32, i32) {
    %c0_i32 = arith.constant 0 : i32
    %c0_i32_0 = arith.constant 0 : i32
    %c0_i32_1 = arith.constant 0 : i32
    return %arg0, %c0_i32, %c0_i32_0 : i32, i32, i32
  }
  func.func @transform_1(%arg0: i32) -> (i32, i32, i32) {
    %c0_i32 = arith.constant 0 : i32
    %c0_i32_0 = arith.constant 0 : i32
    %c0_i32_1 = arith.constant 0 : i32
    return %arg0, %c0_i32, %c0_i32_0 : i32, i32, i32
  }
  func.func @transform_2(%arg0: i32) -> (i32, i32, i32) {
    %c0_i32 = arith.constant 0 : i32
    %c0_i32_0 = arith.constant 0 : i32
    %c0_i32_1 = arith.constant 0 : i32
    return %arg0, %c0_i32, %c0_i32_0 : i32, i32, i32
  }
  func.func @transform_3(%arg0: i32) -> (i32, i32) {
    %c0_i32 = arith.constant 0 : i32
    %c0_i32_0 = arith.constant 0 : i32
    %c0_i32_1 = arith.constant 0 : i32
    return %c0_i32, %c0_i32_0 : i32, i32
  }
  func.func @transform_4(%arg0: i32) -> (i32, i32, i32) {
    %c0_i32 = arith.constant 0 : i32
    %c0_i32_0 = arith.constant 0 : i32
    %c0_i32_1 = arith.constant 0 : i32
    return %arg0, %c0_i32, %c0_i32_0 : i32, i32, i32
  }
}

module attributes {stable_mosaic.version = 14 : i64} {
  func.func @_gcn_deg_mm_body(%arg0: i32, %arg1: memref<1x512x128xf32, #tpu.memory_space<vmem>>, %arg2: memref<1x512x128xf32, #tpu.memory_space<vmem>>, %arg3: memref<1x1x1024xi32, #tpu.memory_space<vmem>>, %arg4: memref<128x128xf32, #tpu.memory_space<vmem>>, %arg5: memref<1x512x128xf32, #tpu.memory_space<vmem>>) attributes {dimension_semantics = [#tpu.dimension_semantics<arbitrary>], iteration_bounds = array<i64: 8>, scalar_prefetch = 0 : i64, scratch_operands = 0 : i64, tpu.core_type = #tpu.core_type<tc>, window_params = [{transform_indices = @transform_0, window_bounds = array<i64: 1, 512, 128>}, {transform_indices = @transform_1, window_bounds = array<i64: 1, 512, 128>}, {transform_indices = @transform_2, window_bounds = array<i64: 1, 1, 1024>}, {pipeline_mode = #tpu.pipeline_mode<synchronous>, transform_indices = @transform_3, window_bounds = array<i64: 128, 128>}, {transform_indices = @transform_4, window_bounds = array<i64: 1, 512, 128>}]} {
    %get3A = arith.constant 0 : index
    %get3A_0 = arith.constant 0 : index
    %get3A_1 = arith.constant 0 : index
    %get3A_2 = vector.load %arg3[%get3A, %get3A_0, %get3A_1] : memref<1x1x1024xi32, #tpu.memory_space<vmem>>, vector<1x1x1024xi32>
    %get3A_3 = vector.shape_cast %get3A_2 : vector<1x1x1024xi32> to vector<1x1024xi32>
    %iota3A = tpu.iota {dimensions = array<i32: 0>} : vector<512x1024xi32>
    %mul3A = arith.constant 512 : i32
    %mul3A_4 = arith.muli %arg0, %mul3A : i32
    %add3A = vector.broadcast %mul3A_4 : i32 to vector<512x1024xi32>
    %add3A_5 = arith.addi %iota3A, %add3A : vector<512x1024xi32>
    %broadcast_in_dim3A = vector.shape_cast %get3A_3 : vector<1x1024xi32> to vector<1x1024xi32>
    %broadcast_in_dim3A_6 = vector.broadcast %broadcast_in_dim3A : vector<1x1024xi32> to vector<512x1024xi32>
    %eq3A = arith.cmpi eq, %broadcast_in_dim3A_6, %add3A_5 : vector<512x1024xi32>
    %convert_element_type3A = arith.extui %eq3A : vector<512x1024xi1> to vector<512x1024xi32>
    %convert_element_type3A_7 = arith.sitofp %convert_element_type3A : vector<512x1024xi32> to vector<512x1024xf32>
    %reduce_sum3A = arith.constant dense<0.000000e+00> : vector<512xf32>
    %reduce_sum3A_8 = vector.multi_reduction <add>, %convert_element_type3A_7, %reduce_sum3A [1] : vector<512x1024xf32> to vector<512xf32>
    %broadcast_in_dim3A_9 = vector.shape_cast %reduce_sum3A_8 : vector<512xf32> to vector<512x1xf32>
    %get3A_10 = arith.constant 0 : index
    %get3A_11 = arith.constant 0 : index
    %get3A_12 = arith.constant 0 : index
    %get3A_13 = vector.load %arg2[%get3A_10, %get3A_11, %get3A_12] : memref<1x512x128xf32, #tpu.memory_space<vmem>>, vector<1x512x128xf32>
    %get3A_14 = vector.shape_cast %get3A_13 : vector<1x512x128xf32> to vector<512x128xf32>
    %get3A_15 = arith.constant 0 : index
    %get3A_16 = arith.constant 0 : index
    %get3A_17 = arith.constant 0 : index
    %get3A_18 = vector.load %arg1[%get3A_15, %get3A_16, %get3A_17] : memref<1x512x128xf32, #tpu.memory_space<vmem>>, vector<1x512x128xf32>
    %get3A_19 = vector.shape_cast %get3A_18 : vector<1x512x128xf32> to vector<512x128xf32>
    %add3A_20 = arith.addf %get3A_14, %get3A_19 : vector<512x128xf32>
    %add3A_21 = arith.constant 1.000000e+00 : f32
    %add3A_22 = vector.broadcast %add3A_21 : f32 to vector<512x1xf32>
    %add3A_23 = arith.addf %broadcast_in_dim3A_9, %add3A_22 : vector<512x1xf32>
    %div3A = vector.broadcast %add3A_23 : vector<512x1xf32> to vector<512x128xf32>
    %div3A_24 = arith.divf %add3A_20, %div3A : vector<512x128xf32>
    %get3A_25 = arith.constant 0 : index
    %get3A_26 = arith.constant 0 : index
    %get3A_27 = vector.load %arg4[%get3A_25, %get3A_26] : memref<128x128xf32, #tpu.memory_space<vmem>>, vector<128x128xf32>
    %dot_general3A = arith.constant dense<0.000000e+00> : vector<512x128xf32>
    %dot_general3A_28 = tpu.matmul %div3A_24, %get3A_27, %dot_general3A {dimension_numbers = #tpu.dot_dimension_numbers<[1], [0], [0], [1], [0, 0, 1, 1], [], []>, transpose_lhs_hint = false} : vector<512x128xf32>, vector<128x128xf32>, vector<512x128xf32> -> vector<512x128xf32>
    %max3A = arith.constant 0.000000e+00 : f32
    %max3A_29 = vector.broadcast %max3A : f32 to vector<512x128xf32>
    %max3A_30 = arith.maximumf %dot_general3A_28, %max3A_29 : vector<512x128xf32>
    %swap3A = arith.constant 0 : index
    %swap3A_31 = arith.constant 0 : index
    %swap3A_32 = arith.constant 0 : index
    %swap3A_33 = vector.load %arg5[%swap3A, %swap3A_31, %swap3A_32] : memref<1x512x128xf32, #tpu.memory_space<vmem>>, vector<1x512x128xf32>
    %swap3A_34 = vector.shape_cast %swap3A_33 : vector<1x512x128xf32> to vector<512x128xf32>
    %swap3A_35 = vector.shape_cast %max3A_30 : vector<512x128xf32> to vector<1x512x128xf32>
    tpu.vector_store %arg5[%swap3A, %swap3A_31, %swap3A_32], %swap3A_35 {strides = array<i32>} : memref<1x512x128xf32, #tpu.memory_space<vmem>>, vector<1x512x128xf32>,
    return
  }
  func.func @transform_0(%arg0: i32) -> (i32, i32, i32) {
    %c0_i32 = arith.constant 0 : i32
    %c0_i32_0 = arith.constant 0 : i32
    %c0_i32_1 = arith.constant 0 : i32
    return %arg0, %c0_i32, %c0_i32_0 : i32, i32, i32
  }
  func.func @transform_1(%arg0: i32) -> (i32, i32, i32) {
    %c0_i32 = arith.constant 0 : i32
    %c0_i32_0 = arith.constant 0 : i32
    %c0_i32_1 = arith.constant 0 : i32
    return %arg0, %c0_i32, %c0_i32_0 : i32, i32, i32
  }
  func.func @transform_2(%arg0: i32) -> (i32, i32, i32) {
    %c0_i32 = arith.constant 0 : i32
    %c0_i32_0 = arith.constant 0 : i32
    %c0_i32_1 = arith.constant 0 : i32
    return %arg0, %c0_i32, %c0_i32_0 : i32, i32, i32
  }
  func.func @transform_3(%arg0: i32) -> (i32, i32) {
    %c0_i32 = arith.constant 0 : i32
    %c0_i32_0 = arith.constant 0 : i32
    %c0_i32_1 = arith.constant 0 : i32
    return %c0_i32, %c0_i32_0 : i32, i32
  }
  func.func @transform_4(%arg0: i32) -> (i32, i32, i32) {
    %c0_i32 = arith.constant 0 : i32
    %c0_i32_0 = arith.constant 0 : i32
    %c0_i32_1 = arith.constant 0 : i32
    return %arg0, %c0_i32, %c0_i32_0 : i32, i32, i32
  }
}

module attributes {stable_mosaic.version = 14 : i64} {
  func.func @_mixqkv_body(%arg0: i32, %arg1: memref<1x512x128xf32, #tpu.memory_space<vmem>>, %arg2: memref<1x512x128xf32, #tpu.memory_space<vmem>>, %arg3: memref<128x128xf32, #tpu.memory_space<vmem>>, %arg4: memref<128x128xf32, #tpu.memory_space<vmem>>, %arg5: memref<128x128xf32, #tpu.memory_space<vmem>>, %arg6: memref<128x128xf32, #tpu.memory_space<vmem>>, %arg7: memref<1x512x128xf32, #tpu.memory_space<vmem>>, %arg8: memref<1x512x128xf32, #tpu.memory_space<vmem>>, %arg9: memref<1x512x128xf32, #tpu.memory_space<vmem>>) attributes {dimension_semantics = [#tpu.dimension_semantics<arbitrary>], iteration_bounds = array<i64: 8>, scalar_prefetch = 0 : i64, scratch_operands = 0 : i64, tpu.core_type = #tpu.core_type<tc>, window_params = [{transform_indices = @transform_0, window_bounds = array<i64: 1, 512, 128>}, {transform_indices = @transform_1, window_bounds = array<i64: 1, 512, 128>}, {pipeline_mode = #tpu.pipeline_mode<synchronous>, transform_indices = @transform_2, window_bounds = array<i64: 128, 128>}, {pipeline_mode = #tpu.pipeline_mode<synchronous>, transform_indices = @transform_3, window_bounds = array<i64: 128, 128>}, {pipeline_mode = #tpu.pipeline_mode<synchronous>, transform_indices = @transform_4, window_bounds = array<i64: 128, 128>}, {pipeline_mode = #tpu.pipeline_mode<synchronous>, transform_indices = @transform_5, window_bounds = array<i64: 128, 128>}, {transform_indices = @transform_6, window_bounds = array<i64: 1, 512, 128>}, {transform_indices = @transform_7, window_bounds = array<i64: 1, 512, 128>}, {transform_indices = @transform_8, window_bounds = array<i64: 1, 512, 128>}]} {
    %get3A = arith.constant 0 : index
    %get3A_0 = arith.constant 0 : index
    %get3A_1 = arith.constant 0 : index
    %get3A_2 = vector.load %arg1[%get3A, %get3A_0, %get3A_1] : memref<1x512x128xf32, #tpu.memory_space<vmem>>, vector<1x512x128xf32>
    %get3A_3 = vector.shape_cast %get3A_2 : vector<1x512x128xf32> to vector<512x128xf32>
    %get3A_4 = arith.constant 0 : index
    %get3A_5 = arith.constant 0 : index
    %get3A_6 = arith.constant 0 : index
    %get3A_7 = vector.load %arg2[%get3A_4, %get3A_5, %get3A_6] : memref<1x512x128xf32, #tpu.memory_space<vmem>>, vector<1x512x128xf32>
    %get3A_8 = vector.shape_cast %get3A_7 : vector<1x512x128xf32> to vector<512x128xf32>
    %get3A_9 = arith.constant 0 : index
    %get3A_10 = arith.constant 0 : index
    %get3A_11 = vector.load %arg3[%get3A_9, %get3A_10] : memref<128x128xf32, #tpu.memory_space<vmem>>, vector<128x128xf32>
    %dot_general3A = arith.constant dense<0.000000e+00> : vector<512x128xf32>
    %dot_general3A_12 = tpu.matmul %get3A_8, %get3A_11, %dot_general3A {dimension_numbers = #tpu.dot_dimension_numbers<[1], [0], [0], [1], [0, 0, 1, 1], [], []>, transpose_lhs_hint = false} : vector<512x128xf32>, vector<128x128xf32>, vector<512x128xf32> -> vector<512x128xf32>
    %add3A = arith.addf %get3A_3, %dot_general3A_12 : vector<512x128xf32>
    %max3A = arith.constant 0.000000e+00 : f32
    %max3A_13 = vector.broadcast %max3A : f32 to vector<512x128xf32>
    %max3A_14 = arith.maximumf %add3A, %max3A_13 : vector<512x128xf32>
    %get3A_15 = arith.constant 0 : index
    %get3A_16 = arith.constant 0 : index
    %get3A_17 = vector.load %arg4[%get3A_15, %get3A_16] : memref<128x128xf32, #tpu.memory_space<vmem>>, vector<128x128xf32>
    %dot_general3A_18 = arith.constant dense<0.000000e+00> : vector<512x128xf32>
    %dot_general3A_19 = tpu.matmul %max3A_14, %get3A_17, %dot_general3A_18 {dimension_numbers = #tpu.dot_dimension_numbers<[1], [0], [0], [1], [0, 0, 1, 1], [], []>, transpose_lhs_hint = false} : vector<512x128xf32>, vector<128x128xf32>, vector<512x128xf32> -> vector<512x128xf32>
    %swap3A = arith.constant 0 : index
    %swap3A_20 = arith.constant 0 : index
    %swap3A_21 = arith.constant 0 : index
    %swap3A_22 = vector.load %arg7[%swap3A, %swap3A_20, %swap3A_21] : memref<1x512x128xf32, #tpu.memory_space<vmem>>, vector<1x512x128xf32>
    %swap3A_23 = vector.shape_cast %swap3A_22 : vector<1x512x128xf32> to vector<512x128xf32>
    %swap3A_24 = vector.shape_cast %dot_general3A_19 : vector<512x128xf32> to vector<1x512x128xf32>
    tpu.vector_store %arg7[%swap3A, %swap3A_20, %swap3A_21], %swap3A_24 {strides = array<i32>} : memref<1x512x128xf32, #tpu.memory_space<vmem>>, vector<1x512x128xf32>,
    %get3A_25 = arith.constant 0 : index
    %get3A_26 = arith.constant 0 : index
    %get3A_27 = vector.load %arg5[%get3A_25, %get3A_26] : memref<128x128xf32, #tpu.memory_space<vmem>>, vector<128x128xf32>
    %dot_general3A_28 = arith.constant dense<0.000000e+00> : vector<512x128xf32>
    %dot_general3A_29 = tpu.matmul %max3A_14, %get3A_27, %dot_general3A_28 {dimension_numbers = #tpu.dot_dimension_numbers<[1], [0], [0], [1], [0, 0, 1, 1], [], []>, transpose_lhs_hint = false} : vector<512x128xf32>, vector<128x128xf32>, vector<512x128xf32> -> vector<512x128xf32>
    %swap3A_30 = arith.constant 0 : index
    %swap3A_31 = arith.constant 0 : index
    %swap3A_32 = arith.constant 0 : index
    %swap3A_33 = vector.load %arg8[%swap3A_30, %swap3A_31, %swap3A_32] : memref<1x512x128xf32, #tpu.memory_space<vmem>>, vector<1x512x128xf32>
    %swap3A_34 = vector.shape_cast %swap3A_33 : vector<1x512x128xf32> to vector<512x128xf32>
    %swap3A_35 = vector.shape_cast %dot_general3A_29 : vector<512x128xf32> to vector<1x512x128xf32>
    tpu.vector_store %arg8[%swap3A_30, %swap3A_31, %swap3A_32], %swap3A_35 {strides = array<i32>} : memref<1x512x128xf32, #tpu.memory_space<vmem>>, vector<1x512x128xf32>,
    %get3A_36 = arith.constant 0 : index
    %get3A_37 = arith.constant 0 : index
    %get3A_38 = vector.load %arg6[%get3A_36, %get3A_37] : memref<128x128xf32, #tpu.memory_space<vmem>>, vector<128x128xf32>
    %dot_general3A_39 = arith.constant dense<0.000000e+00> : vector<512x128xf32>
    %dot_general3A_40 = tpu.matmul %max3A_14, %get3A_38, %dot_general3A_39 {dimension_numbers = #tpu.dot_dimension_numbers<[1], [0], [0], [1], [0, 0, 1, 1], [], []>, transpose_lhs_hint = false} : vector<512x128xf32>, vector<128x128xf32>, vector<512x128xf32> -> vector<512x128xf32>
    %swap3A_41 = arith.constant 0 : index
    %swap3A_42 = arith.constant 0 : index
    %swap3A_43 = arith.constant 0 : index
    %swap3A_44 = vector.load %arg9[%swap3A_41, %swap3A_42, %swap3A_43] : memref<1x512x128xf32, #tpu.memory_space<vmem>>, vector<1x512x128xf32>
    %swap3A_45 = vector.shape_cast %swap3A_44 : vector<1x512x128xf32> to vector<512x128xf32>
    %swap3A_46 = vector.shape_cast %dot_general3A_40 : vector<512x128xf32> to vector<1x512x128xf32>
    tpu.vector_store %arg9[%swap3A_41, %swap3A_42, %swap3A_43], %swap3A_46 {strides = array<i32>} : memref<1x512x128xf32, #tpu.memory_space<vmem>>, vector<1x512x128xf32>,
    return
  }
  func.func @transform_0(%arg0: i32) -> (i32, i32, i32) {
    %c0_i32 = arith.constant 0 : i32
    %c0_i32_0 = arith.constant 0 : i32
    %c0_i32_1 = arith.constant 0 : i32
    return %arg0, %c0_i32, %c0_i32_0 : i32, i32, i32
  }
  func.func @transform_1(%arg0: i32) -> (i32, i32, i32) {
    %c0_i32 = arith.constant 0 : i32
    %c0_i32_0 = arith.constant 0 : i32
    %c0_i32_1 = arith.constant 0 : i32
    return %arg0, %c0_i32, %c0_i32_0 : i32, i32, i32
  }
  func.func @transform_2(%arg0: i32) -> (i32, i32) {
    %c0_i32 = arith.constant 0 : i32
    %c0_i32_0 = arith.constant 0 : i32
    %c0_i32_1 = arith.constant 0 : i32
    return %c0_i32, %c0_i32_0 : i32, i32
  }
  func.func @transform_3(%arg0: i32) -> (i32, i32) {
    %c0_i32 = arith.constant 0 : i32
    %c0_i32_0 = arith.constant 0 : i32
    %c0_i32_1 = arith.constant 0 : i32
    return %c0_i32, %c0_i32_0 : i32, i32
  }
  func.func @transform_4(%arg0: i32) -> (i32, i32) {
    %c0_i32 = arith.constant 0 : i32
    %c0_i32_0 = arith.constant 0 : i32
    %c0_i32_1 = arith.constant 0 : i32
    return %c0_i32, %c0_i32_0 : i32, i32
  }
  func.func @transform_5(%arg0: i32) -> (i32, i32) {
    %c0_i32 = arith.constant 0 : i32
    %c0_i32_0 = arith.constant 0 : i32
    %c0_i32_1 = arith.constant 0 : i32
    return %c0_i32, %c0_i32_0 : i32, i32
  }
  func.func @transform_6(%arg0: i32) -> (i32, i32, i32) {
    %c0_i32 = arith.constant 0 : i32
    %c0_i32_0 = arith.constant 0 : i32
    %c0_i32_1 = arith.constant 0 : i32
    return %arg0, %c0_i32, %c0_i32_0 : i32, i32, i32
  }
  func.func @transform_7(%arg0: i32) -> (i32, i32, i32) {
    %c0_i32 = arith.constant 0 : i32
    %c0_i32_0 = arith.constant 0 : i32
    %c0_i32_1 = arith.constant 0 : i32
    return %arg0, %c0_i32, %c0_i32_0 : i32, i32, i32
  }
  func.func @transform_8(%arg0: i32) -> (i32, i32, i32) {
    %c0_i32 = arith.constant 0 : i32
    %c0_i32_0 = arith.constant 0 : i32
    %c0_i32_1 = arith.constant 0 : i32
    return %arg0, %c0_i32, %c0_i32_0 : i32, i32, i32
  }
}

module {
  func.func @main(%arg0: i32, %arg1: i32, %arg2: i32, %arg3: i32, %arg4: memref<1x1x512x512xf32, #tpu.memory_space<vmem>>, %arg5: memref<1x1x512x32xf32, #tpu.memory_space<vmem>>, %arg6: memref<1x1x512x32xf32, #tpu.memory_space<vmem>>, %arg7: memref<1x1x512x1xf32, #tpu.memory_space<vmem>>, %arg8: memref<1x1x512x1xf32, #tpu.memory_space<vmem>>) attributes {dimension_semantics = [#tpu.dimension_semantics<parallel>, #tpu.dimension_semantics<parallel>, #tpu.dimension_semantics<parallel>, #tpu.dimension_semantics<arbitrary>], iteration_bounds = array<i64: 8, 4, 1, 1>, scratch_operands = 2 : i64, window_params = [{transform_indices = @qk_fn, window_bounds = array<i64: 1, 1, 512, 512>}, {transform_indices = @v_fn, window_bounds = array<i64: 1, 1, 512, 32>}, {transform_indices = @oi_fn, window_bounds = array<i64: 1, 1, 512, 32>}]} {
    %c0 = arith.constant 0 : index
    %c0_i32 = arith.constant 0 : i32
    %0 = arith.cmpi eq, %c0_i32, %arg3 : i32
    scf.if %0 {
      %cst_3 = arith.constant dense<0.000000e+00> : vector<1x1x512x32xf32>
      vector.store %cst_3, %arg6[%c0, %c0, %c0, %c0] : memref<1x1x512x32xf32, #tpu.memory_space<vmem>>, vector<1x1x512x32xf32>
      %cst_4 = arith.constant dense<0xFF800000> : vector<1x1x512x1xf32>
      vector.store %cst_4, %arg7[%c0, %c0, %c0, %c0] : memref<1x1x512x1xf32, #tpu.memory_space<vmem>>, vector<1x1x512x1xf32>
      %cst_5 = arith.constant dense<0.000000e+00> : vector<1x1x512x1xf32>
      vector.store %cst_5, %arg8[%c0, %c0, %c0, %c0] : memref<1x1x512x1xf32, #tpu.memory_space<vmem>>, vector<1x1x512x1xf32>
    }
    %1 = vector.load %arg4[%c0, %c0, %c0, %c0] : memref<1x1x512x512xf32, #tpu.memory_space<vmem>>, vector<1x1x512x512xf32>
    %cst = arith.constant dense<0xFF800000> : vector<1x1x512xf32>
    %2 = vector.multi_reduction <maximumf>, %1, %cst [3] : vector<1x1x512x512xf32> to vector<1x1x512xf32>
    %3 = vector.shape_cast %2 : vector<1x1x512xf32> to vector<1x1x512x1xf32>
    %4 = vector.load %arg7[%c0, %c0, %c0, %c0] : memref<1x1x512x1xf32, #tpu.memory_space<vmem>>, vector<1x1x512x1xf32>
    %5 = arith.maximumf %4, %3 : vector<1x1x512x1xf32>
    %cst_0 = arith.constant dense<0.000000e+00> : vector<1x1x512x1xf32>
    %6 = arith.cmpf oeq, %4, %5 : vector<1x1x512x1xf32>
    %7 = arith.subf %4, %5 : vector<1x1x512x1xf32>
    %8 = arith.select %6, %cst_0, %7 : vector<1x1x512x1xi1>, vector<1x1x512x1xf32>
    %9 = vector.broadcast %5 : vector<1x1x512x1xf32> to vector<1x1x512x512xf32>
    %10 = arith.subf %1, %9 : vector<1x1x512x512xf32>
    %11 = math.exp %10 : vector<1x1x512x512xf32>
    %cst_1 = arith.constant dense<0.000000e+00> : vector<1x1x512xf32>
    %12 = vector.multi_reduction <add>, %11, %cst_1 [3] : vector<1x1x512x512xf32> to vector<1x1x512xf32>
    %13 = vector.shape_cast %12 : vector<1x1x512xf32> to vector<1x1x512x1xf32>
    %14 = vector.load %arg8[%c0, %c0, %c0, %c0] : memref<1x1x512x1xf32, #tpu.memory_space<vmem>>, vector<1x1x512x1xf32>
    %15 = math.exp %8 : vector<1x1x512x1xf32>
    %16 = arith.mulf %15, %14 : vector<1x1x512x1xf32>
    %17 = arith.addf %16, %13 : vector<1x1x512x1xf32>
    %18 = vector.load %arg6[%c0, %c0, %c0, %c0] : memref<1x1x512x32xf32, #tpu.memory_space<vmem>>, vector<1x1x512x32xf32>
    %19 = math.exp %8 : vector<1x1x512x1xf32>
    %20 = arith.mulf %19, %14 : vector<1x1x512x1xf32>
    %21 = vector.broadcast %20 : vector<1x1x512x1xf32> to vector<1x1x512x32xf32>
    %22 = arith.mulf %21, %18 : vector<1x1x512x32xf32>
    %23 = vector.load %arg5[%c0, %c0, %c0, %c0] : memref<1x1x512x32xf32, #tpu.memory_space<vmem>>, vector<1x1x512x32xf32>
    %24 = vector.shape_cast %23 : vector<1x1x512x32xf32> to vector<512x32xf32>
    %25 = vector.shape_cast %11 : vector<1x1x512x512xf32> to vector<512x512xf32>
    %26 = vector.shape_cast %22 : vector<1x1x512x32xf32> to vector<512x32xf32>
    %27 = tpu.matmul %25, %24, %26 {dimension_numbers = #tpu.dot_dimension_numbers<[1], [0], [0], [1], [0, 0, 1, 1], [], []>, precision = #tpu.contract_precision<bf16>, transpose_lhs_hint = false} : vector<512x512xf32>, vector<512x32xf32>, vector<512x32xf32> -> vector<512x32xf32>
    %28 = vector.shape_cast %27 : vector<512x32xf32> to vector<1x1x512x32xf32>
    %cst_2 = arith.constant dense<1.000000e+00> : vector<1x1x512x1xf32>
    %29 = arith.divf %cst_2, %17 : vector<1x1x512x1xf32>
    %30 = vector.broadcast %29 : vector<1x1x512x1xf32> to vector<1x1x512x32xf32>
    %31 = arith.mulf %28, %30 : vector<1x1x512x32xf32>
    %32 = vector.shape_cast %31 : vector<1x1x512x32xf32> to vector<1x1x512x32xf32>
    vector.store %32, %arg6[%c0, %c0, %c0, %c0] : memref<1x1x512x32xf32, #tpu.memory_space<vmem>>, vector<1x1x512x32xf32>
    vector.store %5, %arg7[%c0, %c0, %c0, %c0] : memref<1x1x512x1xf32, #tpu.memory_space<vmem>>, vector<1x1x512x1xf32>
    vector.store %17, %arg8[%c0, %c0, %c0, %c0] : memref<1x1x512x1xf32, #tpu.memory_space<vmem>>, vector<1x1x512x1xf32>
    return
  }
  func.func @qk_fn(%arg0: i32, %arg1: i32, %arg2: i32, %arg3: i32) -> (i32, i32, i32, i32) {
    return %arg0, %arg1, %arg2, %arg3 : i32, i32, i32, i32
  }
  func.func @v_fn(%arg0: i32, %arg1: i32, %arg2: i32, %arg3: i32) -> (i32, i32, i32, i32) {
    %c0_i32 = arith.constant 0 : i32
    return %arg0, %arg1, %arg3, %c0_i32 : i32, i32, i32, i32
  }
  func.func @oi_fn(%arg0: i32, %arg1: i32, %arg2: i32, %arg3: i32) -> (i32, i32, i32, i32) {
    %c0_i32 = arith.constant 0 : i32
    return %arg0, %arg1, %arg2, %c0_i32 : i32, i32, i32, i32
  }
}

module attributes {stable_mosaic.version = 14 : i64} {
  func.func @_wo_body(%arg0: i32, %arg1: memref<1x512x128xf32, #tpu.memory_space<vmem>>, %arg2: memref<128x128xf32, #tpu.memory_space<vmem>>, %arg3: memref<1x512x128xf32, #tpu.memory_space<vmem>>) attributes {dimension_semantics = [#tpu.dimension_semantics<arbitrary>], iteration_bounds = array<i64: 8>, scalar_prefetch = 0 : i64, scratch_operands = 0 : i64, tpu.core_type = #tpu.core_type<tc>, window_params = [{transform_indices = @transform_0, window_bounds = array<i64: 1, 512, 128>}, {pipeline_mode = #tpu.pipeline_mode<synchronous>, transform_indices = @transform_1, window_bounds = array<i64: 128, 128>}, {transform_indices = @transform_2, window_bounds = array<i64: 1, 512, 128>}]} {
    %get3A = arith.constant 0 : index
    %get3A_0 = arith.constant 0 : index
    %get3A_1 = arith.constant 0 : index
    %get3A_2 = vector.load %arg1[%get3A, %get3A_0, %get3A_1] : memref<1x512x128xf32, #tpu.memory_space<vmem>>, vector<1x512x128xf32>
    %get3A_3 = vector.shape_cast %get3A_2 : vector<1x512x128xf32> to vector<512x128xf32>
    %get3A_4 = arith.constant 0 : index
    %get3A_5 = arith.constant 0 : index
    %get3A_6 = vector.load %arg2[%get3A_4, %get3A_5] : memref<128x128xf32, #tpu.memory_space<vmem>>, vector<128x128xf32>
    %dot_general3A = arith.constant dense<0.000000e+00> : vector<512x128xf32>
    %dot_general3A_7 = tpu.matmul %get3A_3, %get3A_6, %dot_general3A {dimension_numbers = #tpu.dot_dimension_numbers<[1], [0], [0], [1], [0, 0, 1, 1], [], []>, transpose_lhs_hint = false} : vector<512x128xf32>, vector<128x128xf32>, vector<512x128xf32> -> vector<512x128xf32>
    %swap3A = arith.constant 0 : index
    %swap3A_8 = arith.constant 0 : index
    %swap3A_9 = arith.constant 0 : index
    %swap3A_10 = vector.load %arg3[%swap3A, %swap3A_8, %swap3A_9] : memref<1x512x128xf32, #tpu.memory_space<vmem>>, vector<1x512x128xf32>
    %swap3A_11 = vector.shape_cast %swap3A_10 : vector<1x512x128xf32> to vector<512x128xf32>
    %swap3A_12 = vector.shape_cast %dot_general3A_7 : vector<512x128xf32> to vector<1x512x128xf32>
    tpu.vector_store %arg3[%swap3A, %swap3A_8, %swap3A_9], %swap3A_12 {strides = array<i32>} : memref<1x512x128xf32, #tpu.memory_space<vmem>>, vector<1x512x128xf32>,
    return
  }
  func.func @transform_0(%arg0: i32) -> (i32, i32, i32) {
    %c0_i32 = arith.constant 0 : i32
    %c0_i32_0 = arith.constant 0 : i32
    %c0_i32_1 = arith.constant 0 : i32
    return %arg0, %c0_i32, %c0_i32_0 : i32, i32, i32
  }
  func.func @transform_1(%arg0: i32) -> (i32, i32) {
    %c0_i32 = arith.constant 0 : i32
    %c0_i32_0 = arith.constant 0 : i32
    %c0_i32_1 = arith.constant 0 : i32
    return %c0_i32, %c0_i32_0 : i32, i32
  }
  func.func @transform_2(%arg0: i32) -> (i32, i32, i32) {
    %c0_i32 = arith.constant 0 : i32
    %c0_i32_0 = arith.constant 0 : i32
    %c0_i32_1 = arith.constant 0 : i32
    return %arg0, %c0_i32, %c0_i32_0 : i32, i32, i32
  }
}

module attributes {stable_mosaic.version = 14 : i64} {
  func.func @_poolqkv_body(%arg0: i32, %arg1: memref<1x512x128xf32, #tpu.memory_space<vmem>>, %arg2: memref<1x512x1xf32, #tpu.memory_space<vmem>>, %arg3: memref<128x128xf32, #tpu.memory_space<vmem>>, %arg4: memref<128x128xf32, #tpu.memory_space<vmem>>, %arg5: memref<128x128xf32, #tpu.memory_space<vmem>>, %arg6: memref<1x256x128xf32, #tpu.memory_space<vmem>>, %arg7: memref<1x256x1xi32, #tpu.memory_space<vmem>>, %arg8: memref<1x512x128xf32, #tpu.memory_space<vmem>>, %arg9: memref<1x512x128xf32, #tpu.memory_space<vmem>>, %arg10: memref<1x512x128xf32, #tpu.memory_space<vmem>>) attributes {dimension_semantics = [#tpu.dimension_semantics<arbitrary>], iteration_bounds = array<i64: 8>, scalar_prefetch = 0 : i64, scratch_operands = 0 : i64, tpu.core_type = #tpu.core_type<tc>, window_params = [{transform_indices = @transform_0, window_bounds = array<i64: 1, 512, 128>}, {transform_indices = @transform_1, window_bounds = array<i64: 1, 512, 1>}, {pipeline_mode = #tpu.pipeline_mode<synchronous>, transform_indices = @transform_2, window_bounds = array<i64: 128, 128>}, {pipeline_mode = #tpu.pipeline_mode<synchronous>, transform_indices = @transform_3, window_bounds = array<i64: 128, 128>}, {pipeline_mode = #tpu.pipeline_mode<synchronous>, transform_indices = @transform_4, window_bounds = array<i64: 128, 128>}, {transform_indices = @transform_5, window_bounds = array<i64: 1, 256, 128>}, {transform_indices = @transform_6, window_bounds = array<i64: 1, 256, 1>}, {transform_indices = @transform_7, window_bounds = array<i64: 1, 512, 128>}, {transform_indices = @transform_8, window_bounds = array<i64: 1, 512, 128>}, {transform_indices = @transform_9, window_bounds = array<i64: 1, 512, 128>}]} {
    %get3A = arith.constant 0 : index
    %get3A_0 = arith.constant 0 : index
    %get3A_1 = arith.constant 0 : index
    %get3A_2 = vector.load %arg1[%get3A, %get3A_0, %get3A_1] : memref<1x512x128xf32, #tpu.memory_space<vmem>>, vector<1x512x128xf32>
    %get3A_3 = vector.shape_cast %get3A_2 : vector<1x512x128xf32> to vector<512x128xf32>
    %get3A_4 = arith.constant 0 : index
    %get3A_5 = arith.constant 0 : index
    %get3A_6 = arith.constant 0 : index
    %get3A_7 = vector.load %arg2[%get3A_4, %get3A_5, %get3A_6] : memref<1x512x1xf32, #tpu.memory_space<vmem>>, vector<1x512x1xf32>
    %get3A_8 = vector.shape_cast %get3A_7 : vector<1x512x1xf32> to vector<512x1xf32>
    %transpose3A = tpu.transpose %get3A_8, [1, 0] : vector<512x1xf32> -> vector<1x512xf32>
    %broadcast_in_dim3A = vector.shape_cast %get3A_8 : vector<512x1xf32> to vector<512x1xf32>
    %broadcast_in_dim3A_9 = vector.broadcast %broadcast_in_dim3A : vector<512x1xf32> to vector<512x512xf32>
    %broadcast_in_dim3A_10 = vector.shape_cast %transpose3A : vector<1x512xf32> to vector<1x512xf32>
    %broadcast_in_dim3A_11 = vector.broadcast %broadcast_in_dim3A_10 : vector<1x512xf32> to vector<512x512xf32>
    %iota3A = tpu.iota {dimensions = array<i32: 1>} : vector<512x512xi32>
    %iota3A_12 = tpu.iota {dimensions = array<i32: 0>} : vector<512x512xi32>
    %gt3A = arith.cmpf ogt, %broadcast_in_dim3A_11, %broadcast_in_dim3A_9 : vector<512x512xf32>
    %eq3A = arith.cmpf oeq, %broadcast_in_dim3A_11, %broadcast_in_dim3A_9 : vector<512x512xf32>
    %lt3A = arith.cmpi slt, %iota3A, %iota3A_12 : vector<512x512xi32>
    %and3A = arith.andi %eq3A, %lt3A : vector<512x512xi1>
    %or3A = arith.ori %gt3A, %and3A : vector<512x512xi1>
    %convert_element_type3A = arith.extui %or3A : vector<512x512xi1> to vector<512x512xi32>
    %convert_element_type3A_13 = arith.sitofp %convert_element_type3A : vector<512x512xi32> to vector<512x512xf32>
    %reduce_sum3A = arith.constant dense<0.000000e+00> : vector<512xf32>
    %reduce_sum3A_14 = vector.multi_reduction <add>, %convert_element_type3A_13, %reduce_sum3A [1] : vector<512x512xf32> to vector<512xf32>
    %broadcast_in_dim3A_15 = vector.shape_cast %reduce_sum3A_14 : vector<512xf32> to vector<512x1xf32>
    %iota3A_16 = tpu.iota {dimensions = array<i32: 1>} : vector<512x256xi32>
    %convert_element_type3A_17 = arith.sitofp %iota3A_16 : vector<512x256xi32> to vector<512x256xf32>
    %broadcast_in_dim3A_18 = vector.shape_cast %broadcast_in_dim3A_15 : vector<512x1xf32> to vector<512x1xf32>
    %broadcast_in_dim3A_19 = vector.broadcast %broadcast_in_dim3A_18 : vector<512x1xf32> to vector<512x256xf32>
    %eq3A_20 = arith.cmpf oeq, %broadcast_in_dim3A_19, %convert_element_type3A_17 : vector<512x256xf32>
    %convert_element_type3A_21 = arith.extui %eq3A_20 : vector<512x256xi1> to vector<512x256xi32>
    %convert_element_type3A_22 = arith.sitofp %convert_element_type3A_21 : vector<512x256xi32> to vector<512x256xf32>
    %dot_general3A = arith.constant dense<0.000000e+00> : vector<256x128xf32>
    %dot_general3A_23 = tpu.matmul %convert_element_type3A_22, %get3A_3, %dot_general3A {dimension_numbers = #tpu.dot_dimension_numbers<[0], [0], [1], [1], [0, 1, 1, 1], [], []>, transpose_lhs_hint = false} : vector<512x256xf32>, vector<512x128xf32>, vector<256x128xf32> -> vector<256x128xf32>
    %dot_general3A_24 = arith.constant dense<0.000000e+00> : vector<256x1xf32>
    %dot_general3A_25 = tpu.matmul %convert_element_type3A_22, %get3A_8, %dot_general3A_24 {dimension_numbers = #tpu.dot_dimension_numbers<[0], [0], [1], [1], [0, 1, 1, 1], [], []>, transpose_lhs_hint = false} : vector<512x256xf32>, vector<512x1xf32>, vector<256x1xf32> -> vector<256x1xf32>
    %iota3A_26 = tpu.iota {dimensions = array<i32: 0>} : vector<512x1xi32>
    %convert_element_type3A_27 = arith.sitofp %iota3A_26 : vector<512x1xi32> to vector<512x1xf32>
    %dot_general3A_28 = arith.constant dense<0.000000e+00> : vector<256x1xf32>
    %dot_general3A_29 = tpu.matmul %convert_element_type3A_22, %convert_element_type3A_27, %dot_general3A_28 {dimension_numbers = #tpu.dot_dimension_numbers<[0], [0], [1], [1], [0, 1, 1, 1], [], []>, transpose_lhs_hint = false} : vector<512x256xf32>, vector<512x1xf32>, vector<256x1xf32> -> vector<256x1xf32>
    %tanh3A = math.tanh %dot_general3A_25 : vector<256x1xf32>
    %mul3A = vector.broadcast %tanh3A : vector<256x1xf32> to vector<256x128xf32>
    %mul3A_30 = arith.mulf %dot_general3A_23, %mul3A : vector<256x128xf32>
    %swap3A = arith.constant 0 : index
    %swap3A_31 = arith.constant 0 : index
    %swap3A_32 = arith.constant 0 : index
    %swap3A_33 = vector.load %arg6[%swap3A, %swap3A_31, %swap3A_32] : memref<1x256x128xf32, #tpu.memory_space<vmem>>, vector<1x256x128xf32>
    %swap3A_34 = vector.shape_cast %swap3A_33 : vector<1x256x128xf32> to vector<256x128xf32>
    %swap3A_35 = vector.shape_cast %mul3A_30 : vector<256x128xf32> to vector<1x256x128xf32>
    tpu.vector_store %arg6[%swap3A, %swap3A_31, %swap3A_32], %swap3A_35 {strides = array<i32>} : memref<1x256x128xf32, #tpu.memory_space<vmem>>, vector<1x256x128xf32>,
    %convert_element_type3A_36 = arith.fptosi %dot_general3A_29 : vector<256x1xf32> to vector<256x1xi32>
    %swap3A_37 = arith.constant 0 : index
    %swap3A_38 = arith.constant 0 : index
    %swap3A_39 = arith.constant 0 : index
    %swap3A_40 = vector.load %arg7[%swap3A_37, %swap3A_38, %swap3A_39] : memref<1x256x1xi32, #tpu.memory_space<vmem>>, vector<1x256x1xi32>
    %swap3A_41 = vector.shape_cast %swap3A_40 : vector<1x256x1xi32> to vector<256x1xi32>
    %swap3A_42 = vector.shape_cast %convert_element_type3A_36 : vector<256x1xi32> to vector<1x256x1xi32>
    tpu.vector_store %arg7[%swap3A_37, %swap3A_38, %swap3A_39], %swap3A_42 {strides = array<i32>} : memref<1x256x1xi32, #tpu.memory_space<vmem>>, vector<1x256x1xi32>,
    %get3A_43 = arith.constant 0 : index
    %get3A_44 = arith.constant 0 : index
    %get3A_45 = arith.constant 0 : index
    %get3A_46 = vector.load %arg1[%get3A_43, %get3A_44, %get3A_45] : memref<1x512x128xf32, #tpu.memory_space<vmem>>, vector<1x512x128xf32>
    %get3A_47 = vector.shape_cast %get3A_46 : vector<1x512x128xf32> to vector<512x128xf32>
    %get3A_48 = arith.constant 0 : index
    %get3A_49 = arith.constant 0 : index
    %get3A_50 = vector.load %arg3[%get3A_48, %get3A_49] : memref<128x128xf32, #tpu.memory_space<vmem>>, vector<128x128xf32>
    %dot_general3A_51 = arith.constant dense<0.000000e+00> : vector<512x128xf32>
    %dot_general3A_52 = tpu.matmul %get3A_47, %get3A_50, %dot_general3A_51 {dimension_numbers = #tpu.dot_dimension_numbers<[1], [0], [0], [1], [0, 0, 1, 1], [], []>, transpose_lhs_hint = false} : vector<512x128xf32>, vector<128x128xf32>, vector<512x128xf32> -> vector<512x128xf32>
    %swap3A_53 = arith.constant 0 : index
    %swap3A_54 = arith.constant 0 : index
    %swap3A_55 = arith.constant 0 : index
    %swap3A_56 = vector.load %arg8[%swap3A_53, %swap3A_54, %swap3A_55] : memref<1x512x128xf32, #tpu.memory_space<vmem>>, vector<1x512x128xf32>
    %swap3A_57 = vector.shape_cast %swap3A_56 : vector<1x512x128xf32> to vector<512x128xf32>
    %swap3A_58 = vector.shape_cast %dot_general3A_52 : vector<512x128xf32> to vector<1x512x128xf32>
    tpu.vector_store %arg8[%swap3A_53, %swap3A_54, %swap3A_55], %swap3A_58 {strides = array<i32>} : memref<1x512x128xf32, #tpu.memory_space<vmem>>, vector<1x512x128xf32>,
    %get3A_59 = arith.constant 0 : index
    %get3A_60 = arith.constant 0 : index
    %get3A_61 = vector.load %arg4[%get3A_59, %get3A_60] : memref<128x128xf32, #tpu.memory_space<vmem>>, vector<128x128xf32>
    %dot_general3A_62 = arith.constant dense<0.000000e+00> : vector<512x128xf32>
    %dot_general3A_63 = tpu.matmul %get3A_47, %get3A_61, %dot_general3A_62 {dimension_numbers = #tpu.dot_dimension_numbers<[1], [0], [0], [1], [0, 0, 1, 1], [], []>, transpose_lhs_hint = false} : vector<512x128xf32>, vector<128x128xf32>, vector<512x128xf32> -> vector<512x128xf32>
    %swap3A_64 = arith.constant 0 : index
    %swap3A_65 = arith.constant 0 : index
    %swap3A_66 = arith.constant 0 : index
    %swap3A_67 = vector.load %arg9[%swap3A_64, %swap3A_65, %swap3A_66] : memref<1x512x128xf32, #tpu.memory_space<vmem>>, vector<1x512x128xf32>
    %swap3A_68 = vector.shape_cast %swap3A_67 : vector<1x512x128xf32> to vector<512x128xf32>
    %swap3A_69 = vector.shape_cast %dot_general3A_63 : vector<512x128xf32> to vector<1x512x128xf32>
    tpu.vector_store %arg9[%swap3A_64, %swap3A_65, %swap3A_66], %swap3A_69 {strides = array<i32>} : memref<1x512x128xf32, #tpu.memory_space<vmem>>, vector<1x512x128xf32>,
    %get3A_70 = arith.constant 0 : index
    %get3A_71 = arith.constant 0 : index
    %get3A_72 = vector.load %arg5[%get3A_70, %get3A_71] : memref<128x128xf32, #tpu.memory_space<vmem>>, vector<128x128xf32>
    %dot_general3A_73 = arith.constant dense<0.000000e+00> : vector<512x128xf32>
    %dot_general3A_74 = tpu.matmul %get3A_47, %get3A_72, %dot_general3A_73 {dimension_numbers = #tpu.dot_dimension_numbers<[1], [0], [0], [1], [0, 0, 1, 1], [], []>, transpose_lhs_hint = false} : vector<512x128xf32>, vector<128x128xf32>, vector<512x128xf32> -> vector<512x128xf32>
    %swap3A_75 = arith.constant 0 : index
    %swap3A_76 = arith.constant 0 : index
    %swap3A_77 = arith.constant 0 : index
    %swap3A_78 = vector.load %arg10[%swap3A_75, %swap3A_76, %swap3A_77] : memref<1x512x128xf32, #tpu.memory_space<vmem>>, vector<1x512x128xf32>
    %swap3A_79 = vector.shape_cast %swap3A_78 : vector<1x512x128xf32> to vector<512x128xf32>
    %swap3A_80 = vector.shape_cast %dot_general3A_74 : vector<512x128xf32> to vector<1x512x128xf32>
    tpu.vector_store %arg10[%swap3A_75, %swap3A_76, %swap3A_77], %swap3A_80 {strides = array<i32>} : memref<1x512x128xf32, #tpu.memory_space<vmem>>, vector<1x512x128xf32>,
    return
  }
  func.func @transform_0(%arg0: i32) -> (i32, i32, i32) {
    %c0_i32 = arith.constant 0 : i32
    %c0_i32_0 = arith.constant 0 : i32
    %c0_i32_1 = arith.constant 0 : i32
    return %arg0, %c0_i32, %c0_i32_0 : i32, i32, i32
  }
  func.func @transform_1(%arg0: i32) -> (i32, i32, i32) {
    %c0_i32 = arith.constant 0 : i32
    %c0_i32_0 = arith.constant 0 : i32
    %c0_i32_1 = arith.constant 0 : i32
    return %arg0, %c0_i32, %c0_i32_0 : i32, i32, i32
  }
  func.func @transform_2(%arg0: i32) -> (i32, i32) {
    %c0_i32 = arith.constant 0 : i32
    %c0_i32_0 = arith.constant 0 : i32
    %c0_i32_1 = arith.constant 0 : i32
    return %c0_i32, %c0_i32_0 : i32, i32
  }
  func.func @transform_3(%arg0: i32) -> (i32, i32) {
    %c0_i32 = arith.constant 0 : i32
    %c0_i32_0 = arith.constant 0 : i32
    %c0_i32_1 = arith.constant 0 : i32
    return %c0_i32, %c0_i32_0 : i32, i32
  }
  func.func @transform_4(%arg0: i32) -> (i32, i32) {
    %c0_i32 = arith.constant 0 : i32
    %c0_i32_0 = arith.constant 0 : i32
    %c0_i32_1 = arith.constant 0 : i32
    return %c0_i32, %c0_i32_0 : i32, i32
  }
  func.func @transform_5(%arg0: i32) -> (i32, i32, i32) {
    %c0_i32 = arith.constant 0 : i32
    %c0_i32_0 = arith.constant 0 : i32
    %c0_i32_1 = arith.constant 0 : i32
    return %arg0, %c0_i32, %c0_i32_0 : i32, i32, i32
  }
  func.func @transform_6(%arg0: i32) -> (i32, i32, i32) {
    %c0_i32 = arith.constant 0 : i32
    %c0_i32_0 = arith.constant 0 : i32
    %c0_i32_1 = arith.constant 0 : i32
    return %arg0, %c0_i32, %c0_i32_0 : i32, i32, i32
  }
  func.func @transform_7(%arg0: i32) -> (i32, i32, i32) {
    %c0_i32 = arith.constant 0 : i32
    %c0_i32_0 = arith.constant 0 : i32
    %c0_i32_1 = arith.constant 0 : i32
    return %arg0, %c0_i32, %c0_i32_0 : i32, i32, i32
  }
  func.func @transform_8(%arg0: i32) -> (i32, i32, i32) {
    %c0_i32 = arith.constant 0 : i32
    %c0_i32_0 = arith.constant 0 : i32
    %c0_i32_1 = arith.constant 0 : i32
    return %arg0, %c0_i32, %c0_i32_0 : i32, i32, i32
  }
  func.func @transform_9(%arg0: i32) -> (i32, i32, i32) {
    %c0_i32 = arith.constant 0 : i32
    %c0_i32_0 = arith.constant 0 : i32
    %c0_i32_1 = arith.constant 0 : i32
    return %arg0, %c0_i32, %c0_i32_0 : i32, i32, i32
  }
}

module attributes {stable_mosaic.version = 14 : i64} {
  func.func @_pool_body(%arg0: i32, %arg1: memref<1x512x128xf32, #tpu.memory_space<vmem>>, %arg2: memref<1x512x1xf32, #tpu.memory_space<vmem>>, %arg3: memref<1x256x128xf32, #tpu.memory_space<vmem>>, %arg4: memref<1x256x1xi32, #tpu.memory_space<vmem>>) attributes {dimension_semantics = [#tpu.dimension_semantics<arbitrary>], iteration_bounds = array<i64: 8>, scalar_prefetch = 0 : i64, scratch_operands = 0 : i64, tpu.core_type = #tpu.core_type<tc>, window_params = [{transform_indices = @transform_0, window_bounds = array<i64: 1, 512, 128>}, {transform_indices = @transform_1, window_bounds = array<i64: 1, 512, 1>}, {transform_indices = @transform_2, window_bounds = array<i64: 1, 256, 128>}, {transform_indices = @transform_3, window_bounds = array<i64: 1, 256, 1>}]} {
    %get3A = arith.constant 0 : index
    %get3A_0 = arith.constant 0 : index
    %get3A_1 = arith.constant 0 : index
    %get3A_2 = vector.load %arg1[%get3A, %get3A_0, %get3A_1] : memref<1x512x128xf32, #tpu.memory_space<vmem>>, vector<1x512x128xf32>
    %get3A_3 = vector.shape_cast %get3A_2 : vector<1x512x128xf32> to vector<512x128xf32>
    %get3A_4 = arith.constant 0 : index
    %get3A_5 = arith.constant 0 : index
    %get3A_6 = arith.constant 0 : index
    %get3A_7 = vector.load %arg2[%get3A_4, %get3A_5, %get3A_6] : memref<1x512x1xf32, #tpu.memory_space<vmem>>, vector<1x512x1xf32>
    %get3A_8 = vector.shape_cast %get3A_7 : vector<1x512x1xf32> to vector<512x1xf32>
    %transpose3A = tpu.transpose %get3A_8, [1, 0] : vector<512x1xf32> -> vector<1x512xf32>
    %broadcast_in_dim3A = vector.shape_cast %get3A_8 : vector<512x1xf32> to vector<512x1xf32>
    %broadcast_in_dim3A_9 = vector.broadcast %broadcast_in_dim3A : vector<512x1xf32> to vector<512x512xf32>
    %broadcast_in_dim3A_10 = vector.shape_cast %transpose3A : vector<1x512xf32> to vector<1x512xf32>
    %broadcast_in_dim3A_11 = vector.broadcast %broadcast_in_dim3A_10 : vector<1x512xf32> to vector<512x512xf32>
    %iota3A = tpu.iota {dimensions = array<i32: 1>} : vector<512x512xi32>
    %iota3A_12 = tpu.iota {dimensions = array<i32: 0>} : vector<512x512xi32>
    %gt3A = arith.cmpf ogt, %broadcast_in_dim3A_11, %broadcast_in_dim3A_9 : vector<512x512xf32>
    %eq3A = arith.cmpf oeq, %broadcast_in_dim3A_11, %broadcast_in_dim3A_9 : vector<512x512xf32>
    %lt3A = arith.cmpi slt, %iota3A, %iota3A_12 : vector<512x512xi32>
    %and3A = arith.andi %eq3A, %lt3A : vector<512x512xi1>
    %or3A = arith.ori %gt3A, %and3A : vector<512x512xi1>
    %convert_element_type3A = arith.extui %or3A : vector<512x512xi1> to vector<512x512xi32>
    %convert_element_type3A_13 = arith.sitofp %convert_element_type3A : vector<512x512xi32> to vector<512x512xf32>
    %reduce_sum3A = arith.constant dense<0.000000e+00> : vector<512xf32>
    %reduce_sum3A_14 = vector.multi_reduction <add>, %convert_element_type3A_13, %reduce_sum3A [1] : vector<512x512xf32> to vector<512xf32>
    %broadcast_in_dim3A_15 = vector.shape_cast %reduce_sum3A_14 : vector<512xf32> to vector<512x1xf32>
    %iota3A_16 = tpu.iota {dimensions = array<i32: 1>} : vector<512x256xi32>
    %convert_element_type3A_17 = arith.sitofp %iota3A_16 : vector<512x256xi32> to vector<512x256xf32>
    %broadcast_in_dim3A_18 = vector.shape_cast %broadcast_in_dim3A_15 : vector<512x1xf32> to vector<512x1xf32>
    %broadcast_in_dim3A_19 = vector.broadcast %broadcast_in_dim3A_18 : vector<512x1xf32> to vector<512x256xf32>
    %eq3A_20 = arith.cmpf oeq, %broadcast_in_dim3A_19, %convert_element_type3A_17 : vector<512x256xf32>
    %convert_element_type3A_21 = arith.extui %eq3A_20 : vector<512x256xi1> to vector<512x256xi32>
    %convert_element_type3A_22 = arith.sitofp %convert_element_type3A_21 : vector<512x256xi32> to vector<512x256xf32>
    %dot_general3A = arith.constant dense<0.000000e+00> : vector<256x128xf32>
    %dot_general3A_23 = tpu.matmul %convert_element_type3A_22, %get3A_3, %dot_general3A {dimension_numbers = #tpu.dot_dimension_numbers<[0], [0], [1], [1], [0, 1, 1, 1], [], []>, transpose_lhs_hint = false} : vector<512x256xf32>, vector<512x128xf32>, vector<256x128xf32> -> vector<256x128xf32>
    %dot_general3A_24 = arith.constant dense<0.000000e+00> : vector<256x1xf32>
    %dot_general3A_25 = tpu.matmul %convert_element_type3A_22, %get3A_8, %dot_general3A_24 {dimension_numbers = #tpu.dot_dimension_numbers<[0], [0], [1], [1], [0, 1, 1, 1], [], []>, transpose_lhs_hint = false} : vector<512x256xf32>, vector<512x1xf32>, vector<256x1xf32> -> vector<256x1xf32>
    %iota3A_26 = tpu.iota {dimensions = array<i32: 0>} : vector<512x1xi32>
    %convert_element_type3A_27 = arith.sitofp %iota3A_26 : vector<512x1xi32> to vector<512x1xf32>
    %dot_general3A_28 = arith.constant dense<0.000000e+00> : vector<256x1xf32>
    %dot_general3A_29 = tpu.matmul %convert_element_type3A_22, %convert_element_type3A_27, %dot_general3A_28 {dimension_numbers = #tpu.dot_dimension_numbers<[0], [0], [1], [1], [0, 1, 1, 1], [], []>, transpose_lhs_hint = false} : vector<512x256xf32>, vector<512x1xf32>, vector<256x1xf32> -> vector<256x1xf32>
    %tanh3A = math.tanh %dot_general3A_25 : vector<256x1xf32>
    %mul3A = vector.broadcast %tanh3A : vector<256x1xf32> to vector<256x128xf32>
    %mul3A_30 = arith.mulf %dot_general3A_23, %mul3A : vector<256x128xf32>
    %swap3A = arith.constant 0 : index
    %swap3A_31 = arith.constant 0 : index
    %swap3A_32 = arith.constant 0 : index
    %swap3A_33 = vector.load %arg3[%swap3A, %swap3A_31, %swap3A_32] : memref<1x256x128xf32, #tpu.memory_space<vmem>>, vector<1x256x128xf32>
    %swap3A_34 = vector.shape_cast %swap3A_33 : vector<1x256x128xf32> to vector<256x128xf32>
    %swap3A_35 = vector.shape_cast %mul3A_30 : vector<256x128xf32> to vector<1x256x128xf32>
    tpu.vector_store %arg3[%swap3A, %swap3A_31, %swap3A_32], %swap3A_35 {strides = array<i32>} : memref<1x256x128xf32, #tpu.memory_space<vmem>>, vector<1x256x128xf32>,
    %convert_element_type3A_36 = arith.fptosi %dot_general3A_29 : vector<256x1xf32> to vector<256x1xi32>
    %swap3A_37 = arith.constant 0 : index
    %swap3A_38 = arith.constant 0 : index
    %swap3A_39 = arith.constant 0 : index
    %swap3A_40 = vector.load %arg4[%swap3A_37, %swap3A_38, %swap3A_39] : memref<1x256x1xi32, #tpu.memory_space<vmem>>, vector<1x256x1xi32>
    %swap3A_41 = vector.shape_cast %swap3A_40 : vector<1x256x1xi32> to vector<256x1xi32>
    %swap3A_42 = vector.shape_cast %convert_element_type3A_36 : vector<256x1xi32> to vector<1x256x1xi32>
    tpu.vector_store %arg4[%swap3A_37, %swap3A_38, %swap3A_39], %swap3A_42 {strides = array<i32>} : memref<1x256x1xi32, #tpu.memory_space<vmem>>, vector<1x256x1xi32>,
    return
  }
  func.func @transform_0(%arg0: i32) -> (i32, i32, i32) {
    %c0_i32 = arith.constant 0 : i32
    %c0_i32_0 = arith.constant 0 : i32
    %c0_i32_1 = arith.constant 0 : i32
    return %arg0, %c0_i32, %c0_i32_0 : i32, i32, i32
  }
  func.func @transform_1(%arg0: i32) -> (i32, i32, i32) {
    %c0_i32 = arith.constant 0 : i32
    %c0_i32_0 = arith.constant 0 : i32
    %c0_i32_1 = arith.constant 0 : i32
    return %arg0, %c0_i32, %c0_i32_0 : i32, i32, i32
  }
  func.func @transform_2(%arg0: i32) -> (i32, i32, i32) {
    %c0_i32 = arith.constant 0 : i32
    %c0_i32_0 = arith.constant 0 : i32
    %c0_i32_1 = arith.constant 0 : i32
    return %arg0, %c0_i32, %c0_i32_0 : i32, i32, i32
  }
  func.func @transform_3(%arg0: i32) -> (i32, i32, i32) {
    %c0_i32 = arith.constant 0 : i32
    %c0_i32_0 = arith.constant 0 : i32
    %c0_i32_1 = arith.constant 0 : i32
    return %arg0, %c0_i32, %c0_i32_0 : i32, i32, i32
  }
}

module attributes {stable_mosaic.version = 14 : i64} {
  func.func @_mixqkv_body(%arg0: i32, %arg1: memref<1x1024x128xf32, #tpu.memory_space<vmem>>, %arg2: memref<1x1024x128xf32, #tpu.memory_space<vmem>>, %arg3: memref<128x128xf32, #tpu.memory_space<vmem>>, %arg4: memref<128x128xf32, #tpu.memory_space<vmem>>, %arg5: memref<128x128xf32, #tpu.memory_space<vmem>>, %arg6: memref<128x128xf32, #tpu.memory_space<vmem>>, %arg7: memref<1x1024x128xf32, #tpu.memory_space<vmem>>, %arg8: memref<1x1024x128xf32, #tpu.memory_space<vmem>>, %arg9: memref<1x1024x128xf32, #tpu.memory_space<vmem>>) attributes {dimension_semantics = [#tpu.dimension_semantics<arbitrary>], iteration_bounds = array<i64: 8>, scalar_prefetch = 0 : i64, scratch_operands = 0 : i64, tpu.core_type = #tpu.core_type<tc>, window_params = [{transform_indices = @transform_0, window_bounds = array<i64: 1, 1024, 128>}, {transform_indices = @transform_1, window_bounds = array<i64: 1, 1024, 128>}, {pipeline_mode = #tpu.pipeline_mode<synchronous>, transform_indices = @transform_2, window_bounds = array<i64: 128, 128>}, {pipeline_mode = #tpu.pipeline_mode<synchronous>, transform_indices = @transform_3, window_bounds = array<i64: 128, 128>}, {pipeline_mode = #tpu.pipeline_mode<synchronous>, transform_indices = @transform_4, window_bounds = array<i64: 128, 128>}, {pipeline_mode = #tpu.pipeline_mode<synchronous>, transform_indices = @transform_5, window_bounds = array<i64: 128, 128>}, {transform_indices = @transform_6, window_bounds = array<i64: 1, 1024, 128>}, {transform_indices = @transform_7, window_bounds = array<i64: 1, 1024, 128>}, {transform_indices = @transform_8, window_bounds = array<i64: 1, 1024, 128>}]} {
    %get3A = arith.constant 0 : index
    %get3A_0 = arith.constant 0 : index
    %get3A_1 = arith.constant 0 : index
    %get3A_2 = vector.load %arg1[%get3A, %get3A_0, %get3A_1] : memref<1x1024x128xf32, #tpu.memory_space<vmem>>, vector<1x1024x128xf32>
    %get3A_3 = vector.shape_cast %get3A_2 : vector<1x1024x128xf32> to vector<1024x128xf32>
    %get3A_4 = arith.constant 0 : index
    %get3A_5 = arith.constant 0 : index
    %get3A_6 = arith.constant 0 : index
    %get3A_7 = vector.load %arg2[%get3A_4, %get3A_5, %get3A_6] : memref<1x1024x128xf32, #tpu.memory_space<vmem>>, vector<1x1024x128xf32>
    %get3A_8 = vector.shape_cast %get3A_7 : vector<1x1024x128xf32> to vector<1024x128xf32>
    %get3A_9 = arith.constant 0 : index
    %get3A_10 = arith.constant 0 : index
    %get3A_11 = vector.load %arg3[%get3A_9, %get3A_10] : memref<128x128xf32, #tpu.memory_space<vmem>>, vector<128x128xf32>
    %dot_general3A = arith.constant dense<0.000000e+00> : vector<1024x128xf32>
    %dot_general3A_12 = tpu.matmul %get3A_8, %get3A_11, %dot_general3A {dimension_numbers = #tpu.dot_dimension_numbers<[1], [0], [0], [1], [0, 0, 1, 1], [], []>, transpose_lhs_hint = false} : vector<1024x128xf32>, vector<128x128xf32>, vector<1024x128xf32> -> vector<1024x128xf32>
    %add3A = arith.addf %get3A_3, %dot_general3A_12 : vector<1024x128xf32>
    %max3A = arith.constant 0.000000e+00 : f32
    %max3A_13 = vector.broadcast %max3A : f32 to vector<1024x128xf32>
    %max3A_14 = arith.maximumf %add3A, %max3A_13 : vector<1024x128xf32>
    %get3A_15 = arith.constant 0 : index
    %get3A_16 = arith.constant 0 : index
    %get3A_17 = vector.load %arg4[%get3A_15, %get3A_16] : memref<128x128xf32, #tpu.memory_space<vmem>>, vector<128x128xf32>
    %dot_general3A_18 = arith.constant dense<0.000000e+00> : vector<1024x128xf32>
    %dot_general3A_19 = tpu.matmul %max3A_14, %get3A_17, %dot_general3A_18 {dimension_numbers = #tpu.dot_dimension_numbers<[1], [0], [0], [1], [0, 0, 1, 1], [], []>, transpose_lhs_hint = false} : vector<1024x128xf32>, vector<128x128xf32>, vector<1024x128xf32> -> vector<1024x128xf32>
    %swap3A = arith.constant 0 : index
    %swap3A_20 = arith.constant 0 : index
    %swap3A_21 = arith.constant 0 : index
    %swap3A_22 = vector.load %arg7[%swap3A, %swap3A_20, %swap3A_21] : memref<1x1024x128xf32, #tpu.memory_space<vmem>>, vector<1x1024x128xf32>
    %swap3A_23 = vector.shape_cast %swap3A_22 : vector<1x1024x128xf32> to vector<1024x128xf32>
    %swap3A_24 = vector.shape_cast %dot_general3A_19 : vector<1024x128xf32> to vector<1x1024x128xf32>
    tpu.vector_store %arg7[%swap3A, %swap3A_20, %swap3A_21], %swap3A_24 {strides = array<i32>} : memref<1x1024x128xf32, #tpu.memory_space<vmem>>, vector<1x1024x128xf32>,
    %get3A_25 = arith.constant 0 : index
    %get3A_26 = arith.constant 0 : index
    %get3A_27 = vector.load %arg5[%get3A_25, %get3A_26] : memref<128x128xf32, #tpu.memory_space<vmem>>, vector<128x128xf32>
    %dot_general3A_28 = arith.constant dense<0.000000e+00> : vector<1024x128xf32>
    %dot_general3A_29 = tpu.matmul %max3A_14, %get3A_27, %dot_general3A_28 {dimension_numbers = #tpu.dot_dimension_numbers<[1], [0], [0], [1], [0, 0, 1, 1], [], []>, transpose_lhs_hint = false} : vector<1024x128xf32>, vector<128x128xf32>, vector<1024x128xf32> -> vector<1024x128xf32>
    %swap3A_30 = arith.constant 0 : index
    %swap3A_31 = arith.constant 0 : index
    %swap3A_32 = arith.constant 0 : index
    %swap3A_33 = vector.load %arg8[%swap3A_30, %swap3A_31, %swap3A_32] : memref<1x1024x128xf32, #tpu.memory_space<vmem>>, vector<1x1024x128xf32>
    %swap3A_34 = vector.shape_cast %swap3A_33 : vector<1x1024x128xf32> to vector<1024x128xf32>
    %swap3A_35 = vector.shape_cast %dot_general3A_29 : vector<1024x128xf32> to vector<1x1024x128xf32>
    tpu.vector_store %arg8[%swap3A_30, %swap3A_31, %swap3A_32], %swap3A_35 {strides = array<i32>} : memref<1x1024x128xf32, #tpu.memory_space<vmem>>, vector<1x1024x128xf32>,
    %get3A_36 = arith.constant 0 : index
    %get3A_37 = arith.constant 0 : index
    %get3A_38 = vector.load %arg6[%get3A_36, %get3A_37] : memref<128x128xf32, #tpu.memory_space<vmem>>, vector<128x128xf32>
    %dot_general3A_39 = arith.constant dense<0.000000e+00> : vector<1024x128xf32>
    %dot_general3A_40 = tpu.matmul %max3A_14, %get3A_38, %dot_general3A_39 {dimension_numbers = #tpu.dot_dimension_numbers<[1], [0], [0], [1], [0, 0, 1, 1], [], []>, transpose_lhs_hint = false} : vector<1024x128xf32>, vector<128x128xf32>, vector<1024x128xf32> -> vector<1024x128xf32>
    %swap3A_41 = arith.constant 0 : index
    %swap3A_42 = arith.constant 0 : index
    %swap3A_43 = arith.constant 0 : index
    %swap3A_44 = vector.load %arg9[%swap3A_41, %swap3A_42, %swap3A_43] : memref<1x1024x128xf32, #tpu.memory_space<vmem>>, vector<1x1024x128xf32>
    %swap3A_45 = vector.shape_cast %swap3A_44 : vector<1x1024x128xf32> to vector<1024x128xf32>
    %swap3A_46 = vector.shape_cast %dot_general3A_40 : vector<1024x128xf32> to vector<1x1024x128xf32>
    tpu.vector_store %arg9[%swap3A_41, %swap3A_42, %swap3A_43], %swap3A_46 {strides = array<i32>} : memref<1x1024x128xf32, #tpu.memory_space<vmem>>, vector<1x1024x128xf32>,
    return
  }
  func.func @transform_0(%arg0: i32) -> (i32, i32, i32) {
    %c0_i32 = arith.constant 0 : i32
    %c0_i32_0 = arith.constant 0 : i32
    %c0_i32_1 = arith.constant 0 : i32
    return %arg0, %c0_i32, %c0_i32_0 : i32, i32, i32
  }
  func.func @transform_1(%arg0: i32) -> (i32, i32, i32) {
    %c0_i32 = arith.constant 0 : i32
    %c0_i32_0 = arith.constant 0 : i32
    %c0_i32_1 = arith.constant 0 : i32
    return %arg0, %c0_i32, %c0_i32_0 : i32, i32, i32
  }
  func.func @transform_2(%arg0: i32) -> (i32, i32) {
    %c0_i32 = arith.constant 0 : i32
    %c0_i32_0 = arith.constant 0 : i32
    %c0_i32_1 = arith.constant 0 : i32
    return %c0_i32, %c0_i32_0 : i32, i32
  }
  func.func @transform_3(%arg0: i32) -> (i32, i32) {
    %c0_i32 = arith.constant 0 : i32
    %c0_i32_0 = arith.constant 0 : i32
    %c0_i32_1 = arith.constant 0 : i32
    return %c0_i32, %c0_i32_0 : i32, i32
  }
  func.func @transform_4(%arg0: i32) -> (i32, i32) {
    %c0_i32 = arith.constant 0 : i32
    %c0_i32_0 = arith.constant 0 : i32
    %c0_i32_1 = arith.constant 0 : i32
    return %c0_i32, %c0_i32_0 : i32, i32
  }
  func.func @transform_5(%arg0: i32) -> (i32, i32) {
    %c0_i32 = arith.constant 0 : i32
    %c0_i32_0 = arith.constant 0 : i32
    %c0_i32_1 = arith.constant 0 : i32
    return %c0_i32, %c0_i32_0 : i32, i32
  }
  func.func @transform_6(%arg0: i32) -> (i32, i32, i32) {
    %c0_i32 = arith.constant 0 : i32
    %c0_i32_0 = arith.constant 0 : i32
    %c0_i32_1 = arith.constant 0 : i32
    return %arg0, %c0_i32, %c0_i32_0 : i32, i32, i32
  }
  func.func @transform_7(%arg0: i32) -> (i32, i32, i32) {
    %c0_i32 = arith.constant 0 : i32
    %c0_i32_0 = arith.constant 0 : i32
    %c0_i32_1 = arith.constant 0 : i32
    return %arg0, %c0_i32, %c0_i32_0 : i32, i32, i32
  }
  func.func @transform_8(%arg0: i32) -> (i32, i32, i32) {
    %c0_i32 = arith.constant 0 : i32
    %c0_i32_0 = arith.constant 0 : i32
    %c0_i32_1 = arith.constant 0 : i32
    return %arg0, %c0_i32, %c0_i32_0 : i32, i32, i32
  }
}

module {
  func.func @main(%arg0: i32, %arg1: i32, %arg2: i32, %arg3: i32, %arg4: memref<1x1x1024x1024xf32, #tpu.memory_space<vmem>>, %arg5: memref<1x1x1024x32xf32, #tpu.memory_space<vmem>>, %arg6: memref<1x1x1024x32xf32, #tpu.memory_space<vmem>>, %arg7: memref<1x1x1024x1xf32, #tpu.memory_space<vmem>>, %arg8: memref<1x1x1024x1xf32, #tpu.memory_space<vmem>>) attributes {dimension_semantics = [#tpu.dimension_semantics<parallel>, #tpu.dimension_semantics<parallel>, #tpu.dimension_semantics<parallel>, #tpu.dimension_semantics<arbitrary>], iteration_bounds = array<i64: 8, 4, 1, 1>, scratch_operands = 2 : i64, window_params = [{transform_indices = @qk_fn, window_bounds = array<i64: 1, 1, 1024, 1024>}, {transform_indices = @v_fn, window_bounds = array<i64: 1, 1, 1024, 32>}, {transform_indices = @oi_fn, window_bounds = array<i64: 1, 1, 1024, 32>}]} {
    %c0 = arith.constant 0 : index
    %c0_i32 = arith.constant 0 : i32
    %0 = arith.cmpi eq, %c0_i32, %arg3 : i32
    scf.if %0 {
      %cst_3 = arith.constant dense<0.000000e+00> : vector<1x1x1024x32xf32>
      vector.store %cst_3, %arg6[%c0, %c0, %c0, %c0] : memref<1x1x1024x32xf32, #tpu.memory_space<vmem>>, vector<1x1x1024x32xf32>
      %cst_4 = arith.constant dense<0xFF800000> : vector<1x1x1024x1xf32>
      vector.store %cst_4, %arg7[%c0, %c0, %c0, %c0] : memref<1x1x1024x1xf32, #tpu.memory_space<vmem>>, vector<1x1x1024x1xf32>
      %cst_5 = arith.constant dense<0.000000e+00> : vector<1x1x1024x1xf32>
      vector.store %cst_5, %arg8[%c0, %c0, %c0, %c0] : memref<1x1x1024x1xf32, #tpu.memory_space<vmem>>, vector<1x1x1024x1xf32>
    }
    %1 = vector.load %arg4[%c0, %c0, %c0, %c0] : memref<1x1x1024x1024xf32, #tpu.memory_space<vmem>>, vector<1x1x1024x1024xf32>
    %cst = arith.constant dense<0xFF800000> : vector<1x1x1024xf32>
    %2 = vector.multi_reduction <maximumf>, %1, %cst [3] : vector<1x1x1024x1024xf32> to vector<1x1x1024xf32>
    %3 = vector.shape_cast %2 : vector<1x1x1024xf32> to vector<1x1x1024x1xf32>
    %4 = vector.load %arg7[%c0, %c0, %c0, %c0] : memref<1x1x1024x1xf32, #tpu.memory_space<vmem>>, vector<1x1x1024x1xf32>
    %5 = arith.maximumf %4, %3 : vector<1x1x1024x1xf32>
    %cst_0 = arith.constant dense<0.000000e+00> : vector<1x1x1024x1xf32>
    %6 = arith.cmpf oeq, %4, %5 : vector<1x1x1024x1xf32>
    %7 = arith.subf %4, %5 : vector<1x1x1024x1xf32>
    %8 = arith.select %6, %cst_0, %7 : vector<1x1x1024x1xi1>, vector<1x1x1024x1xf32>
    %9 = vector.broadcast %5 : vector<1x1x1024x1xf32> to vector<1x1x1024x1024xf32>
    %10 = arith.subf %1, %9 : vector<1x1x1024x1024xf32>
    %11 = math.exp %10 : vector<1x1x1024x1024xf32>
    %cst_1 = arith.constant dense<0.000000e+00> : vector<1x1x1024xf32>
    %12 = vector.multi_reduction <add>, %11, %cst_1 [3] : vector<1x1x1024x1024xf32> to vector<1x1x1024xf32>
    %13 = vector.shape_cast %12 : vector<1x1x1024xf32> to vector<1x1x1024x1xf32>
    %14 = vector.load %arg8[%c0, %c0, %c0, %c0] : memref<1x1x1024x1xf32, #tpu.memory_space<vmem>>, vector<1x1x1024x1xf32>
    %15 = math.exp %8 : vector<1x1x1024x1xf32>
    %16 = arith.mulf %15, %14 : vector<1x1x1024x1xf32>
    %17 = arith.addf %16, %13 : vector<1x1x1024x1xf32>
    %18 = vector.load %arg6[%c0, %c0, %c0, %c0] : memref<1x1x1024x32xf32, #tpu.memory_space<vmem>>, vector<1x1x1024x32xf32>
    %19 = math.exp %8 : vector<1x1x1024x1xf32>
    %20 = arith.mulf %19, %14 : vector<1x1x1024x1xf32>
    %21 = vector.broadcast %20 : vector<1x1x1024x1xf32> to vector<1x1x1024x32xf32>
    %22 = arith.mulf %21, %18 : vector<1x1x1024x32xf32>
    %23 = vector.load %arg5[%c0, %c0, %c0, %c0] : memref<1x1x1024x32xf32, #tpu.memory_space<vmem>>, vector<1x1x1024x32xf32>
    %24 = vector.shape_cast %23 : vector<1x1x1024x32xf32> to vector<1024x32xf32>
    %25 = vector.shape_cast %11 : vector<1x1x1024x1024xf32> to vector<1024x1024xf32>
    %26 = vector.shape_cast %22 : vector<1x1x1024x32xf32> to vector<1024x32xf32>
    %27 = tpu.matmul %25, %24, %26 {dimension_numbers = #tpu.dot_dimension_numbers<[1], [0], [0], [1], [0, 0, 1, 1], [], []>, precision = #tpu.contract_precision<bf16>, transpose_lhs_hint = false} : vector<1024x1024xf32>, vector<1024x32xf32>, vector<1024x32xf32> -> vector<1024x32xf32>
    %28 = vector.shape_cast %27 : vector<1024x32xf32> to vector<1x1x1024x32xf32>
    %cst_2 = arith.constant dense<1.000000e+00> : vector<1x1x1024x1xf32>
    %29 = arith.divf %cst_2, %17 : vector<1x1x1024x1xf32>
    %30 = vector.broadcast %29 : vector<1x1x1024x1xf32> to vector<1x1x1024x32xf32>
    %31 = arith.mulf %28, %30 : vector<1x1x1024x32xf32>
    %32 = vector.shape_cast %31 : vector<1x1x1024x32xf32> to vector<1x1x1024x32xf32>
    vector.store %32, %arg6[%c0, %c0, %c0, %c0] : memref<1x1x1024x32xf32, #tpu.memory_space<vmem>>, vector<1x1x1024x32xf32>
    vector.store %5, %arg7[%c0, %c0, %c0, %c0] : memref<1x1x1024x1xf32, #tpu.memory_space<vmem>>, vector<1x1x1024x1xf32>
    vector.store %17, %arg8[%c0, %c0, %c0, %c0] : memref<1x1x1024x1xf32, #tpu.memory_space<vmem>>, vector<1x1x1024x1xf32>
    return
  }
  func.func @qk_fn(%arg0: i32, %arg1: i32, %arg2: i32, %arg3: i32) -> (i32, i32, i32, i32) {
    return %arg0, %arg1, %arg2, %arg3 : i32, i32, i32, i32
  }
  func.func @v_fn(%arg0: i32, %arg1: i32, %arg2: i32, %arg3: i32) -> (i32, i32, i32, i32) {
    %c0_i32 = arith.constant 0 : i32
    return %arg0, %arg1, %arg3, %c0_i32 : i32, i32, i32, i32
  }
  func.func @oi_fn(%arg0: i32, %arg1: i32, %arg2: i32, %arg3: i32) -> (i32, i32, i32, i32) {
    %c0_i32 = arith.constant 0 : i32
    return %arg0, %arg1, %arg2, %c0_i32 : i32, i32, i32, i32
  }
}

module attributes {stable_mosaic.version = 14 : i64} {
  func.func @_wo_body(%arg0: i32, %arg1: memref<1x1024x128xf32, #tpu.memory_space<vmem>>, %arg2: memref<128x128xf32, #tpu.memory_space<vmem>>, %arg3: memref<1x1024x128xf32, #tpu.memory_space<vmem>>) attributes {dimension_semantics = [#tpu.dimension_semantics<arbitrary>], iteration_bounds = array<i64: 8>, scalar_prefetch = 0 : i64, scratch_operands = 0 : i64, tpu.core_type = #tpu.core_type<tc>, window_params = [{transform_indices = @transform_0, window_bounds = array<i64: 1, 1024, 128>}, {pipeline_mode = #tpu.pipeline_mode<synchronous>, transform_indices = @transform_1, window_bounds = array<i64: 128, 128>}, {transform_indices = @transform_2, window_bounds = array<i64: 1, 1024, 128>}]} {
    %get3A = arith.constant 0 : index
    %get3A_0 = arith.constant 0 : index
    %get3A_1 = arith.constant 0 : index
    %get3A_2 = vector.load %arg1[%get3A, %get3A_0, %get3A_1] : memref<1x1024x128xf32, #tpu.memory_space<vmem>>, vector<1x1024x128xf32>
    %get3A_3 = vector.shape_cast %get3A_2 : vector<1x1024x128xf32> to vector<1024x128xf32>
    %get3A_4 = arith.constant 0 : index
    %get3A_5 = arith.constant 0 : index
    %get3A_6 = vector.load %arg2[%get3A_4, %get3A_5] : memref<128x128xf32, #tpu.memory_space<vmem>>, vector<128x128xf32>
    %dot_general3A = arith.constant dense<0.000000e+00> : vector<1024x128xf32>
    %dot_general3A_7 = tpu.matmul %get3A_3, %get3A_6, %dot_general3A {dimension_numbers = #tpu.dot_dimension_numbers<[1], [0], [0], [1], [0, 0, 1, 1], [], []>, transpose_lhs_hint = false} : vector<1024x128xf32>, vector<128x128xf32>, vector<1024x128xf32> -> vector<1024x128xf32>
    %swap3A = arith.constant 0 : index
    %swap3A_8 = arith.constant 0 : index
    %swap3A_9 = arith.constant 0 : index
    %swap3A_10 = vector.load %arg3[%swap3A, %swap3A_8, %swap3A_9] : memref<1x1024x128xf32, #tpu.memory_space<vmem>>, vector<1x1024x128xf32>
    %swap3A_11 = vector.shape_cast %swap3A_10 : vector<1x1024x128xf32> to vector<1024x128xf32>
    %swap3A_12 = vector.shape_cast %dot_general3A_7 : vector<1024x128xf32> to vector<1x1024x128xf32>
    tpu.vector_store %arg3[%swap3A, %swap3A_8, %swap3A_9], %swap3A_12 {strides = array<i32>} : memref<1x1024x128xf32, #tpu.memory_space<vmem>>, vector<1x1024x128xf32>,
    return
  }
  func.func @transform_0(%arg0: i32) -> (i32, i32, i32) {
    %c0_i32 = arith.constant 0 : i32
    %c0_i32_0 = arith.constant 0 : i32
    %c0_i32_1 = arith.constant 0 : i32
    return %arg0, %c0_i32, %c0_i32_0 : i32, i32, i32
  }
  func.func @transform_1(%arg0: i32) -> (i32, i32) {
    %c0_i32 = arith.constant 0 : i32
    %c0_i32_0 = arith.constant 0 : i32
    %c0_i32_1 = arith.constant 0 : i32
    return %c0_i32, %c0_i32_0 : i32, i32
  }
  func.func @transform_2(%arg0: i32) -> (i32, i32, i32) {
    %c0_i32 = arith.constant 0 : i32
    %c0_i32_0 = arith.constant 0 : i32
    %c0_i32_1 = arith.constant 0 : i32
    return %arg0, %c0_i32, %c0_i32_0 : i32, i32, i32
  }
}

module attributes {stable_mosaic.version = 14 : i64} {
  func.func @_poolqkv_body(%arg0: i32, %arg1: memref<1x1024x128xf32, #tpu.memory_space<vmem>>, %arg2: memref<1x1024x1xf32, #tpu.memory_space<vmem>>, %arg3: memref<128x128xf32, #tpu.memory_space<vmem>>, %arg4: memref<128x128xf32, #tpu.memory_space<vmem>>, %arg5: memref<128x128xf32, #tpu.memory_space<vmem>>, %arg6: memref<1x512x128xf32, #tpu.memory_space<vmem>>, %arg7: memref<1x512x1xi32, #tpu.memory_space<vmem>>, %arg8: memref<1x1024x128xf32, #tpu.memory_space<vmem>>, %arg9: memref<1x1024x128xf32, #tpu.memory_space<vmem>>, %arg10: memref<1x1024x128xf32, #tpu.memory_space<vmem>>) attributes {dimension_semantics = [#tpu.dimension_semantics<arbitrary>], iteration_bounds = array<i64: 8>, scalar_prefetch = 0 : i64, scratch_operands = 0 : i64, tpu.core_type = #tpu.core_type<tc>, window_params = [{transform_indices = @transform_0, window_bounds = array<i64: 1, 1024, 128>}, {transform_indices = @transform_1, window_bounds = array<i64: 1, 1024, 1>}, {pipeline_mode = #tpu.pipeline_mode<synchronous>, transform_indices = @transform_2, window_bounds = array<i64: 128, 128>}, {pipeline_mode = #tpu.pipeline_mode<synchronous>, transform_indices = @transform_3, window_bounds = array<i64: 128, 128>}, {pipeline_mode = #tpu.pipeline_mode<synchronous>, transform_indices = @transform_4, window_bounds = array<i64: 128, 128>}, {transform_indices = @transform_5, window_bounds = array<i64: 1, 512, 128>}, {transform_indices = @transform_6, window_bounds = array<i64: 1, 512, 1>}, {transform_indices = @transform_7, window_bounds = array<i64: 1, 1024, 128>}, {transform_indices = @transform_8, window_bounds = array<i64: 1, 1024, 128>}, {transform_indices = @transform_9, window_bounds = array<i64: 1, 1024, 128>}]} {
    %get3A = arith.constant 0 : index
    %get3A_0 = arith.constant 0 : index
    %get3A_1 = arith.constant 0 : index
    %get3A_2 = vector.load %arg1[%get3A, %get3A_0, %get3A_1] : memref<1x1024x128xf32, #tpu.memory_space<vmem>>, vector<1x1024x128xf32>
    %get3A_3 = vector.shape_cast %get3A_2 : vector<1x1024x128xf32> to vector<1024x128xf32>
    %get3A_4 = arith.constant 0 : index
    %get3A_5 = arith.constant 0 : index
    %get3A_6 = arith.constant 0 : index
    %get3A_7 = vector.load %arg2[%get3A_4, %get3A_5, %get3A_6] : memref<1x1024x1xf32, #tpu.memory_space<vmem>>, vector<1x1024x1xf32>
    %get3A_8 = vector.shape_cast %get3A_7 : vector<1x1024x1xf32> to vector<1024x1xf32>
    %transpose3A = tpu.transpose %get3A_8, [1, 0] : vector<1024x1xf32> -> vector<1x1024xf32>
    %broadcast_in_dim3A = vector.shape_cast %get3A_8 : vector<1024x1xf32> to vector<1024x1xf32>
    %broadcast_in_dim3A_9 = vector.broadcast %broadcast_in_dim3A : vector<1024x1xf32> to vector<1024x1024xf32>
    %broadcast_in_dim3A_10 = vector.shape_cast %transpose3A : vector<1x1024xf32> to vector<1x1024xf32>
    %broadcast_in_dim3A_11 = vector.broadcast %broadcast_in_dim3A_10 : vector<1x1024xf32> to vector<1024x1024xf32>
    %iota3A = tpu.iota {dimensions = array<i32: 1>} : vector<1024x1024xi32>
    %iota3A_12 = tpu.iota {dimensions = array<i32: 0>} : vector<1024x1024xi32>
    %gt3A = arith.cmpf ogt, %broadcast_in_dim3A_11, %broadcast_in_dim3A_9 : vector<1024x1024xf32>
    %eq3A = arith.cmpf oeq, %broadcast_in_dim3A_11, %broadcast_in_dim3A_9 : vector<1024x1024xf32>
    %lt3A = arith.cmpi slt, %iota3A, %iota3A_12 : vector<1024x1024xi32>
    %and3A = arith.andi %eq3A, %lt3A : vector<1024x1024xi1>
    %or3A = arith.ori %gt3A, %and3A : vector<1024x1024xi1>
    %convert_element_type3A = arith.extui %or3A : vector<1024x1024xi1> to vector<1024x1024xi32>
    %convert_element_type3A_13 = arith.sitofp %convert_element_type3A : vector<1024x1024xi32> to vector<1024x1024xf32>
    %reduce_sum3A = arith.constant dense<0.000000e+00> : vector<1024xf32>
    %reduce_sum3A_14 = vector.multi_reduction <add>, %convert_element_type3A_13, %reduce_sum3A [1] : vector<1024x1024xf32> to vector<1024xf32>
    %broadcast_in_dim3A_15 = vector.shape_cast %reduce_sum3A_14 : vector<1024xf32> to vector<1024x1xf32>
    %iota3A_16 = tpu.iota {dimensions = array<i32: 1>} : vector<1024x512xi32>
    %convert_element_type3A_17 = arith.sitofp %iota3A_16 : vector<1024x512xi32> to vector<1024x512xf32>
    %broadcast_in_dim3A_18 = vector.shape_cast %broadcast_in_dim3A_15 : vector<1024x1xf32> to vector<1024x1xf32>
    %broadcast_in_dim3A_19 = vector.broadcast %broadcast_in_dim3A_18 : vector<1024x1xf32> to vector<1024x512xf32>
    %eq3A_20 = arith.cmpf oeq, %broadcast_in_dim3A_19, %convert_element_type3A_17 : vector<1024x512xf32>
    %convert_element_type3A_21 = arith.extui %eq3A_20 : vector<1024x512xi1> to vector<1024x512xi32>
    %convert_element_type3A_22 = arith.sitofp %convert_element_type3A_21 : vector<1024x512xi32> to vector<1024x512xf32>
    %dot_general3A = arith.constant dense<0.000000e+00> : vector<512x128xf32>
    %dot_general3A_23 = tpu.matmul %convert_element_type3A_22, %get3A_3, %dot_general3A {dimension_numbers = #tpu.dot_dimension_numbers<[0], [0], [1], [1], [0, 1, 1, 1], [], []>, transpose_lhs_hint = false} : vector<1024x512xf32>, vector<1024x128xf32>, vector<512x128xf32> -> vector<512x128xf32>
    %dot_general3A_24 = arith.constant dense<0.000000e+00> : vector<512x1xf32>
    %dot_general3A_25 = tpu.matmul %convert_element_type3A_22, %get3A_8, %dot_general3A_24 {dimension_numbers = #tpu.dot_dimension_numbers<[0], [0], [1], [1], [0, 1, 1, 1], [], []>, transpose_lhs_hint = false} : vector<1024x512xf32>, vector<1024x1xf32>, vector<512x1xf32> -> vector<512x1xf32>
    %iota3A_26 = tpu.iota {dimensions = array<i32: 0>} : vector<1024x1xi32>
    %convert_element_type3A_27 = arith.sitofp %iota3A_26 : vector<1024x1xi32> to vector<1024x1xf32>
    %dot_general3A_28 = arith.constant dense<0.000000e+00> : vector<512x1xf32>
    %dot_general3A_29 = tpu.matmul %convert_element_type3A_22, %convert_element_type3A_27, %dot_general3A_28 {dimension_numbers = #tpu.dot_dimension_numbers<[0], [0], [1], [1], [0, 1, 1, 1], [], []>, transpose_lhs_hint = false} : vector<1024x512xf32>, vector<1024x1xf32>, vector<512x1xf32> -> vector<512x1xf32>
    %tanh3A = math.tanh %dot_general3A_25 : vector<512x1xf32>
    %mul3A = vector.broadcast %tanh3A : vector<512x1xf32> to vector<512x128xf32>
    %mul3A_30 = arith.mulf %dot_general3A_23, %mul3A : vector<512x128xf32>
    %swap3A = arith.constant 0 : index
    %swap3A_31 = arith.constant 0 : index
    %swap3A_32 = arith.constant 0 : index
    %swap3A_33 = vector.load %arg6[%swap3A, %swap3A_31, %swap3A_32] : memref<1x512x128xf32, #tpu.memory_space<vmem>>, vector<1x512x128xf32>
    %swap3A_34 = vector.shape_cast %swap3A_33 : vector<1x512x128xf32> to vector<512x128xf32>
    %swap3A_35 = vector.shape_cast %mul3A_30 : vector<512x128xf32> to vector<1x512x128xf32>
    tpu.vector_store %arg6[%swap3A, %swap3A_31, %swap3A_32], %swap3A_35 {strides = array<i32>} : memref<1x512x128xf32, #tpu.memory_space<vmem>>, vector<1x512x128xf32>,
    %convert_element_type3A_36 = arith.fptosi %dot_general3A_29 : vector<512x1xf32> to vector<512x1xi32>
    %swap3A_37 = arith.constant 0 : index
    %swap3A_38 = arith.constant 0 : index
    %swap3A_39 = arith.constant 0 : index
    %swap3A_40 = vector.load %arg7[%swap3A_37, %swap3A_38, %swap3A_39] : memref<1x512x1xi32, #tpu.memory_space<vmem>>, vector<1x512x1xi32>
    %swap3A_41 = vector.shape_cast %swap3A_40 : vector<1x512x1xi32> to vector<512x1xi32>
    %swap3A_42 = vector.shape_cast %convert_element_type3A_36 : vector<512x1xi32> to vector<1x512x1xi32>
    tpu.vector_store %arg7[%swap3A_37, %swap3A_38, %swap3A_39], %swap3A_42 {strides = array<i32>} : memref<1x512x1xi32, #tpu.memory_space<vmem>>, vector<1x512x1xi32>,
    %get3A_43 = arith.constant 0 : index
    %get3A_44 = arith.constant 0 : index
    %get3A_45 = arith.constant 0 : index
    %get3A_46 = vector.load %arg1[%get3A_43, %get3A_44, %get3A_45] : memref<1x1024x128xf32, #tpu.memory_space<vmem>>, vector<1x1024x128xf32>
    %get3A_47 = vector.shape_cast %get3A_46 : vector<1x1024x128xf32> to vector<1024x128xf32>
    %get3A_48 = arith.constant 0 : index
    %get3A_49 = arith.constant 0 : index
    %get3A_50 = vector.load %arg3[%get3A_48, %get3A_49] : memref<128x128xf32, #tpu.memory_space<vmem>>, vector<128x128xf32>
    %dot_general3A_51 = arith.constant dense<0.000000e+00> : vector<1024x128xf32>
    %dot_general3A_52 = tpu.matmul %get3A_47, %get3A_50, %dot_general3A_51 {dimension_numbers = #tpu.dot_dimension_numbers<[1], [0], [0], [1], [0, 0, 1, 1], [], []>, transpose_lhs_hint = false} : vector<1024x128xf32>, vector<128x128xf32>, vector<1024x128xf32> -> vector<1024x128xf32>
    %swap3A_53 = arith.constant 0 : index
    %swap3A_54 = arith.constant 0 : index
    %swap3A_55 = arith.constant 0 : index
    %swap3A_56 = vector.load %arg8[%swap3A_53, %swap3A_54, %swap3A_55] : memref<1x1024x128xf32, #tpu.memory_space<vmem>>, vector<1x1024x128xf32>
    %swap3A_57 = vector.shape_cast %swap3A_56 : vector<1x1024x128xf32> to vector<1024x128xf32>
    %swap3A_58 = vector.shape_cast %dot_general3A_52 : vector<1024x128xf32> to vector<1x1024x128xf32>
    tpu.vector_store %arg8[%swap3A_53, %swap3A_54, %swap3A_55], %swap3A_58 {strides = array<i32>} : memref<1x1024x128xf32, #tpu.memory_space<vmem>>, vector<1x1024x128xf32>,
    %get3A_59 = arith.constant 0 : index
    %get3A_60 = arith.constant 0 : index
    %get3A_61 = vector.load %arg4[%get3A_59, %get3A_60] : memref<128x128xf32, #tpu.memory_space<vmem>>, vector<128x128xf32>
    %dot_general3A_62 = arith.constant dense<0.000000e+00> : vector<1024x128xf32>
    %dot_general3A_63 = tpu.matmul %get3A_47, %get3A_61, %dot_general3A_62 {dimension_numbers = #tpu.dot_dimension_numbers<[1], [0], [0], [1], [0, 0, 1, 1], [], []>, transpose_lhs_hint = false} : vector<1024x128xf32>, vector<128x128xf32>, vector<1024x128xf32> -> vector<1024x128xf32>
    %swap3A_64 = arith.constant 0 : index
    %swap3A_65 = arith.constant 0 : index
    %swap3A_66 = arith.constant 0 : index
    %swap3A_67 = vector.load %arg9[%swap3A_64, %swap3A_65, %swap3A_66] : memref<1x1024x128xf32, #tpu.memory_space<vmem>>, vector<1x1024x128xf32>
    %swap3A_68 = vector.shape_cast %swap3A_67 : vector<1x1024x128xf32> to vector<1024x128xf32>
    %swap3A_69 = vector.shape_cast %dot_general3A_63 : vector<1024x128xf32> to vector<1x1024x128xf32>
    tpu.vector_store %arg9[%swap3A_64, %swap3A_65, %swap3A_66], %swap3A_69 {strides = array<i32>} : memref<1x1024x128xf32, #tpu.memory_space<vmem>>, vector<1x1024x128xf32>,
    %get3A_70 = arith.constant 0 : index
    %get3A_71 = arith.constant 0 : index
    %get3A_72 = vector.load %arg5[%get3A_70, %get3A_71] : memref<128x128xf32, #tpu.memory_space<vmem>>, vector<128x128xf32>
    %dot_general3A_73 = arith.constant dense<0.000000e+00> : vector<1024x128xf32>
    %dot_general3A_74 = tpu.matmul %get3A_47, %get3A_72, %dot_general3A_73 {dimension_numbers = #tpu.dot_dimension_numbers<[1], [0], [0], [1], [0, 0, 1, 1], [], []>, transpose_lhs_hint = false} : vector<1024x128xf32>, vector<128x128xf32>, vector<1024x128xf32> -> vector<1024x128xf32>
    %swap3A_75 = arith.constant 0 : index
    %swap3A_76 = arith.constant 0 : index
    %swap3A_77 = arith.constant 0 : index
    %swap3A_78 = vector.load %arg10[%swap3A_75, %swap3A_76, %swap3A_77] : memref<1x1024x128xf32, #tpu.memory_space<vmem>>, vector<1x1024x128xf32>
    %swap3A_79 = vector.shape_cast %swap3A_78 : vector<1x1024x128xf32> to vector<1024x128xf32>
    %swap3A_80 = vector.shape_cast %dot_general3A_74 : vector<1024x128xf32> to vector<1x1024x128xf32>
    tpu.vector_store %arg10[%swap3A_75, %swap3A_76, %swap3A_77], %swap3A_80 {strides = array<i32>} : memref<1x1024x128xf32, #tpu.memory_space<vmem>>, vector<1x1024x128xf32>,
    return
  }
  func.func @transform_0(%arg0: i32) -> (i32, i32, i32) {
    %c0_i32 = arith.constant 0 : i32
    %c0_i32_0 = arith.constant 0 : i32
    %c0_i32_1 = arith.constant 0 : i32
    return %arg0, %c0_i32, %c0_i32_0 : i32, i32, i32
  }
  func.func @transform_1(%arg0: i32) -> (i32, i32, i32) {
    %c0_i32 = arith.constant 0 : i32
    %c0_i32_0 = arith.constant 0 : i32
    %c0_i32_1 = arith.constant 0 : i32
    return %arg0, %c0_i32, %c0_i32_0 : i32, i32, i32
  }
  func.func @transform_2(%arg0: i32) -> (i32, i32) {
    %c0_i32 = arith.constant 0 : i32
    %c0_i32_0 = arith.constant 0 : i32
    %c0_i32_1 = arith.constant 0 : i32
    return %c0_i32, %c0_i32_0 : i32, i32
  }
  func.func @transform_3(%arg0: i32) -> (i32, i32) {
    %c0_i32 = arith.constant 0 : i32
    %c0_i32_0 = arith.constant 0 : i32
    %c0_i32_1 = arith.constant 0 : i32
    return %c0_i32, %c0_i32_0 : i32, i32
  }
  func.func @transform_4(%arg0: i32) -> (i32, i32) {
    %c0_i32 = arith.constant 0 : i32
    %c0_i32_0 = arith.constant 0 : i32
    %c0_i32_1 = arith.constant 0 : i32
    return %c0_i32, %c0_i32_0 : i32, i32
  }
  func.func @transform_5(%arg0: i32) -> (i32, i32, i32) {
    %c0_i32 = arith.constant 0 : i32
    %c0_i32_0 = arith.constant 0 : i32
    %c0_i32_1 = arith.constant 0 : i32
    return %arg0, %c0_i32, %c0_i32_0 : i32, i32, i32
  }
  func.func @transform_6(%arg0: i32) -> (i32, i32, i32) {
    %c0_i32 = arith.constant 0 : i32
    %c0_i32_0 = arith.constant 0 : i32
    %c0_i32_1 = arith.constant 0 : i32
    return %arg0, %c0_i32, %c0_i32_0 : i32, i32, i32
  }
  func.func @transform_7(%arg0: i32) -> (i32, i32, i32) {
    %c0_i32 = arith.constant 0 : i32
    %c0_i32_0 = arith.constant 0 : i32
    %c0_i32_1 = arith.constant 0 : i32
    return %arg0, %c0_i32, %c0_i32_0 : i32, i32, i32
  }
  func.func @transform_8(%arg0: i32) -> (i32, i32, i32) {
    %c0_i32 = arith.constant 0 : i32
    %c0_i32_0 = arith.constant 0 : i32
    %c0_i32_1 = arith.constant 0 : i32
    return %arg0, %c0_i32, %c0_i32_0 : i32, i32, i32
  }
  func.func @transform_9(%arg0: i32) -> (i32, i32, i32) {
    %c0_i32 = arith.constant 0 : i32
    %c0_i32_0 = arith.constant 0 : i32
    %c0_i32_1 = arith.constant 0 : i32
    return %arg0, %c0_i32, %c0_i32_0 : i32, i32, i32
  }
}

module attributes {stable_mosaic.version = 14 : i64} {
  func.func @_pool_body(%arg0: i32, %arg1: memref<1x1024x128xf32, #tpu.memory_space<vmem>>, %arg2: memref<1x1024x1xf32, #tpu.memory_space<vmem>>, %arg3: memref<1x512x128xf32, #tpu.memory_space<vmem>>, %arg4: memref<1x512x1xi32, #tpu.memory_space<vmem>>) attributes {dimension_semantics = [#tpu.dimension_semantics<arbitrary>], iteration_bounds = array<i64: 8>, scalar_prefetch = 0 : i64, scratch_operands = 0 : i64, tpu.core_type = #tpu.core_type<tc>, window_params = [{transform_indices = @transform_0, window_bounds = array<i64: 1, 1024, 128>}, {transform_indices = @transform_1, window_bounds = array<i64: 1, 1024, 1>}, {transform_indices = @transform_2, window_bounds = array<i64: 1, 512, 128>}, {transform_indices = @transform_3, window_bounds = array<i64: 1, 512, 1>}]} {
    %get3A = arith.constant 0 : index
    %get3A_0 = arith.constant 0 : index
    %get3A_1 = arith.constant 0 : index
    %get3A_2 = vector.load %arg1[%get3A, %get3A_0, %get3A_1] : memref<1x1024x128xf32, #tpu.memory_space<vmem>>, vector<1x1024x128xf32>
    %get3A_3 = vector.shape_cast %get3A_2 : vector<1x1024x128xf32> to vector<1024x128xf32>
    %get3A_4 = arith.constant 0 : index
    %get3A_5 = arith.constant 0 : index
    %get3A_6 = arith.constant 0 : index
    %get3A_7 = vector.load %arg2[%get3A_4, %get3A_5, %get3A_6] : memref<1x1024x1xf32, #tpu.memory_space<vmem>>, vector<1x1024x1xf32>
    %get3A_8 = vector.shape_cast %get3A_7 : vector<1x1024x1xf32> to vector<1024x1xf32>
    %transpose3A = tpu.transpose %get3A_8, [1, 0] : vector<1024x1xf32> -> vector<1x1024xf32>
    %broadcast_in_dim3A = vector.shape_cast %get3A_8 : vector<1024x1xf32> to vector<1024x1xf32>
    %broadcast_in_dim3A_9 = vector.broadcast %broadcast_in_dim3A : vector<1024x1xf32> to vector<1024x1024xf32>
    %broadcast_in_dim3A_10 = vector.shape_cast %transpose3A : vector<1x1024xf32> to vector<1x1024xf32>
    %broadcast_in_dim3A_11 = vector.broadcast %broadcast_in_dim3A_10 : vector<1x1024xf32> to vector<1024x1024xf32>
    %iota3A = tpu.iota {dimensions = array<i32: 1>} : vector<1024x1024xi32>
    %iota3A_12 = tpu.iota {dimensions = array<i32: 0>} : vector<1024x1024xi32>
    %gt3A = arith.cmpf ogt, %broadcast_in_dim3A_11, %broadcast_in_dim3A_9 : vector<1024x1024xf32>
    %eq3A = arith.cmpf oeq, %broadcast_in_dim3A_11, %broadcast_in_dim3A_9 : vector<1024x1024xf32>
    %lt3A = arith.cmpi slt, %iota3A, %iota3A_12 : vector<1024x1024xi32>
    %and3A = arith.andi %eq3A, %lt3A : vector<1024x1024xi1>
    %or3A = arith.ori %gt3A, %and3A : vector<1024x1024xi1>
    %convert_element_type3A = arith.extui %or3A : vector<1024x1024xi1> to vector<1024x1024xi32>
    %convert_element_type3A_13 = arith.sitofp %convert_element_type3A : vector<1024x1024xi32> to vector<1024x1024xf32>
    %reduce_sum3A = arith.constant dense<0.000000e+00> : vector<1024xf32>
    %reduce_sum3A_14 = vector.multi_reduction <add>, %convert_element_type3A_13, %reduce_sum3A [1] : vector<1024x1024xf32> to vector<1024xf32>
    %broadcast_in_dim3A_15 = vector.shape_cast %reduce_sum3A_14 : vector<1024xf32> to vector<1024x1xf32>
    %iota3A_16 = tpu.iota {dimensions = array<i32: 1>} : vector<1024x512xi32>
    %convert_element_type3A_17 = arith.sitofp %iota3A_16 : vector<1024x512xi32> to vector<1024x512xf32>
    %broadcast_in_dim3A_18 = vector.shape_cast %broadcast_in_dim3A_15 : vector<1024x1xf32> to vector<1024x1xf32>
    %broadcast_in_dim3A_19 = vector.broadcast %broadcast_in_dim3A_18 : vector<1024x1xf32> to vector<1024x512xf32>
    %eq3A_20 = arith.cmpf oeq, %broadcast_in_dim3A_19, %convert_element_type3A_17 : vector<1024x512xf32>
    %convert_element_type3A_21 = arith.extui %eq3A_20 : vector<1024x512xi1> to vector<1024x512xi32>
    %convert_element_type3A_22 = arith.sitofp %convert_element_type3A_21 : vector<1024x512xi32> to vector<1024x512xf32>
    %dot_general3A = arith.constant dense<0.000000e+00> : vector<512x128xf32>
    %dot_general3A_23 = tpu.matmul %convert_element_type3A_22, %get3A_3, %dot_general3A {dimension_numbers = #tpu.dot_dimension_numbers<[0], [0], [1], [1], [0, 1, 1, 1], [], []>, transpose_lhs_hint = false} : vector<1024x512xf32>, vector<1024x128xf32>, vector<512x128xf32> -> vector<512x128xf32>
    %dot_general3A_24 = arith.constant dense<0.000000e+00> : vector<512x1xf32>
    %dot_general3A_25 = tpu.matmul %convert_element_type3A_22, %get3A_8, %dot_general3A_24 {dimension_numbers = #tpu.dot_dimension_numbers<[0], [0], [1], [1], [0, 1, 1, 1], [], []>, transpose_lhs_hint = false} : vector<1024x512xf32>, vector<1024x1xf32>, vector<512x1xf32> -> vector<512x1xf32>
    %iota3A_26 = tpu.iota {dimensions = array<i32: 0>} : vector<1024x1xi32>
    %convert_element_type3A_27 = arith.sitofp %iota3A_26 : vector<1024x1xi32> to vector<1024x1xf32>
    %dot_general3A_28 = arith.constant dense<0.000000e+00> : vector<512x1xf32>
    %dot_general3A_29 = tpu.matmul %convert_element_type3A_22, %convert_element_type3A_27, %dot_general3A_28 {dimension_numbers = #tpu.dot_dimension_numbers<[0], [0], [1], [1], [0, 1, 1, 1], [], []>, transpose_lhs_hint = false} : vector<1024x512xf32>, vector<1024x1xf32>, vector<512x1xf32> -> vector<512x1xf32>
    %tanh3A = math.tanh %dot_general3A_25 : vector<512x1xf32>
    %mul3A = vector.broadcast %tanh3A : vector<512x1xf32> to vector<512x128xf32>
    %mul3A_30 = arith.mulf %dot_general3A_23, %mul3A : vector<512x128xf32>
    %swap3A = arith.constant 0 : index
    %swap3A_31 = arith.constant 0 : index
    %swap3A_32 = arith.constant 0 : index
    %swap3A_33 = vector.load %arg3[%swap3A, %swap3A_31, %swap3A_32] : memref<1x512x128xf32, #tpu.memory_space<vmem>>, vector<1x512x128xf32>
    %swap3A_34 = vector.shape_cast %swap3A_33 : vector<1x512x128xf32> to vector<512x128xf32>
    %swap3A_35 = vector.shape_cast %mul3A_30 : vector<512x128xf32> to vector<1x512x128xf32>
    tpu.vector_store %arg3[%swap3A, %swap3A_31, %swap3A_32], %swap3A_35 {strides = array<i32>} : memref<1x512x128xf32, #tpu.memory_space<vmem>>, vector<1x512x128xf32>,
    %convert_element_type3A_36 = arith.fptosi %dot_general3A_29 : vector<512x1xf32> to vector<512x1xi32>
    %swap3A_37 = arith.constant 0 : index
    %swap3A_38 = arith.constant 0 : index
    %swap3A_39 = arith.constant 0 : index
    %swap3A_40 = vector.load %arg4[%swap3A_37, %swap3A_38, %swap3A_39] : memref<1x512x1xi32, #tpu.memory_space<vmem>>, vector<1x512x1xi32>
    %swap3A_41 = vector.shape_cast %swap3A_40 : vector<1x512x1xi32> to vector<512x1xi32>
    %swap3A_42 = vector.shape_cast %convert_element_type3A_36 : vector<512x1xi32> to vector<1x512x1xi32>
    tpu.vector_store %arg4[%swap3A_37, %swap3A_38, %swap3A_39], %swap3A_42 {strides = array<i32>} : memref<1x512x1xi32, #tpu.memory_space<vmem>>, vector<1x512x1xi32>,
    return
  }
  func.func @transform_0(%arg0: i32) -> (i32, i32, i32) {
    %c0_i32 = arith.constant 0 : i32
    %c0_i32_0 = arith.constant 0 : i32
    %c0_i32_1 = arith.constant 0 : i32
    return %arg0, %c0_i32, %c0_i32_0 : i32, i32, i32
  }
  func.func @transform_1(%arg0: i32) -> (i32, i32, i32) {
    %c0_i32 = arith.constant 0 : i32
    %c0_i32_0 = arith.constant 0 : i32
    %c0_i32_1 = arith.constant 0 : i32
    return %arg0, %c0_i32, %c0_i32_0 : i32, i32, i32
  }
  func.func @transform_2(%arg0: i32) -> (i32, i32, i32) {
    %c0_i32 = arith.constant 0 : i32
    %c0_i32_0 = arith.constant 0 : i32
    %c0_i32_1 = arith.constant 0 : i32
    return %arg0, %c0_i32, %c0_i32_0 : i32, i32, i32
  }
  func.func @transform_3(%arg0: i32) -> (i32, i32, i32) {
    %c0_i32 = arith.constant 0 : i32
    %c0_i32_0 = arith.constant 0 : i32
    %c0_i32_1 = arith.constant 0 : i32
    return %arg0, %c0_i32, %c0_i32_0 : i32, i32, i32
  }
}

</mosaic_0001>

<sc_bundles>
// kernel: kernel.15.cloned.1.call-start
scs
__scs_entry_jumppad:
0x0: {  	(pc) =	sbr.rel $0x88, $3  }
0x1: {  	(tag) =	ssettag $0x0;
	lr =	simm.s32 $0x1  }
0x2: {  	[smem:$0x3F94] =	sst lr;
	_ =	strace $0xD0000000  }
0x3: {  	_ = 	snop  }
0x4: {  	_ = 	snop  }
0x5: {  	_ = 	snop  }
0x6: {  	_ = 	snop  }
0x7: {  	_ = 	snop  }
__scs_overlays_trampoline_lowered:
0x8: {  	[smem:$0x3FA3] =	sst s0  }
0x9: {  	[smem:$0x3FA4] =	sst s1  }
0xa: {  	[smem:$0x3FA5] =	sst s2  }
0xb: {  	[smem:$0x3FA6] =	sst s3  }
0xc: {  	[smem:$0x3FA7] =	sst s4  }
0xd: {  	[smem:$0x3FA8] =	sst s5  }
0xe: {  	[smem:$0x3FA9] =	sst s6  }
0xf: {  	[smem:$0x3FAA] =	sst s7  }
0x10: {  	[smem:$0x3FAB] =	sst s8  }
0x11: {  	[smem:$0x3FAC] =	sst s9;
	s0 =	simm.s32 @!p0 $0x0  }
0x12: {  	s1 =	sld [smem:$0x3F92];
	s0 =	simm.s32 @p0 $0x1  }
0x13: {  	[smem:$0x3FAD] =	sst s0;
	s0 =	simm.s32 @!p1 $0x0  }
0x14: {  	s2 =	sld [smem:$0x3F91];
	s0 =	simm.s32 @p1 $0x1  }
0x15: {  	[smem:$0x3FAE] =	sst s0;
	s0 =	simm.s32 @!p2 $0x0  }
0x16: {  	s3 =	sld [smem:$0x3FDB];
	s0 =	simm.s32 @p2 $0x1  }
0x17: {  	s4 =	simm.s32 $0x1BF5;
	[smem:$0x3FB0] =	sst s0  }
0x18: {  	s0 =	sld [smem:$0x3F93];
	_ =	swait.ge [sflag:s4], $0x0  }
0x19: {  	s7 =	sld [smem:$0x3F94]  }
0x1a: {  	s8 =	sadd.s32 $0xFFFFE003, lr  }
0x1b: {  	s9 =	sadd.s32 $0xFFFFFEF7, lr;
	s5 =	simm.s32 $0xFFFFFFFF;
	p2 =	slt.u32 s8, $0xFFFFF086  }
0x1c: {  	p1 =	slt.u32 s9, $0xF7A;
	s5 =	simm.s32 @!p2 $0x0  }
0x1d: {  	s5 =	simm.s32 @p1 $0x1;
	p0 =	seq.s32 s7, s2  }
0x1e: {  	s7 =	smul.u32 @!p0 $0xF7A, s2;
	p2 =	seq.s32 @!p0 s5, $0x0  }
0x1f: {  	s9 =	smul.u32 $0xF7A, s1;
	s8 =	simm.s32 @!p0 $0x1BF5;
	p2 =	por !p2, p0  }
0x20: {  	[sflag:s8] =	ssyncset.s32 @!p0 $0xFFFFF086;
	s6 =	sadd.s32 @!p0 s3, s7;
	s7 =	simm.s32 @!p0 $0x108  }
0x21: {  	s3 =	sadd.s32 s3, s9;
	s6 =	sadd.s32 @!p0 $0x88, s6;
	s7 =	simm.s32 @p2 $0x1082  }
0x22: {  	[simem:s7], [sflag:s8] =	dma.local @!p0 [hbm:s6], $0xF7A  }
0x23: {  	s9 =	sor.u32 $0xD0000000, s2;
	s6 =	simm.s32 $0x108;
	_ =	swait.ge @!p0 [sflag:s8], $0x0  }
0x24: {  	s3 =	sadd.s32 $0x88, s3;
	s6 =	simm.s32 @!p1 $0x1082;
	[sflag:s4] =	ssyncset.s32 $0xFFFFF086  }
0x25: {  	[simem:s6], [sflag:s4] =	dma.local [hbm:s3], $0xF7A  }
0x26: {  	[smem:$0x3F94] =	sst s1;
	(tag) =	ssettag s2;
	_ =	strace s9  }
0x27: {  	s1 =	sld [smem:$0x3FA4]  }
0x28: {  	s2 =	sld [smem:$0x3FA5]  }
0x29: {  	s4 =	sld [smem:$0x3FA7]  }
0x2a: {  	p0 =	seq.s32 s5, $0x0;
	s5 =	sld [smem:$0x3FA8]  }
0x2b: {  	s6 =	sld [smem:$0x3FA9]  }
0x2c: {  	s7 =	sld [smem:$0x3FAA]  }
0x2d: {  	s3 =	simm.s32 $0x108;
	s8 =	sld [smem:$0x3FAB]  }
0x2e: {  	s3 =	simm.s32 @!p0 $0x1082;
	s9 =	sld [smem:$0x3FAC]  }
0x2f: {  	lr =	sadd.s32 s0, s3;
	s0 =	sld [smem:$0x3FA3]  }
0x30: {  	s3 =	sld [smem:$0x3FA6]  }
0x31: {  	[smem:$0x3FAF] =	sst s10  }
0x32: {  	s10 =	sld [smem:$0x3FAD];
	_ =	sdelay $0x3  }
0x33: {  	p0 =	seq.s32 s10, $0x1;
	s10 =	sld [smem:$0x3FAF];
	_ =	sdelay $0x3  }
0x34: {  	[smem:$0x3FAF] =	sst s10  }
0x35: {  	s10 =	sld [smem:$0x3FAE];
	_ =	sdelay $0x3  }
0x36: {  	p1 =	seq.s32 s10, $0x1;
	s10 =	sld [smem:$0x3FAF];
	_ =	sdelay $0x3  }
0x37: {  	[smem:$0x3FAF] =	sst s10  }
0x38: {  	s10 =	sld [smem:$0x3FB0]  }
0x39: {  	_ = 	snop;
	(pc) =	sbr.ind lr, $3  }
0x3a: {  	_ = 	snop  }
0x3b: {  	_ = 	snop  }
0x3c: {  	p2 =	seq.s32 s10, $0x1;
	s10 =	sld [smem:$0x3FAF]  }
0x3d: {  	_ =	shalt  }
0x3e: {  	_ =	shalt  }
0x3f: {  	_ =	shalt  }
0x40: {  	_ =	shalt  }
0x41: {  	_ =	shalt  }
0x42: {  	_ =	shalt  }
0x43: {  	_ =	shalt  }
0x44: {  	_ =	shalt  }
0x45: {  	_ =	shalt  }
0x46: {  	_ =	shalt  }
0x47: {  	_ =	shalt  }
0x48: {  	_ =	shalt  }
0x49: {  	_ =	shalt  }
0x4a: {  	_ =	shalt  }
0x4b: {  	_ =	shalt  }
0x4c: {  	_ =	shalt  }
0x4d: {  	_ =	shalt  }
0x4e: {  	_ =	shalt  }
0x4f: {  	_ =	shalt  }
0x50: {  	_ =	shalt  }
0x51: {  	_ =	shalt  }
0x52: {  	_ =	shalt  }
0x53: {  	_ =	shalt  }
0x54: {  	_ =	shalt  }
0x55: {  	_ =	shalt  }
0x56: {  	_ =	shalt  }
0x57: {  	_ =	shalt  }
0x58: {  	_ =	shalt  }
0x59: {  	_ =	shalt  }
0x5a: {  	_ =	shalt  }
0x5b: {  	_ =	shalt  }
0x5c: {  	_ =	shalt  }
0x5d: {  	_ =	shalt  }
0x5e: {  	_ =	shalt  }
0x5f: {  	_ =	shalt  }
0x60: {  	_ =	shalt  }
0x61: {  	_ =	shalt  }
0x62: {  	_ =	shalt  }
0x63: {  	_ =	shalt  }
0x64: {  	_ =	shalt  }
0x65: {  	_ =	shalt  }
0x66: {  	_ =	shalt  }
0x67: {  	_ =	shalt  }
0x68: {  	_ =	shalt  }
0x69: {  	_ =	shalt  }
0x6a: {  	_ =	shalt  }
0x6b: {  	_ =	shalt  }
0x6c: {  	_ =	shalt  }
0x6d: {  	_ =	shalt  }
0x6e: {  	_ =	shalt  }
0x6f: {  	_ =	shalt  }
0x70: {  	_ =	shalt  }
0x71: {  	_ =	shalt  }
0x72: {  	_ =	shalt  }
0x73: {  	_ =	shalt  }
0x74: {  	_ =	shalt  }
0x75: {  	_ =	shalt  }
0x76: {  	_ =	shalt  }
0x77: {  	_ =	shalt  }
0x78: {  	_ =	shalt  }
0x79: {  	_ =	shalt  }
0x7a: {  	_ =	shalt  }
0x7b: {  	_ =	shalt  }
0x7c: {  	_ =	shalt  }
0x7d: {  	_ =	shalt  }
0x7e: {  	_ =	shalt  }
0x7f: {  	_ =	shalt  }
0x80: {  	_ =	shalt  }
0x81: {  	_ =	shalt  }
0x82: {  	_ =	shalt  }
0x83: {  	_ =	shalt  }
0x84: {  	_ =	shalt  }
0x85: {  	_ =	shalt  }
0x86: {  	_ =	shalt  }
0x87: {  	_ =	shalt  }
.Lfunc_end0:
.L_simem_size_0:
called_computation.4_lowered:
.L_overlay_start_0:
0x88: {  	s2 =	sld [smem:$0x3FD9]  }
0x89: {  	s3 =	sld [smem:$0x3FFE];
	_ =	sdelay $0x1  }
0x8a: {  	s1 =	srdreg.scid  }
0x8b: {  	s0 =	sand.u32 $0x1, s1  }
0x8c: {  	s17 =	sshll.u32 s0, $0xA;
	s2 =	sadd.s32 s3, s2  }
0x8d: {  	s2 =	sadd.s32 s2, s17  }
0x8e: {  	[smem:$0x3FBB] =	sst s2  }
0x8f: {  	_ = 	snop  }
0x90: {  	(tm) =	ssettm $0x1  }
0x91: {  	s18 =	sld [smem:$0x3FFB];
	_ =	sdelay $0x3  }
0x92: {  	_ =	strace s18  }
0x93: {  	s2 =	sld [smem:$0x3FFC];
	_ =	sdelay $0x3  }
0x94: {  	_ =	strace s2  }
0x95: {  	s2 =	sld [smem:$0x3FFD];
	_ =	sdelay $0x3  }
0x96: {  	_ =	strace s2  }
0x97: {  	_ =	strace $0x8FFFFFFF  }
0x98: {  	s19 =	sld [smem:$0x3FDB];
	_ =	sdelay $0x1  }
0x99: {  	s20 =	simm.s32 $_scs_section_size  }
0x9a: {  	s4 =	simm.s32 $_size__tile_overlayer_lowered;
	s5 =	simm.s32 $_tile_overlayer_lowered  }
0x9b: {  	s6 =	simm.s32 $0x1BFF;
	s21 =	sshll.u32 s5, $0x1;
	s3 =	sadd.s32 s20, s19  }
0x9c: {  	s22 =	simm.s32 $0x0;
	s4 =	sshll.u32 s4, $0x1;
	s5 =	sadd.s32 s21, s3  }
0x9d: {  	[timem:s22], [sflag:s6] =	dma.local [hbm:s5], s4  }
0x9e: {  	_ =	swait.ge [sflag:s6], s4  }
0x9f: {  	s4 =	ssub.s32 $0x0, s4;
	[sflag:s6] =	ssyncset.done $0x0  }
0xa0: {  	[sflag:s6] =	ssyncadd.s32 s4;
	_ =	sdelay $0x1  }
0xa1: {  	s23 =	simm.s32 $0x1B8B  }
0xa2: {  	_ =	swait.ge [sflag:s23], $0x1  }
0xa3: {  	[sflag:s23] =	ssyncset.done $0x0  }
0xa4: {  	[sflag:s23] =	ssyncadd.s32 $0xFFFFFFFF  }
0xa5: {  	s4 =	sld [smem:$0x0]  }
0xa6: {  	s5 =	sand.u32 $0xFFFFFFFE, s1  }
0xa7: {  	p0 =	sne.s32 s1, s5  }
0xa8: {  	s5 =	sshll.u32 @p0 s5, $0xE  }
0xa9: {  	s5 =	sadd.s32 @p0 $0x11B8D, s5;
	s6 =	sshll.u32 @p0 s4, $0x11  }
0xaa: {  	s5 =	sor.u32 @p0 s6, s5  }
0xab: {  	[sflag:s5] =	ssyncadd.remote.s32 @p0 $0x1;
	_ =	sdelay $0x1  }
0xac: {  	s5 =	simm.s32 @p0 $0x1B8D  }
0xad: {  	_ =	swait.eq @p0 [sflag:s5], $0x1  }
0xae: {  	[sflag:s5] =	ssyncadd.s32 @p0 $0xFFFFFFFF  }
0xaf: {  	s6 =	sshll.u32 @!p0 s1, $0xE  }
0xb0: {  	s6 =	sor.u32 @!p0 $0x4000, s6;
	s5 =	simm.s32 @!p0 $0x1B8D  }
0xb1: {  	s4 =	sshll.u32 @!p0 s4, $0x11;
	s6 =	sadd.s32 @!p0 $0x11B8D, s6;
	_ =	swait.eq @!p0 [sflag:s5], $0x1  }
0xb2: {  	s4 =	sor.u32 @!p0 s4, s6;
	[sflag:s5] =	ssyncadd.s32 @!p0 $0xFFFFFFFF  }
0xb3: {  	s25 =	simm.s32 $0x1B8E;
	s24 =	sld [smem:$0x3FFE];
	[sflag:s4] =	ssyncadd.remote.s32 @!p0 $0x1  }
0xb4: {  	s26 =	simm.s32 $execute0_lowered;
	[smem:$0x3FD2] =	sst s25  }
0xb5: {  	s5 =	sshll.u32 s26, $0x1;
	_ =	strace $0x8000005B;
	[dreg:$0x1] =	wrdreg $0xFFFFFFFF  }
0xb6: {  	s28 =	simm.s32 $_size_execute0_lowered;
	s3 =	sadd.s32 s3, s5;
	[dreg:$0x0] =	wrdreg $0x0  }
0xb7: {  	s5 =	sshll.u32 s28, $0x1;
	[dreg:$0x2] =	wrdreg s3  }
0xb8: {  	[dreg:$0x3] =	wrdreg s5  }
0xb9: {  	[dreg:$0x4] =	wrdreg $0xC0  }
0xba: {  	_ =	task [dreg:s22], $0x5FFFF  }
0xbb: {  	[dreg:$0x1] =	wrdreg $0xFFFFFFFF  }
0xbc: {  	[dreg:$0x0] =	wrdreg $0x60  }
0xbd: {  	[dreg:$0x2] =	wrdreg s24  }
0xbe: {  	[dreg:$0x3] =	wrdreg $0x9  }
0xbf: {  	_ =	task.clear_ibuf [dreg:s22], $0x4FFFF;
	_ =	strace $0x9000005B  }
0xc0: {  	s29 =	simm.s32 $0x9;
	_ =	strace $0x8000005D  }
0xc1: {  	_ =	swait.ge [sflag:s29], $0x1  }
0xc2: {  	[sflag:s29] =	ssyncadd.s32 $0xFFFFFFFF  }
0xc3: {  	_ =	strace $0x9000005D  }
0xc4: {  	_ =	sfence  }
0xc5: {  	s30 =	sld [smem:$0x0];
	_ =	sdelay $0x2  }
0xc6: {  	s31 =	sshll.u32 s1, $0xD;
	s1 =	sshrl.u32 s1, $0x2  }
0xc7: {  	s4 =	sand.u32 $0x4000, s31;
	s1 =	sadd.s32 s1, s30  }
0xc8: {  	s0 =	sor.u32 s4, s0;
	s1 =	sshll.u32 s1, $0x11  }
0xc9: {  	s0 =	sor.u32 s1, s0  }
0xca: {  	s0 =	sadd.s32 $0x8F2B, s0  }
0xcb: {  	[sflag:s0] =	ssyncadd.remote.s32 $0x1  }
0xcc: {  	_ =	sfence.sel $0xFFFF  }
0xcd: {  	[dreg:$0x0] =	wrdreg $0xFFFFFFFF;
	(pc) =	sbr.abs _section_cstart, $3  }
0xce: {  	[dreg:$0x1] =	wrdreg $0xFFFFFFFF  }
0xcf: {  	_ =	task.clear_ibuf [dreg:s22], $0x2FFFF;
	_ =	strace $0x9FFFFFFF  }
0xd0: {  	(tm) =	ssettm $0x7FFFFFFF  }
0xd1: {  	_ =	shalt  }
tec
execute0_lowered:
.L_overlay_start_1:
0x0: {  	(tag) =	ssettag $0x1  }
0x1: {  	s1 =	srdreg.scid  }
0x2: {  	s0 =	stileid.u32;
	s14 =	sand.u32 $0x1, s1  }
0x3: {  	s29 =	sshll.u32 s0, $0x9;
	s2 =	sshll.u32 s14, $0x8  }
0x4: {  	s15 =	rddreg [dreg:$0x0];
	s16 =	sor.u32 s2, s29  }
0x5: {  	s1 =	rddreg [dreg:$0x1];
	s2 =	simm.s32 $0x0;
	s3 =	sshrl.u32 s16, $0x3  }
0x6: {  	[smem:$0x7FF] =	sst s2;
	s5 =	sadd.s32 s3, s15  }
0x7: {  	_ =	strace $0x8000005C;
	s3 =	simm.s32 $0x3;
	s4 =	sadd.s32 $0x41000, s5  }
0x8: {  	[tilespmem:s2], [sflag:$0x3] =	stream.linear.gather [hbm4b:s4+s2], $0x100, $0x38;
	[tilespmem:$0x8200] =	vst v63  }
0x9: {  	_ =	swait.ge [sflag:s3], $0x100  }
0xa: {  	[sflag:s3] =	ssyncset.done $0x0  }
0xb: {  	s6 =	simm.s32 $0x100;
	s5 =	sadd.s32 $0x41400, s5;
	[sflag:s3] =	ssyncadd.s32 $0xFFFFFF00  }
0xc: {  	[tilespmem:s6], [sflag:$0x3] =	stream.linear.gather [hbm4b:s5+s2], $0x100, $0x38;
	[tilespmem:$0x8200] =	vst v63  }
0xd: {  	_ =	swait.ge [sflag:s3], $0x100  }
0xe: {  	s8 =	simm.s32 $0x80;
	[sflag:s3] =	ssyncset.done $0x0  }
0xf: {  	s9 =	simm.s32 $0x200;
	s7 =	sadd.s32 $0x42000, s15;
	[sflag:s3] =	ssyncadd.s32 $0xFFFFFF00  }
0x10: {  	[tilespmem:s9], [sflag:$0x1] =	stream.indirect.gather [hbm4b:s7+s8], $0x80, s2, s8, $0xb8;
	[tilespmem:$0x8200] =	vst v63  }
0x11: {  	s10 =	simm.s32 $0x4200;
	s11 =	simm.s32 $0x1  }
0x12: {  	[tilespmem:s10], [sflag:$0x1] =	stream.indirect.gather [hbm4b:s7+s8], $0x80, s8, s8, $0xb8;
	[tilespmem:$0x8200] =	vst v63  }
0x13: {  	_ =	swait.ge [sflag:s11], $0x4000  }
0x14: {  	[sflag:s11] =	ssyncset.done $0x0  }
0x15: {  	[sflag:s11] =	ssyncadd.s32 $0xFFFFC000  }
0x16: {  	_ =	swait.ge [sflag:s11], $0x4000  }
0x17: {  	[sflag:s11] =	ssyncset.done $0x0  }
0x18: {  	[sflag:s11] =	ssyncadd.s32 $0xFFFFC000  }
0x19: {  	[tilespmem:s9], [sflag:$0x2] =	stream.indirect.gather.add.f32 [hbm:s7], $0x80, s6, s8, $0xb8;
	[tilespmem:$0x8200] =	vst v63  }
0x1a: {  	s12 =	simm.s32 $0x180;
	s13 =	simm.s32 $0x2;
	s14 =	ssub.s32 $0x2, s14  }
0x1b: {  	[tilespmem:s10], [sflag:$0x2] =	stream.indirect.gather.add.f32 [hbm:s7], $0x80, s12, s8, $0xb8;
	[tilespmem:$0x8200] =	vst v63  }
0x1c: {  	s17 =	sshrl.u32 s14, $0x1;
	_ =	swait.ge [sflag:s13], $0x4000  }
0x1d: {  	s30 =	ssub.s32 s14, s17;
	[sflag:s13] =	ssyncset.done $0x0  }
0x1e: {  	s31 =	smax.u32 s30, $0x1;
	[sflag:s13] =	ssyncadd.s32 $0xFFFFC000  }
0x1f: {  	s16 =	sshll.u32 s16, $0x4;
	p0 =	sne.s32 s31, $0x1;
	_ =	swait.ge [sflag:s13], $0x4000  }
.Ltmp0:
0x20: {  	s15 =	sadd.s32 s16, s15;
	[sflag:s13] =	ssyncset.done $0x0;
	(pc) =	sbr.rel @!p0 .LBB2_2-.Ltmp0, $4  }
0x21: {  	s14 =	sadd.s32 $0x20800, s15;
	[sflag:s13] =	ssyncadd.s32 $0xFFFFC000  }
0x22: {  	[hbm4b:s14+s2] =	stream.linear.scatter [tilespmem:s9], [sflag:$0x3], $0x8000, $0x38;
	[tilespmem:$0x8200] =	vst v63  }
0x23: {  	_ =	swait.ge [sflag:s3], $0x8000  }
0x24: {  	s15 =	sadd.s32 $0xFFFFFFFF, s31;
	[sflag:s3] =	ssyncset.done $0x0  }
.LBB2_1:
0x25: {  	p0 =	sne.s32 s15, $0x1;
	s15 =	sadd.s32 $0xFFFFFFFF, s15;
	[sflag:s3] =	ssyncadd.s32 $0xFFFF8000  }
0x26: {  	[tilespmem:s2], [sflag:$0x3] =	stream.linear.gather [hbm4b:s4+s2], $0x100, $0x38;
	[tilespmem:$0x8200] =	vst v63  }
0x27: {  	_ =	swait.ge [sflag:s3], $0x100  }
0x28: {  	[sflag:s3] =	ssyncset.done $0x0  }
0x29: {  	[sflag:s3] =	ssyncadd.s32 $0xFFFFFF00  }
0x2a: {  	[tilespmem:s6], [sflag:$0x3] =	stream.linear.gather [hbm4b:s5+s2], $0x100, $0x38;
	[tilespmem:$0x8200] =	vst v63  }
0x2b: {  	_ =	swait.ge [sflag:s3], $0x100  }
0x2c: {  	[sflag:s3] =	ssyncset.done $0x0  }
0x2d: {  	[sflag:s3] =	ssyncadd.s32 $0xFFFFFF00  }
0x2e: {  	[tilespmem:s9], [sflag:$0x1] =	stream.indirect.gather [hbm4b:s7+s8], $0x80, s2, s8, $0xb8;
	[tilespmem:$0x8200] =	vst v63  }
0x2f: {  	_ = 	snop  }
0x30: {  	[tilespmem:s10], [sflag:$0x1] =	stream.indirect.gather [hbm4b:s7+s8], $0x80, s8, s8, $0xb8;
	[tilespmem:$0x8200] =	vst v63  }
0x31: {  	_ =	swait.ge [sflag:s11], $0x4000  }
0x32: {  	[sflag:s11] =	ssyncset.done $0x0  }
0x33: {  	[sflag:s11] =	ssyncadd.s32 $0xFFFFC000  }
0x34: {  	_ =	swait.ge [sflag:s11], $0x4000  }
0x35: {  	[sflag:s11] =	ssyncset.done $0x0  }
0x36: {  	[sflag:s11] =	ssyncadd.s32 $0xFFFFC000  }
0x37: {  	[tilespmem:s9], [sflag:$0x2] =	stream.indirect.gather.add.f32 [hbm:s7], $0x80, s6, s8, $0xb8;
	[tilespmem:$0x8200] =	vst v63  }
0x38: {  	_ = 	snop  }
0x39: {  	[tilespmem:s10], [sflag:$0x2] =	stream.indirect.gather.add.f32 [hbm:s7], $0x80, s12, s8, $0xb8;
	[tilespmem:$0x8200] =	vst v63  }
0x3a: {  	_ =	swait.ge [sflag:s13], $0x4000  }
0x3b: {  	[sflag:s13] =	ssyncset.done $0x0  }
0x3c: {  	[sflag:s13] =	ssyncadd.s32 $0xFFFFC000  }
0x3d: {  	_ =	swait.ge [sflag:s13], $0x4000  }
.Ltmp1:
0x3e: {  	[sflag:s13] =	ssyncset.done $0x0;
	(pc) =	sbr.rel @p0 .LBB2_1-.Ltmp1, $4  }
0x3f: {  	[sflag:s13] =	ssyncadd.s32 $0xFFFFC000  }
0x40: {  	[hbm4b:s14+s2] =	stream.linear.scatter [tilespmem:s9], [sflag:$0x3], $0x8000, $0x38;
	[tilespmem:$0x8200] =	vst v63  }
0x41: {  	_ =	swait.ge [sflag:s3], $0x8000  }
0x42: {  	[sflag:s3] =	ssyncset.done $0x0  }
.LBB2_2:
0x43: {  	[sflag:s3] =	ssyncadd.s32 $0xFFFF8000  }
0x44: {  	_ =	sfence.sel $0x180000  }
0x45: {  	[bflag:$0x0] =	sbarrier.arrive $0xFFFF  }
0x46: {  	p0 =	sne.s32 s0, $0x0;
	_ =	strace $0x9000005C  }
0x47: {  	s0 =	sadd.s32 @!p0 $0x100000, s1;
	[bflag:$0x2] =	sbarrier.arrive $0xFFFF  }
0x48: {  	[sflag:s0] =	ssyncadd.tile.s32 @!p0 $0x1;
	_ =	shalt  }
.Lfunc_end2:
_tile_overlayer_lowered:
.L_overlay_start_2:
0x49: {  	(tag) =	ssettag $0x2  }
0x4a: {  	s0 =	rddreg [dreg:$0x0];
	s2 =	stileid.u32  }
0x4b: {  	s1 =	rddreg [dreg:$0x1];
	p0 =	sne.s32 s2, $0x0  }
0x4c: {  	s3 =	rddreg [dreg:$0x2];
	[bflag:$0x3] =	sbarrier.arrive $0xFFFF;
	s2 =	simm.s32 @!p0 $0x1C03  }
0x4d: {  	[timem:s3], [sflag:s2] =	dma.local @!p0 [hbm:s0], s1  }
0x4e: {  	s0 =	simm.s32 @!p0 $0x3  }
0x4f: {  	_ =	swait.ge @!p0 [sflag:s0], s1  }
0x50: {  	s1 =	ssub.s32 @!p0 $0x0, s1;
	[sflag:s0] =	ssyncset.done @!p0 $0x0  }
0x51: {  	[sflag:s0] =	ssyncadd.s32 @!p0 s1  }
0x52: {  	[bflag:$0x3] =	sbarrier.arrive $0xFFFF  }
0x53: {  	_ =	shalt  }

// kernel: scatter_offload_async_start.1
scs
__scs_entry_jumppad:
0x0: {  	(pc) =	sbr.rel $0x88, $3  }
0x1: {  	(tag) =	ssettag $0x0;
	lr =	simm.s32 $0x1  }
0x2: {  	[smem:$0x3F94] =	sst lr;
	_ =	strace $0xD0000000  }
0x3: {  	_ = 	snop  }
0x4: {  	_ = 	snop  }
0x5: {  	_ = 	snop  }
0x6: {  	_ = 	snop  }
0x7: {  	_ = 	snop  }
__scs_overlays_trampoline_lowered:
0x8: {  	[smem:$0x3FA3] =	sst s0  }
0x9: {  	[smem:$0x3FA4] =	sst s1  }
0xa: {  	[smem:$0x3FA5] =	sst s2  }
0xb: {  	[smem:$0x3FA6] =	sst s3  }
0xc: {  	[smem:$0x3FA7] =	sst s4  }
0xd: {  	[smem:$0x3FA8] =	sst s5  }
0xe: {  	[smem:$0x3FA9] =	sst s6  }
0xf: {  	[smem:$0x3FAA] =	sst s7  }
0x10: {  	[smem:$0x3FAB] =	sst s8  }
0x11: {  	[smem:$0x3FAC] =	sst s9;
	s0 =	simm.s32 @!p0 $0x0  }
0x12: {  	s1 =	sld [smem:$0x3F92];
	s0 =	simm.s32 @p0 $0x1  }
0x13: {  	[smem:$0x3FAD] =	sst s0;
	s0 =	simm.s32 @!p1 $0x0  }
0x14: {  	s2 =	sld [smem:$0x3F91];
	s0 =	simm.s32 @p1 $0x1  }
0x15: {  	[smem:$0x3FAE] =	sst s0;
	s0 =	simm.s32 @!p2 $0x0  }
0x16: {  	s3 =	sld [smem:$0x3FDB];
	s0 =	simm.s32 @p2 $0x1  }
0x17: {  	s4 =	simm.s32 $0x1BF5;
	[smem:$0x3FB0] =	sst s0  }
0x18: {  	s0 =	sld [smem:$0x3F93];
	_ =	swait.ge [sflag:s4], $0x0  }
0x19: {  	s7 =	sld [smem:$0x3F94]  }
0x1a: {  	s8 =	sadd.s32 $0xFFFFE003, lr  }
0x1b: {  	s9 =	sadd.s32 $0xFFFFFEF7, lr;
	s5 =	simm.s32 $0xFFFFFFFF;
	p2 =	slt.u32 s8, $0xFFFFF086  }
0x1c: {  	p1 =	slt.u32 s9, $0xF7A;
	s5 =	simm.s32 @!p2 $0x0  }
0x1d: {  	s5 =	simm.s32 @p1 $0x1;
	p0 =	seq.s32 s7, s2  }
0x1e: {  	s7 =	smul.u32 @!p0 $0xF7A, s2;
	p2 =	seq.s32 @!p0 s5, $0x0  }
0x1f: {  	s9 =	smul.u32 $0xF7A, s1;
	s8 =	simm.s32 @!p0 $0x1BF5;
	p2 =	por !p2, p0  }
0x20: {  	[sflag:s8] =	ssyncset.s32 @!p0 $0xFFFFF086;
	s6 =	sadd.s32 @!p0 s3, s7;
	s7 =	simm.s32 @!p0 $0x108  }
0x21: {  	s3 =	sadd.s32 s3, s9;
	s6 =	sadd.s32 @!p0 $0x88, s6;
	s7 =	simm.s32 @p2 $0x1082  }
0x22: {  	[simem:s7], [sflag:s8] =	dma.local @!p0 [hbm:s6], $0xF7A  }
0x23: {  	s9 =	sor.u32 $0xD0000000, s2;
	s6 =	simm.s32 $0x108;
	_ =	swait.ge @!p0 [sflag:s8], $0x0  }
0x24: {  	s3 =	sadd.s32 $0x88, s3;
	s6 =	simm.s32 @!p1 $0x1082;
	[sflag:s4] =	ssyncset.s32 $0xFFFFF086  }
0x25: {  	[simem:s6], [sflag:s4] =	dma.local [hbm:s3], $0xF7A  }
0x26: {  	[smem:$0x3F94] =	sst s1;
	(tag) =	ssettag s2;
	_ =	strace s9  }
0x27: {  	s1 =	sld [smem:$0x3FA4]  }
0x28: {  	s2 =	sld [smem:$0x3FA5]  }
0x29: {  	s4 =	sld [smem:$0x3FA7]  }
0x2a: {  	p0 =	seq.s32 s5, $0x0;
	s5 =	sld [smem:$0x3FA8]  }
0x2b: {  	s6 =	sld [smem:$0x3FA9]  }
0x2c: {  	s7 =	sld [smem:$0x3FAA]  }
0x2d: {  	s3 =	simm.s32 $0x108;
	s8 =	sld [smem:$0x3FAB]  }
0x2e: {  	s3 =	simm.s32 @!p0 $0x1082;
	s9 =	sld [smem:$0x3FAC]  }
0x2f: {  	lr =	sadd.s32 s0, s3;
	s0 =	sld [smem:$0x3FA3]  }
0x30: {  	s3 =	sld [smem:$0x3FA6]  }
0x31: {  	[smem:$0x3FAF] =	sst s10  }
0x32: {  	s10 =	sld [smem:$0x3FAD];
	_ =	sdelay $0x3  }
0x33: {  	p0 =	seq.s32 s10, $0x1;
	s10 =	sld [smem:$0x3FAF];
	_ =	sdelay $0x3  }
0x34: {  	[smem:$0x3FAF] =	sst s10  }
0x35: {  	s10 =	sld [smem:$0x3FAE];
	_ =	sdelay $0x3  }
0x36: {  	p1 =	seq.s32 s10, $0x1;
	s10 =	sld [smem:$0x3FAF];
	_ =	sdelay $0x3  }
0x37: {  	[smem:$0x3FAF] =	sst s10  }
0x38: {  	s10 =	sld [smem:$0x3FB0]  }
0x39: {  	_ = 	snop;
	(pc) =	sbr.ind lr, $3  }
0x3a: {  	_ = 	snop  }
0x3b: {  	_ = 	snop  }
0x3c: {  	p2 =	seq.s32 s10, $0x1;
	s10 =	sld [smem:$0x3FAF]  }
0x3d: {  	_ =	shalt  }
0x3e: {  	_ =	shalt  }
0x3f: {  	_ =	shalt  }
0x40: {  	_ =	shalt  }
0x41: {  	_ =	shalt  }
0x42: {  	_ =	shalt  }
0x43: {  	_ =	shalt  }
0x44: {  	_ =	shalt  }
0x45: {  	_ =	shalt  }
0x46: {  	_ =	shalt  }
0x47: {  	_ =	shalt  }
0x48: {  	_ =	shalt  }
0x49: {  	_ =	shalt  }
0x4a: {  	_ =	shalt  }
0x4b: {  	_ =	shalt  }
0x4c: {  	_ =	shalt  }
0x4d: {  	_ =	shalt  }
0x4e: {  	_ =	shalt  }
0x4f: {  	_ =	shalt  }
0x50: {  	_ =	shalt  }
0x51: {  	_ =	shalt  }
0x52: {  	_ =	shalt  }
0x53: {  	_ =	shalt  }
0x54: {  	_ =	shalt  }
0x55: {  	_ =	shalt  }
0x56: {  	_ =	shalt  }
0x57: {  	_ =	shalt  }
0x58: {  	_ =	shalt  }
0x59: {  	_ =	shalt  }
0x5a: {  	_ =	shalt  }
0x5b: {  	_ =	shalt  }
0x5c: {  	_ =	shalt  }
0x5d: {  	_ =	shalt  }
0x5e: {  	_ =	shalt  }
0x5f: {  	_ =	shalt  }
0x60: {  	_ =	shalt  }
0x61: {  	_ =	shalt  }
0x62: {  	_ =	shalt  }
0x63: {  	_ =	shalt  }
0x64: {  	_ =	shalt  }
0x65: {  	_ =	shalt  }
0x66: {  	_ =	shalt  }
0x67: {  	_ =	shalt  }
0x68: {  	_ =	shalt  }
0x69: {  	_ =	shalt  }
0x6a: {  	_ =	shalt  }
0x6b: {  	_ =	shalt  }
0x6c: {  	_ =	shalt  }
0x6d: {  	_ =	shalt  }
0x6e: {  	_ =	shalt  }
0x6f: {  	_ =	shalt  }
0x70: {  	_ =	shalt  }
0x71: {  	_ =	shalt  }
0x72: {  	_ =	shalt  }
0x73: {  	_ =	shalt  }
0x74: {  	_ =	shalt  }
0x75: {  	_ =	shalt  }
0x76: {  	_ =	shalt  }
0x77: {  	_ =	shalt  }
0x78: {  	_ =	shalt  }
0x79: {  	_ =	shalt  }
0x7a: {  	_ =	shalt  }
0x7b: {  	_ =	shalt  }
0x7c: {  	_ =	shalt  }
0x7d: {  	_ =	shalt  }
0x7e: {  	_ =	shalt  }
0x7f: {  	_ =	shalt  }
0x80: {  	_ =	shalt  }
0x81: {  	_ =	shalt  }
0x82: {  	_ =	shalt  }
0x83: {  	_ =	shalt  }
0x84: {  	_ =	shalt  }
0x85: {  	_ =	shalt  }
0x86: {  	_ =	shalt  }
0x87: {  	_ =	shalt  }
.Lfunc_end0:
.L_simem_size_0:
called_computation.1_lowered:
.L_overlay_start_0:
0x88: {  	s2 =	sld [smem:$0x3FD9]  }
0x89: {  	s3 =	sld [smem:$0x3FFE];
	_ =	sdelay $0x1  }
0x8a: {  	s1 =	srdreg.scid  }
0x8b: {  	s0 =	sand.u32 $0x1, s1  }
0x8c: {  	s13 =	sshll.u32 s0, $0xA;
	s2 =	sadd.s32 s3, s2  }
0x8d: {  	s2 =	sadd.s32 s2, s13  }
0x8e: {  	[smem:$0x3FBB] =	sst s2  }
0x8f: {  	_ = 	snop  }
0x90: {  	s2 =	sld [smem:$0x3FD0];
	_ =	sdelay $0x2  }
0x91: {  	s14 =	simm.s32 $0xF;
	s4 =	simm.s32 $0x10  }
0x92: {  	[smem:s4], [sflag:s14] =	dma.local [hbm:s2], $0x1  }
0x93: {  	_ =	swait.eq [sflag:s14], $0x1  }
0x94: {  	[sflag:s14] =	ssyncset.done $0x0  }
0x95: {  	[sflag:s14] =	ssyncadd.s32 $0xFFFFFFFF  }
0x96: {  	s15 =	sld [smem:$0x10];
	(tm) =	ssettm $0x1  }
0x97: {  	s16 =	sld [smem:$0x3FFB];
	_ =	sdelay $0x3  }
0x98: {  	_ =	strace s16  }
0x99: {  	s3 =	sld [smem:$0x3FFC];
	_ =	sdelay $0x3  }
0x9a: {  	_ =	strace s3  }
0x9b: {  	s3 =	sld [smem:$0x3FFD];
	_ =	sdelay $0x3  }
0x9c: {  	_ =	strace s3  }
0x9d: {  	_ =	strace $0x8FFFFFFF  }
0x9e: {  	s17 =	sld [smem:$0x3FDB];
	_ =	sdelay $0x1  }
0x9f: {  	s18 =	simm.s32 $_scs_section_size  }
0xa0: {  	s5 =	simm.s32 $_size__tile_overlayer_lowered;
	s6 =	simm.s32 $_tile_overlayer_lowered  }
0xa1: {  	s21 =	simm.s32 $0x1BFF;
	s20 =	sshll.u32 s6, $0x1;
	s3 =	sadd.s32 s18, s17  }
0xa2: {  	s7 =	simm.s32 $0x0;
	s19 =	sshll.u32 s5, $0x1;
	s5 =	sadd.s32 s20, s3  }
0xa3: {  	[timem:s7], [sflag:s21] =	dma.local [hbm:s5], s19  }
0xa4: {  	_ =	swait.ge [sflag:s21], s19  }
0xa5: {  	s4 =	ssub.s32 $0x0, s19;
	[sflag:s21] =	ssyncset.done $0x0  }
0xa6: {  	[sflag:s21] =	ssyncadd.s32 s4;
	_ =	sdelay $0x1  }
0xa7: {  	s22 =	simm.s32 $0x1B8B  }
0xa8: {  	_ =	swait.ge [sflag:s22], $0x1  }
0xa9: {  	[sflag:s22] =	ssyncset.done $0x0  }
0xaa: {  	s23 =	sld [smem:$0x3FFE];
	[sflag:s22] =	ssyncadd.s32 $0xFFFFFFFF  }
0xab: {  	s25 =	simm.s32 $0x1B8E;
	s24 =	sld [smem:$0x0]  }
0xac: {  	s26 =	simm.s32 $execute0_lowered;
	[smem:$0x3FD2] =	sst s25  }
0xad: {  	s6 =	sshll.u32 s26, $0x1;
	_ =	strace $0x80000046;
	[dreg:$0x1] =	wrdreg $0xFFFFFFFF  }
0xae: {  	s28 =	simm.s32 $_size_execute0_lowered;
	s3 =	sadd.s32 s3, s6;
	[dreg:$0x0] =	wrdreg $0x0  }
0xaf: {  	s6 =	sshll.u32 s28, $0x1;
	[dreg:$0x2] =	wrdreg s3  }
0xb0: {  	[dreg:$0x3] =	wrdreg s6  }
0xb1: {  	[dreg:$0x4] =	wrdreg $0xC0  }
0xb2: {  	_ =	task [dreg:s7], $0x5FFFF  }
0xb3: {  	[dreg:$0x1] =	wrdreg $0xFFFFFFFF  }
0xb4: {  	[dreg:$0x0] =	wrdreg $0x60  }
0xb5: {  	[dreg:$0x2] =	wrdreg s15  }
0xb6: {  	[dreg:$0x3] =	wrdreg s23  }
0xb7: {  	[dreg:$0x4] =	wrdreg s1  }
0xb8: {  	[dreg:$0x5] =	wrdreg s24  }
0xb9: {  	[dreg:$0x6] =	wrdreg $0xB  }
0xba: {  	_ =	task.clear_ibuf [dreg:s7], $0x7FFFF;
	_ =	strace $0x90000046  }
0xbb: {  	s29 =	simm.s32 $0xB;
	_ =	strace $0x80000048  }
0xbc: {  	_ =	swait.ge [sflag:s29], $0x1  }
0xbd: {  	[sflag:s29] =	ssyncadd.s32 $0xFFFFFFFF  }
0xbe: {  	_ =	strace $0x90000048  }
0xbf: {  	_ =	sfence  }
0xc0: {  	s30 =	sld [smem:$0x0];
	_ =	sdelay $0x2  }
0xc1: {  	s31 =	sshll.u32 s1, $0xD;
	s1 =	sshrl.u32 s1, $0x2  }
0xc2: {  	s3 =	sand.u32 $0x4000, s31;
	s1 =	sadd.s32 s1, s30  }
0xc3: {  	s0 =	sor.u32 s3, s0;
	s1 =	sshll.u32 s1, $0x11  }
0xc4: {  	s0 =	sor.u32 s1, s0  }
0xc5: {  	s0 =	sadd.s32 $0x8F2B, s0  }
0xc6: {  	[sflag:s0] =	ssyncadd.remote.s32 $0x1  }
0xc7: {  	_ =	sfence.sel $0xFFFF  }
0xc8: {  	[dreg:$0x0] =	wrdreg $0xFFFFFFFF;
	(pc) =	sbr.abs _section_cstart, $3  }
0xc9: {  	[dreg:$0x1] =	wrdreg $0xFFFFFFFF  }
0xca: {  	_ =	task.clear_ibuf [dreg:s7], $0x2FFFF;
	_ =	strace $0x9FFFFFFF  }
0xcb: {  	(tm) =	ssettm $0x7FFFFFFF  }
tec
execute0_lowered:
.L_overlay_start_1:
0x0: {  	(tag) =	ssettag $0x1  }
0x1: {  	s1 =	rddreg [dreg:$0x0]  }
0x2: {  	s0 =	rddreg [dreg:$0x1]  }
0x3: {  	s3 =	rddreg [dreg:$0x2];
	_ =	strace $0x80000047;
	s2 =	simm.s32 $0x1  }
0x4: {  	s4 =	simm.s32 $0x108;
	v0 =	vimm.s32 $0x0;
	[sflag:s2] =	ssyncpa.u1 $0x0  }
0x5: {  	[tilespmem:s4+$0x70] =	vst v0  }
0x6: {  	[tilespmem:s4+$0x60] =	vst v0  }
0x7: {  	[tilespmem:s4+$0x50] =	vst v0  }
0x8: {  	[tilespmem:s4+$0x40] =	vst v0  }
0x9: {  	[tilespmem:s4+$0x30] =	vst v0  }
0xa: {  	s7 =	sadd.s32 $0x1000, s0;
	s31 =	sand.u32 $0x1, s3;
	s15 =	sadd.s32 $0x800, s0;
	[tilespmem:s4+$0x20] =	vst v0  }
0xb: {  	s2 =	simm.s32 $0x40;
	[dreg:$0x5] =	wrdreg s31;
	s16 =	sshll.u32 s31, $0xA;
	[tilespmem:s4+$0x10] =	vst v0  }
.LBB2_1:
0xc: {  	s2 =	sadd.s32 $0x40, s2;
	[tilespmem:s4+$0x0] =	vst v0;
	s4 =	sadd.s32 $0x80, s4  }
0xd: {  	p0 =	slt.u32 s2, $0x3C40;
	[tilespmem:s4+$0x70] =	vst v0  }
0xe: {  	[tilespmem:s4+$0x60] =	vst v0  }
.Ltmp0:
0xf: {  	[tilespmem:s4+$0x50] =	vst v0;
	(pc) =	sbr.rel @p0 .LBB2_1-.Ltmp0, $4  }
0x10: {  	[tilespmem:s4+$0x40] =	vst v0  }
0x11: {  	[tilespmem:s4+$0x30] =	vst v0  }
0x12: {  	[tilespmem:s4+$0x20] =	vst v0  }
0x13: {  	[tilespmem:s4+$0x10] =	vst v0  }
0x14: {  	s6 =	stileid.u32  }
0x15: {  	s3 =	sshll.u32 s6, $0x1;
	s2 =	smin.u32 s6, $0x3  }
0x16: {  	s2 =	sadd.s32 s2, s3  }
0x17: {  	p0 =	slt.u32 s6, $0x3;
	s8 =	smul.u32 $0xF0, s2;
	s2 =	simm.s32 $0x2D0  }
0x18: {  	s2 =	simm.s32 @!p0 $0x1E0  }
0x19: {  	s2 =	sadd.s32 s2, s8  }
0x1a: {  	s9 =	smin.u32 s2, $0x2000  }
0x1b: {  	s2 =	ssub.s32 s9, s8  }
0x1c: {  	p0 =	sgt.s32 s2, $0x0  }
0x1d: {  	s30 =	simm.s32 $0x2;
	s2 =	simm.s32 @!p0 $0x0  }
0x1e: {  	s11 =	simm.s32 $0x9;
	s5 =	simm.s32 $0xA;
	s29 =	smul.u32 $0x8889, s2  }
0x1f: {  	s12 =	simm.s32 $0xB;
	s13 =	simm.s32 $0x1;
	s15 =	sadd.s32 s16, s15  }
0x20: {  	s16 =	sadd.s32 s16, s0;
	[dreg:$0x6] =	wrdreg s3;
	s3 =	sshrl.u32 s29, $0x17  }
0x21: {  	s23 =	simm.s32 $0x0;
	s19 =	simm.s32 $0xC;
	s31 =	smul.u32 $0xF0, s3  }
.Ltmp1:
0x22: {  	[tilespmem:s4+$0x0] =	vst v0;
	v0 =	vimm.s32 $0xFFFFFFFF;
	s21 =	simm.s32 $0x0;
	[sflag:s30] =	ssyncpa.u1 $0x0;
	(pc) =	sbr.rel .LBB2_3-.Ltmp1, $4  }
0x23: {  	[tilespmem:$0xF208] =	vst v0;
	[sflag:s11] =	ssyncpa.u1 $0x0;
	p0 =	sne.s32 s2, s31;
	s2 =	simm.s32 $0x1  }
0x24: {  	s22 =	simm.s32 $0x0;
	[sflag:s5] =	ssyncpa.u1 $0x0;
	s2 =	simm.s32 @!p0 $0x0  }
0x25: {  	s17 =	sshll.u32 s6, $0x8;
	[sflag:s12] =	ssyncpa.u1 $0x0;
	s14 =	sadd.s32 s3, s2  }
0x26: {  	v0 =	vlaneseq.u32;
	s20 =	smov.u32 s8;
	p0 =	por $0x0, $0x0;
	s18 =	sadd.s32 $0x1, s14  }
.LBB2_18:
0x27: {  	s0 =	sshrl.u32 s0, $0x2  }
.LBB2_20:
0x28: {  	_ =	swait.ge [sflag:s19], s0  }
0x29: {  	s30 =	ssub.s32 $0x0, s0;
	v1 =	vmov s25;
	vm0 =	veq.s32 v0, $0x0;
	[sflag:s19] =	ssyncset.done $0x0  }
0x2a: {  	vm15 =	veq.s32 v0, $0x2;
	v1 =	vsel vm0, s31, v1;
	[sflag:s19] =	ssyncadd.s32 s30  }
0x2b: {  	v1 =	vsel vm15, s23, v1;
	[sflag:s19] =	ssyncpa.u1 $0x1  }
0x2c: {  	[tilespmem:$0xF208] =	vst v1  }
.LBB2_21:
0x2d: {  	s0 =	sadd.s32 $0xF0, s20  }
0x2e: {  	s2 =	smov.u32 s8;
	p1 =	slt.s32 s0, s9  }
0x2f: {  	s2 =	smov.u32 @p1 s0;
	p1 =	sne.s32 s22, s18  }
.Ltmp2:
0x30: {  	_ = 	snop;
	(pc) =	sbr.rel @!p1 .LBB2_22-.Ltmp2, $3  }
0x31: {  	_ =	sdelay $0x1  }
0x32: {  	s23 =	smov.u32 s21;
	s31 =	sadd.s32 $0x1, s22;
	s21 =	smov.u32 s20  }
0x33: {  	p0 =	por !p0, !p0;
	s22 =	smov.u32 s31;
	s20 =	smov.u32 s2  }
.LBB2_3:
0x34: {  	p1 =	sge.u32 s22, s14  }
0x35: {  	s0 =	smulhi.u32 @!p1 $0xAAAAAAAB, s22  }
0x36: {  	s2 =	smov.u32 s20;
	p2 =	sgt.s32 @!p1 s20, $0x1F10  }
0x37: {  	s3 =	sshra.s32 @!p1 s20, $0x1F;
	p2 =	por !p2, p1;
	s0 =	sshrl.u32 @!p1 s0, $0x1  }
0x38: {  	s3 =	sand.u32 @!p1 s3, s20;
	s2 =	simm.s32 @p2 $0x1F10;
	s0 =	smul.u32 @!p1 $0x3, s0  }
0x39: {  	s2 =	ssub.s32 @!p1 s2, s3  }
0x3a: {  	s2 =	sadd.s32 @!p1 $0xFFFFE0F0, s2;
	s0 =	ssub.s32 @!p1 s22, s0  }
0x3b: {  	s3 =	sshll.u32 @!p1 s2, $0x2;
	p2 =	sgt.s32 @!p1 s2, $0xEF;
	s0 =	smul.u32 @!p1 $0x3C0, s0  }
0x3c: {  	s4 =	sand.u32 @!p1 $0x7, s20;
	s2 =	ssub.s32 @!p1 $0x3C0, s3;
	p2 =	por !p2, p1  }
0x3d: {  	s3 =	sshrl.u32 @!p1 s20, $0x3;
	s2 =	sshrl.u32 @!p1 s2, $0x2;
	s0 =	sshrl.u32 @!p1 s0, $0x2  }
0x3e: {  	s3 =	sadd.s32 @!p1 s3, s15;
	s2 =	simm.s32 @!p2 $0x0;
	s0 =	sadd.s32 @!p1 $0x10248, s0  }
0x3f: {  	[tilespmem:s0], [sflag:$0xA] =	stream.linear.gather @!p1 [hbm4b:s3+s4], s2, $0x38;
	[tilespmem:$0x1F6F8] =	vst v63  }
0x40: {  	s0 =	sadd.s32 $0xFFFFFFFF, s22  }
0x41: {  	p1 =	sge.u32 s0, s14  }
0x42: {  	p2 =	sgt.s32 @!p1 s21, $0x1F10  }
0x43: {  	s2 =	smov.u32 s21;
	s3 =	sshra.s32 @!p1 s21, $0x1F;
	p2 =	por !p2, p1  }
0x44: {  	s3 =	sand.u32 @!p1 s3, s21;
	s2 =	simm.s32 @p2 $0x1F10  }
0x45: {  	s2 =	ssub.s32 @!p1 s2, s3  }
0x46: {  	s2 =	sadd.s32 @!p1 $0xFFFFE0F0, s2  }
0x47: {  	s4 =	sand.u32 @!p1 $0x1, s0;
	s3 =	sshll.u32 @!p1 s2, $0x2  }
0x48: {  	p2 =	sgt.s32 @!p1 s2, $0xEF;
	s2 =	ssub.s32 @!p1 $0x3C0, s3;
	s3 =	smulhi.u32 @!p1 $0xAAAAAAAB, s0  }
0x49: {  	s6 =	smul.u32 @!p1 $0x3C0, s4;
	p2 =	por !p2, p1;
	s2 =	sshrl.u32 @!p1 s2, $0x2  }
0x4a: {  	s5 =	simm.s32 @!p1 $0xA;
	s2 =	simm.s32 @!p2 $0x0;
	s3 =	sshrl.u32 @!p1 s3, $0x1  }
0x4b: {  	s6 =	sshrl.u32 @!p1 s6, $0x2;
	_ =	swait.ge @!p1 [sflag:s5], s2;
	s3 =	smul.u32 @!p1 $0x3, s3  }
0x4c: {  	s6 =	sadd.s32 @!p1 $0x10518, s6;
	s24 =	ssub.s32 @!p1 $0x0, s2;
	[sflag:s5] =	ssyncset.done @!p1 $0x0  }
0x4d: {  	[sflag:s5] =	ssyncadd.s32 @!p1 s24;
	s5 =	sshrl.u32 @!p1 s21, $0x3;
	s0 =	ssub.s32 @!p1 s0, s3  }
0x4e: {  	s24 =	sand.u32 @!p1 $0x7, s21;
	s5 =	sadd.s32 @!p1 s5, s16;
	s0 =	smul.u32 @!p1 $0x3C0, s0  }
0x4f: {  	[tilespmem:s6], [sflag:$0xB] =	stream.linear.gather @!p1 [hbm4b:s5+s24], s2, $0x38;
	[tilespmem:$0x1F6F8] =	vst v63  }
0x50: {  	s3 =	ssub.s32 @!p1 $0x2000, s21;
	s2 =	smul.u32 @!p1 $0x1E000, s4  }
0x51: {  	p2 =	slt.s32 @!p1 s3, $0xF0  }
0x52: {  	p2 =	por !p2, p1;
	s0 =	sshrl.u32 @!p1 s0, $0x2;
	s2 =	sshrl.u32 @!p1 s2, $0x2  }
0x53: {  	s3 =	simm.s32 @p2 $0xF0;
	s0 =	sadd.s32 @!p1 $0x10248, s0;
	s2 =	sor.u32 @!p1 $0x106F8, s2  }
0x54: {  	[tilespmem:s2], [sflag:$0x9] =	stream.indirect.gather @!p1 [hbm4b:s7+s3], $0x80, s0, s3, $0xb8;
	[tilespmem:$0x1F6F8] =	vst v63  }
0x55: {  	p1 =	slt.u32 s22, $0x2  }
.Ltmp3:
0x56: {  	_ = 	snop;
	(pc) =	sbr.rel @p1 .LBB2_21-.Ltmp3, $1  }
0x57: {  	_ =	sdelay $0x3  }
0x58: {  	p1 =	sgt.s32 s23, $0x1F10  }
0x59: {  	s0 =	smov.u32 s23;
	s2 =	sshra.s32 s23, $0x1F;
	s3 =	ssub.s32 $0x2000, s23  }
0x5a: {  	s0 =	simm.s32 @!p1 $0x1F10;
	s2 =	sand.u32 s2, s23;
	p1 =	slt.s32 s3, $0xF0  }
0x5b: {  	s0 =	ssub.s32 s0, s2;
	s3 =	simm.s32 @!p1 $0xF0  }
0x5c: {  	s0 =	sadd.s32 $0xFFFFE0F0, s0;
	s24 =	sshll.u32 s3, $0x7  }
0x5d: {  	s25 =	sshll.u32 s0, $0x2;
	s2 =	sand.u32 $0x3FFFFF80, s24  }
0x5e: {  	p1 =	sgt.s32 s0, $0xEF;
	s26 =	ssub.s32 $0x3C0, s25;
	_ =	swait.ge [sflag:s11], s2  }
0x5f: {  	s2 =	ssub.s32 $0x0, s2;
	[sflag:s11] =	ssyncset.done $0x0;
	s0 =	sshrl.u32 s26, $0x2  }
0x60: {  	[sflag:s11] =	ssyncadd.s32 s2;
	s0 =	simm.s32 @p1 $0x0  }
0x61: {  	_ =	swait.ge [sflag:s12], s0  }
0x62: {  	s0 =	ssub.s32 $0x0, s0;
	[sflag:s12] =	ssyncset.done $0x0  }
0x63: {  	[sflag:s12] =	ssyncadd.s32 s0  }
0x64: {  	v1 =	vld [tilespmem:$0xF208];
	_ =	sdelay $0x4  }
0x65: {  	(v2sf) =	vpush v1, $0x0  }
0x66: {  	(v2sf) =	vpush v1, $0x1  }
0x67: {  	(v2sf) =	vpush v1, $0x2;
	_ =	sdelay $0x3  }
0x68: {  	s0 =	sadd.s32 $0xF0, s23  }
0x69: {  	s2 =	ssub.s32 $0x4000, s23;
	p1 =	slt.s32 s9, s0  }
0x6a: {  	s0 =	smov.u32 @p1 s9;
	p1 =	sgt.s32 s2, $0x0  }
0x6b: {  	s0 =	ssub.s32 s0, s23;
	s2 =	simm.s32 @!p1 $0x0  }
0x6c: {  	p1 =	slt.s32 s2, s0  }
0x6d: {  	s0 =	smov.u32 @p1 s2  }
0x6e: {  	s26 =	simm.s32 $0x1;
	p1 =	slt.s32 s0, $0x1  }
.Ltmp4:
0x6f: {  	s26 =	simm.s32 @!p0 $0x0;
	(pc) =	sbr.rel @p1 .LBB2_8-.Ltmp4, $4  }
0x70: {  	s30 =	smul.u32 $0x3C0, s26  }
0x71: {  	s28 =	spop (v2sf)  }
0x72: {  	s31 =	sshrl.u32 s30, $0x2;
	s29 =	spop (v2sf)  }
0x73: {  	s24 =	sadd.s32 $0x10518, s31;
	s23 =	spop (v2sf)  }
0x74: {  	s2 =	smin.u32 s0, $0x10  }
0x75: {  	v1 =	vmov s2  }
0x76: {  	p2 =	sgt.s32 s0, $0x10;
	vm1 =	vgt.u32 v1, v0  }
.Ltmp5:
0x77: {  	_ = 	snop;
	(pc) =	sbr.rel @!p2 .LBB2_7-.Ltmp5, $2  }
0x78: {  	_ =	sdelay $0x2  }
0x79: {  	s5 =	simm.s32 $0x10;
	s25 =	sadd.s32 $0xFFFFFFF0, s0;
	s4 =	smov.u32 s24;
	vm0 =	vmmov vm1  }
.LBB2_6:
0x7a: {  	s2 =	smin.u32 s25, $0x10;
	s5 =	sadd.s32 $0x10, s5;
	v1 =	vld.msk [tilespmem:s4+$0x0 ss:$0x1], vm1  }
0x7b: {  	v2 =	vmov s2;
	p2 =	slt.s32 s5, s0  }
0x7c: {  	vm1 =	vgt.u32 v2, v0  }
.Ltmp6:
0x7d: {  	(pc) =	sbr.rel @p2 .LBB2_6-.Ltmp6, $3  }
0x7e: {  	_ =	sdelay $0x1  }
0x7f: {  	v1 =	vshll.u32 v1, $0x4  }
0x80: {  	s25 =	sadd.s32 $0xFFFFFFF0, s25;
	[tilespmem:s4+$0x0] =	vst.msk vm0, v1;
	s4 =	sadd.s32 $0x10, s4;
	vm0 =	vmmov vm1  }
.LBB2_7:
0x81: {  	_ =	sdelay $0x4  }
0x82: {  	v1 =	vld.msk [tilespmem:s4+$0x0 ss:$0x1], vm1;
	_ =	sdelay $0x4  }
0x83: {  	v1 =	vshll.u32 v1, $0x4  }
0x84: {  	[tilespmem:s4+$0x0] =	vst.msk vm0, v1  }
.LBB2_8:
0x85: {  	s2 =	sand.u32 $0x1, s22  }
0x86: {  	s2 =	smul.u32 $0xF0, s2  }
0x87: {  	p2 =	sne.s32 s29, $0xFFFFFFFF  }
0x88: {  	v1 =	vld.msk @!p2 [tilespmem:s2+$0x10518], $0x1;
	_ =	sdelay $0x4  }
0x89: {  	(v2sf) =	vpush @!p2 v1, $0x0;
	_ =	sdelay $0xc  }
.Ltmp7:
0x8a: {  	_ = 	snop;
	(pc) =	sbr.rel @p1 .LBB2_19-.Ltmp7, $4  }
0x8b: {  	_ = 	snop  }
0x8c: {  	s30 =	spop @!p2 (v2sf)  }
0x8d: {  	s23 =	simm.s32 @!p2 $0x0;
	s25 =	smov.u32 s30  }
0x8e: {  	[sflag:s19] =	ssyncpa.u1 $0x0;
	s30 =	smov.u32 @p2 s28;
	s25 =	smov.u32 @p2 s29  }
0x8f: {  	v1 =	vld.msk [tilespmem:s24+$0x0], $0x1;
	_ =	sdelay $0x4  }
0x90: {  	(v2sf) =	vpush v1, $0x0;
	_ =	sdelay $0xe  }
0x91: {  	s2 =	smul.u32 $0x1E000, s26;
	s4 =	spop (v2sf)  }
0x92: {  	s28 =	ssub.s32 $0x0, s0;
	p1 =	seq.s32 s30, s4  }
0x93: {  	s0 =	sadd.s32 $0x1, s28;
	s2 =	sshrl.u32 s2, $0x2;
	p2 =	sgt.s32 @!p1 s30, $0x0  }
0x94: {  	s26 =	sor.u32 $0x10738, s2;
	s2 =	smov.u32 s30;
	p2 =	por !p2, p1  }
0x95: {  	s2 =	simm.s32 @p2 $0x0;
	p2 =	seq.s32 s0, $0x0  }
.Ltmp8:
0x96: {  	_ = 	snop;
	(pc) =	sbr.rel @p2 .LBB2_11-.Ltmp8, $4  }
0x97: {  	_ = 	snop  }
0x98: {  	s29 =	simm.s32 $0x0;
	s5 =	simm.s32 @!p1 $0x1;
	s3 =	smin.u32 @!p1 s2, $0x1FFF0  }
0x99: {  	s31 =	sadd.s32 $0x1, s24;
	s5 =	smov.u32 @p1 s29;
	s6 =	sand.u32 @!p1 $0x1FFF8, s3  }
0x9a: {  	s2 =	simm.s32 @!p1 $0x7988;
	s3 =	sand.u32 @!p1 $0x7, s3;
	s6 =	sadd.s32 @!p1 s1, s6  }
.LBB2_10:
0x9b: {  	s10 =	smov.u32 s5  }
0x9c: {  	[tilespmem:s2], [sflag:$0x2] =	stream.linear.gather @!p1 [hbm4b:s6+s3], $0x80, $0x38;
	[tilespmem:$0x1F6F8] =	vst v63  }
0x9d: {  	s0 =	sadd.s32 $0x1, s0;
	s3 =	smov.u32 s4;
	v1 =	vld.msk [tilespmem:s31+$0x0], $0x1  }
0x9e: {  	p2 =	seq.s32 s0, $0x0;
	_ =	sdelay $0x3  }
0x9f: {  	(v2sf) =	vpush v1, $0x0;
	_ =	sdelay $0xe  }
0xa0: {  	s4 =	spop (v2sf)  }
0xa1: {  	p1 =	seq.s32 s3, s4  }
0xa2: {  	p3 =	sgt.s32 @!p1 s3, $0x0;
	s2 =	sshll.u32 @!p1 s5, $0x9;
	s5 =	sadd.s32 @!p1 $0x1, s5  }
.Ltmp9:
0xa3: {  	p3 =	por !p3, p1;
	s2 =	sshra.s32 @!p1 s2, $0x2;
	(pc) =	sbr.rel @!p2 .LBB2_10-.Ltmp9, $4  }
0xa4: {  	s5 =	smov.u32 @p1 s10;
	s3 =	simm.s32 @p3 $0x0;
	s2 =	sadd.s32 @!p1 $0x7988, s2  }
0xa5: {  	s3 =	smin.u32 @!p1 s3, $0x1FFF0  }
0xa6: {  	s6 =	sand.u32 @!p1 $0x1FFF8, s3;
	s3 =	sand.u32 @!p1 $0x7, s3  }
0xa7: {  	s31 =	sadd.s32 $0x1, s31;
	s6 =	sadd.s32 @!p1 s1, s6  }
.LBB2_11:
0xa8: {  	[tilespmem:s2], [sflag:$0x2] =	stream.linear.gather @!p1 [hbm4b:s6+s3], $0x80, $0x38;
	[tilespmem:$0x1F6F8] =	vst v63  }
.Ltmp10:
0xa9: {  	s0 =	sshll.u32 s5, $0x7;
	(pc) =	sbr.rel .LBB2_12-.Ltmp10, $4  }
0xaa: {  	s31 =	simm.s32 $0x2;
	s0 =	sand.u32 $0x3FFFFF80, s0  }
0xab: {  	_ =	swait.ge [sflag:s31], s0  }
0xac: {  	s0 =	ssub.s32 $0x0, s0;
	[sflag:s31] =	ssyncset.done $0x0  }
0xad: {  	[sflag:s31] =	ssyncadd.s32 s0;
	s0 =	simm.s32 $0x0  }
.LBB2_13:
0xae: {  	v1 =	vld [tilespmem:s26+$0xFFFFFFC0];
	_ =	sdelay $0x3  }
0xaf: {  	s2 =	sshra.s32 s2, $0x2  }
0xb0: {  	[tilespmem:s2+$0x108] =	vst.add.f32.msk $0xffff, v1  }
0xb1: {  	v1 =	vld [tilespmem:s26+$0xFFFFFFD0];
	_ =	sdelay $0x4  }
0xb2: {  	[tilespmem:s2+$0x118] =	vst.add.f32.msk $0xffff, v1  }
0xb3: {  	v1 =	vld [tilespmem:s26+$0xFFFFFFE0];
	_ =	sdelay $0x4  }
0xb4: {  	[tilespmem:s2+$0x128] =	vst.add.f32.msk $0xffff, v1  }
0xb5: {  	v1 =	vld [tilespmem:s26+$0xFFFFFFF0];
	_ =	sdelay $0x4  }
0xb6: {  	[tilespmem:s2+$0x138] =	vst.add.f32.msk $0xffff, v1  }
0xb7: {  	v1 =	vld [tilespmem:s26+$0x0];
	_ =	sdelay $0x4  }
0xb8: {  	[tilespmem:s2+$0x148] =	vst.add.f32.msk $0xffff, v1  }
0xb9: {  	v1 =	vld [tilespmem:s26+$0x10];
	_ =	sdelay $0x4  }
0xba: {  	[tilespmem:s2+$0x158] =	vst.add.f32.msk $0xffff, v1  }
0xbb: {  	v1 =	vld [tilespmem:s26+$0x20];
	_ =	sdelay $0x4  }
0xbc: {  	[tilespmem:s2+$0x168] =	vst.add.f32.msk $0xffff, v1  }
0xbd: {  	v1 =	vld [tilespmem:s26+$0x30];
	_ =	sdelay $0x4  }
0xbe: {  	[tilespmem:s2+$0x178] =	vst.add.f32.msk $0xffff, v1  }
.LBB2_17:
0xbf: {  	s28 =	sadd.s32 $0x1, s28  }
0xc0: {  	p1 =	seq.s32 s28, $0x0  }
.Ltmp11:
0xc1: {  	_ = 	snop;
	(pc) =	sbr.rel @p1 .LBB2_18-.Ltmp11, $2  }
0xc2: {  	_ =	sdelay $0x2  }
0xc3: {  	s24 =	sadd.s32 $0x1, s24;
	s26 =	sadd.s32 $0x80, s26;
	s30 =	smov.u32 s31  }
.LBB2_12:
0xc4: {  	v1 =	vld.msk [tilespmem:s24+$0x0], $0x1;
	_ =	sdelay $0x4  }
0xc5: {  	(v2sf) =	vpush v1, $0x0;
	_ =	sdelay $0xe  }
0xc6: {  	s31 =	spop (v2sf)  }
0xc7: {  	p1 =	sne.s32 s30, s31  }
.Ltmp12:
0xc8: {  	_ = 	snop;
	(pc) =	sbr.rel @!p1 .LBB2_13-.Ltmp12, $2  }
0xc9: {  	_ =	sdelay $0x2  }
0xca: {  	s2 =	sshll.u32 s23, $0x9  }
0xcb: {  	p1 =	seq.s32 s30, s25  }
.Ltmp13:
0xcc: {  	_ = 	snop;
	(pc) =	sbr.rel @!p1 .LBB2_15-.Ltmp13, $1  }
0xcd: {  	_ =	sdelay $0x3  }
0xce: {  	s2 =	sshra.s32 s2, $0x2  }
.Ltmp14:
0xcf: {  	s2 =	sadd.s32 $0x108, s2;
	(pc) =	sbr.rel .LBB2_16-.Ltmp14, $4  }
0xd0: {  	[spmem:s17] =	stream.linear.scatter [tilespmem:s2], [sflag:$0x1], $0x80, $0x38;
	[tilespmem:$0x1F6F8] =	vst v63  }
0xd1: {  	_ =	swait.ge [sflag:s13], $0x80  }
0xd2: {  	[sflag:s13] =	ssyncset.done $0x0  }
0xd3: {  	[sflag:s13] =	ssyncadd.s32 $0xFFFFFF80  }
.LBB2_15:
0xd4: {  	s3 =	sshll.u32 s29, $0x9  }
0xd5: {  	s3 =	sshra.s32 s3, $0x2  }
0xd6: {  	v1 =	vld [tilespmem:s3+$0x7988];
	_ =	sdelay $0x3  }
0xd7: {  	s2 =	sshra.s32 s2, $0x2  }
0xd8: {  	[tilespmem:s2+$0x108] =	vst.add.f32.msk $0xffff, v1  }
0xd9: {  	v1 =	vld [tilespmem:s3+$0x7998];
	_ =	sdelay $0x4  }
0xda: {  	[tilespmem:s2+$0x118] =	vst.add.f32.msk $0xffff, v1  }
0xdb: {  	v1 =	vld [tilespmem:s3+$0x79A8];
	_ =	sdelay $0x4  }
0xdc: {  	[tilespmem:s2+$0x128] =	vst.add.f32.msk $0xffff, v1  }
0xdd: {  	v1 =	vld [tilespmem:s3+$0x79B8];
	_ =	sdelay $0x4  }
0xde: {  	[tilespmem:s2+$0x138] =	vst.add.f32.msk $0xffff, v1  }
0xdf: {  	v1 =	vld [tilespmem:s3+$0x79C8];
	_ =	sdelay $0x4  }
0xe0: {  	[tilespmem:s2+$0x148] =	vst.add.f32.msk $0xffff, v1  }
0xe1: {  	v1 =	vld [tilespmem:s3+$0x79D8];
	_ =	sdelay $0x4  }
0xe2: {  	[tilespmem:s2+$0x158] =	vst.add.f32.msk $0xffff, v1  }
0xe3: {  	v1 =	vld [tilespmem:s3+$0x79E8];
	_ =	sdelay $0x4  }
0xe4: {  	[tilespmem:s2+$0x168] =	vst.add.f32.msk $0xffff, v1  }
0xe5: {  	v1 =	vld [tilespmem:s3+$0x79F8];
	_ =	sdelay $0x2  }
0xe6: {  	p1 =	sgt.u32 s30, $0x1FFF0  }
0xe7: {  	s3 =	sand.u32 @!p1 $0x1FFF8, s30  }
0xe8: {  	s4 =	sadd.s32 $0x108, s2;
	[tilespmem:s2+$0x178] =	vst.add.f32.msk $0xffff, v1;
	s2 =	sadd.s32 @!p1 s1, s3;
	s3 =	sand.u32 @!p1 $0x7, s30  }
0xe9: {  	[hbm4b:s2+s3] =	stream.linear.scatter @!p1 [tilespmem:s4], [sflag:$0xC], $0x80, $0x38;
	[tilespmem:$0x1F6F8] =	vst v63  }
0xea: {  	s2 =	simm.s32 $0x0  }
0xeb: {  	s2 =	simm.s32 @!p1 $0x200  }
0xec: {  	s0 =	sadd.s32 s2, s0  }
.LBB2_16:
0xed: {  	s2 =	sadd.s32 $0x1, s23  }
0xee: {  	s3 =	smulhi.u32 $0x88888889, s2;
	_ =	sdelay $0x1  }
0xef: {  	v1 =	vld [tilespmem:s26+$0xFFFFFFC0];
	s3 =	sshrl.u32 s3, $0x7  }
0xf0: {  	s3 =	smul.u32 $0xF0, s3;
	_ =	sdelay $0x1  }
0xf1: {  	s23 =	ssub.s32 s2, s3  }
0xf2: {  	s2 =	sshll.u32 s23, $0x7  }
0xf3: {  	[tilespmem:s2+$0x108] =	vst v1  }
0xf4: {  	v1 =	vld [tilespmem:s26+$0xFFFFFFD0];
	_ =	sdelay $0x4  }
0xf5: {  	[tilespmem:s2+$0x118] =	vst v1  }
0xf6: {  	v1 =	vld [tilespmem:s26+$0xFFFFFFE0];
	_ =	sdelay $0x4  }
0xf7: {  	[tilespmem:s2+$0x128] =	vst v1  }
0xf8: {  	v1 =	vld [tilespmem:s26+$0xFFFFFFF0];
	_ =	sdelay $0x4  }
0xf9: {  	[tilespmem:s2+$0x138] =	vst v1  }
0xfa: {  	v1 =	vld [tilespmem:s26+$0x0];
	_ =	sdelay $0x4  }
0xfb: {  	[tilespmem:s2+$0x148] =	vst v1  }
0xfc: {  	v1 =	vld [tilespmem:s26+$0x10];
	_ =	sdelay $0x4  }
0xfd: {  	[tilespmem:s2+$0x158] =	vst v1  }
0xfe: {  	v1 =	vld [tilespmem:s26+$0x20];
	_ =	sdelay $0x4  }
0xff: {  	[tilespmem:s2+$0x168] =	vst v1  }
0x100: {  	v1 =	vld [tilespmem:s26+$0x30]  }
.Ltmp15:
0x101: {  	_ = 	snop;
	(pc) =	sbr.rel .LBB2_17-.Ltmp15, $2  }
0x102: {  	_ =	sdelay $0x2  }
0x103: {  	s29 =	sadd.s32 $0x1, s29;
	[tilespmem:s2+$0x178] =	vst v1  }
.LBB2_19:
.Ltmp16:
0x104: {  	(pc) =	sbr.rel .LBB2_20-.Ltmp16, $4  }
0x105: {  	_ = 	snop  }
0x106: {  	s0 =	simm.s32 $0x2  }
0x107: {  	_ =	swait.ge [sflag:s0], $0x0  }
0x108: {  	s31 =	smov.u32 s30;
	[sflag:s0] =	ssyncset.done $0x0;
	s0 =	simm.s32 $0x0  }
.LBB2_22:
0x109: {  	_ =	sfence.sel $0x180000  }
0x10a: {  	s0 =	simm.s32 $0x9;
	[bflag:$0x0] =	sbarrier.arrive $0xFFFF  }
0x10b: {  	s24 =	simm.s32 $0xA;
	[sflag:s0] =	ssyncpa.u1 $0x1  }
0x10c: {  	s25 =	simm.s32 $0xB;
	[sflag:s24] =	ssyncpa.u1 $0x1  }
0x10d: {  	s26 =	simm.s32 $0x2;
	[sflag:s25] =	ssyncpa.u1 $0x1  }
0x10e: {  	[sflag:s26] =	ssyncpa.u1 $0x1  }
0x10f: {  	v0 =	vld [tilespmem:$0xF208];
	_ =	sdelay $0x4  }
0x110: {  	(v2sf) =	vpush v0, $0x0  }
0x111: {  	(v2sf) =	vpush v0, $0x1;
	_ =	sdelay $0x2  }
0x112: {  	(v2sf) =	vpush v0, $0x2;
	_ =	sdelay $0xa  }
0x113: {  	s0 =	spop (v2sf)  }
0x114: {  	s2 =	spop (v2sf)  }
0x115: {  	s3 =	smov.u32 s0;
	p0 =	sne.s32 s0, s2  }
0x116: {  	s3 =	simm.s32 @!p0 $0xFFFFFFFF  }
0x117: {  	v2 =	vimm.s32 $0x1;
	v3 =	vlaneseq.u32;
	v1 =	vmov s3;
	s3 =	spop (v2sf)  }
0x118: {  	v0 =	vperm.xlane v0, v2;
	v1 =	vperm.xlane v1, v3;
	p0 =	seq.s32 s3, $0xFFFFFFFF  }
0x119: {  	vm0 =	vcmask $0x3F04;
	s5 =	simm.s32 $0xF208;
	p1 =	sne.s32 @!p0 s0, s2  }
0x11a: {  	s6 =	rddreg [dreg:$0x6];
	s0 =	simm.s32 @!p0 $0x1;
	v0 =	vsel vm0, v1, v0;
	p1 =	por !p1, p0  }
0x11b: {  	s4 =	sor.u32 $0x1000, s6;
	s2 =	sshll.u32 @!p0 s3, $0x9;
	[tilespmem:$0xF208] =	vst v0;
	s0 =	simm.s32 @p1 $0x0  }
0x11c: {  	[spmem:s4] =	stream.linear.scatter [tilespmem:s5], [sflag:$0x1], $0x2, $0x38;
	[tilespmem:$0x1F6F8] =	vst v63  }
0x11d: {  	s2 =	sshra.s32 @!p0 s2, $0x2;
	s0 =	sor.u32 @!p0 s0, s6  }
0x11e: {  	s2 =	sadd.s32 @!p0 $0x108, s2;
	s0 =	sshll.u32 @!p0 s0, $0x7  }
0x11f: {  	[spmem:s0] =	stream.linear.scatter @!p0 [tilespmem:s2], [sflag:$0x1], $0x80, $0x38;
	[tilespmem:$0x1F6F8] =	vst v63  }
0x120: {  	s0 =	simm.s32 @!p0 $0x82  }
0x121: {  	s28 =	simm.s32 $0x1;
	s0 =	simm.s32 @p0 $0x2  }
0x122: {  	_ =	swait.ge [sflag:s28], s0  }
0x123: {  	s15 =	stileid.u32;
	s0 =	ssub.s32 $0x0, s0;
	[sflag:s28] =	ssyncset.done $0x0  }
0x124: {  	p0 =	sne.s32 s15, $0x0;
	[sflag:s28] =	ssyncadd.s32 s0  }
.Ltmp17:
0x125: {  	_ =	sfence.stream.spmem;
	(pc) =	sbr.rel @p0 .LBB2_39-.Ltmp17, $4  }
0x126: {  	s29 =	simm.s32 $0x3;
	[bflag:$0x0] =	sbarrier.arrive $0xFFFF  }
0x127: {  	s30 =	simm.s32 $0x4;
	[sflag:s29] =	ssyncpa.u1 $0x1  }
0x128: {  	s31 =	simm.s32 $0x3C;
	[sflag:s30] =	ssyncpa.u1 $0x1  }
0x129: {  	s14 =	rddreg [dreg:$0x5];
	[sflag:s31] =	ssyncpa.u1 $0x1  }
0x12a: {  	_ =	sfence.stream.spmem;
	s0 =	simm.s32 $0x5  }
0x12b: {  	s2 =	simm.s32 $0x1000;
	s3 =	simm.s32 $0xF218;
	[sflag:s0] =	ssyncpa.u1 $0x0  }
0x12c: {  	[tilespmem:s3], [sflag:$0x5] =	stream.linear.gather [spmem:s2], $0x20, $0x38;
	[tilespmem:$0x1F6F8] =	vst v63  }
0x12d: {  	s26 =	simm.s32 $0x0;
	s28 =	simm.s32 $0xF238  }
0x12e: {  	[tilespmem:s28], [sflag:$0x5] =	stream.linear.gather [spmem:s26], $0x1000, $0x38;
	[tilespmem:$0x1F6F8] =	vst v63  }
0x12f: {  	_ =	swait.ge [sflag:s0], $0x1020  }
0x130: {  	[sflag:s0] =	ssyncset.done $0x0  }
0x131: {  	s29 =	simm.s32 $0x0;
	[sflag:s0] =	ssyncadd.s32 $0xFFFFEFE0  }
0x132: {  	v0 =	vld.msk [tilespmem:s29+$0xF218], $0x1;
	_ =	sdelay $0x1  }
0x133: {  	s30 =	simm.s32 $0x1  }
0x134: {  	v1 =	vld.msk [tilespmem:s30+$0xF218], $0x1;
	_ =	sdelay $0x1  }
0x135: {  	(v2sf) =	vpush v0, $0x0;
	_ =	sdelay $0x2  }
0x136: {  	(v2sf) =	vpush v1, $0x0;
	_ =	sdelay $0x2  }
0x137: {  	s31 =	simm.s32 $0x2  }
0x138: {  	v0 =	vld.msk [tilespmem:s31+$0xF218], $0x1;
	_ =	sdelay $0x2  }
0x139: {  	s4 =	simm.s32 $0xFFFFFFFF;
	s2 =	simm.s32 $0xFFFFFFFF;
	s0 =	simm.s32 $0xC  }
.LBB2_24:
0x13a: {  	s3 =	smov.u32 s4;
	s5 =	smov.u32 s2  }
0x13b: {  	s2 =	sshra.s32 s0, $0x2;
	p1 =	sne.s32 s0, $0x7C;
	s0 =	sadd.s32 $0x4, s0;
	(v2sf) =	vpush v0, $0x0  }
0x13c: {  	v0 =	vld.msk [tilespmem:s2+$0xF218], $0x1  }
.Ltmp18:
0x13d: {  	(pc) =	sbr.rel @p1 .LBB2_24-.Ltmp18, $4  }
0x13e: {  	s4 =	spop (v2sf)  }
0x13f: {  	p2 =	sne.s32 s5, $0xFFFFFFFF;
	s2 =	smov.u32 s4  }
0x140: {  	p3 =	seq.s32 s4, $0xFFFFFFFF;
	s2 =	smov.u32 @p2 s5  }
0x141: {  	s4 =	smov.u32 @p3 s3;
	s2 =	smov.u32 @p3 s5  }
0x142: {  	(v2sf) =	vpush v0, $0x0;
	_ =	sdelay $0x8  }
0x143: {  	s0 =	spop (v2sf)  }
0x144: {  	p1 =	sne.s32 s2, $0xFFFFFFFF;
	s3 =	smov.u32 s0  }
0x145: {  	s9 =	simm.s32 $0x6;
	p2 =	seq.s32 s0, $0xFFFFFFFF;
	s3 =	smov.u32 @p1 s2  }
0x146: {  	s6 =	simm.s32 $0x0;
	s3 =	smov.u32 @p2 s2;
	s2 =	spop (v2sf)  }
0x147: {  	s0 =	smov.u32 @p2 s4;
	p1 =	sne.s32 s3, $0xFFFFFFFF;
	s5 =	smov.u32 s2  }
.Ltmp19:
0x148: {  	p2 =	seq.s32 s2, $0xFFFFFFFF;
	s5 =	smov.u32 @p1 s3;
	(pc) =	sbr.rel .LBB2_26-.Ltmp19, $4  }
0x149: {  	s10 =	simm.s32 $0xF188;
	s5 =	smov.u32 @p2 s3;
	s7 =	spop (v2sf)  }
0x14a: {  	s11 =	simm.s32 $0x0;
	p1 =	sne.s32 s5, $0xFFFFFFFF;
	s8 =	smov.u32 s7  }
0x14b: {  	s2 =	smov.u32 @p2 s0;
	p2 =	seq.s32 s7, $0xFFFFFFFF;
	s8 =	smov.u32 @p1 s5  }
0x14c: {  	[sflag:s9] =	ssyncpa.u1 $0x0;
	s7 =	smov.u32 @p2 s2;
	s8 =	smov.u32 @p2 s5  }
.LBB2_32:
0x14d: {  	p1 =	sgt.u32 s0, $0x1FFF0  }
0x14e: {  	p2 =	seq.s32 @!p1 s0, s8  }
0x14f: {  	p1 =	por p1, p2  }
0x150: {  	p2 =	sne.s32 @!p1 s0, s7  }
0x151: {  	p1 =	por p1, !p2  }
0x152: {  	s0 =	sshll.u32 @p1 s11, $0x9  }
0x153: {  	s2 =	sand.u32 @!p1 $0x1FFF8, s0  }
0x154: {  	s0 =	sand.u32 @!p1 $0x7, s0;
	s2 =	sadd.s32 @!p1 s1, s2  }
0x155: {  	[tilespmem:s10], [sflag:$0x6] =	stream.linear.gather @!p1 [hbm4b:s2+s0], $0x80, $0x38;
	[tilespmem:$0x1F6F8] =	vst v63  }
0x156: {  	_ =	swait.ge @!p1 [sflag:s9], $0x80  }
0x157: {  	[sflag:s9] =	ssyncset.done @!p1 $0x0  }
0x158: {  	[sflag:s9] =	ssyncadd.s32 @!p1 $0xFFFFFF80  }
0x159: {  	v1 =	vld @!p1 [tilespmem:$0xF188];
	_ =	sdelay $0x2  }
0x15a: {  	s0 =	sshll.u32 @!p1 s11, $0x9  }
0x15b: {  	s2 =	sshrl.u32 @!p1 s0, $0x2  }
0x15c: {  	[tilespmem:s2+$0xF238] =	vst.add.f32.msk @!p1 $0xffff, v1  }
0x15d: {  	v1 =	vld @!p1 [tilespmem:$0xF198];
	_ =	sdelay $0x4  }
0x15e: {  	[tilespmem:s2+$0xF248] =	vst.add.f32.msk @!p1 $0xffff, v1  }
0x15f: {  	v1 =	vld @!p1 [tilespmem:$0xF1A8];
	_ =	sdelay $0x4  }
0x160: {  	[tilespmem:s2+$0xF258] =	vst.add.f32.msk @!p1 $0xffff, v1  }
0x161: {  	v1 =	vld @!p1 [tilespmem:$0xF1B8];
	_ =	sdelay $0x4  }
0x162: {  	[tilespmem:s2+$0xF268] =	vst.add.f32.msk @!p1 $0xffff, v1  }
0x163: {  	v1 =	vld @!p1 [tilespmem:$0xF1C8];
	_ =	sdelay $0x4  }
0x164: {  	[tilespmem:s2+$0xF278] =	vst.add.f32.msk @!p1 $0xffff, v1  }
0x165: {  	v1 =	vld @!p1 [tilespmem:$0xF1D8];
	_ =	sdelay $0x4  }
0x166: {  	[tilespmem:s2+$0xF288] =	vst.add.f32.msk @!p1 $0xffff, v1  }
0x167: {  	v1 =	vld @!p1 [tilespmem:$0xF1E8];
	_ =	sdelay $0x4  }
0x168: {  	[tilespmem:s2+$0xF298] =	vst.add.f32.msk @!p1 $0xffff, v1  }
0x169: {  	v1 =	vld @!p1 [tilespmem:$0xF1F8];
	_ =	sdelay $0x4  }
0x16a: {  	[tilespmem:s2+$0xF2A8] =	vst.add.f32.msk @!p1 $0xffff, v1  }
0x16b: {  	s0 =	sshrl.u32 s0, $0x2;
	[tilespmem:s6+$0xF218] =	vst.msk $0x1, v0  }
0x16c: {  	v0 =	vld [tilespmem:s0+$0xF238];
	_ =	sdelay $0x2  }
0x16d: {  	s31 =	sshll.u32 s6, $0x9  }
0x16e: {  	s2 =	sshra.s32 s31, $0x2  }
0x16f: {  	[tilespmem:s2+$0xF238] =	vst v0  }
0x170: {  	v0 =	vld [tilespmem:s0+$0xF248];
	_ =	sdelay $0x4  }
0x171: {  	[tilespmem:s2+$0xF248] =	vst v0  }
0x172: {  	v0 =	vld [tilespmem:s0+$0xF258];
	_ =	sdelay $0x4  }
0x173: {  	[tilespmem:s2+$0xF258] =	vst v0  }
0x174: {  	v0 =	vld [tilespmem:s0+$0xF268];
	_ =	sdelay $0x4  }
0x175: {  	[tilespmem:s2+$0xF268] =	vst v0  }
0x176: {  	v0 =	vld [tilespmem:s0+$0xF278];
	_ =	sdelay $0x4  }
0x177: {  	[tilespmem:s2+$0xF278] =	vst v0  }
0x178: {  	v0 =	vld [tilespmem:s0+$0xF288];
	_ =	sdelay $0x4  }
0x179: {  	[tilespmem:s2+$0xF288] =	vst v0  }
0x17a: {  	v0 =	vld [tilespmem:s0+$0xF298];
	_ =	sdelay $0x4  }
0x17b: {  	[tilespmem:s2+$0xF298] =	vst v0  }
0x17c: {  	v0 =	vld [tilespmem:s0+$0xF2A8];
	_ =	sdelay $0x4  }
0x17d: {  	s6 =	sadd.s32 $0x1, s6;
	[tilespmem:s2+$0xF2A8] =	vst v0  }
.LBB2_33:
0x17e: {  	s11 =	sadd.s32 $0x1, s11  }
0x17f: {  	p1 =	sne.s32 s11, $0x20  }
.Ltmp20:
0x180: {  	_ = 	snop;
	(pc) =	sbr.rel @!p1 .LBB2_34-.Ltmp20, $1  }
0x181: {  	_ =	sdelay $0x3  }
.LBB2_26:
0x182: {  	v0 =	vld.msk [tilespmem:s11+$0xF218], $0x1;
	_ =	sdelay $0x4  }
0x183: {  	(v2sf) =	vpush v0, $0x0;
	_ =	sdelay $0xe  }
0x184: {  	s0 =	spop (v2sf)  }
0x185: {  	p1 =	seq.s32 s0, $0xFFFFFFFF  }
.Ltmp21:
0x186: {  	_ = 	snop;
	(pc) =	sbr.rel @p1 .LBB2_33-.Ltmp21, $1  }
0x187: {  	_ =	sdelay $0x3  }
0x188: {  	p1 =	slt.s32 s6, $0x1  }
.Ltmp22:
0x189: {  	_ = 	snop;
	(pc) =	sbr.rel @p1 .LBB2_32-.Ltmp22, $1  }
0x18a: {  	_ =	sdelay $0x3  }
0x18b: {  	s12 =	simm.s32 $0xF218;
	p1 =	por $0x0, $0x0  }
0x18c: {  	v1 =	vld.msk @!p1 [tilespmem:s12+$0x0], $0x1;
	_ =	sdelay $0x4  }
0x18d: {  	(v2sf) =	vpush @!p1 v1, $0x0;
	_ =	sdelay $0xd  }
0x18e: {  	p3 =	sne.s32 s6, $0x1  }
.Ltmp23:
0x18f: {  	s2 =	spop @!p1 (v2sf);
	(pc) =	sbr.rel @!p3 .LBB2_30-.Ltmp23, $4  }
0x190: {  	p2 =	seq.s32 @!p1 s0, s2  }
0x191: {  	s13 =	simm.s32 $0x0;
	p2 =	por !p2, p1  }
0x192: {  	s2 =	simm.s32 $0xFFFFFFFF;
	s13 =	simm.s32 @p2 $0xFFFFFFFF  }
0x193: {  	s4 =	simm.s32 $0x1;
	s13 =	smov.u32 @p1 s2  }
.LBB2_29:
0x194: {  	s2 =	smov.u32 s13;
	p1 =	sne.s32 s13, $0xFFFFFFFF  }
0x195: {  	s12 =	sadd.s32 $0x1, s12;
	s13 =	smov.u32 s4;
	s4 =	sadd.s32 $0x1, s4  }
0x196: {  	p2 =	sne.s32 s6, s4;
	v1 =	vld.msk @!p1 [tilespmem:s12+$0x0], $0x1;
	_ =	sdelay $0x4  }
0x197: {  	(v2sf) =	vpush @!p1 v1, $0x0;
	_ =	sdelay $0xe  }
.Ltmp24:
0x198: {  	s3 =	spop @!p1 (v2sf);
	(pc) =	sbr.rel @p2 .LBB2_29-.Ltmp24, $4  }
0x199: {  	p3 =	seq.s32 @!p1 s0, s3  }
0x19a: {  	p3 =	por !p3, p1  }
0x19b: {  	s13 =	simm.s32 @p3 $0xFFFFFFFF  }
0x19c: {  	s13 =	smov.u32 @p1 s2  }
.LBB2_30:
0x19d: {  	p1 =	seq.s32 s13, $0xFFFFFFFF  }
.Ltmp25:
0x19e: {  	_ = 	snop;
	(pc) =	sbr.rel @p1 .LBB2_32-.Ltmp25, $1  }
0x19f: {  	_ =	sdelay $0x3  }
0x1a0: {  	s0 =	sshll.u32 s11, $0x7  }
0x1a1: {  	s0 =	sand.u32 $0x3FFFFF80, s0  }
0x1a2: {  	v0 =	vld [tilespmem:s0+$0xF238];
	_ =	sdelay $0x2  }
0x1a3: {  	s2 =	sshll.u32 s13, $0x9  }
0x1a4: {  	s2 =	sshra.s32 s2, $0x2  }
0x1a5: {  	[tilespmem:s2+$0xF238] =	vst.add.f32.msk $0xffff, v0  }
0x1a6: {  	v0 =	vld [tilespmem:s0+$0xF248];
	_ =	sdelay $0x4  }
0x1a7: {  	[tilespmem:s2+$0xF248] =	vst.add.f32.msk $0xffff, v0  }
0x1a8: {  	v0 =	vld [tilespmem:s0+$0xF258];
	_ =	sdelay $0x4  }
0x1a9: {  	[tilespmem:s2+$0xF258] =	vst.add.f32.msk $0xffff, v0  }
0x1aa: {  	v0 =	vld [tilespmem:s0+$0xF268];
	_ =	sdelay $0x4  }
0x1ab: {  	[tilespmem:s2+$0xF268] =	vst.add.f32.msk $0xffff, v0  }
0x1ac: {  	v0 =	vld [tilespmem:s0+$0xF278];
	_ =	sdelay $0x4  }
0x1ad: {  	[tilespmem:s2+$0xF278] =	vst.add.f32.msk $0xffff, v0  }
0x1ae: {  	v0 =	vld [tilespmem:s0+$0xF288];
	_ =	sdelay $0x4  }
0x1af: {  	[tilespmem:s2+$0xF288] =	vst.add.f32.msk $0xffff, v0  }
0x1b0: {  	v0 =	vld [tilespmem:s0+$0xF298];
	_ =	sdelay $0x4  }
0x1b1: {  	[tilespmem:s2+$0xF298] =	vst.add.f32.msk $0xffff, v0  }
0x1b2: {  	v0 =	vld [tilespmem:s0+$0xF2A8]  }
.Ltmp26:
0x1b3: {  	_ = 	snop;
	(pc) =	sbr.rel .LBB2_33-.Ltmp26, $2  }
0x1b4: {  	_ =	sdelay $0x2  }
0x1b5: {  	[tilespmem:s2+$0xF2A8] =	vst.add.f32.msk $0xffff, v0  }
.LBB2_34:
0x1b6: {  	s0 =	simm.s32 $0x6;
	p1 =	seq.s32 s6, $0x0  }
0x1b7: {  	[sflag:s0] =	ssyncpa.u1 $0x1;
	v0 =	vimm.s32 @p1 $0xFFFFFFFF  }
0x1b8: {  	s0 =	sadd.s32 $0xFFFFFFFF, s6;
	[tilespmem:$0x10238] =	vst @p1 v0  }
0x1b9: {  	v0 =	vld.msk @!p1 [tilespmem:s0+$0xF218], $0x1;
	_ =	sdelay $0x1  }
0x1ba: {  	v1 =	vld.msk @!p1 [tilespmem:$0xF218], $0x1;
	_ =	sdelay $0x2  }
0x1bb: {  	p2 =	seq.s32 @!p1 s0, $0x0;
	v0 =	vbroadcast @!p1 v0, $0x0  }
0x1bc: {  	vm0 =	vmmov @!p1 $0x1;
	p2 =	por !p2, p1  }
0x1bd: {  	v1 =	vnsel @!p1 vm0, $0xFFFFFFFF, v1;
	vm0 =	vcmask @!p1 $0x308;
	v0 =	vpsel !p2, $0xFFFFFFFF, v0  }
0x1be: {  	p2 =	sne.s32 @!p1 s8, s7;
	v0 =	vsel @!p1 vm0, v1, v0  }
0x1bf: {  	s2 =	simm.s32 @!p1 $0xF238;
	s3 =	simm.s32 @!p1 $0x0;
	p3 =	por !p2, p1;
	[tilespmem:$0x10238] =	vst @!p1 v0  }
0x1c0: {  	[spmem:s3] =	stream.linear.scatter @!p1 [tilespmem:s2], [sflag:$0x1], $0x80, $0x38;
	[tilespmem:$0x1F6F8] =	vst v63  }
0x1c1: {  	s2 =	sshll.u32 @!p3 s0, $0x9  }
0x1c2: {  	s2 =	sshra.s32 @!p3 s2, $0x2  }
0x1c3: {  	s3 =	simm.s32 @!p3 $0x80;
	s2 =	sadd.s32 @!p3 $0xF238, s2  }
0x1c4: {  	[spmem:s3] =	stream.linear.scatter @!p3 [tilespmem:s2], [sflag:$0x1], $0x80, $0x38;
	[tilespmem:$0x1F6F8] =	vst v63  }
0x1c5: {  	s2 =	simm.s32 @!p3 $0x1  }
0x1c6: {  	_ =	swait.ge @!p3 [sflag:s2], $0x100  }
0x1c7: {  	p1 =	por p2, p1;
	[sflag:s2] =	ssyncset.done @!p3 $0x0  }
0x1c8: {  	[sflag:s2] =	ssyncadd.s32 @!p3 $0xFFFFFF00;
	s2 =	simm.s32 @!p1 $0x1  }
0x1c9: {  	_ =	swait.ge @!p1 [sflag:s2], $0x80  }
0x1ca: {  	s29 =	simm.s32 $0x10238;
	[sflag:s2] =	ssyncset.done @!p1 $0x0  }
0x1cb: {  	s30 =	simm.s32 $0x1000;
	s31 =	simm.s32 $0x1;
	[sflag:s2] =	ssyncadd.s32 @!p1 $0xFFFFFF80  }
0x1cc: {  	[spmem:s30] =	stream.linear.scatter [tilespmem:s29], [sflag:$0x1], $0x10, $0x38;
	[tilespmem:$0x1F6F8] =	vst v63  }
0x1cd: {  	_ =	swait.ge [sflag:s31], $0x10  }
0x1ce: {  	[sflag:s31] =	ssyncset.done $0x0  }
0x1cf: {  	p1 =	seq.s32 s14, $0x0;
	s9 =	rddreg [dreg:$0x2];
	[sflag:s31] =	ssyncadd.s32 $0xFFFFFFF0  }
0x1d0: {  	s3 =	sshll.u32 @p1 s9, $0xE;
	s8 =	rddreg [dreg:$0x3]  }
0x1d1: {  	s2 =	sadd.s32 @p1 $0x15C3C, s3;
	s3 =	sshll.u32 @p1 s8, $0x11  }
0x1d2: {  	_ =	sfence.stream.spmem;
	s2 =	sor.u32 @p1 s3, s2  }
0x1d3: {  	[sflag:s2] =	ssyncadd.remote.s32 @p1 $0x1;
	s2 =	simm.s32 @p1 $0x4  }
0x1d4: {  	s4 =	simm.s32 @!p1 $0x3C;
	s3 =	sand.u32 $0xFFFFFFFE, s9;
	_ =	swait.ge @p1 [sflag:s2], $0x22  }
0x1d5: {  	s5 =	simm.s32 @!p1 $0x0;
	s3 =	sadd.s32 @!p1 $0x4, s3;
	[sflag:s2] =	ssyncset.done @p1 $0x0  }
0x1d6: {  	s7 =	simm.s32 @!p1 $0x100;
	[sflag:s2] =	ssyncadd.s32 @p1 $0xFFFFFFDE;
	s2 =	sshll.u32 @!p1 s3, $0x1A  }
0x1d7: {  	s3 =	sshll.u32 @!p1 s3, $0xD;
	s2 =	sor.u32 @!p1 s2, s8;
	_ =	swait.eq @!p1 [sflag:s4], $0x1  }
0x1d8: {  	s3 =	sor.u32 @!p1 $0x1C04, s3;
	s4 =	simm.s32 @!p1 $0x1C03;
	s2 =	sor.u32 @!p1 $0x80004000, s2  }
0x1d9: {  	[spmem:s7], [sflag:s3] =	dma.general @!p1 [spmem:s5], [sflag:s4], length:$0x20, [dreg:$0x0], stride_count:$0x0, ici_dest:s2, dma_misc:DstOpCode:WRITE  }
0x1da: {  	p2 =	slt.s32 s0, $0x2;
	s5 =	simm.s32 @!p1 $0x200;
	s7 =	simm.s32 @!p1 $0x202  }
0x1db: {  	[spmem:s7], [sflag:s3] =	dma.general @!p1 [spmem:s5], [sflag:s4], length:$0x2, [dreg:$0x0], stride_count:$0x0, ici_dest:s2, dma_misc:DstOpCode:WRITE  }
.Ltmp27:
0x1dc: {  	s2 =	simm.s32 @!p1 $0x3;
	(pc) =	sbr.rel @p2 .LBB2_38-.Ltmp27, $4  }
0x1dd: {  	s3 =	sshll.u32 @!p1 s9, $0xE;
	_ =	swait.ge @!p1 [sflag:s2], $0x22  }
0x1de: {  	s4 =	sshll.u32 @!p1 s8, $0x11;
	s3 =	sadd.s32 @!p1 $0x11C3C, s3;
	[sflag:s2] =	ssyncset.done @!p1 $0x0  }
0x1df: {  	[sflag:s2] =	ssyncadd.s32 @!p1 $0xFFFFFFDE;
	s2 =	sor.u32 @!p1 s4, s3  }
0x1e0: {  	s0 =	simm.s32 $0x0;
	[sflag:s2] =	ssyncadd.remote.s32 @!p1 $0xFFFFFFFF  }
0x1e1: {  	s0 =	simm.s32 $0xF219  }
0x1e2: {  	v0 =	vld.msk [tilespmem:s0+$0x0], $0x1;
	_ =	sdelay $0x4  }
0x1e3: {  	(v2sf) =	vpush v0, $0x0;
	_ =	sdelay $0xd  }
0x1e4: {  	s3 =	sadd.s32 $0xFFFFFFFE, s6  }
0x1e5: {  	s4 =	sadd.s32 $0xFFFFFFFF, s3;
	s2 =	spop (v2sf)  }
0x1e6: {  	p2 =	sne.s32 s4, $0x0;
	p1 =	sgt.u32 s2, $0x1FFF0  }
.Ltmp28:
0x1e7: {  	s5 =	sand.u32 @!p1 $0x1FFF8, s2;
	(pc) =	sbr.rel @!p2 .LBB2_37-.Ltmp28, $4  }
0x1e8: {  	s0 =	simm.s32 $0xF2B8;
	s2 =	sand.u32 @!p1 $0x7, s2;
	s3 =	sadd.s32 @!p1 s1, s5  }
0x1e9: {  	[hbm4b:s3+s2] =	stream.linear.scatter @!p1 [tilespmem:s0], [sflag:$0x5], $0x80, $0x38;
	[tilespmem:$0x1F6F8] =	vst v63  }
0x1ea: {  	s2 =	simm.s32 $0x0  }
0x1eb: {  	s6 =	simm.s32 $0xF21A;
	s5 =	simm.s32 $0x0;
	s2 =	simm.s32 @!p1 $0x200  }
.LBB2_36:
0x1ec: {  	v0 =	vld.msk [tilespmem:s6+$0x0], $0x1;
	s4 =	sadd.s32 $0xFFFFFFFF, s4;
	s5 =	sadd.s32 s5, s2  }
0x1ed: {  	p1 =	sne.s32 s4, $0x0;
	_ =	sdelay $0x3  }
0x1ee: {  	(v2sf) =	vpush v0, $0x0;
	_ =	sdelay $0xe  }
.Ltmp29:
0x1ef: {  	s3 =	spop (v2sf);
	(pc) =	sbr.rel @p1 .LBB2_36-.Ltmp29, $4  }
0x1f0: {  	s2 =	simm.s32 $0x0;
	p2 =	sgt.u32 s3, $0x1FFF0  }
0x1f1: {  	s0 =	sadd.s32 $0x80, s0;
	s2 =	simm.s32 @!p2 $0x200;
	s7 =	sand.u32 @!p2 $0x1FFF8, s3  }
0x1f2: {  	s6 =	sadd.s32 $0x1, s6;
	s3 =	sand.u32 @!p2 $0x7, s3;
	s7 =	sadd.s32 @!p2 s1, s7  }
0x1f3: {  	[hbm4b:s7+s3] =	stream.linear.scatter @!p2 [tilespmem:s0], [sflag:$0x5], $0x80, $0x38;
	[tilespmem:$0x1F6F8] =	vst v63  }
.LBB2_37:
0x1f4: {  	s0 =	sadd.s32 s5, s2  }
0x1f5: {  	s0 =	sshrl.u32 s0, $0x2  }
.LBB2_38:
0x1f6: {  	s2 =	simm.s32 $0x5  }
0x1f7: {  	_ =	swait.ge [sflag:s2], s0  }
0x1f8: {  	s31 =	ssub.s32 $0x0, s0;
	[sflag:s2] =	ssyncset.done $0x0  }
0x1f9: {  	[sflag:s2] =	ssyncadd.s32 s31  }
0x1fa: {  	[sflag:s2] =	ssyncpa.u1 $0x1  }
.LBB2_39:
0x1fb: {  	s0 =	sor.u32 s14, s15  }
0x1fc: {  	p1 =	sne.s32 s0, $0x0  }
.Ltmp30:
0x1fd: {  	_ = 	snop;
	(pc) =	sbr.rel @p1 .LBB2_54-.Ltmp30, $3  }
0x1fe: {  	_ =	sdelay $0x1  }
0x1ff: {  	[bflag:$0x0] =	sbarrier.arrive $0xFFFF  }
0x200: {  	_ =	sfence  }
0x201: {  	s0 =	simm.s32 $0x7  }
0x202: {  	s2 =	simm.s32 $0x1000;
	s3 =	simm.s32 $0xF218;
	[sflag:s0] =	ssyncpa.u1 $0x0  }
0x203: {  	[tilespmem:s3], [sflag:$0x7] =	stream.linear.gather [spmem:s2], $0x20, $0x38;
	[tilespmem:$0x1F6F8] =	vst v63  }
0x204: {  	s30 =	simm.s32 $0xF238;
	s2 =	simm.s32 $0x0  }
0x205: {  	[tilespmem:s30], [sflag:$0x7] =	stream.linear.gather [spmem:s2], $0x1000, $0x38;
	[tilespmem:$0x1F6F8] =	vst v63  }
.Ltmp31:
0x206: {  	_ = 	snop;
	(pc) =	sbr.rel .LBB2_41-.Ltmp31, $4  }
0x207: {  	_ =	swait.ge [sflag:s0], $0x1020  }
0x208: {  	[sflag:s0] =	ssyncset.done $0x0  }
0x209: {  	s31 =	simm.s32 $0x8;
	[sflag:s0] =	ssyncadd.s32 $0xFFFFEFE0  }
0x20a: {  	s3 =	simm.s32 $0x0;
	[sflag:s31] =	ssyncpa.u1 $0x0  }
.LBB2_47:
0x20b: {  	p1 =	slt.u32 s0, $0x1FFF1  }
0x20c: {  	s4 =	sand.u32 @p1 $0x1FFF8, s0  }
0x20d: {  	s0 =	sand.u32 @p1 $0x7, s0;
	s5 =	simm.s32 @p1 $0xF188;
	s4 =	sadd.s32 @p1 s1, s4  }
0x20e: {  	[tilespmem:s5], [sflag:$0x8] =	stream.linear.gather @p1 [hbm4b:s4+s0], $0x80, $0x38;
	[tilespmem:$0x1F6F8] =	vst v63  }
0x20f: {  	s0 =	simm.s32 @p1 $0x8  }
0x210: {  	_ =	swait.ge @p1 [sflag:s0], $0x80  }
0x211: {  	[sflag:s0] =	ssyncset.done @p1 $0x0  }
0x212: {  	[sflag:s0] =	ssyncadd.s32 @p1 $0xFFFFFF80  }
0x213: {  	v1 =	vld @p1 [tilespmem:$0xF188];
	_ =	sdelay $0x2  }
0x214: {  	s0 =	sshll.u32 @p1 s3, $0x9  }
0x215: {  	s4 =	sshrl.u32 @p1 s0, $0x2  }
0x216: {  	[tilespmem:s4+$0xF238] =	vst.add.f32.msk @p1 $0xffff, v1  }
0x217: {  	v1 =	vld @p1 [tilespmem:$0xF198];
	_ =	sdelay $0x4  }
0x218: {  	[tilespmem:s4+$0xF248] =	vst.add.f32.msk @p1 $0xffff, v1  }
0x219: {  	v1 =	vld @p1 [tilespmem:$0xF1A8];
	_ =	sdelay $0x4  }
0x21a: {  	[tilespmem:s4+$0xF258] =	vst.add.f32.msk @p1 $0xffff, v1  }
0x21b: {  	v1 =	vld @p1 [tilespmem:$0xF1B8];
	_ =	sdelay $0x4  }
0x21c: {  	[tilespmem:s4+$0xF268] =	vst.add.f32.msk @p1 $0xffff, v1  }
0x21d: {  	v1 =	vld @p1 [tilespmem:$0xF1C8];
	_ =	sdelay $0x4  }
0x21e: {  	[tilespmem:s4+$0xF278] =	vst.add.f32.msk @p1 $0xffff, v1  }
0x21f: {  	v1 =	vld @p1 [tilespmem:$0xF1D8];
	_ =	sdelay $0x4  }
0x220: {  	[tilespmem:s4+$0xF288] =	vst.add.f32.msk @p1 $0xffff, v1  }
0x221: {  	v1 =	vld @p1 [tilespmem:$0xF1E8];
	_ =	sdelay $0x4  }
0x222: {  	[tilespmem:s4+$0xF298] =	vst.add.f32.msk @p1 $0xffff, v1  }
0x223: {  	v1 =	vld @p1 [tilespmem:$0xF1F8];
	_ =	sdelay $0x3  }
0x224: {  	s5 =	sshll.u32 @!p1 s3, $0x9  }
0x225: {  	s5 =	smov.u32 @p1 s0;
	[tilespmem:s4+$0xF2A8] =	vst.add.f32.msk @p1 $0xffff, v1  }
0x226: {  	s0 =	sshrl.u32 s5, $0x2;
	[tilespmem:s2+$0xF218] =	vst.msk $0x1, v0  }
0x227: {  	v0 =	vld [tilespmem:s0+$0xF238];
	_ =	sdelay $0x2  }
0x228: {  	s31 =	sshll.u32 s2, $0x9  }
0x229: {  	s4 =	sshra.s32 s31, $0x2  }
0x22a: {  	[tilespmem:s4+$0xF238] =	vst v0  }
0x22b: {  	v0 =	vld [tilespmem:s0+$0xF248];
	_ =	sdelay $0x4  }
0x22c: {  	[tilespmem:s4+$0xF248] =	vst v0  }
0x22d: {  	v0 =	vld [tilespmem:s0+$0xF258];
	_ =	sdelay $0x4  }
0x22e: {  	[tilespmem:s4+$0xF258] =	vst v0  }
0x22f: {  	v0 =	vld [tilespmem:s0+$0xF268];
	_ =	sdelay $0x4  }
0x230: {  	[tilespmem:s4+$0xF268] =	vst v0  }
0x231: {  	v0 =	vld [tilespmem:s0+$0xF278];
	_ =	sdelay $0x4  }
0x232: {  	[tilespmem:s4+$0xF278] =	vst v0  }
0x233: {  	v0 =	vld [tilespmem:s0+$0xF288];
	_ =	sdelay $0x4  }
0x234: {  	[tilespmem:s4+$0xF288] =	vst v0  }
0x235: {  	v0 =	vld [tilespmem:s0+$0xF298];
	_ =	sdelay $0x4  }
0x236: {  	[tilespmem:s4+$0xF298] =	vst v0  }
0x237: {  	v0 =	vld [tilespmem:s0+$0xF2A8];
	_ =	sdelay $0x4  }
0x238: {  	s2 =	sadd.s32 $0x1, s2;
	[tilespmem:s4+$0xF2A8] =	vst v0  }
.LBB2_48:
0x239: {  	s3 =	sadd.s32 $0x1, s3  }
0x23a: {  	p1 =	sne.s32 s3, $0x20  }
.Ltmp32:
0x23b: {  	_ = 	snop;
	(pc) =	sbr.rel @!p1 .LBB2_49-.Ltmp32, $1  }
0x23c: {  	_ =	sdelay $0x3  }
.LBB2_41:
0x23d: {  	v0 =	vld.msk [tilespmem:s3+$0xF218], $0x1;
	_ =	sdelay $0x4  }
0x23e: {  	(v2sf) =	vpush v0, $0x0;
	_ =	sdelay $0xe  }
0x23f: {  	s0 =	spop (v2sf)  }
0x240: {  	p1 =	seq.s32 s0, $0xFFFFFFFF  }
.Ltmp33:
0x241: {  	_ = 	snop;
	(pc) =	sbr.rel @p1 .LBB2_48-.Ltmp33, $1  }
0x242: {  	_ =	sdelay $0x3  }
0x243: {  	p1 =	slt.s32 s2, $0x1  }
.Ltmp34:
0x244: {  	_ = 	snop;
	(pc) =	sbr.rel @p1 .LBB2_47-.Ltmp34, $1  }
0x245: {  	_ =	sdelay $0x3  }
0x246: {  	s4 =	simm.s32 $0xF218;
	p1 =	por $0x0, $0x0  }
0x247: {  	v1 =	vld.msk @!p1 [tilespmem:s4+$0x0], $0x1;
	_ =	sdelay $0x4  }
0x248: {  	(v2sf) =	vpush @!p1 v1, $0x0;
	_ =	sdelay $0xd  }
0x249: {  	p3 =	sne.s32 s2, $0x1  }
.Ltmp35:
0x24a: {  	s5 =	spop @!p1 (v2sf);
	(pc) =	sbr.rel @!p3 .LBB2_45-.Ltmp35, $4  }
0x24b: {  	p2 =	seq.s32 @!p1 s0, s5  }
0x24c: {  	s5 =	simm.s32 $0x0;
	p2 =	por !p2, p1  }
0x24d: {  	s7 =	simm.s32 $0xFFFFFFFF;
	s5 =	simm.s32 @p2 $0xFFFFFFFF  }
0x24e: {  	s6 =	simm.s32 $0x1;
	s5 =	smov.u32 @p1 s7  }
.LBB2_44:
0x24f: {  	s7 =	smov.u32 s5;
	p1 =	sne.s32 s5, $0xFFFFFFFF  }
0x250: {  	s4 =	sadd.s32 $0x1, s4;
	s5 =	smov.u32 s6;
	s6 =	sadd.s32 $0x1, s6  }
0x251: {  	p2 =	sne.s32 s2, s6;
	v1 =	vld.msk @!p1 [tilespmem:s4+$0x0], $0x1;
	_ =	sdelay $0x4  }
0x252: {  	(v2sf) =	vpush @!p1 v1, $0x0;
	_ =	sdelay $0xe  }
.Ltmp36:
0x253: {  	s8 =	spop @!p1 (v2sf);
	(pc) =	sbr.rel @p2 .LBB2_44-.Ltmp36, $4  }
0x254: {  	p3 =	seq.s32 @!p1 s0, s8  }
0x255: {  	p3 =	por !p3, p1  }
0x256: {  	s5 =	simm.s32 @p3 $0xFFFFFFFF  }
0x257: {  	s5 =	smov.u32 @p1 s7  }
.LBB2_45:
0x258: {  	p1 =	seq.s32 s5, $0xFFFFFFFF  }
.Ltmp37:
0x259: {  	_ = 	snop;
	(pc) =	sbr.rel @p1 .LBB2_47-.Ltmp37, $1  }
0x25a: {  	_ =	sdelay $0x3  }
0x25b: {  	s0 =	sshll.u32 s3, $0x7  }
0x25c: {  	s0 =	sand.u32 $0x3FFFFF80, s0  }
0x25d: {  	v0 =	vld [tilespmem:s0+$0xF238];
	_ =	sdelay $0x2  }
0x25e: {  	s4 =	sshll.u32 s5, $0x9  }
0x25f: {  	s4 =	sshra.s32 s4, $0x2  }
0x260: {  	[tilespmem:s4+$0xF238] =	vst.add.f32.msk $0xffff, v0  }
0x261: {  	v0 =	vld [tilespmem:s0+$0xF248];
	_ =	sdelay $0x4  }
0x262: {  	[tilespmem:s4+$0xF248] =	vst.add.f32.msk $0xffff, v0  }
0x263: {  	v0 =	vld [tilespmem:s0+$0xF258];
	_ =	sdelay $0x4  }
0x264: {  	[tilespmem:s4+$0xF258] =	vst.add.f32.msk $0xffff, v0  }
0x265: {  	v0 =	vld [tilespmem:s0+$0xF268];
	_ =	sdelay $0x4  }
0x266: {  	[tilespmem:s4+$0xF268] =	vst.add.f32.msk $0xffff, v0  }
0x267: {  	v0 =	vld [tilespmem:s0+$0xF278];
	_ =	sdelay $0x4  }
0x268: {  	[tilespmem:s4+$0xF278] =	vst.add.f32.msk $0xffff, v0  }
0x269: {  	v0 =	vld [tilespmem:s0+$0xF288];
	_ =	sdelay $0x4  }
0x26a: {  	[tilespmem:s4+$0xF288] =	vst.add.f32.msk $0xffff, v0  }
0x26b: {  	v0 =	vld [tilespmem:s0+$0xF298];
	_ =	sdelay $0x4  }
0x26c: {  	[tilespmem:s4+$0xF298] =	vst.add.f32.msk $0xffff, v0  }
0x26d: {  	v0 =	vld [tilespmem:s0+$0xF2A8]  }
.Ltmp38:
0x26e: {  	_ = 	snop;
	(pc) =	sbr.rel .LBB2_48-.Ltmp38, $2  }
0x26f: {  	_ =	sdelay $0x2  }
0x270: {  	[tilespmem:s4+$0xF2A8] =	vst.add.f32.msk $0xffff, v0  }
.LBB2_49:
0x271: {  	p1 =	slt.s32 s2, $0x1  }
.Ltmp39:
0x272: {  	_ = 	snop;
	(pc) =	sbr.rel @p1 .LBB2_53-.Ltmp39, $3  }
0x273: {  	_ =	sdelay $0x1  }
0x274: {  	s0 =	simm.s32 $0x8  }
0x275: {  	[sflag:s0] =	ssyncpa.u1 $0x1;
	s0 =	simm.s32 $0x0  }
0x276: {  	s3 =	simm.s32 $0xF218  }
0x277: {  	v0 =	vld.msk [tilespmem:s3+$0x0], $0x1;
	_ =	sdelay $0x4  }
0x278: {  	(v2sf) =	vpush v0, $0x0;
	_ =	sdelay $0xe  }
0x279: {  	s2 =	sadd.s32 $0xFFFFFFFF, s2;
	s4 =	spop (v2sf)  }
0x27a: {  	p2 =	sne.s32 s2, $0x0;
	p1 =	sgt.u32 s4, $0x1FFF0  }
.Ltmp40:
0x27b: {  	s5 =	sand.u32 @!p1 $0x1FFF8, s4;
	(pc) =	sbr.rel @!p2 .LBB2_52-.Ltmp40, $4  }
0x27c: {  	s3 =	simm.s32 $0xF238;
	s4 =	sand.u32 @!p1 $0x7, s4;
	s5 =	sadd.s32 @!p1 s1, s5  }
0x27d: {  	[hbm4b:s5+s4] =	stream.linear.scatter @!p1 [tilespmem:s3], [sflag:$0x7], $0x80, $0x38;
	[tilespmem:$0x1F6F8] =	vst v63  }
0x27e: {  	s5 =	simm.s32 $0x0  }
0x27f: {  	s4 =	simm.s32 $0xF219;
	s5 =	simm.s32 @!p1 $0x200  }
.LBB2_51:
0x280: {  	v0 =	vld.msk [tilespmem:s4+$0x0], $0x1;
	s2 =	sadd.s32 $0xFFFFFFFF, s2;
	s0 =	sadd.s32 s0, s5  }
0x281: {  	p1 =	sne.s32 s2, $0x0;
	_ =	sdelay $0x3  }
0x282: {  	(v2sf) =	vpush v0, $0x0;
	_ =	sdelay $0xe  }
.Ltmp41:
0x283: {  	s6 =	spop (v2sf);
	(pc) =	sbr.rel @p1 .LBB2_51-.Ltmp41, $4  }
0x284: {  	s5 =	simm.s32 $0x0;
	p2 =	sgt.u32 s6, $0x1FFF0  }
0x285: {  	s3 =	sadd.s32 $0x80, s3;
	s5 =	simm.s32 @!p2 $0x200;
	s7 =	sand.u32 @!p2 $0x1FFF8, s6  }
0x286: {  	s4 =	sadd.s32 $0x1, s4;
	s6 =	sand.u32 @!p2 $0x7, s6;
	s7 =	sadd.s32 @!p2 s1, s7  }
0x287: {  	[hbm4b:s7+s6] =	stream.linear.scatter @!p2 [tilespmem:s3], [sflag:$0x7], $0x80, $0x38;
	[tilespmem:$0x1F6F8] =	vst v63  }
.LBB2_52:
0x288: {  	s0 =	sadd.s32 s0, s5  }
0x289: {  	s0 =	sshrl.u32 s0, $0x2  }
.LBB2_53:
0x28a: {  	s1 =	simm.s32 $0x7  }
0x28b: {  	_ =	swait.ge [sflag:s1], s0  }
0x28c: {  	s31 =	ssub.s32 $0x0, s0;
	[sflag:s1] =	ssyncset.done $0x0  }
0x28d: {  	[sflag:s1] =	ssyncadd.s32 s31  }
0x28e: {  	[sflag:s1] =	ssyncpa.u1 $0x1  }
.LBB2_54:
0x28f: {  	_ =	sfence;
	s0 =	simm.s32 $0x1  }
0x290: {  	[sflag:s0] =	ssyncpa.u1 $0x1  }
0x291: {  	_ =	strace $0x90000047  }
0x292: {  	[bflag:$0x2] =	sbarrier.arrive $0xFFFF  }
0x293: {  	s0 =	rddreg [dreg:$0x4]  }
0x294: {  	s0 =	sadd.s32 @!p0 $0x100000, s0  }
0x295: {  	[sflag:s0] =	ssyncadd.tile.s32 @!p0 $0x1;
	_ =	shalt  }
.Lfunc_end2:
_tile_overlayer_lowered:
.L_overlay_start_2:
0x296: {  	(tag) =	ssettag $0x2  }
0x297: {  	s0 =	rddreg [dreg:$0x0];
	s2 =	stileid.u32  }
0x298: {  	s1 =	rddreg [dreg:$0x1];
	p0 =	sne.s32 s2, $0x0  }
0x299: {  	s3 =	rddreg [dreg:$0x2];
	[bflag:$0x3] =	sbarrier.arrive $0xFFFF;
	s2 =	simm.s32 @!p0 $0x1C01  }
0x29a: {  	[timem:s3], [sflag:s2] =	dma.local @!p0 [hbm:s0], s1  }
0x29b: {  	s0 =	simm.s32 @!p0 $0x1  }
0x29c: {  	_ =	swait.ge @!p0 [sflag:s0], s1  }
0x29d: {  	s1 =	ssub.s32 @!p0 $0x0, s1;
	[sflag:s0] =	ssyncset.done @!p0 $0x0  }
0x29e: {  	[sflag:s0] =	ssyncadd.s32 @!p0 s1  }
0x29f: {  	[bflag:$0x3] =	sbarrier.arrive $0xFFFF  }
0x2a0: {  	_ =	shalt  }

// kernel: scatter_offload_async_start.2
scs
__scs_entry_jumppad:
0x0: {  	(pc) =	sbr.rel $0x88, $3  }
0x1: {  	(tag) =	ssettag $0x0;
	lr =	simm.s32 $0x1  }
0x2: {  	[smem:$0x3F94] =	sst lr;
	_ =	strace $0xD0000000  }
0x3: {  	_ = 	snop  }
0x4: {  	_ = 	snop  }
0x5: {  	_ = 	snop  }
0x6: {  	_ = 	snop  }
0x7: {  	_ = 	snop  }
__scs_overlays_trampoline_lowered:
0x8: {  	[smem:$0x3FA3] =	sst s0  }
0x9: {  	[smem:$0x3FA4] =	sst s1  }
0xa: {  	[smem:$0x3FA5] =	sst s2  }
0xb: {  	[smem:$0x3FA6] =	sst s3  }
0xc: {  	[smem:$0x3FA7] =	sst s4  }
0xd: {  	[smem:$0x3FA8] =	sst s5  }
0xe: {  	[smem:$0x3FA9] =	sst s6  }
0xf: {  	[smem:$0x3FAA] =	sst s7  }
0x10: {  	[smem:$0x3FAB] =	sst s8  }
0x11: {  	[smem:$0x3FAC] =	sst s9;
	s0 =	simm.s32 @!p0 $0x0  }
0x12: {  	s1 =	sld [smem:$0x3F92];
	s0 =	simm.s32 @p0 $0x1  }
0x13: {  	[smem:$0x3FAD] =	sst s0;
	s0 =	simm.s32 @!p1 $0x0  }
0x14: {  	s2 =	sld [smem:$0x3F91];
	s0 =	simm.s32 @p1 $0x1  }
0x15: {  	[smem:$0x3FAE] =	sst s0;
	s0 =	simm.s32 @!p2 $0x0  }
0x16: {  	s3 =	sld [smem:$0x3FDB];
	s0 =	simm.s32 @p2 $0x1  }
0x17: {  	s4 =	simm.s32 $0x1BF5;
	[smem:$0x3FB0] =	sst s0  }
0x18: {  	s0 =	sld [smem:$0x3F93];
	_ =	swait.ge [sflag:s4], $0x0  }
0x19: {  	s7 =	sld [smem:$0x3F94]  }
0x1a: {  	s8 =	sadd.s32 $0xFFFFE003, lr  }
0x1b: {  	s9 =	sadd.s32 $0xFFFFFEF7, lr;
	s5 =	simm.s32 $0xFFFFFFFF;
	p2 =	slt.u32 s8, $0xFFFFF086  }
0x1c: {  	p1 =	slt.u32 s9, $0xF7A;
	s5 =	simm.s32 @!p2 $0x0  }
0x1d: {  	s5 =	simm.s32 @p1 $0x1;
	p0 =	seq.s32 s7, s2  }
0x1e: {  	s7 =	smul.u32 @!p0 $0xF7A, s2;
	p2 =	seq.s32 @!p0 s5, $0x0  }
0x1f: {  	s9 =	smul.u32 $0xF7A, s1;
	s8 =	simm.s32 @!p0 $0x1BF5;
	p2 =	por !p2, p0  }
0x20: {  	[sflag:s8] =	ssyncset.s32 @!p0 $0xFFFFF086;
	s6 =	sadd.s32 @!p0 s3, s7;
	s7 =	simm.s32 @!p0 $0x108  }
0x21: {  	s3 =	sadd.s32 s3, s9;
	s6 =	sadd.s32 @!p0 $0x88, s6;
	s7 =	simm.s32 @p2 $0x1082  }
0x22: {  	[simem:s7], [sflag:s8] =	dma.local @!p0 [hbm:s6], $0xF7A  }
0x23: {  	s9 =	sor.u32 $0xD0000000, s2;
	s6 =	simm.s32 $0x108;
	_ =	swait.ge @!p0 [sflag:s8], $0x0  }
0x24: {  	s3 =	sadd.s32 $0x88, s3;
	s6 =	simm.s32 @!p1 $0x1082;
	[sflag:s4] =	ssyncset.s32 $0xFFFFF086  }
0x25: {  	[simem:s6], [sflag:s4] =	dma.local [hbm:s3], $0xF7A  }
0x26: {  	[smem:$0x3F94] =	sst s1;
	(tag) =	ssettag s2;
	_ =	strace s9  }
0x27: {  	s1 =	sld [smem:$0x3FA4]  }
0x28: {  	s2 =	sld [smem:$0x3FA5]  }
0x29: {  	s4 =	sld [smem:$0x3FA7]  }
0x2a: {  	p0 =	seq.s32 s5, $0x0;
	s5 =	sld [smem:$0x3FA8]  }
0x2b: {  	s6 =	sld [smem:$0x3FA9]  }
0x2c: {  	s7 =	sld [smem:$0x3FAA]  }
0x2d: {  	s3 =	simm.s32 $0x108;
	s8 =	sld [smem:$0x3FAB]  }
0x2e: {  	s3 =	simm.s32 @!p0 $0x1082;
	s9 =	sld [smem:$0x3FAC]  }
0x2f: {  	lr =	sadd.s32 s0, s3;
	s0 =	sld [smem:$0x3FA3]  }
0x30: {  	s3 =	sld [smem:$0x3FA6]  }
0x31: {  	[smem:$0x3FAF] =	sst s10  }
0x32: {  	s10 =	sld [smem:$0x3FAD];
	_ =	sdelay $0x3  }
0x33: {  	p0 =	seq.s32 s10, $0x1;
	s10 =	sld [smem:$0x3FAF];
	_ =	sdelay $0x3  }
0x34: {  	[smem:$0x3FAF] =	sst s10  }
0x35: {  	s10 =	sld [smem:$0x3FAE];
	_ =	sdelay $0x3  }
0x36: {  	p1 =	seq.s32 s10, $0x1;
	s10 =	sld [smem:$0x3FAF];
	_ =	sdelay $0x3  }
0x37: {  	[smem:$0x3FAF] =	sst s10  }
0x38: {  	s10 =	sld [smem:$0x3FB0]  }
0x39: {  	_ = 	snop;
	(pc) =	sbr.ind lr, $3  }
0x3a: {  	_ = 	snop  }
0x3b: {  	_ = 	snop  }
0x3c: {  	p2 =	seq.s32 s10, $0x1;
	s10 =	sld [smem:$0x3FAF]  }
0x3d: {  	_ =	shalt  }
0x3e: {  	_ =	shalt  }
0x3f: {  	_ =	shalt  }
0x40: {  	_ =	shalt  }
0x41: {  	_ =	shalt  }
0x42: {  	_ =	shalt  }
0x43: {  	_ =	shalt  }
0x44: {  	_ =	shalt  }
0x45: {  	_ =	shalt  }
0x46: {  	_ =	shalt  }
0x47: {  	_ =	shalt  }
0x48: {  	_ =	shalt  }
0x49: {  	_ =	shalt  }
0x4a: {  	_ =	shalt  }
0x4b: {  	_ =	shalt  }
0x4c: {  	_ =	shalt  }
0x4d: {  	_ =	shalt  }
0x4e: {  	_ =	shalt  }
0x4f: {  	_ =	shalt  }
0x50: {  	_ =	shalt  }
0x51: {  	_ =	shalt  }
0x52: {  	_ =	shalt  }
0x53: {  	_ =	shalt  }
0x54: {  	_ =	shalt  }
0x55: {  	_ =	shalt  }
0x56: {  	_ =	shalt  }
0x57: {  	_ =	shalt  }
0x58: {  	_ =	shalt  }
0x59: {  	_ =	shalt  }
0x5a: {  	_ =	shalt  }
0x5b: {  	_ =	shalt  }
0x5c: {  	_ =	shalt  }
0x5d: {  	_ =	shalt  }
0x5e: {  	_ =	shalt  }
0x5f: {  	_ =	shalt  }
0x60: {  	_ =	shalt  }
0x61: {  	_ =	shalt  }
0x62: {  	_ =	shalt  }
0x63: {  	_ =	shalt  }
0x64: {  	_ =	shalt  }
0x65: {  	_ =	shalt  }
0x66: {  	_ =	shalt  }
0x67: {  	_ =	shalt  }
0x68: {  	_ =	shalt  }
0x69: {  	_ =	shalt  }
0x6a: {  	_ =	shalt  }
0x6b: {  	_ =	shalt  }
0x6c: {  	_ =	shalt  }
0x6d: {  	_ =	shalt  }
0x6e: {  	_ =	shalt  }
0x6f: {  	_ =	shalt  }
0x70: {  	_ =	shalt  }
0x71: {  	_ =	shalt  }
0x72: {  	_ =	shalt  }
0x73: {  	_ =	shalt  }
0x74: {  	_ =	shalt  }
0x75: {  	_ =	shalt  }
0x76: {  	_ =	shalt  }
0x77: {  	_ =	shalt  }
0x78: {  	_ =	shalt  }
0x79: {  	_ =	shalt  }
0x7a: {  	_ =	shalt  }
0x7b: {  	_ =	shalt  }
0x7c: {  	_ =	shalt  }
0x7d: {  	_ =	shalt  }
0x7e: {  	_ =	shalt  }
0x7f: {  	_ =	shalt  }
0x80: {  	_ =	shalt  }
0x81: {  	_ =	shalt  }
0x82: {  	_ =	shalt  }
0x83: {  	_ =	shalt  }
0x84: {  	_ =	shalt  }
0x85: {  	_ =	shalt  }
0x86: {  	_ =	shalt  }
0x87: {  	_ =	shalt  }
.Lfunc_end0:
.L_simem_size_0:
called_computation.2_lowered:
.L_overlay_start_0:
0x88: {  	s2 =	sld [smem:$0x3FD9]  }
0x89: {  	s3 =	sld [smem:$0x3FFE];
	_ =	sdelay $0x1  }
0x8a: {  	s1 =	srdreg.scid  }
0x8b: {  	s0 =	sand.u32 $0x1, s1  }
0x8c: {  	s10 =	sshll.u32 s0, $0xA;
	s2 =	sadd.s32 s3, s2  }
0x8d: {  	s2 =	sadd.s32 s2, s10  }
0x8e: {  	[smem:$0x3FBB] =	sst s2  }
0x8f: {  	_ = 	snop  }
0x90: {  	s2 =	sld [smem:$0x3FD0];
	_ =	sdelay $0x2  }
0x91: {  	s11 =	simm.s32 $0xF;
	s4 =	simm.s32 $0x10  }
0x92: {  	[smem:s4], [sflag:s11] =	dma.local [hbm:s2], $0x1  }
0x93: {  	_ =	swait.eq [sflag:s11], $0x1  }
0x94: {  	[sflag:s11] =	ssyncset.done $0x0  }
0x95: {  	[sflag:s11] =	ssyncadd.s32 $0xFFFFFFFF  }
0x96: {  	s12 =	sld [smem:$0x10];
	(tm) =	ssettm $0x1  }
0x97: {  	s13 =	sld [smem:$0x3FFB];
	_ =	sdelay $0x3  }
0x98: {  	_ =	strace s13  }
0x99: {  	s2 =	sld [smem:$0x3FFC];
	_ =	sdelay $0x3  }
0x9a: {  	_ =	strace s2  }
0x9b: {  	s2 =	sld [smem:$0x3FFD];
	_ =	sdelay $0x3  }
0x9c: {  	_ =	strace s2  }
0x9d: {  	_ =	strace $0x8FFFFFFF  }
0x9e: {  	s14 =	sld [smem:$0x3FDB];
	_ =	sdelay $0x1  }
0x9f: {  	s15 =	simm.s32 $_scs_section_size  }
0xa0: {  	s5 =	simm.s32 $_size__tile_overlayer_lowered;
	s6 =	simm.s32 $_tile_overlayer_lowered  }
0xa1: {  	s19 =	simm.s32 $0x1BFF;
	s17 =	sshll.u32 s6, $0x1;
	s7 =	sadd.s32 s15, s14  }
0xa2: {  	s20 =	simm.s32 $0x0;
	s16 =	sshll.u32 s5, $0x1;
	s18 =	sadd.s32 s17, s7  }
0xa3: {  	[timem:s20], [sflag:s19] =	dma.local [hbm:s18], s16  }
0xa4: {  	_ =	swait.ge [sflag:s19], s16  }
0xa5: {  	s4 =	ssub.s32 $0x0, s16;
	[sflag:s19] =	ssyncset.done $0x0  }
0xa6: {  	[sflag:s19] =	ssyncadd.s32 s4;
	_ =	sdelay $0x1  }
0xa7: {  	s21 =	simm.s32 $0x1B8B  }
0xa8: {  	_ =	swait.ge [sflag:s21], $0x1  }
0xa9: {  	[sflag:s21] =	ssyncset.done $0x0  }
0xaa: {  	[sflag:s21] =	ssyncadd.s32 $0xFFFFFFFF  }
0xab: {  	s4 =	sld [smem:$0x0]  }
0xac: {  	s5 =	sand.u32 $0xFFFFFFFE, s1  }
0xad: {  	p0 =	sne.s32 s1, s5  }
0xae: {  	s5 =	sshll.u32 @p0 s5, $0xE  }
0xaf: {  	s6 =	sadd.s32 @p0 $0x11B8D, s5;
	s8 =	sshll.u32 @p0 s4, $0x11  }
0xb0: {  	s6 =	sor.u32 @p0 s8, s6  }
0xb1: {  	[sflag:s6] =	ssyncadd.remote.s32 @p0 $0x1;
	_ =	sdelay $0x1  }
0xb2: {  	s6 =	simm.s32 @p0 $0x1B8D  }
0xb3: {  	_ =	swait.eq @p0 [sflag:s6], $0x1  }
0xb4: {  	[sflag:s6] =	ssyncadd.s32 @p0 $0xFFFFFFFF  }
0xb5: {  	s8 =	sshll.u32 @!p0 s1, $0xE  }
0xb6: {  	s8 =	sor.u32 @!p0 $0x4000, s8;
	s6 =	simm.s32 @!p0 $0x1B8D  }
0xb7: {  	s10 =	sshll.u32 @!p0 s4, $0x11;
	s9 =	sadd.s32 @!p0 $0x11B8D, s8;
	_ =	swait.eq @!p0 [sflag:s6], $0x1  }
0xb8: {  	[sflag:s6] =	ssyncadd.s32 @!p0 $0xFFFFFFFF;
	s6 =	sor.u32 @!p0 s10, s9  }
0xb9: {  	s23 =	simm.s32 $0x1B8E;
	s22 =	sld [smem:$0x3FFE];
	[sflag:s6] =	ssyncadd.remote.s32 @!p0 $0x1  }
0xba: {  	s24 =	simm.s32 $execute0_lowered;
	[smem:$0x3FD2] =	sst s23  }
0xbb: {  	s9 =	sshll.u32 s24, $0x1;
	_ =	strace $0x80000055;
	[dreg:$0x1] =	wrdreg $0xFFFFFFFF  }
0xbc: {  	s25 =	simm.s32 $_size_execute0_lowered;
	s9 =	sadd.s32 s7, s9;
	[dreg:$0x0] =	wrdreg $0x0  }
0xbd: {  	s10 =	sshll.u32 s25, $0x1;
	[dreg:$0x2] =	wrdreg s9  }
0xbe: {  	[dreg:$0x3] =	wrdreg s10  }
0xbf: {  	[dreg:$0x4] =	wrdreg $0xC0  }
0xc0: {  	s26 =	simm.s32 $execute1_lowered;
	_ =	task [dreg:s20], $0x5FFFF  }
0xc1: {  	s9 =	sshll.u32 s26, $0x1;
	[dreg:$0x1] =	wrdreg $0xFFFFFFFF  }
0xc2: {  	s7 =	sadd.s32 s7, s9;
	[dreg:$0x0] =	wrdreg $0x60  }
0xc3: {  	[dreg:$0x2] =	wrdreg s7  }
0xc4: {  	[dreg:$0x3] =	wrdreg s22  }
0xc5: {  	[dreg:$0x4] =	wrdreg $0xB  }
0xc6: {  	_ =	task.clear_ibuf [dreg:s20], $0x5FFFF;
	_ =	strace $0x90000055  }
0xc7: {  	s28 =	simm.s32 $0xB;
	_ =	strace $0x80000057  }
0xc8: {  	_ =	swait.ge [sflag:s28], $0x1  }
0xc9: {  	[sflag:s28] =	ssyncadd.s32 $0xFFFFFFFF  }
0xca: {  	_ =	strace $0x90000057  }
0xcb: {  	s7 =	sld [smem:$0x0];
	_ =	sdelay $0x3  }
0xcc: {  	s5 =	sadd.s32 @p0 $0x11BF3, s5;
	s9 =	sshll.u32 @p0 s7, $0x11  }
0xcd: {  	s5 =	sor.u32 @p0 s9, s5  }
0xce: {  	[sflag:s5] =	ssyncadd.remote.s32 @p0 $0x1;
	_ =	sdelay $0x1  }
0xcf: {  	s5 =	simm.s32 @p0 $0x1BF3  }
0xd0: {  	_ =	swait.eq @p0 [sflag:s5], $0x1  }
0xd1: {  	[sflag:s5] =	ssyncadd.s32 @p0 $0xFFFFFFFF;
	_ =	sdelay $0x1  }
0xd2: {  	s5 =	simm.s32 @!p0 $0x1BF3  }
0xd3: {  	s8 =	sadd.s32 @!p0 $0x11BF3, s8;
	s7 =	sshll.u32 @!p0 s7, $0x11;
	_ =	swait.eq @!p0 [sflag:s5], $0x1  }
0xd4: {  	[sflag:s5] =	ssyncadd.s32 @!p0 $0xFFFFFFFF;
	s5 =	sor.u32 @!p0 s7, s8  }
0xd5: {  	[sflag:s5] =	ssyncadd.remote.s32 @!p0 $0x1  }
0xd6: {  	_ =	strace $0x80000058;
	[dreg:$0x1] =	wrdreg $0xFFFFFFFF  }
0xd7: {  	[dreg:$0x0] =	wrdreg $0x2030  }
0xd8: {  	[dreg:$0x2] =	wrdreg s22  }
0xd9: {  	[dreg:$0x3] =	wrdreg s12  }
0xda: {  	[dreg:$0x4] =	wrdreg s1  }
0xdb: {  	[dreg:$0x5] =	wrdreg s4  }
0xdc: {  	[dreg:$0x6] =	wrdreg $0xC  }
0xdd: {  	_ =	task.clear_ibuf [dreg:s20], $0x7FFFF;
	_ =	strace $0x90000058  }
0xde: {  	s29 =	simm.s32 $0xC;
	_ =	strace $0x8000005A  }
0xdf: {  	_ =	swait.ge [sflag:s29], $0x1  }
0xe0: {  	[sflag:s29] =	ssyncadd.s32 $0xFFFFFFFF  }
0xe1: {  	_ =	strace $0x9000005A  }
0xe2: {  	_ =	sfence  }
0xe3: {  	s30 =	sld [smem:$0x0];
	_ =	sdelay $0x2  }
0xe4: {  	s31 =	sshll.u32 s1, $0xD;
	s1 =	sshrl.u32 s1, $0x2  }
0xe5: {  	s4 =	sand.u32 $0x4000, s31;
	s1 =	sadd.s32 s1, s30  }
0xe6: {  	s0 =	sor.u32 s4, s0;
	s1 =	sshll.u32 s1, $0x11  }
0xe7: {  	s0 =	sor.u32 s1, s0  }
0xe8: {  	s0 =	sadd.s32 $0x8F2B, s0  }
0xe9: {  	[sflag:s0] =	ssyncadd.remote.s32 $0x1  }
0xea: {  	_ =	sfence.sel $0xFFFF  }
0xeb: {  	[dreg:$0x0] =	wrdreg $0xFFFFFFFF;
	(pc) =	sbr.abs _section_cstart, $3  }
0xec: {  	[dreg:$0x1] =	wrdreg $0xFFFFFFFF  }
0xed: {  	_ =	task.clear_ibuf [dreg:s20], $0x2FFFF;
	_ =	strace $0x9FFFFFFF  }
0xee: {  	(tm) =	ssettm $0x7FFFFFFF  }
0xef: {  	_ =	shalt  }
tec
execute0_lowered:
.L_overlay_start_1:
0x0: {  	(tag) =	ssettag $0x1  }
0x1: {  	s2 =	rddreg [dreg:$0x0]  }
0x2: {  	s4 =	rddreg [dreg:$0x1]  }
0x3: {  	s0 =	rddreg [dreg:$0x2];
	s3 =	stileid.u32;
	[bflag:$0x3] =	sbarrier.arrive $0xFFFF  }
0x4: {  	s1 =	simm.s32 $_size_execute1_lowered;
	s29 =	srdreg.scid;
	p0 =	sne.s32 s3, $0x0  }
0x5: {  	s1 =	sshll.u32 s1, $0x1;
	s5 =	simm.s32 @!p0 $0x1C3F;
	s6 =	simm.s32 @!p0 $0x4060  }
0x6: {  	[timem:s6], [sflag:s5] =	dma.local @!p0 [hbm:s2], s1  }
0x7: {  	s8 =	simm.s32 $0x2;
	s2 =	sshll.u32 s29, $0x7  }
0x8: {  	s9 =	simm.s32 $0x0;
	s3 =	sshll.u32 s3, $0x8;
	s2 =	sand.u32 $0x80, s2  }
0x9: {  	s11 =	simm.s32 $0x0;
	s10 =	simm.s32 $0x0;
	s2 =	sor.u32 s3, s2  }
0xa: {  	_ =	strace $0x80000056;
	s3 =	sshll.u32 s2, $0x4;
	s30 =	ssub.s32 $0x1000, s2  }
.Ltmp0:
0xb: {  	s31 =	sadd.s32 s3, s4;
	s7 =	sand.u32 $0xF80, s30;
	(pc) =	sbr.rel .LBB2_1-.Ltmp0, $4  }
0xc: {  	s3 =	simm.s32 $0x1;
	p1 =	sne.s32 s7, $0x0;
	s7 =	simm.s32 $0x1  }
0xd: {  	s5 =	sshrl.u32 s30, $0xC;
	s4 =	sadd.s32 $0x10800, s4;
	s7 =	simm.s32 @!p1 $0x0  }
0xe: {  	[sflag:s3] =	ssyncpa.u1 $0x0;
	s6 =	sadd.s32 $0x62000, s31;
	s5 =	sadd.s32 s7, s5  }
0xf: {  	[sflag:s8] =	ssyncpa.u1 $0x0;
	s8 =	simm.s32 $0x0;
	s7 =	sadd.s32 $0x1, s5  }
.LBB2_4:
0x10: {  	_ =	sdelay $0x3  }
0x11: {  	[tilespmem:v0+s13+$0xFFFFFFA0 ss:$0x1] =	vst.idx.msk $0xffff, v6  }
0x12: {  	v56 =	vld.idx.msk [tilespmem:v1+s14+$0x30 ss:$0x1], $0xffff;
	[tilespmem:v0+s13+$0xFFFFFFB0 ss:$0x1] =	vst.idx.msk $0xffff, v4  }
0x13: {  	v57 =	vld.idx.msk [tilespmem:v1+s14+$0xFFFFFFC0 ss:$0x1], $0xffff;
	[tilespmem:v0+s13+$0xFFFFFFC0 ss:$0x1] =	vst.idx.msk $0xffff, v2  }
0x14: {  	v58 =	vld.idx.msk [tilespmem:v1+s14+$0xFFFFFFD0 ss:$0x1], $0xffff;
	[tilespmem:v0+s13+$0xFFFFFFD0 ss:$0x1] =	vst.idx.msk $0xffff, v3  }
0x15: {  	v59 =	vld.idx.msk [tilespmem:v1+s14+$0xFFFFFFE0 ss:$0x1], $0xffff;
	[tilespmem:v0+s13+$0xFFFFFFE0 ss:$0x1] =	vst.idx.msk $0xffff, v5  }
0x16: {  	v60 =	vld.idx.msk [tilespmem:v1+s14+$0xFFFFFFF0 ss:$0x1], $0xffff;
	[tilespmem:v0+s13+$0xFFFFFFF0 ss:$0x1] =	vst.idx.msk $0xffff, v7  }
0x17: {  	v61 =	vld.idx.msk [tilespmem:v1+s14+$0x0 ss:$0x1], $0xffff;
	[tilespmem:v0+s14+$0x0 ss:$0x1] =	vst.idx.msk $0xffff, v56  }
0x18: {  	v62 =	vld.idx.msk [tilespmem:v1+s14+$0x10 ss:$0x1], $0xffff;
	[tilespmem:v0+s14+$0xFFFFFF90 ss:$0x1] =	vst.idx.msk $0xffff, v57  }
0x19: {  	v63 =	vld.idx.msk [tilespmem:v1+s14+$0x20 ss:$0x1], $0xffff;
	[tilespmem:v0+s14+$0xFFFFFFA0 ss:$0x1] =	vst.idx.msk $0xffff, v58  }
0x1a: {  	[tilespmem:v0+s14+$0xFFFFFFB0 ss:$0x1] =	vst.idx.msk $0xffff, v59  }
0x1b: {  	[tilespmem:v0+s14+$0xFFFFFFC0 ss:$0x1] =	vst.idx.msk $0xffff, v60  }
0x1c: {  	s11 =	sshll.u32 s11, $0x4;
	[tilespmem:v0+s14+$0xFFFFFFD0 ss:$0x1] =	vst.idx.msk $0xffff, v61  }
0x1d: {  	s11 =	sand.u32 $0xFFF0, s11;
	[tilespmem:v0+s14+$0xFFFFFFE0 ss:$0x1] =	vst.idx.msk $0xffff, v62  }
0x1e: {  	s11 =	sadd.s32 s4, s11;
	[tilespmem:v0+s14+$0xFFFFFFF0 ss:$0x1] =	vst.idx.msk $0xffff, v63  }
0x1f: {  	[hbm4b:s11+s8] =	stream.linear.scatter [tilespmem:s12], [sflag:$0x2], $0x4000, $0x38;
	[tilespmem:$0x10000] =	vst v63  }
.LBB2_5:
0x20: {  	p2 =	sne.s32 s10, s7  }
.Ltmp1:
0x21: {  	p1 =	slt.u32 s10, $0x2;
	(pc) =	sbr.rel @!p2 .LBB2_6-.Ltmp1, $4  }
0x22: {  	s11 =	simm.s32 @!p1 $0x2  }
0x23: {  	_ =	swait.ge @!p1 [sflag:s11], $0x4000  }
0x24: {  	s12 =	sadd.s32 $0x1, s10;
	s9 =	sadd.s32 $0x4000, s9;
	[sflag:s11] =	ssyncset.done @!p1 $0x0  }
0x25: {  	s10 =	smov.u32 s12;
	[sflag:s11] =	ssyncadd.s32 @!p1 $0xFFFFC000;
	s11 =	smov.u32 s2  }
.LBB2_1:
0x26: {  	p1 =	sge.u32 s10, s5  }
0x27: {  	s12 =	sxor.u32 @!p1 $0xFFFFFFFF, s10  }
0x28: {  	s12 =	sshll.u32 @!p1 s12, $0xE  }
0x29: {  	s31 =	sadd.s32 $0xFFFFFFFF, s10;
	s13 =	simm.s32 @!p1 $0x0;
	s12 =	sand.u32 @!p1 $0x4000, s12  }
0x2a: {  	[tilespmem:s12], [sflag:$0x1] =	stream.linear.gather @!p1 [hbm4b:s6+s13], $0x4000, $0x38;
	[tilespmem:$0x10000] =	vst v63  }
0x2b: {  	p1 =	sge.u32 s31, s5  }
.Ltmp2:
0x2c: {  	_ = 	snop;
	(pc) =	sbr.rel @p1 .LBB2_5-.Ltmp2, $1  }
0x2d: {  	_ =	sdelay $0x3  }
0x2e: {  	s12 =	sand.u32 $0x4000, s9  }
0x2f: {  	s13 =	sor.u32 $0x40, s12  }
0x30: {  	v1 =	vmov s13;
	_ =	sdelay $0x1  }
0x31: {  	_ =	swait.ge [sflag:s3], $0x4000  }
0x32: {  	[sflag:s3] =	ssyncset.done $0x0  }
0x33: {  	[sflag:s3] =	ssyncadd.s32 $0xFFFFC000;
	s13 =	simm.s32 $0x0  }
0x34: {  	s12 =	sor.u32 $0x8070, s12;
	v7 =	vld.idx.msk [tilespmem:v1+s13+$0x30 ss:$0x1], $0xffff  }
0x35: {  	v0 =	vmov s12;
	v8 =	vld.idx.msk [tilespmem:v1+s13+$0xFFFFFFC0 ss:$0x1], $0xffff  }
0x36: {  	v6 =	vld.idx.msk [tilespmem:v1+s13+$0xFFFFFFD0 ss:$0x1], $0xffff  }
0x37: {  	v4 =	vld.idx.msk [tilespmem:v1+s13+$0xFFFFFFE0 ss:$0x1], $0xffff  }
0x38: {  	v2 =	vld.idx.msk [tilespmem:v1+s13+$0xFFFFFFF0 ss:$0x1], $0xffff  }
0x39: {  	s31 =	sshll.u32 s10, $0xE;
	v3 =	vld.idx.msk [tilespmem:v1+s13+$0x0 ss:$0x1], $0xffff  }
0x3a: {  	s12 =	sand.u32 $0x4000, s31;
	v5 =	vld.idx.msk [tilespmem:v1+s13+$0x10 ss:$0x1], $0xffff;
	[tilespmem:v0+s13+$0x0 ss:$0x1] =	vst.idx.msk $0xffff, v7  }
0x3b: {  	s14 =	simm.s32 $0x80;
	s15 =	simm.s32 $0x400;
	s12 =	sor.u32 $0x8000, s12;
	[tilespmem:v0+s13+$0xFFFFFF90 ss:$0x1] =	vst.idx.msk $0xffff, v8;
	v7 =	vld.idx.msk [tilespmem:v1+s13+$0x20 ss:$0x1], $0xffff  }
.LBB2_3:
0x3c: {  	p1 =	sne.s32 s15, $0xFE00;
	v8 =	vld.idx.msk [tilespmem:v1+s14+$0x30 ss:$0x1], $0xffff;
	[tilespmem:v0+s13+$0xFFFFFFA0 ss:$0x1] =	vst.idx.msk $0xffff, v6  }
0x3d: {  	v9 =	vld.idx.msk [tilespmem:v1+s14+$0xFFFFFFC0 ss:$0x1], $0xffff;
	[tilespmem:v0+s13+$0xFFFFFFB0 ss:$0x1] =	vst.idx.msk $0xffff, v4  }
0x3e: {  	v6 =	vld.idx.msk [tilespmem:v1+s14+$0xFFFFFFD0 ss:$0x1], $0xffff;
	[tilespmem:v0+s13+$0xFFFFFFC0 ss:$0x1] =	vst.idx.msk $0xffff, v2  }
.Ltmp3:
0x3f: {  	v4 =	vld.idx.msk [tilespmem:v1+s14+$0xFFFFFFE0 ss:$0x1], $0xffff;
	[tilespmem:v0+s13+$0xFFFFFFD0 ss:$0x1] =	vst.idx.msk $0xffff, v3;
	(pc) =	sbr.rel @p1 .LBB2_3-.Ltmp3, $4  }
0x40: {  	v2 =	vld.idx.msk [tilespmem:v1+s14+$0xFFFFFFF0 ss:$0x1], $0xffff;
	[tilespmem:v0+s13+$0xFFFFFFE0 ss:$0x1] =	vst.idx.msk $0xffff, v5  }
0x41: {  	v3 =	vld.idx.msk [tilespmem:v1+s14+$0x0 ss:$0x1], $0xffff;
	[tilespmem:v0+s13+$0xFFFFFFF0 ss:$0x1] =	vst.idx.msk $0xffff, v7;
	s13 =	smov.u32 s14  }
0x42: {  	v5 =	vld.idx.msk [tilespmem:v1+s13+$0x10 ss:$0x1], $0xffff;
	[tilespmem:v0+s13+$0x0 ss:$0x1] =	vst.idx.msk $0xffff, v8  }
0x43: {  	s14 =	sshra.s32 s15, $0x2;
	s15 =	sadd.s32 $0x200, s15;
	[tilespmem:v0+s13+$0xFFFFFF90 ss:$0x1] =	vst.idx.msk $0xffff, v9;
	v7 =	vld.idx.msk [tilespmem:v1+s13+$0x20 ss:$0x1], $0xffff  }
.Ltmp4:
0x44: {  	_ = 	snop;
	(pc) =	sbr.rel .LBB2_4-.Ltmp4, $1  }
0x45: {  	_ =	sdelay $0x3  }
.LBB2_6:
0x46: {  	_ =	sfence.sel $0x180000  }
0x47: {  	s2 =	simm.s32 $0x1;
	[bflag:$0x0] =	sbarrier.arrive $0xFFFF  }
0x48: {  	s31 =	simm.s32 $0x2;
	[sflag:s2] =	ssyncpa.u1 $0x1  }
0x49: {  	[sflag:s31] =	ssyncpa.u1 $0x1  }
0x4a: {  	_ =	strace $0x90000056  }
0x4b: {  	s0 =	sadd.s32 @!p0 $0x100000, s0;
	[bflag:$0x2] =	sbarrier.arrive $0xFFFF  }
0x4c: {  	[sflag:s0] =	ssyncadd.tile.s32 @!p0 $0x1;
	s0 =	simm.s32 @!p0 $0x3F  }
0x4d: {  	_ =	swait.ge @!p0 [sflag:s0], s1  }
0x4e: {  	s1 =	ssub.s32 @!p0 $0x0, s1;
	[sflag:s0] =	ssyncset.done @!p0 $0x0  }
0x4f: {  	[sflag:s0] =	ssyncadd.s32 @!p0 s1  }
0x50: {  	[bflag:$0x3] =	sbarrier.arrive $0xFFFF  }
0x51: {  	_ =	shalt  }
.Lfunc_end2:
execute1_lowered:
.L_overlay_start_2:
0x52: {  	(tag) =	ssettag $0x2  }
0x53: {  	s2 =	rddreg [dreg:$0x0]  }
0x54: {  	s9 =	rddreg [dreg:$0x1]  }
0x55: {  	s3 =	rddreg [dreg:$0x2];
	_ =	strace $0x80000059;
	s0 =	simm.s32 $0x1  }
0x56: {  	v0 =	vimm.s32 $0x0;
	[sflag:s0] =	ssyncpa.u1 $0x0;
	s0 =	simm.s32 $0x108  }
0x57: {  	[tilespmem:s0+$0x70] =	vst v0  }
0x58: {  	[tilespmem:s0+$0x60] =	vst v0  }
0x59: {  	[tilespmem:s0+$0x50] =	vst v0  }
0x5a: {  	[tilespmem:s0+$0x40] =	vst v0  }
0x5b: {  	s1 =	sadd.s32 $0x10800, s2;
	[tilespmem:s0+$0x30] =	vst v0  }
0x5c: {  	s15 =	sadd.s32 $0x10000, s2;
	s3 =	sand.u32 $0x1, s3;
	s14 =	sadd.s32 $0x10400, s2;
	[tilespmem:s0+$0x20] =	vst v0  }
0x5d: {  	[dreg:$0x5] =	wrdreg s3;
	s16 =	sshll.u32 s3, $0x9;
	s3 =	simm.s32 $0x40;
	[tilespmem:s0+$0x10] =	vst v0  }
.LBB3_1:
0x5e: {  	s3 =	sadd.s32 $0x40, s3;
	[tilespmem:s0+$0x0] =	vst v0;
	s0 =	sadd.s32 $0x80, s0  }
0x5f: {  	p0 =	slt.u32 s3, $0x3C40;
	[tilespmem:s0+$0x70] =	vst v0  }
0x60: {  	[tilespmem:s0+$0x60] =	vst v0  }
.Ltmp5:
0x61: {  	[tilespmem:s0+$0x50] =	vst v0;
	(pc) =	sbr.rel @p0 .LBB3_1-.Ltmp5, $4  }
0x62: {  	[tilespmem:s0+$0x40] =	vst v0  }
0x63: {  	[tilespmem:s0+$0x30] =	vst v0  }
0x64: {  	[tilespmem:s0+$0x20] =	vst v0  }
0x65: {  	[tilespmem:s0+$0x10] =	vst v0  }
0x66: {  	s5 =	stileid.u32  }
0x67: {  	s2 =	smin.u32 s5, $0x2  }
0x68: {  	s2 =	sadd.s32 s5, s2  }
0x69: {  	p0 =	slt.u32 s5, $0x2;
	s7 =	smul.u32 $0xF0, s2;
	s2 =	simm.s32 $0x1E0  }
0x6a: {  	s2 =	simm.s32 @!p0 $0xF0  }
0x6b: {  	s2 =	sadd.s32 s2, s7  }
0x6c: {  	s8 =	smin.u32 s2, $0x1000  }
0x6d: {  	s2 =	ssub.s32 s8, s7  }
0x6e: {  	p0 =	sgt.s32 s2, $0x0  }
0x6f: {  	s2 =	simm.s32 @!p0 $0x0  }
0x70: {  	s30 =	simm.s32 $0x2;
	s10 =	simm.s32 $0x9;
	s3 =	smul.u32 $0x8889, s2  }
0x71: {  	s4 =	simm.s32 $0xA;
	s11 =	simm.s32 $0xB;
	s12 =	simm.s32 $0x1  }
0x72: {  	s14 =	sadd.s32 s16, s14;
	s15 =	sadd.s32 s16, s15;
	s31 =	sshrl.u32 s3, $0x17  }
0x73: {  	s22 =	simm.s32 $0x0;
	s18 =	simm.s32 $0xC;
	s3 =	smul.u32 $0xF0, s31  }
.Ltmp6:
0x74: {  	[tilespmem:s0+$0x0] =	vst v0;
	v0 =	vimm.s32 $0xFFFFFFFF;
	s20 =	simm.s32 $0x0;
	[sflag:s30] =	ssyncpa.u1 $0x0;
	(pc) =	sbr.rel .LBB3_3-.Ltmp6, $4  }
0x75: {  	[tilespmem:$0xF208] =	vst v0;
	[sflag:s10] =	ssyncpa.u1 $0x0;
	p0 =	sne.s32 s2, s3;
	s2 =	simm.s32 $0x1  }
0x76: {  	s21 =	simm.s32 $0x0;
	[sflag:s4] =	ssyncpa.u1 $0x0;
	s2 =	simm.s32 @!p0 $0x0  }
0x77: {  	s16 =	sshll.u32 s5, $0x8;
	[sflag:s11] =	ssyncpa.u1 $0x0;
	s13 =	sadd.s32 s31, s2  }
0x78: {  	v0 =	vlaneseq.u32;
	s19 =	smov.u32 s7;
	p0 =	por $0x0, $0x0;
	s17 =	sadd.s32 $0x1, s13  }
.LBB3_18:
0x79: {  	s0 =	sshrl.u32 s31, $0x2  }
.LBB3_20:
0x7a: {  	_ =	swait.ge [sflag:s18], s0  }
0x7b: {  	s31 =	ssub.s32 $0x0, s0;
	v1 =	vmov s25;
	vm0 =	veq.s32 v0, $0x0;
	[sflag:s18] =	ssyncset.done $0x0  }
0x7c: {  	vm15 =	veq.s32 v0, $0x2;
	v1 =	vsel vm0, s30, v1;
	[sflag:s18] =	ssyncadd.s32 s31  }
0x7d: {  	v1 =	vsel vm15, s22, v1;
	[sflag:s18] =	ssyncpa.u1 $0x1  }
0x7e: {  	[tilespmem:$0xF208] =	vst v1  }
.LBB3_21:
0x7f: {  	s0 =	sadd.s32 $0xF0, s19  }
0x80: {  	s2 =	smov.u32 s7;
	p1 =	slt.s32 s0, s8  }
0x81: {  	s2 =	smov.u32 @p1 s0;
	p1 =	sne.s32 s21, s17  }
.Ltmp7:
0x82: {  	_ = 	snop;
	(pc) =	sbr.rel @!p1 .LBB3_22-.Ltmp7, $3  }
0x83: {  	_ =	sdelay $0x1  }
0x84: {  	s22 =	smov.u32 s20;
	s31 =	sadd.s32 $0x1, s21;
	s20 =	smov.u32 s19  }
0x85: {  	p0 =	por !p0, !p0;
	s21 =	smov.u32 s31;
	s19 =	smov.u32 s2  }
.LBB3_3:
0x86: {  	p1 =	sge.u32 s21, s13  }
0x87: {  	s0 =	smulhi.u32 @!p1 $0xAAAAAAAB, s21  }
0x88: {  	s2 =	smov.u32 s19;
	p2 =	sgt.s32 @!p1 s19, $0xF10  }
0x89: {  	s3 =	sshra.s32 @!p1 s19, $0x1F;
	p2 =	por !p2, p1;
	s0 =	sshrl.u32 @!p1 s0, $0x1  }
0x8a: {  	s3 =	sand.u32 @!p1 s3, s19;
	s2 =	simm.s32 @p2 $0xF10;
	s0 =	smul.u32 @!p1 $0x3, s0  }
0x8b: {  	s2 =	ssub.s32 @!p1 s2, s3  }
0x8c: {  	s2 =	sadd.s32 @!p1 $0xFFFFF0F0, s2;
	s0 =	ssub.s32 @!p1 s21, s0  }
0x8d: {  	s3 =	sshll.u32 @!p1 s2, $0x2;
	p2 =	sgt.s32 @!p1 s2, $0xEF;
	s0 =	smul.u32 @!p1 $0x3C0, s0  }
0x8e: {  	s4 =	sand.u32 @!p1 $0x7, s19;
	s2 =	ssub.s32 @!p1 $0x3C0, s3;
	p2 =	por !p2, p1  }
0x8f: {  	s3 =	sshrl.u32 @!p1 s19, $0x3;
	s2 =	sshrl.u32 @!p1 s2, $0x2;
	s0 =	sshrl.u32 @!p1 s0, $0x2  }
0x90: {  	s3 =	sadd.s32 @!p1 s3, s14;
	s2 =	simm.s32 @!p2 $0x0;
	s0 =	sadd.s32 @!p1 $0x10248, s0  }
0x91: {  	[tilespmem:s0], [sflag:$0xA] =	stream.linear.gather @!p1 [hbm4b:s3+s4], s2, $0x38;
	[tilespmem:$0x1F6F8] =	vst v63  }
0x92: {  	s0 =	sadd.s32 $0xFFFFFFFF, s21  }
0x93: {  	p1 =	sge.u32 s0, s13  }
0x94: {  	p2 =	sgt.s32 @!p1 s20, $0xF10  }
0x95: {  	s2 =	smov.u32 s20;
	s3 =	sshra.s32 @!p1 s20, $0x1F;
	p2 =	por !p2, p1  }
0x96: {  	s3 =	sand.u32 @!p1 s3, s20;
	s2 =	simm.s32 @p2 $0xF10  }
0x97: {  	s2 =	ssub.s32 @!p1 s2, s3  }
0x98: {  	s2 =	sadd.s32 @!p1 $0xFFFFF0F0, s2  }
0x99: {  	s4 =	sand.u32 @!p1 $0x1, s0;
	s3 =	sshll.u32 @!p1 s2, $0x2  }
0x9a: {  	p2 =	sgt.s32 @!p1 s2, $0xEF;
	s2 =	ssub.s32 @!p1 $0x3C0, s3;
	s3 =	smulhi.u32 @!p1 $0xAAAAAAAB, s0  }
0x9b: {  	s23 =	smul.u32 @!p1 $0x3C0, s4;
	p2 =	por !p2, p1;
	s2 =	sshrl.u32 @!p1 s2, $0x2  }
0x9c: {  	s5 =	simm.s32 @!p1 $0xA;
	s2 =	simm.s32 @!p2 $0x0;
	s3 =	sshrl.u32 @!p1 s3, $0x1  }
0x9d: {  	s23 =	sshrl.u32 @!p1 s23, $0x2;
	_ =	swait.ge @!p1 [sflag:s5], s2;
	s3 =	smul.u32 @!p1 $0x3, s3  }
0x9e: {  	s23 =	sadd.s32 @!p1 $0x10518, s23;
	s24 =	ssub.s32 @!p1 $0x0, s2;
	[sflag:s5] =	ssyncset.done @!p1 $0x0  }
0x9f: {  	[sflag:s5] =	ssyncadd.s32 @!p1 s24;
	s5 =	sshrl.u32 @!p1 s20, $0x3;
	s0 =	ssub.s32 @!p1 s0, s3  }
0xa0: {  	s24 =	sand.u32 @!p1 $0x7, s20;
	s5 =	sadd.s32 @!p1 s5, s15;
	s0 =	smul.u32 @!p1 $0x3C0, s0  }
0xa1: {  	[tilespmem:s23], [sflag:$0xB] =	stream.linear.gather @!p1 [hbm4b:s5+s24], s2, $0x38;
	[tilespmem:$0x1F6F8] =	vst v63  }
0xa2: {  	s3 =	ssub.s32 @!p1 $0x1000, s20;
	s2 =	smul.u32 @!p1 $0x1E000, s4  }
0xa3: {  	p2 =	slt.s32 @!p1 s3, $0xF0  }
0xa4: {  	p2 =	por !p2, p1;
	s0 =	sshrl.u32 @!p1 s0, $0x2;
	s2 =	sshrl.u32 @!p1 s2, $0x2  }
0xa5: {  	s3 =	simm.s32 @p2 $0xF0;
	s0 =	sadd.s32 @!p1 $0x10248, s0;
	s2 =	sor.u32 @!p1 $0x106F8, s2  }
0xa6: {  	[tilespmem:s2], [sflag:$0x9] =	stream.indirect.gather @!p1 [hbm4b:s9+s3], $0x80, s0, s3, $0xb8;
	[tilespmem:$0x1F6F8] =	vst v63  }
0xa7: {  	p1 =	slt.u32 s21, $0x2  }
.Ltmp8:
0xa8: {  	_ = 	snop;
	(pc) =	sbr.rel @p1 .LBB3_21-.Ltmp8, $1  }
0xa9: {  	_ =	sdelay $0x3  }
0xaa: {  	p1 =	sgt.s32 s22, $0xF10  }
0xab: {  	s0 =	smov.u32 s22;
	s2 =	sshra.s32 s22, $0x1F;
	s3 =	ssub.s32 $0x1000, s22  }
0xac: {  	s0 =	simm.s32 @!p1 $0xF10;
	s2 =	sand.u32 s2, s22;
	p1 =	slt.s32 s3, $0xF0  }
0xad: {  	s0 =	ssub.s32 s0, s2;
	s3 =	simm.s32 @!p1 $0xF0  }
0xae: {  	s0 =	sadd.s32 $0xFFFFF0F0, s0;
	s25 =	sshll.u32 s3, $0x7  }
0xaf: {  	s26 =	sshll.u32 s0, $0x2;
	s2 =	sand.u32 $0x3FFFFF80, s25  }
0xb0: {  	p1 =	sgt.s32 s0, $0xEF;
	s29 =	ssub.s32 $0x3C0, s26;
	_ =	swait.ge [sflag:s10], s2  }
0xb1: {  	s2 =	ssub.s32 $0x0, s2;
	[sflag:s10] =	ssyncset.done $0x0;
	s0 =	sshrl.u32 s29, $0x2  }
0xb2: {  	[sflag:s10] =	ssyncadd.s32 s2;
	s0 =	simm.s32 @p1 $0x0  }
0xb3: {  	_ =	swait.ge [sflag:s11], s0  }
0xb4: {  	s0 =	ssub.s32 $0x0, s0;
	[sflag:s11] =	ssyncset.done $0x0  }
0xb5: {  	[sflag:s11] =	ssyncadd.s32 s0  }
0xb6: {  	v1 =	vld [tilespmem:$0xF208];
	_ =	sdelay $0x4  }
0xb7: {  	(v2sf) =	vpush v1, $0x0  }
0xb8: {  	(v2sf) =	vpush v1, $0x1  }
0xb9: {  	(v2sf) =	vpush v1, $0x2;
	_ =	sdelay $0x3  }
0xba: {  	s0 =	sadd.s32 $0xF0, s22  }
0xbb: {  	s2 =	ssub.s32 $0x2000, s22;
	p1 =	slt.s32 s8, s0  }
0xbc: {  	s0 =	smov.u32 @p1 s8;
	p1 =	sgt.s32 s2, $0x0  }
0xbd: {  	s23 =	ssub.s32 s0, s22;
	s2 =	simm.s32 @!p1 $0x0  }
0xbe: {  	p1 =	slt.s32 s2, s23  }
0xbf: {  	s23 =	smov.u32 @p1 s2  }
0xc0: {  	s26 =	simm.s32 $0x1;
	p1 =	slt.s32 s23, $0x1  }
.Ltmp9:
0xc1: {  	s26 =	simm.s32 @!p0 $0x0;
	(pc) =	sbr.rel @p1 .LBB3_8-.Ltmp9, $4  }
0xc2: {  	s31 =	smul.u32 $0x3C0, s26  }
0xc3: {  	s28 =	spop (v2sf)  }
0xc4: {  	s0 =	sshrl.u32 s31, $0x2;
	s30 =	spop (v2sf)  }
0xc5: {  	s24 =	sadd.s32 $0x10518, s0;
	s22 =	spop (v2sf)  }
0xc6: {  	s0 =	smin.u32 s23, $0x10  }
0xc7: {  	v1 =	vmov s0  }
0xc8: {  	p2 =	sgt.s32 s23, $0x10;
	vm1 =	vgt.u32 v1, v0  }
.Ltmp10:
0xc9: {  	_ = 	snop;
	(pc) =	sbr.rel @!p2 .LBB3_7-.Ltmp10, $2  }
0xca: {  	_ =	sdelay $0x2  }
0xcb: {  	s4 =	simm.s32 $0x10;
	s25 =	sadd.s32 $0xFFFFFFF0, s23;
	s0 =	smov.u32 s24;
	vm0 =	vmmov vm1  }
.LBB3_6:
0xcc: {  	s2 =	smin.u32 s25, $0x10;
	s4 =	sadd.s32 $0x10, s4;
	v1 =	vld.msk [tilespmem:s0+$0x0 ss:$0x1], vm1  }
0xcd: {  	v2 =	vmov s2;
	p2 =	slt.s32 s4, s23  }
0xce: {  	vm1 =	vgt.u32 v2, v0  }
.Ltmp11:
0xcf: {  	(pc) =	sbr.rel @p2 .LBB3_6-.Ltmp11, $3  }
0xd0: {  	_ =	sdelay $0x1  }
0xd1: {  	v1 =	vshll.u32 v1, $0x4  }
0xd2: {  	s25 =	sadd.s32 $0xFFFFFFF0, s25;
	[tilespmem:s0+$0x0] =	vst.msk vm0, v1;
	s0 =	sadd.s32 $0x10, s0;
	vm0 =	vmmov vm1  }
.LBB3_7:
0xd3: {  	_ =	sdelay $0x4  }
0xd4: {  	v1 =	vld.msk [tilespmem:s0+$0x0 ss:$0x1], vm1;
	_ =	sdelay $0x4  }
0xd5: {  	v1 =	vshll.u32 v1, $0x4  }
0xd6: {  	[tilespmem:s0+$0x0] =	vst.msk vm0, v1  }
.LBB3_8:
0xd7: {  	s0 =	sand.u32 $0x1, s21  }
0xd8: {  	s0 =	smul.u32 $0xF0, s0  }
0xd9: {  	p2 =	sne.s32 s30, $0xFFFFFFFF  }
0xda: {  	v1 =	vld.msk @!p2 [tilespmem:s0+$0x10518], $0x1;
	_ =	sdelay $0x4  }
0xdb: {  	(v2sf) =	vpush @!p2 v1, $0x0;
	_ =	sdelay $0xc  }
.Ltmp12:
0xdc: {  	_ = 	snop;
	(pc) =	sbr.rel @p1 .LBB3_19-.Ltmp12, $4  }
0xdd: {  	_ = 	snop  }
0xde: {  	s29 =	spop @!p2 (v2sf)  }
0xdf: {  	s22 =	simm.s32 @!p2 $0x0;
	s25 =	smov.u32 s29  }
0xe0: {  	[sflag:s18] =	ssyncpa.u1 $0x0;
	s29 =	smov.u32 @p2 s28;
	s25 =	smov.u32 @p2 s30  }
0xe1: {  	v1 =	vld.msk [tilespmem:s24+$0x0], $0x1;
	_ =	sdelay $0x4  }
0xe2: {  	(v2sf) =	vpush v1, $0x0;
	_ =	sdelay $0xe  }
0xe3: {  	s2 =	smul.u32 $0x1E000, s26;
	s0 =	spop (v2sf)  }
0xe4: {  	p1 =	seq.s32 s29, s0  }
0xe5: {  	s30 =	sadd.s32 $0xFFFFFFFF, s23;
	s2 =	sshrl.u32 s2, $0x2;
	p2 =	sgt.s32 @!p1 s29, $0x0  }
0xe6: {  	s26 =	sor.u32 $0x10738, s2;
	s2 =	smov.u32 s29;
	p2 =	por !p2, p1  }
0xe7: {  	s2 =	simm.s32 @p2 $0x0;
	p2 =	sne.s32 s30, $0x0  }
.Ltmp13:
0xe8: {  	_ = 	snop;
	(pc) =	sbr.rel @!p2 .LBB3_11-.Ltmp13, $4  }
0xe9: {  	_ = 	snop  }
0xea: {  	s28 =	simm.s32 $0x0;
	s31 =	sadd.s32 $0x1, s24;
	s2 =	smin.u32 @!p1 s2, $0xFFF0  }
0xeb: {  	s4 =	simm.s32 @!p1 $0x1;
	s5 =	simm.s32 @!p1 $0x7988;
	s3 =	sand.u32 @!p1 $0xFFF8, s2  }
0xec: {  	s4 =	smov.u32 @p1 s28;
	s2 =	sand.u32 @!p1 $0x7, s2;
	s3 =	sadd.s32 @!p1 s1, s3  }
.LBB3_10:
0xed: {  	s6 =	smov.u32 s4  }
0xee: {  	[tilespmem:s5], [sflag:$0x2] =	stream.linear.gather @!p1 [hbm4b:s3+s2], $0x80, $0x38;
	[tilespmem:$0x1F6F8] =	vst v63  }
0xef: {  	s30 =	sadd.s32 $0xFFFFFFFF, s30;
	s2 =	smov.u32 s0;
	v1 =	vld.msk [tilespmem:s31+$0x0], $0x1  }
0xf0: {  	p2 =	sne.s32 s30, $0x0;
	_ =	sdelay $0x3  }
0xf1: {  	(v2sf) =	vpush v1, $0x0;
	_ =	sdelay $0xe  }
0xf2: {  	s0 =	spop (v2sf)  }
0xf3: {  	p1 =	seq.s32 s2, s0  }
0xf4: {  	p3 =	sgt.s32 @!p1 s2, $0x0;
	s3 =	sshll.u32 @!p1 s4, $0x9;
	s4 =	sadd.s32 @!p1 $0x1, s4  }
.Ltmp14:
0xf5: {  	p3 =	por !p3, p1;
	s3 =	sshra.s32 @!p1 s3, $0x2;
	(pc) =	sbr.rel @p2 .LBB3_10-.Ltmp14, $4  }
0xf6: {  	s4 =	smov.u32 @p1 s6;
	s2 =	simm.s32 @p3 $0x0;
	s5 =	sadd.s32 @!p1 $0x7988, s3  }
0xf7: {  	s2 =	smin.u32 @!p1 s2, $0xFFF0  }
0xf8: {  	s3 =	sand.u32 @!p1 $0xFFF8, s2;
	s2 =	sand.u32 @!p1 $0x7, s2  }
0xf9: {  	s31 =	sadd.s32 $0x1, s31;
	s3 =	sadd.s32 @!p1 s1, s3  }
.LBB3_11:
0xfa: {  	[tilespmem:s5], [sflag:$0x2] =	stream.linear.gather @!p1 [hbm4b:s3+s2], $0x80, $0x38;
	[tilespmem:$0x1F6F8] =	vst v63  }
.Ltmp15:
0xfb: {  	s0 =	sshll.u32 s4, $0x7;
	(pc) =	sbr.rel .LBB3_12-.Ltmp15, $4  }
0xfc: {  	s30 =	simm.s32 $0x2;
	s0 =	sand.u32 $0x3FFFFF80, s0  }
0xfd: {  	_ =	swait.ge [sflag:s30], s0  }
0xfe: {  	s0 =	ssub.s32 $0x0, s0;
	[sflag:s30] =	ssyncset.done $0x0  }
0xff: {  	s31 =	simm.s32 $0x0;
	[sflag:s30] =	ssyncadd.s32 s0  }
.LBB3_13:
0x100: {  	v1 =	vld [tilespmem:s26+$0xFFFFFFC0];
	_ =	sdelay $0x3  }
0x101: {  	s0 =	sshra.s32 s0, $0x2  }
0x102: {  	[tilespmem:s0+$0x108] =	vst.add.f32.msk $0xffff, v1  }
0x103: {  	v1 =	vld [tilespmem:s26+$0xFFFFFFD0];
	_ =	sdelay $0x4  }
0x104: {  	[tilespmem:s0+$0x118] =	vst.add.f32.msk $0xffff, v1  }
0x105: {  	v1 =	vld [tilespmem:s26+$0xFFFFFFE0];
	_ =	sdelay $0x4  }
0x106: {  	[tilespmem:s0+$0x128] =	vst.add.f32.msk $0xffff, v1  }
0x107: {  	v1 =	vld [tilespmem:s26+$0xFFFFFFF0];
	_ =	sdelay $0x4  }
0x108: {  	[tilespmem:s0+$0x138] =	vst.add.f32.msk $0xffff, v1  }
0x109: {  	v1 =	vld [tilespmem:s26+$0x0];
	_ =	sdelay $0x4  }
0x10a: {  	[tilespmem:s0+$0x148] =	vst.add.f32.msk $0xffff, v1  }
0x10b: {  	v1 =	vld [tilespmem:s26+$0x10];
	_ =	sdelay $0x4  }
0x10c: {  	[tilespmem:s0+$0x158] =	vst.add.f32.msk $0xffff, v1  }
0x10d: {  	v1 =	vld [tilespmem:s26+$0x20];
	_ =	sdelay $0x4  }
0x10e: {  	[tilespmem:s0+$0x168] =	vst.add.f32.msk $0xffff, v1  }
0x10f: {  	v1 =	vld [tilespmem:s26+$0x30];
	_ =	sdelay $0x4  }
0x110: {  	[tilespmem:s0+$0x178] =	vst.add.f32.msk $0xffff, v1  }
.LBB3_17:
0x111: {  	s23 =	sadd.s32 $0xFFFFFFFF, s23  }
0x112: {  	p1 =	sne.s32 s23, $0x0  }
.Ltmp16:
0x113: {  	_ = 	snop;
	(pc) =	sbr.rel @!p1 .LBB3_18-.Ltmp16, $2  }
0x114: {  	_ =	sdelay $0x2  }
0x115: {  	s24 =	sadd.s32 $0x1, s24;
	s26 =	sadd.s32 $0x80, s26;
	s29 =	smov.u32 s30  }
.LBB3_12:
0x116: {  	v1 =	vld.msk [tilespmem:s24+$0x0], $0x1;
	_ =	sdelay $0x4  }
0x117: {  	(v2sf) =	vpush v1, $0x0;
	_ =	sdelay $0xe  }
0x118: {  	s30 =	spop (v2sf)  }
0x119: {  	p1 =	sne.s32 s29, s30  }
.Ltmp17:
0x11a: {  	_ = 	snop;
	(pc) =	sbr.rel @!p1 .LBB3_13-.Ltmp17, $2  }
0x11b: {  	_ =	sdelay $0x2  }
0x11c: {  	s0 =	sshll.u32 s22, $0x9  }
0x11d: {  	p1 =	seq.s32 s29, s25  }
.Ltmp18:
0x11e: {  	_ = 	snop;
	(pc) =	sbr.rel @!p1 .LBB3_15-.Ltmp18, $1  }
0x11f: {  	_ =	sdelay $0x3  }
0x120: {  	s0 =	sshra.s32 s0, $0x2  }
.Ltmp19:
0x121: {  	s0 =	sadd.s32 $0x108, s0;
	(pc) =	sbr.rel .LBB3_16-.Ltmp19, $4  }
0x122: {  	[spmem:s16] =	stream.linear.scatter [tilespmem:s0], [sflag:$0x1], $0x80, $0x38;
	[tilespmem:$0x1F6F8] =	vst v63  }
0x123: {  	_ =	swait.ge [sflag:s12], $0x80  }
0x124: {  	[sflag:s12] =	ssyncset.done $0x0  }
0x125: {  	[sflag:s12] =	ssyncadd.s32 $0xFFFFFF80  }
.LBB3_15:
0x126: {  	s2 =	sshll.u32 s28, $0x9  }
0x127: {  	s2 =	sshra.s32 s2, $0x2  }
0x128: {  	v1 =	vld [tilespmem:s2+$0x7988];
	_ =	sdelay $0x3  }
0x129: {  	s0 =	sshra.s32 s0, $0x2  }
0x12a: {  	[tilespmem:s0+$0x108] =	vst.add.f32.msk $0xffff, v1  }
0x12b: {  	v1 =	vld [tilespmem:s2+$0x7998];
	_ =	sdelay $0x4  }
0x12c: {  	[tilespmem:s0+$0x118] =	vst.add.f32.msk $0xffff, v1  }
0x12d: {  	v1 =	vld [tilespmem:s2+$0x79A8];
	_ =	sdelay $0x4  }
0x12e: {  	[tilespmem:s0+$0x128] =	vst.add.f32.msk $0xffff, v1  }
0x12f: {  	v1 =	vld [tilespmem:s2+$0x79B8];
	_ =	sdelay $0x4  }
0x130: {  	[tilespmem:s0+$0x138] =	vst.add.f32.msk $0xffff, v1  }
0x131: {  	v1 =	vld [tilespmem:s2+$0x79C8];
	_ =	sdelay $0x4  }
0x132: {  	[tilespmem:s0+$0x148] =	vst.add.f32.msk $0xffff, v1  }
0x133: {  	v1 =	vld [tilespmem:s2+$0x79D8];
	_ =	sdelay $0x4  }
0x134: {  	[tilespmem:s0+$0x158] =	vst.add.f32.msk $0xffff, v1  }
0x135: {  	v1 =	vld [tilespmem:s2+$0x79E8];
	_ =	sdelay $0x4  }
0x136: {  	[tilespmem:s0+$0x168] =	vst.add.f32.msk $0xffff, v1  }
0x137: {  	v1 =	vld [tilespmem:s2+$0x79F8];
	_ =	sdelay $0x2  }
0x138: {  	p1 =	sgt.u32 s29, $0xFFF0  }
0x139: {  	s2 =	sand.u32 @!p1 $0xFFF8, s29  }
0x13a: {  	s3 =	sadd.s32 $0x108, s0;
	[tilespmem:s0+$0x178] =	vst.add.f32.msk $0xffff, v1;
	s0 =	sadd.s32 @!p1 s1, s2;
	s2 =	sand.u32 @!p1 $0x7, s29  }
0x13b: {  	[hbm4b:s0+s2] =	stream.linear.scatter @!p1 [tilespmem:s3], [sflag:$0xC], $0x80, $0x38;
	[tilespmem:$0x1F6F8] =	vst v63  }
0x13c: {  	s0 =	simm.s32 $0x0  }
0x13d: {  	s0 =	simm.s32 @!p1 $0x200  }
0x13e: {  	s31 =	sadd.s32 s0, s31  }
.LBB3_16:
0x13f: {  	s0 =	sadd.s32 $0x1, s22  }
0x140: {  	s2 =	smulhi.u32 $0x88888889, s0;
	_ =	sdelay $0x1  }
0x141: {  	v1 =	vld [tilespmem:s26+$0xFFFFFFC0];
	s2 =	sshrl.u32 s2, $0x7  }
0x142: {  	s2 =	smul.u32 $0xF0, s2;
	_ =	sdelay $0x1  }
0x143: {  	s22 =	ssub.s32 s0, s2  }
0x144: {  	s0 =	sshll.u32 s22, $0x7  }
0x145: {  	[tilespmem:s0+$0x108] =	vst v1  }
0x146: {  	v1 =	vld [tilespmem:s26+$0xFFFFFFD0];
	_ =	sdelay $0x4  }
0x147: {  	[tilespmem:s0+$0x118] =	vst v1  }
0x148: {  	v1 =	vld [tilespmem:s26+$0xFFFFFFE0];
	_ =	sdelay $0x4  }
0x149: {  	[tilespmem:s0+$0x128] =	vst v1  }
0x14a: {  	v1 =	vld [tilespmem:s26+$0xFFFFFFF0];
	_ =	sdelay $0x4  }
0x14b: {  	[tilespmem:s0+$0x138] =	vst v1  }
0x14c: {  	v1 =	vld [tilespmem:s26+$0x0];
	_ =	sdelay $0x4  }
0x14d: {  	[tilespmem:s0+$0x148] =	vst v1  }
0x14e: {  	v1 =	vld [tilespmem:s26+$0x10];
	_ =	sdelay $0x4  }
0x14f: {  	[tilespmem:s0+$0x158] =	vst v1  }
0x150: {  	v1 =	vld [tilespmem:s26+$0x20];
	_ =	sdelay $0x4  }
0x151: {  	[tilespmem:s0+$0x168] =	vst v1  }
0x152: {  	v1 =	vld [tilespmem:s26+$0x30]  }
.Ltmp20:
0x153: {  	_ = 	snop;
	(pc) =	sbr.rel .LBB3_17-.Ltmp20, $2  }
0x154: {  	_ =	sdelay $0x2  }
0x155: {  	s28 =	sadd.s32 $0x1, s28;
	[tilespmem:s0+$0x178] =	vst v1  }
.LBB3_19:
.Ltmp21:
0x156: {  	(pc) =	sbr.rel .LBB3_20-.Ltmp21, $4  }
0x157: {  	_ = 	snop  }
0x158: {  	s0 =	simm.s32 $0x2  }
0x159: {  	_ =	swait.ge [sflag:s0], $0x0  }
0x15a: {  	s30 =	smov.u32 s29;
	[sflag:s0] =	ssyncset.done $0x0;
	s0 =	simm.s32 $0x0  }
.LBB3_22:
0x15b: {  	_ =	sfence.sel $0x180000  }
0x15c: {  	s0 =	simm.s32 $0x9;
	[bflag:$0x0] =	sbarrier.arrive $0xFFFF  }
0x15d: {  	s24 =	simm.s32 $0xA;
	[sflag:s0] =	ssyncpa.u1 $0x1  }
0x15e: {  	s25 =	simm.s32 $0xB;
	[sflag:s24] =	ssyncpa.u1 $0x1  }
0x15f: {  	s26 =	simm.s32 $0x2;
	[sflag:s25] =	ssyncpa.u1 $0x1  }
0x160: {  	[sflag:s26] =	ssyncpa.u1 $0x1  }
0x161: {  	v0 =	vld [tilespmem:$0xF208];
	_ =	sdelay $0x4  }
0x162: {  	(v2sf) =	vpush v0, $0x0  }
0x163: {  	(v2sf) =	vpush v0, $0x1;
	_ =	sdelay $0x1  }
0x164: {  	(v2sf) =	vpush v0, $0x2;
	_ =	sdelay $0xb  }
0x165: {  	s0 =	spop (v2sf)  }
0x166: {  	s2 =	spop (v2sf)  }
0x167: {  	s3 =	smov.u32 s0;
	p0 =	sne.s32 s0, s2  }
0x168: {  	s4 =	spop (v2sf);
	s3 =	simm.s32 @!p0 $0xFFFFFFFF  }
0x169: {  	v2 =	vimm.s32 $0x1;
	v3 =	vlaneseq.u32;
	p0 =	seq.s32 s4, $0xFFFFFFFF;
	v1 =	vmov s3  }
0x16a: {  	s16 =	stileid.u32;
	v0 =	vperm.xlane v0, v2;
	p1 =	sne.s32 @!p0 s0, s2;
	v1 =	vperm.xlane v1, v3  }
0x16b: {  	vm0 =	vcmask $0x3F04;
	s6 =	simm.s32 $0xF208;
	s0 =	simm.s32 @!p0 $0x1;
	p1 =	por !p1, p0  }
0x16c: {  	s3 =	sshll.u32 s16, $0x1;
	s2 =	sshll.u32 @!p0 s4, $0x9;
	s0 =	simm.s32 @p1 $0x0;
	v0 =	vsel vm0, v1, v0  }
0x16d: {  	s5 =	sor.u32 $0x1000, s3;
	s2 =	sshra.s32 @!p0 s2, $0x2;
	s0 =	sor.u32 @!p0 s0, s3;
	[tilespmem:$0xF208] =	vst v0  }
0x16e: {  	[spmem:s5] =	stream.linear.scatter [tilespmem:s6], [sflag:$0x1], $0x2, $0x38;
	[tilespmem:$0x1F6F8] =	vst v63  }
0x16f: {  	s2 =	sadd.s32 @!p0 $0x108, s2;
	s0 =	sshll.u32 @!p0 s0, $0x7  }
0x170: {  	[spmem:s0] =	stream.linear.scatter @!p0 [tilespmem:s2], [sflag:$0x1], $0x80, $0x38;
	[tilespmem:$0x1F6F8] =	vst v63  }
0x171: {  	s0 =	simm.s32 @!p0 $0x82  }
0x172: {  	s28 =	simm.s32 $0x1;
	s0 =	simm.s32 @p0 $0x2  }
0x173: {  	_ =	swait.ge [sflag:s28], s0  }
0x174: {  	s0 =	ssub.s32 $0x0, s0;
	[sflag:s28] =	ssyncset.done $0x0  }
0x175: {  	p0 =	sne.s32 s16, $0x0;
	[sflag:s28] =	ssyncadd.s32 s0  }
.Ltmp22:
0x176: {  	_ =	sfence.stream.spmem;
	(pc) =	sbr.rel @p0 .LBB3_39-.Ltmp22, $4  }
0x177: {  	s29 =	simm.s32 $0x3;
	[bflag:$0x0] =	sbarrier.arrive $0xFFFF  }
0x178: {  	s30 =	simm.s32 $0x4;
	[sflag:s29] =	ssyncpa.u1 $0x1  }
0x179: {  	s31 =	simm.s32 $0x3C;
	[sflag:s30] =	ssyncpa.u1 $0x1  }
0x17a: {  	s15 =	rddreg [dreg:$0x5];
	[sflag:s31] =	ssyncpa.u1 $0x1  }
0x17b: {  	_ =	sfence.stream.spmem;
	s0 =	simm.s32 $0x5  }
0x17c: {  	s2 =	simm.s32 $0x1000;
	s3 =	simm.s32 $0xF218;
	[sflag:s0] =	ssyncpa.u1 $0x0  }
0x17d: {  	[tilespmem:s3], [sflag:$0x5] =	stream.linear.gather [spmem:s2], $0x20, $0x38;
	[tilespmem:$0x1F6F8] =	vst v63  }
0x17e: {  	s26 =	simm.s32 $0x0;
	s28 =	simm.s32 $0xF238  }
0x17f: {  	[tilespmem:s28], [sflag:$0x5] =	stream.linear.gather [spmem:s26], $0x1000, $0x38;
	[tilespmem:$0x1F6F8] =	vst v63  }
0x180: {  	_ =	swait.ge [sflag:s0], $0x1020  }
0x181: {  	[sflag:s0] =	ssyncset.done $0x0  }
0x182: {  	s29 =	simm.s32 $0x0;
	[sflag:s0] =	ssyncadd.s32 $0xFFFFEFE0  }
0x183: {  	v0 =	vld.msk [tilespmem:s29+$0xF218], $0x1;
	_ =	sdelay $0x1  }
0x184: {  	s30 =	simm.s32 $0x1  }
0x185: {  	v1 =	vld.msk [tilespmem:s30+$0xF218], $0x1;
	_ =	sdelay $0x1  }
0x186: {  	(v2sf) =	vpush v0, $0x0;
	_ =	sdelay $0x2  }
0x187: {  	(v2sf) =	vpush v1, $0x0;
	_ =	sdelay $0x2  }
0x188: {  	s31 =	simm.s32 $0x2  }
0x189: {  	v0 =	vld.msk [tilespmem:s31+$0xF218], $0x1;
	_ =	sdelay $0x2  }
0x18a: {  	s4 =	simm.s32 $0xFFFFFFFF;
	s5 =	simm.s32 $0xFFFFFFFF;
	s0 =	simm.s32 $0xC  }
.LBB3_24:
0x18b: {  	s2 =	smov.u32 s5;
	s3 =	smov.u32 s4  }
0x18c: {  	s4 =	sshra.s32 s0, $0x2;
	p1 =	sne.s32 s0, $0x7C;
	s0 =	sadd.s32 $0x4, s0;
	(v2sf) =	vpush v0, $0x0  }
0x18d: {  	v0 =	vld.msk [tilespmem:s4+$0xF218], $0x1  }
.Ltmp23:
0x18e: {  	(pc) =	sbr.rel @p1 .LBB3_24-.Ltmp23, $4  }
0x18f: {  	s5 =	spop (v2sf)  }
0x190: {  	p2 =	sne.s32 s3, $0xFFFFFFFF;
	s4 =	smov.u32 s5  }
0x191: {  	p3 =	seq.s32 s5, $0xFFFFFFFF;
	s4 =	smov.u32 @p2 s3  }
0x192: {  	s5 =	smov.u32 @p3 s2;
	s4 =	smov.u32 @p3 s3  }
0x193: {  	(v2sf) =	vpush v0, $0x0;
	_ =	sdelay $0x8  }
0x194: {  	s0 =	spop (v2sf)  }
0x195: {  	p1 =	sne.s32 s4, $0xFFFFFFFF;
	s2 =	smov.u32 s0  }
0x196: {  	s9 =	simm.s32 $0x6;
	p2 =	seq.s32 s0, $0xFFFFFFFF;
	s2 =	smov.u32 @p1 s4  }
0x197: {  	s6 =	simm.s32 $0x0;
	s2 =	smov.u32 @p2 s4;
	s3 =	spop (v2sf)  }
0x198: {  	s0 =	smov.u32 @p2 s5;
	p1 =	sne.s32 s2, $0xFFFFFFFF;
	s4 =	smov.u32 s3  }
.Ltmp24:
0x199: {  	p2 =	seq.s32 s3, $0xFFFFFFFF;
	s4 =	smov.u32 @p1 s2;
	(pc) =	sbr.rel .LBB3_26-.Ltmp24, $4  }
0x19a: {  	s10 =	simm.s32 $0xF188;
	s4 =	smov.u32 @p2 s2;
	s7 =	spop (v2sf)  }
0x19b: {  	s11 =	simm.s32 $0x0;
	p1 =	sne.s32 s4, $0xFFFFFFFF;
	s8 =	smov.u32 s7  }
0x19c: {  	s3 =	smov.u32 @p2 s0;
	p2 =	seq.s32 s7, $0xFFFFFFFF;
	s8 =	smov.u32 @p1 s4  }
0x19d: {  	[sflag:s9] =	ssyncpa.u1 $0x0;
	s7 =	smov.u32 @p2 s3;
	s8 =	smov.u32 @p2 s4  }
.LBB3_32:
0x19e: {  	p1 =	sgt.u32 s12, $0xFFF0  }
0x19f: {  	p2 =	seq.s32 @!p1 s12, s8  }
0x1a0: {  	p1 =	por p1, p2  }
0x1a1: {  	p2 =	sne.s32 @!p1 s12, s7  }
0x1a2: {  	p1 =	por p1, !p2  }
0x1a3: {  	s0 =	sshll.u32 @p1 s11, $0x9  }
0x1a4: {  	s0 =	sand.u32 @!p1 $0xFFF8, s12  }
0x1a5: {  	s2 =	sand.u32 @!p1 $0x7, s12;
	s0 =	sadd.s32 @!p1 s1, s0  }
0x1a6: {  	[tilespmem:s10], [sflag:$0x6] =	stream.linear.gather @!p1 [hbm4b:s0+s2], $0x80, $0x38;
	[tilespmem:$0x1F6F8] =	vst v63  }
0x1a7: {  	_ =	swait.ge @!p1 [sflag:s9], $0x80  }
0x1a8: {  	[sflag:s9] =	ssyncset.done @!p1 $0x0  }
0x1a9: {  	[sflag:s9] =	ssyncadd.s32 @!p1 $0xFFFFFF80  }
0x1aa: {  	v1 =	vld @!p1 [tilespmem:$0xF188];
	_ =	sdelay $0x2  }
0x1ab: {  	s0 =	sshll.u32 @!p1 s11, $0x9  }
0x1ac: {  	s2 =	sshrl.u32 @!p1 s0, $0x2  }
0x1ad: {  	[tilespmem:s2+$0xF238] =	vst.add.f32.msk @!p1 $0xffff, v1  }
0x1ae: {  	v1 =	vld @!p1 [tilespmem:$0xF198];
	_ =	sdelay $0x4  }
0x1af: {  	[tilespmem:s2+$0xF248] =	vst.add.f32.msk @!p1 $0xffff, v1  }
0x1b0: {  	v1 =	vld @!p1 [tilespmem:$0xF1A8];
	_ =	sdelay $0x4  }
0x1b1: {  	[tilespmem:s2+$0xF258] =	vst.add.f32.msk @!p1 $0xffff, v1  }
0x1b2: {  	v1 =	vld @!p1 [tilespmem:$0xF1B8];
	_ =	sdelay $0x4  }
0x1b3: {  	[tilespmem:s2+$0xF268] =	vst.add.f32.msk @!p1 $0xffff, v1  }
0x1b4: {  	v1 =	vld @!p1 [tilespmem:$0xF1C8];
	_ =	sdelay $0x4  }
0x1b5: {  	[tilespmem:s2+$0xF278] =	vst.add.f32.msk @!p1 $0xffff, v1  }
0x1b6: {  	v1 =	vld @!p1 [tilespmem:$0xF1D8];
	_ =	sdelay $0x4  }
0x1b7: {  	[tilespmem:s2+$0xF288] =	vst.add.f32.msk @!p1 $0xffff, v1  }
0x1b8: {  	v1 =	vld @!p1 [tilespmem:$0xF1E8];
	_ =	sdelay $0x4  }
0x1b9: {  	[tilespmem:s2+$0xF298] =	vst.add.f32.msk @!p1 $0xffff, v1  }
0x1ba: {  	v1 =	vld @!p1 [tilespmem:$0xF1F8];
	_ =	sdelay $0x4  }
0x1bb: {  	[tilespmem:s2+$0xF2A8] =	vst.add.f32.msk @!p1 $0xffff, v1  }
0x1bc: {  	s0 =	sshrl.u32 s0, $0x2;
	[tilespmem:s6+$0xF218] =	vst.msk $0x1, v0  }
0x1bd: {  	v0 =	vld [tilespmem:s0+$0xF238];
	_ =	sdelay $0x2  }
0x1be: {  	s31 =	sshll.u32 s6, $0x9  }
0x1bf: {  	s2 =	sshra.s32 s31, $0x2  }
0x1c0: {  	[tilespmem:s2+$0xF238] =	vst v0  }
0x1c1: {  	v0 =	vld [tilespmem:s0+$0xF248];
	_ =	sdelay $0x4  }
0x1c2: {  	[tilespmem:s2+$0xF248] =	vst v0  }
0x1c3: {  	v0 =	vld [tilespmem:s0+$0xF258];
	_ =	sdelay $0x4  }
0x1c4: {  	[tilespmem:s2+$0xF258] =	vst v0  }
0x1c5: {  	v0 =	vld [tilespmem:s0+$0xF268];
	_ =	sdelay $0x4  }
0x1c6: {  	[tilespmem:s2+$0xF268] =	vst v0  }
0x1c7: {  	v0 =	vld [tilespmem:s0+$0xF278];
	_ =	sdelay $0x4  }
0x1c8: {  	[tilespmem:s2+$0xF278] =	vst v0  }
0x1c9: {  	v0 =	vld [tilespmem:s0+$0xF288];
	_ =	sdelay $0x4  }
0x1ca: {  	[tilespmem:s2+$0xF288] =	vst v0  }
0x1cb: {  	v0 =	vld [tilespmem:s0+$0xF298];
	_ =	sdelay $0x4  }
0x1cc: {  	[tilespmem:s2+$0xF298] =	vst v0  }
0x1cd: {  	v0 =	vld [tilespmem:s0+$0xF2A8];
	_ =	sdelay $0x4  }
0x1ce: {  	s6 =	sadd.s32 $0x1, s6;
	[tilespmem:s2+$0xF2A8] =	vst v0  }
.LBB3_33:
0x1cf: {  	s11 =	sadd.s32 $0x1, s11  }
0x1d0: {  	p1 =	sne.s32 s11, $0x20  }
.Ltmp25:
0x1d1: {  	_ = 	snop;
	(pc) =	sbr.rel @!p1 .LBB3_34-.Ltmp25, $1  }
0x1d2: {  	_ =	sdelay $0x3  }
.LBB3_26:
0x1d3: {  	v0 =	vld.msk [tilespmem:s11+$0xF218], $0x1;
	_ =	sdelay $0x4  }
0x1d4: {  	(v2sf) =	vpush v0, $0x0;
	_ =	sdelay $0xe  }
0x1d5: {  	s12 =	spop (v2sf)  }
0x1d6: {  	p1 =	seq.s32 s12, $0xFFFFFFFF  }
.Ltmp26:
0x1d7: {  	_ = 	snop;
	(pc) =	sbr.rel @p1 .LBB3_33-.Ltmp26, $1  }
0x1d8: {  	_ =	sdelay $0x3  }
0x1d9: {  	p1 =	slt.s32 s6, $0x1  }
.Ltmp27:
0x1da: {  	_ = 	snop;
	(pc) =	sbr.rel @p1 .LBB3_32-.Ltmp27, $1  }
0x1db: {  	_ =	sdelay $0x3  }
0x1dc: {  	s13 =	simm.s32 $0xF218;
	p1 =	por $0x0, $0x0  }
0x1dd: {  	v1 =	vld.msk @!p1 [tilespmem:s13+$0x0], $0x1;
	_ =	sdelay $0x4  }
0x1de: {  	(v2sf) =	vpush @!p1 v1, $0x0;
	_ =	sdelay $0xd  }
0x1df: {  	p3 =	sne.s32 s6, $0x1  }
.Ltmp28:
0x1e0: {  	s0 =	spop @!p1 (v2sf);
	(pc) =	sbr.rel @!p3 .LBB3_30-.Ltmp28, $4  }
0x1e1: {  	p2 =	seq.s32 @!p1 s12, s0  }
0x1e2: {  	s14 =	simm.s32 $0x0;
	p2 =	por !p2, p1  }
0x1e3: {  	s2 =	simm.s32 $0xFFFFFFFF;
	s14 =	simm.s32 @p2 $0xFFFFFFFF  }
0x1e4: {  	s0 =	simm.s32 $0x1;
	s14 =	smov.u32 @p1 s2  }
.LBB3_29:
0x1e5: {  	s2 =	smov.u32 s14;
	p1 =	sne.s32 s14, $0xFFFFFFFF  }
0x1e6: {  	s13 =	sadd.s32 $0x1, s13;
	s14 =	smov.u32 s0;
	s0 =	sadd.s32 $0x1, s0  }
0x1e7: {  	p2 =	sne.s32 s6, s0;
	v1 =	vld.msk @!p1 [tilespmem:s13+$0x0], $0x1;
	_ =	sdelay $0x4  }
0x1e8: {  	(v2sf) =	vpush @!p1 v1, $0x0;
	_ =	sdelay $0xe  }
.Ltmp29:
0x1e9: {  	s3 =	spop @!p1 (v2sf);
	(pc) =	sbr.rel @p2 .LBB3_29-.Ltmp29, $4  }
0x1ea: {  	p3 =	seq.s32 @!p1 s12, s3  }
0x1eb: {  	p3 =	por !p3, p1  }
0x1ec: {  	s14 =	simm.s32 @p3 $0xFFFFFFFF  }
0x1ed: {  	s14 =	smov.u32 @p1 s2  }
.LBB3_30:
0x1ee: {  	p1 =	seq.s32 s14, $0xFFFFFFFF  }
.Ltmp30:
0x1ef: {  	_ = 	snop;
	(pc) =	sbr.rel @p1 .LBB3_32-.Ltmp30, $1  }
0x1f0: {  	_ =	sdelay $0x3  }
0x1f1: {  	s0 =	sshll.u32 s11, $0x7  }
0x1f2: {  	s0 =	sand.u32 $0x3FFFFF80, s0  }
0x1f3: {  	v0 =	vld [tilespmem:s0+$0xF238];
	_ =	sdelay $0x2  }
0x1f4: {  	s2 =	sshll.u32 s14, $0x9  }
0x1f5: {  	s2 =	sshra.s32 s2, $0x2  }
0x1f6: {  	[tilespmem:s2+$0xF238] =	vst.add.f32.msk $0xffff, v0  }
0x1f7: {  	v0 =	vld [tilespmem:s0+$0xF248];
	_ =	sdelay $0x4  }
0x1f8: {  	[tilespmem:s2+$0xF248] =	vst.add.f32.msk $0xffff, v0  }
0x1f9: {  	v0 =	vld [tilespmem:s0+$0xF258];
	_ =	sdelay $0x4  }
0x1fa: {  	[tilespmem:s2+$0xF258] =	vst.add.f32.msk $0xffff, v0  }
0x1fb: {  	v0 =	vld [tilespmem:s0+$0xF268];
	_ =	sdelay $0x4  }
0x1fc: {  	[tilespmem:s2+$0xF268] =	vst.add.f32.msk $0xffff, v0  }
0x1fd: {  	v0 =	vld [tilespmem:s0+$0xF278];
	_ =	sdelay $0x4  }
0x1fe: {  	[tilespmem:s2+$0xF278] =	vst.add.f32.msk $0xffff, v0  }
0x1ff: {  	v0 =	vld [tilespmem:s0+$0xF288];
	_ =	sdelay $0x4  }
0x200: {  	[tilespmem:s2+$0xF288] =	vst.add.f32.msk $0xffff, v0  }
0x201: {  	v0 =	vld [tilespmem:s0+$0xF298];
	_ =	sdelay $0x4  }
0x202: {  	[tilespmem:s2+$0xF298] =	vst.add.f32.msk $0xffff, v0  }
0x203: {  	v0 =	vld [tilespmem:s0+$0xF2A8]  }
.Ltmp31:
0x204: {  	_ = 	snop;
	(pc) =	sbr.rel .LBB3_33-.Ltmp31, $2  }
0x205: {  	_ =	sdelay $0x2  }
0x206: {  	[tilespmem:s2+$0xF2A8] =	vst.add.f32.msk $0xffff, v0  }
.LBB3_34:
0x207: {  	s0 =	simm.s32 $0x6;
	p1 =	seq.s32 s6, $0x0  }
0x208: {  	[sflag:s0] =	ssyncpa.u1 $0x1;
	v0 =	vimm.s32 @p1 $0xFFFFFFFF  }
0x209: {  	s9 =	sadd.s32 $0xFFFFFFFF, s6;
	[tilespmem:$0x10238] =	vst @p1 v0  }
0x20a: {  	v0 =	vld.msk @!p1 [tilespmem:s9+$0xF218], $0x1;
	_ =	sdelay $0x1  }
0x20b: {  	v1 =	vld.msk @!p1 [tilespmem:$0xF218], $0x1;
	_ =	sdelay $0x2  }
0x20c: {  	p2 =	seq.s32 @!p1 s9, $0x0;
	v0 =	vbroadcast @!p1 v0, $0x0  }
0x20d: {  	vm0 =	vmmov @!p1 $0x1;
	p2 =	por !p2, p1  }
0x20e: {  	v1 =	vnsel @!p1 vm0, $0xFFFFFFFF, v1;
	vm0 =	vcmask @!p1 $0x308;
	v0 =	vpsel !p2, $0xFFFFFFFF, v0  }
0x20f: {  	p2 =	sne.s32 @!p1 s8, s7;
	v0 =	vsel @!p1 vm0, v1, v0  }
0x210: {  	s0 =	simm.s32 @!p1 $0xF238;
	s2 =	simm.s32 @!p1 $0x0;
	p3 =	por !p2, p1;
	[tilespmem:$0x10238] =	vst @!p1 v0  }
0x211: {  	[spmem:s2] =	stream.linear.scatter @!p1 [tilespmem:s0], [sflag:$0x1], $0x80, $0x38;
	[tilespmem:$0x1F6F8] =	vst v63  }
0x212: {  	s0 =	sshll.u32 @!p3 s9, $0x9  }
0x213: {  	s0 =	sshra.s32 @!p3 s0, $0x2  }
0x214: {  	s2 =	simm.s32 @!p3 $0x80;
	s0 =	sadd.s32 @!p3 $0xF238, s0  }
0x215: {  	[spmem:s2] =	stream.linear.scatter @!p3 [tilespmem:s0], [sflag:$0x1], $0x80, $0x38;
	[tilespmem:$0x1F6F8] =	vst v63  }
0x216: {  	s0 =	simm.s32 @!p3 $0x1  }
0x217: {  	_ =	swait.ge @!p3 [sflag:s0], $0x100  }
0x218: {  	p1 =	por p2, p1;
	[sflag:s0] =	ssyncset.done @!p3 $0x0  }
0x219: {  	[sflag:s0] =	ssyncadd.s32 @!p3 $0xFFFFFF00;
	s0 =	simm.s32 @!p1 $0x1  }
0x21a: {  	_ =	swait.ge @!p1 [sflag:s0], $0x80  }
0x21b: {  	s29 =	simm.s32 $0x10238;
	[sflag:s0] =	ssyncset.done @!p1 $0x0  }
0x21c: {  	s30 =	simm.s32 $0x1000;
	s31 =	simm.s32 $0x1;
	[sflag:s0] =	ssyncadd.s32 @!p1 $0xFFFFFF80  }
0x21d: {  	[spmem:s30] =	stream.linear.scatter [tilespmem:s29], [sflag:$0x1], $0x10, $0x38;
	[tilespmem:$0x1F6F8] =	vst v63  }
0x21e: {  	_ =	swait.ge [sflag:s31], $0x10  }
0x21f: {  	[sflag:s31] =	ssyncset.done $0x0  }
0x220: {  	p1 =	seq.s32 s15, $0x0;
	s8 =	rddreg [dreg:$0x2];
	[sflag:s31] =	ssyncadd.s32 $0xFFFFFFF0  }
0x221: {  	s2 =	sshll.u32 @p1 s8, $0xE;
	s7 =	rddreg [dreg:$0x3]  }
0x222: {  	s0 =	sadd.s32 @p1 $0x15C3C, s2;
	s2 =	sshll.u32 @p1 s7, $0x11  }
0x223: {  	_ =	sfence.stream.spmem;
	s0 =	sor.u32 @p1 s2, s0  }
0x224: {  	[sflag:s0] =	ssyncadd.remote.s32 @p1 $0x1;
	s0 =	simm.s32 @p1 $0x4  }
0x225: {  	s3 =	simm.s32 @!p1 $0x3C;
	s2 =	sand.u32 $0xFFFFFFFE, s8;
	_ =	swait.ge @p1 [sflag:s0], $0x22  }
0x226: {  	s4 =	simm.s32 @!p1 $0x0;
	s2 =	sadd.s32 @!p1 $0x4, s2;
	[sflag:s0] =	ssyncset.done @p1 $0x0  }
0x227: {  	s5 =	simm.s32 @!p1 $0x100;
	[sflag:s0] =	ssyncadd.s32 @p1 $0xFFFFFFDE;
	s0 =	sshll.u32 @!p1 s2, $0x1A  }
0x228: {  	s2 =	sshll.u32 @!p1 s2, $0xD;
	s0 =	sor.u32 @!p1 s0, s7;
	_ =	swait.eq @!p1 [sflag:s3], $0x1  }
0x229: {  	s2 =	sor.u32 @!p1 $0x1C04, s2;
	s3 =	simm.s32 @!p1 $0x1C03;
	s0 =	sor.u32 @!p1 $0x80004000, s0  }
0x22a: {  	[spmem:s5], [sflag:s2] =	dma.general @!p1 [spmem:s4], [sflag:s3], length:$0x20, [dreg:$0x0], stride_count:$0x0, ici_dest:s0, dma_misc:DstOpCode:WRITE  }
0x22b: {  	p2 =	slt.s32 s9, $0x2;
	s4 =	simm.s32 @!p1 $0x200;
	s5 =	simm.s32 @!p1 $0x202  }
0x22c: {  	[spmem:s5], [sflag:s2] =	dma.general @!p1 [spmem:s4], [sflag:s3], length:$0x2, [dreg:$0x0], stride_count:$0x0, ici_dest:s0, dma_misc:DstOpCode:WRITE  }
.Ltmp32:
0x22d: {  	s0 =	simm.s32 @!p1 $0x3;
	(pc) =	sbr.rel @p2 .LBB3_38-.Ltmp32, $4  }
0x22e: {  	s2 =	sshll.u32 @!p1 s8, $0xE;
	_ =	swait.ge @!p1 [sflag:s0], $0x22  }
0x22f: {  	s3 =	sshll.u32 @!p1 s7, $0x11;
	s2 =	sadd.s32 @!p1 $0x11C3C, s2;
	[sflag:s0] =	ssyncset.done @!p1 $0x0  }
0x230: {  	[sflag:s0] =	ssyncadd.s32 @!p1 $0xFFFFFFDE;
	s0 =	sor.u32 @!p1 s3, s2  }
0x231: {  	[sflag:s0] =	ssyncadd.remote.s32 @!p1 $0xFFFFFFFF;
	s0 =	simm.s32 $0x0  }
0x232: {  	s0 =	simm.s32 $0xF219  }
0x233: {  	v0 =	vld.msk [tilespmem:s0+$0x0], $0x1;
	_ =	sdelay $0x4  }
0x234: {  	(v2sf) =	vpush v0, $0x0;
	_ =	sdelay $0xc  }
0x235: {  	s2 =	sadd.s32 $0xFFFFFFFE, s6  }
0x236: {  	s5 =	sadd.s32 $0xFFFFFFFF, s2  }
0x237: {  	p2 =	sne.s32 s5, $0x0;
	s0 =	spop (v2sf)  }
.Ltmp33:
0x238: {  	p1 =	sgt.u32 s0, $0xFFF0;
	(pc) =	sbr.rel @!p2 .LBB3_37-.Ltmp33, $4  }
0x239: {  	s4 =	simm.s32 $0xF2B8;
	s3 =	sand.u32 @!p1 $0xFFF8, s0  }
0x23a: {  	s7 =	simm.s32 $0x0;
	s0 =	sand.u32 @!p1 $0x7, s0;
	s2 =	sadd.s32 @!p1 s1, s3  }
0x23b: {  	[hbm4b:s2+s0] =	stream.linear.scatter @!p1 [tilespmem:s4], [sflag:$0x5], $0x80, $0x38;
	[tilespmem:$0x1F6F8] =	vst v63  }
0x23c: {  	s6 =	simm.s32 $0xF21A;
	s7 =	simm.s32 @!p1 $0x200;
	s0 =	simm.s32 $0x0  }
.LBB3_36:
0x23d: {  	v0 =	vld.msk [tilespmem:s6+$0x0], $0x1;
	s5 =	sadd.s32 $0xFFFFFFFF, s5;
	s0 =	sadd.s32 s0, s7  }
0x23e: {  	p1 =	sne.s32 s5, $0x0;
	_ =	sdelay $0x3  }
0x23f: {  	(v2sf) =	vpush v0, $0x0;
	_ =	sdelay $0xe  }
.Ltmp34:
0x240: {  	s2 =	spop (v2sf);
	(pc) =	sbr.rel @p1 .LBB3_36-.Ltmp34, $4  }
0x241: {  	s7 =	simm.s32 $0x0;
	p2 =	sgt.u32 s2, $0xFFF0  }
0x242: {  	s4 =	sadd.s32 $0x80, s4;
	s7 =	simm.s32 @!p2 $0x200;
	s3 =	sand.u32 @!p2 $0xFFF8, s2  }
0x243: {  	s6 =	sadd.s32 $0x1, s6;
	s2 =	sand.u32 @!p2 $0x7, s2;
	s3 =	sadd.s32 @!p2 s1, s3  }
0x244: {  	[hbm4b:s3+s2] =	stream.linear.scatter @!p2 [tilespmem:s4], [sflag:$0x5], $0x80, $0x38;
	[tilespmem:$0x1F6F8] =	vst v63  }
.LBB3_37:
0x245: {  	s0 =	sadd.s32 s0, s7  }
0x246: {  	s0 =	sshrl.u32 s0, $0x2  }
.LBB3_38:
0x247: {  	s2 =	simm.s32 $0x5  }
0x248: {  	_ =	swait.ge [sflag:s2], s0  }
0x249: {  	s31 =	ssub.s32 $0x0, s0;
	[sflag:s2] =	ssyncset.done $0x0  }
0x24a: {  	[sflag:s2] =	ssyncadd.s32 s31  }
0x24b: {  	[sflag:s2] =	ssyncpa.u1 $0x1  }
.LBB3_39:
0x24c: {  	s0 =	sor.u32 s15, s16  }
0x24d: {  	p1 =	sne.s32 s0, $0x0  }
.Ltmp35:
0x24e: {  	_ = 	snop;
	(pc) =	sbr.rel @p1 .LBB3_54-.Ltmp35, $3  }
0x24f: {  	_ =	sdelay $0x1  }
0x250: {  	[bflag:$0x0] =	sbarrier.arrive $0xFFFF  }
0x251: {  	_ =	sfence  }
0x252: {  	s0 =	simm.s32 $0x7  }
0x253: {  	s2 =	simm.s32 $0x1000;
	s3 =	simm.s32 $0xF218;
	[sflag:s0] =	ssyncpa.u1 $0x0  }
0x254: {  	[tilespmem:s3], [sflag:$0x7] =	stream.linear.gather [spmem:s2], $0x20, $0x38;
	[tilespmem:$0x1F6F8] =	vst v63  }
0x255: {  	s30 =	simm.s32 $0xF238;
	s2 =	simm.s32 $0x0  }
0x256: {  	[tilespmem:s30], [sflag:$0x7] =	stream.linear.gather [spmem:s2], $0x1000, $0x38;
	[tilespmem:$0x1F6F8] =	vst v63  }
.Ltmp36:
0x257: {  	_ = 	snop;
	(pc) =	sbr.rel .LBB3_41-.Ltmp36, $4  }
0x258: {  	_ =	swait.ge [sflag:s0], $0x1020  }
0x259: {  	[sflag:s0] =	ssyncset.done $0x0  }
0x25a: {  	s31 =	simm.s32 $0x8;
	[sflag:s0] =	ssyncadd.s32 $0xFFFFEFE0  }
0x25b: {  	s3 =	simm.s32 $0x0;
	[sflag:s31] =	ssyncpa.u1 $0x0  }
.LBB3_47:
0x25c: {  	p1 =	slt.u32 s4, $0xFFF1  }
0x25d: {  	s0 =	sand.u32 @p1 $0xFFF8, s4  }
0x25e: {  	s4 =	sand.u32 @p1 $0x7, s4;
	s5 =	simm.s32 @p1 $0xF188;
	s0 =	sadd.s32 @p1 s1, s0  }
0x25f: {  	[tilespmem:s5], [sflag:$0x8] =	stream.linear.gather @p1 [hbm4b:s0+s4], $0x80, $0x38;
	[tilespmem:$0x1F6F8] =	vst v63  }
0x260: {  	s0 =	simm.s32 @p1 $0x8  }
0x261: {  	_ =	swait.ge @p1 [sflag:s0], $0x80  }
0x262: {  	[sflag:s0] =	ssyncset.done @p1 $0x0  }
0x263: {  	[sflag:s0] =	ssyncadd.s32 @p1 $0xFFFFFF80  }
0x264: {  	v1 =	vld @p1 [tilespmem:$0xF188];
	_ =	sdelay $0x2  }
0x265: {  	s0 =	sshll.u32 @p1 s3, $0x9  }
0x266: {  	s4 =	sshrl.u32 @p1 s0, $0x2  }
0x267: {  	[tilespmem:s4+$0xF238] =	vst.add.f32.msk @p1 $0xffff, v1  }
0x268: {  	v1 =	vld @p1 [tilespmem:$0xF198];
	_ =	sdelay $0x4  }
0x269: {  	[tilespmem:s4+$0xF248] =	vst.add.f32.msk @p1 $0xffff, v1  }
0x26a: {  	v1 =	vld @p1 [tilespmem:$0xF1A8];
	_ =	sdelay $0x4  }
0x26b: {  	[tilespmem:s4+$0xF258] =	vst.add.f32.msk @p1 $0xffff, v1  }
0x26c: {  	v1 =	vld @p1 [tilespmem:$0xF1B8];
	_ =	sdelay $0x4  }
0x26d: {  	[tilespmem:s4+$0xF268] =	vst.add.f32.msk @p1 $0xffff, v1  }
0x26e: {  	v1 =	vld @p1 [tilespmem:$0xF1C8];
	_ =	sdelay $0x4  }
0x26f: {  	[tilespmem:s4+$0xF278] =	vst.add.f32.msk @p1 $0xffff, v1  }
0x270: {  	v1 =	vld @p1 [tilespmem:$0xF1D8];
	_ =	sdelay $0x4  }
0x271: {  	[tilespmem:s4+$0xF288] =	vst.add.f32.msk @p1 $0xffff, v1  }
0x272: {  	v1 =	vld @p1 [tilespmem:$0xF1E8];
	_ =	sdelay $0x4  }
0x273: {  	[tilespmem:s4+$0xF298] =	vst.add.f32.msk @p1 $0xffff, v1  }
0x274: {  	v1 =	vld @p1 [tilespmem:$0xF1F8];
	_ =	sdelay $0x3  }
0x275: {  	s5 =	sshll.u32 @!p1 s3, $0x9  }
0x276: {  	s5 =	smov.u32 @p1 s0;
	[tilespmem:s4+$0xF2A8] =	vst.add.f32.msk @p1 $0xffff, v1  }
0x277: {  	s0 =	sshrl.u32 s5, $0x2;
	[tilespmem:s2+$0xF218] =	vst.msk $0x1, v0  }
0x278: {  	v0 =	vld [tilespmem:s0+$0xF238];
	_ =	sdelay $0x2  }
0x279: {  	s31 =	sshll.u32 s2, $0x9  }
0x27a: {  	s4 =	sshra.s32 s31, $0x2  }
0x27b: {  	[tilespmem:s4+$0xF238] =	vst v0  }
0x27c: {  	v0 =	vld [tilespmem:s0+$0xF248];
	_ =	sdelay $0x4  }
0x27d: {  	[tilespmem:s4+$0xF248] =	vst v0  }
0x27e: {  	v0 =	vld [tilespmem:s0+$0xF258];
	_ =	sdelay $0x4  }
0x27f: {  	[tilespmem:s4+$0xF258] =	vst v0  }
0x280: {  	v0 =	vld [tilespmem:s0+$0xF268];
	_ =	sdelay $0x4  }
0x281: {  	[tilespmem:s4+$0xF268] =	vst v0  }
0x282: {  	v0 =	vld [tilespmem:s0+$0xF278];
	_ =	sdelay $0x4  }
0x283: {  	[tilespmem:s4+$0xF278] =	vst v0  }
0x284: {  	v0 =	vld [tilespmem:s0+$0xF288];
	_ =	sdelay $0x4  }
0x285: {  	[tilespmem:s4+$0xF288] =	vst v0  }
0x286: {  	v0 =	vld [tilespmem:s0+$0xF298];
	_ =	sdelay $0x4  }
0x287: {  	[tilespmem:s4+$0xF298] =	vst v0  }
0x288: {  	v0 =	vld [tilespmem:s0+$0xF2A8];
	_ =	sdelay $0x4  }
0x289: {  	s2 =	sadd.s32 $0x1, s2;
	[tilespmem:s4+$0xF2A8] =	vst v0  }
.LBB3_48:
0x28a: {  	s3 =	sadd.s32 $0x1, s3  }
0x28b: {  	p1 =	sne.s32 s3, $0x20  }
.Ltmp37:
0x28c: {  	_ = 	snop;
	(pc) =	sbr.rel @!p1 .LBB3_49-.Ltmp37, $1  }
0x28d: {  	_ =	sdelay $0x3  }
.LBB3_41:
0x28e: {  	v0 =	vld.msk [tilespmem:s3+$0xF218], $0x1;
	_ =	sdelay $0x4  }
0x28f: {  	(v2sf) =	vpush v0, $0x0;
	_ =	sdelay $0xe  }
0x290: {  	s4 =	spop (v2sf)  }
0x291: {  	p1 =	seq.s32 s4, $0xFFFFFFFF  }
.Ltmp38:
0x292: {  	_ = 	snop;
	(pc) =	sbr.rel @p1 .LBB3_48-.Ltmp38, $1  }
0x293: {  	_ =	sdelay $0x3  }
0x294: {  	p1 =	slt.s32 s2, $0x1  }
.Ltmp39:
0x295: {  	_ = 	snop;
	(pc) =	sbr.rel @p1 .LBB3_47-.Ltmp39, $1  }
0x296: {  	_ =	sdelay $0x3  }
0x297: {  	s5 =	simm.s32 $0xF218;
	p1 =	por $0x0, $0x0  }
0x298: {  	v1 =	vld.msk @!p1 [tilespmem:s5+$0x0], $0x1;
	_ =	sdelay $0x4  }
0x299: {  	(v2sf) =	vpush @!p1 v1, $0x0;
	_ =	sdelay $0xd  }
0x29a: {  	p3 =	sne.s32 s2, $0x1  }
.Ltmp40:
0x29b: {  	s0 =	spop @!p1 (v2sf);
	(pc) =	sbr.rel @!p3 .LBB3_45-.Ltmp40, $4  }
0x29c: {  	p2 =	seq.s32 @!p1 s4, s0  }
0x29d: {  	s6 =	simm.s32 $0x0;
	p2 =	por !p2, p1  }
0x29e: {  	s7 =	simm.s32 $0xFFFFFFFF;
	s6 =	simm.s32 @p2 $0xFFFFFFFF  }
0x29f: {  	s0 =	simm.s32 $0x1;
	s6 =	smov.u32 @p1 s7  }
.LBB3_44:
0x2a0: {  	s7 =	smov.u32 s6;
	p1 =	sne.s32 s6, $0xFFFFFFFF  }
0x2a1: {  	s5 =	sadd.s32 $0x1, s5;
	s6 =	smov.u32 s0;
	s0 =	sadd.s32 $0x1, s0  }
0x2a2: {  	p2 =	sne.s32 s2, s0;
	v1 =	vld.msk @!p1 [tilespmem:s5+$0x0], $0x1;
	_ =	sdelay $0x4  }
0x2a3: {  	(v2sf) =	vpush @!p1 v1, $0x0;
	_ =	sdelay $0xe  }
.Ltmp41:
0x2a4: {  	s8 =	spop @!p1 (v2sf);
	(pc) =	sbr.rel @p2 .LBB3_44-.Ltmp41, $4  }
0x2a5: {  	p3 =	seq.s32 @!p1 s4, s8  }
0x2a6: {  	p3 =	por !p3, p1  }
0x2a7: {  	s6 =	simm.s32 @p3 $0xFFFFFFFF  }
0x2a8: {  	s6 =	smov.u32 @p1 s7  }
.LBB3_45:
0x2a9: {  	p1 =	seq.s32 s6, $0xFFFFFFFF  }
.Ltmp42:
0x2aa: {  	_ = 	snop;
	(pc) =	sbr.rel @p1 .LBB3_47-.Ltmp42, $1  }
0x2ab: {  	_ =	sdelay $0x3  }
0x2ac: {  	s0 =	sshll.u32 s3, $0x7  }
0x2ad: {  	s0 =	sand.u32 $0x3FFFFF80, s0  }
0x2ae: {  	v0 =	vld [tilespmem:s0+$0xF238];
	_ =	sdelay $0x2  }
0x2af: {  	s4 =	sshll.u32 s6, $0x9  }
0x2b0: {  	s4 =	sshra.s32 s4, $0x2  }
0x2b1: {  	[tilespmem:s4+$0xF238] =	vst.add.f32.msk $0xffff, v0  }
0x2b2: {  	v0 =	vld [tilespmem:s0+$0xF248];
	_ =	sdelay $0x4  }
0x2b3: {  	[tilespmem:s4+$0xF248] =	vst.add.f32.msk $0xffff, v0  }
0x2b4: {  	v0 =	vld [tilespmem:s0+$0xF258];
	_ =	sdelay $0x4  }
0x2b5: {  	[tilespmem:s4+$0xF258] =	vst.add.f32.msk $0xffff, v0  }
0x2b6: {  	v0 =	vld [tilespmem:s0+$0xF268];
	_ =	sdelay $0x4  }
0x2b7: {  	[tilespmem:s4+$0xF268] =	vst.add.f32.msk $0xffff, v0  }
0x2b8: {  	v0 =	vld [tilespmem:s0+$0xF278];
	_ =	sdelay $0x4  }
0x2b9: {  	[tilespmem:s4+$0xF278] =	vst.add.f32.msk $0xffff, v0  }
0x2ba: {  	v0 =	vld [tilespmem:s0+$0xF288];
	_ =	sdelay $0x4  }
0x2bb: {  	[tilespmem:s4+$0xF288] =	vst.add.f32.msk $0xffff, v0  }
0x2bc: {  	v0 =	vld [tilespmem:s0+$0xF298];
	_ =	sdelay $0x4  }
0x2bd: {  	[tilespmem:s4+$0xF298] =	vst.add.f32.msk $0xffff, v0  }
0x2be: {  	v0 =	vld [tilespmem:s0+$0xF2A8]  }
.Ltmp43:
0x2bf: {  	_ = 	snop;
	(pc) =	sbr.rel .LBB3_48-.Ltmp43, $2  }
0x2c0: {  	_ =	sdelay $0x2  }
0x2c1: {  	[tilespmem:s4+$0xF2A8] =	vst.add.f32.msk $0xffff, v0  }
.LBB3_49:
0x2c2: {  	p1 =	slt.s32 s2, $0x1  }
.Ltmp44:
0x2c3: {  	_ = 	snop;
	(pc) =	sbr.rel @p1 .LBB3_53-.Ltmp44, $3  }
0x2c4: {  	_ =	sdelay $0x1  }
0x2c5: {  	s0 =	simm.s32 $0x8  }
0x2c6: {  	s3 =	simm.s32 $0x0;
	[sflag:s0] =	ssyncpa.u1 $0x1  }
0x2c7: {  	s0 =	simm.s32 $0xF218  }
0x2c8: {  	v0 =	vld.msk [tilespmem:s0+$0x0], $0x1;
	_ =	sdelay $0x4  }
0x2c9: {  	(v2sf) =	vpush v0, $0x0;
	_ =	sdelay $0xe  }
0x2ca: {  	s2 =	sadd.s32 $0xFFFFFFFF, s2;
	s0 =	spop (v2sf)  }
0x2cb: {  	p2 =	sne.s32 s2, $0x0;
	p1 =	sgt.u32 s0, $0xFFF0  }
.Ltmp45:
0x2cc: {  	s5 =	sand.u32 @!p1 $0xFFF8, s0;
	(pc) =	sbr.rel @!p2 .LBB3_52-.Ltmp45, $4  }
0x2cd: {  	s4 =	simm.s32 $0xF238;
	s0 =	sand.u32 @!p1 $0x7, s0;
	s5 =	sadd.s32 @!p1 s1, s5  }
0x2ce: {  	[hbm4b:s5+s0] =	stream.linear.scatter @!p1 [tilespmem:s4], [sflag:$0x7], $0x80, $0x38;
	[tilespmem:$0x1F6F8] =	vst v63  }
0x2cf: {  	s5 =	simm.s32 $0x0  }
0x2d0: {  	s0 =	simm.s32 $0xF219;
	s5 =	simm.s32 @!p1 $0x200  }
.LBB3_51:
0x2d1: {  	v0 =	vld.msk [tilespmem:s0+$0x0], $0x1;
	s2 =	sadd.s32 $0xFFFFFFFF, s2;
	s3 =	sadd.s32 s3, s5  }
0x2d2: {  	p1 =	sne.s32 s2, $0x0;
	_ =	sdelay $0x3  }
0x2d3: {  	(v2sf) =	vpush v0, $0x0;
	_ =	sdelay $0xe  }
.Ltmp46:
0x2d4: {  	s6 =	spop (v2sf);
	(pc) =	sbr.rel @p1 .LBB3_51-.Ltmp46, $4  }
0x2d5: {  	s5 =	simm.s32 $0x0;
	p2 =	sgt.u32 s6, $0xFFF0  }
0x2d6: {  	s4 =	sadd.s32 $0x80, s4;
	s5 =	simm.s32 @!p2 $0x200;
	s7 =	sand.u32 @!p2 $0xFFF8, s6  }
0x2d7: {  	s0 =	sadd.s32 $0x1, s0;
	s6 =	sand.u32 @!p2 $0x7, s6;
	s7 =	sadd.s32 @!p2 s1, s7  }
0x2d8: {  	[hbm4b:s7+s6] =	stream.linear.scatter @!p2 [tilespmem:s4], [sflag:$0x7], $0x80, $0x38;
	[tilespmem:$0x1F6F8] =	vst v63  }
.LBB3_52:
0x2d9: {  	s0 =	sadd.s32 s3, s5  }
0x2da: {  	s3 =	sshrl.u32 s0, $0x2  }
.LBB3_53:
0x2db: {  	s0 =	simm.s32 $0x7  }
0x2dc: {  	_ =	swait.ge [sflag:s0], s3  }
0x2dd: {  	s1 =	ssub.s32 $0x0, s3;
	[sflag:s0] =	ssyncset.done $0x0  }
0x2de: {  	[sflag:s0] =	ssyncadd.s32 s1  }
0x2df: {  	[sflag:s0] =	ssyncpa.u1 $0x1  }
.LBB3_54:
0x2e0: {  	_ =	sfence;
	s0 =	simm.s32 $0x1  }
0x2e1: {  	[sflag:s0] =	ssyncpa.u1 $0x1  }
0x2e2: {  	_ =	strace $0x90000059  }
0x2e3: {  	[bflag:$0x2] =	sbarrier.arrive $0xFFFF  }
0x2e4: {  	s0 =	rddreg [dreg:$0x4]  }
0x2e5: {  	s0 =	sadd.s32 @!p0 $0x100000, s0  }
0x2e6: {  	[sflag:s0] =	ssyncadd.tile.s32 @!p0 $0x1;
	_ =	shalt  }
.Lfunc_end3:
_tile_overlayer_lowered:
.L_overlay_start_3:
0x2e7: {  	(tag) =	ssettag $0x3  }
0x2e8: {  	s0 =	rddreg [dreg:$0x0];
	s2 =	stileid.u32  }
0x2e9: {  	s1 =	rddreg [dreg:$0x1];
	p0 =	sne.s32 s2, $0x0  }
0x2ea: {  	s3 =	rddreg [dreg:$0x2];
	[bflag:$0x3] =	sbarrier.arrive $0xFFFF;
	s2 =	simm.s32 @!p0 $0x1C01  }
0x2eb: {  	[timem:s3], [sflag:s2] =	dma.local @!p0 [hbm:s0], s1  }
0x2ec: {  	s0 =	simm.s32 @!p0 $0x1  }
0x2ed: {  	_ =	swait.ge @!p0 [sflag:s0], s1  }
0x2ee: {  	s1 =	ssub.s32 @!p0 $0x0, s1;
	[sflag:s0] =	ssyncset.done @!p0 $0x0  }
0x2ef: {  	[sflag:s0] =	ssyncadd.s32 @!p0 s1  }
0x2f0: {  	[bflag:$0x3] =	sbarrier.arrive $0xFFFF  }
0x2f1: {  	_ =	shalt  }

// kernel: scatter_offload_async_start.3
scs
__scs_entry_jumppad:
0x0: {  	(pc) =	sbr.rel $0x88, $3  }
0x1: {  	(tag) =	ssettag $0x0;
	lr =	simm.s32 $0x1  }
0x2: {  	[smem:$0x3F94] =	sst lr;
	_ =	strace $0xD0000000  }
0x3: {  	_ = 	snop  }
0x4: {  	_ = 	snop  }
0x5: {  	_ = 	snop  }
0x6: {  	_ = 	snop  }
0x7: {  	_ = 	snop  }
__scs_overlays_trampoline_lowered:
0x8: {  	[smem:$0x3FA3] =	sst s0  }
0x9: {  	[smem:$0x3FA4] =	sst s1  }
0xa: {  	[smem:$0x3FA5] =	sst s2  }
0xb: {  	[smem:$0x3FA6] =	sst s3  }
0xc: {  	[smem:$0x3FA7] =	sst s4  }
0xd: {  	[smem:$0x3FA8] =	sst s5  }
0xe: {  	[smem:$0x3FA9] =	sst s6  }
0xf: {  	[smem:$0x3FAA] =	sst s7  }
0x10: {  	[smem:$0x3FAB] =	sst s8  }
0x11: {  	[smem:$0x3FAC] =	sst s9;
	s0 =	simm.s32 @!p0 $0x0  }
0x12: {  	s1 =	sld [smem:$0x3F92];
	s0 =	simm.s32 @p0 $0x1  }
0x13: {  	[smem:$0x3FAD] =	sst s0;
	s0 =	simm.s32 @!p1 $0x0  }
0x14: {  	s2 =	sld [smem:$0x3F91];
	s0 =	simm.s32 @p1 $0x1  }
0x15: {  	[smem:$0x3FAE] =	sst s0;
	s0 =	simm.s32 @!p2 $0x0  }
0x16: {  	s3 =	sld [smem:$0x3FDB];
	s0 =	simm.s32 @p2 $0x1  }
0x17: {  	s4 =	simm.s32 $0x1BF5;
	[smem:$0x3FB0] =	sst s0  }
0x18: {  	s0 =	sld [smem:$0x3F93];
	_ =	swait.ge [sflag:s4], $0x0  }
0x19: {  	s7 =	sld [smem:$0x3F94]  }
0x1a: {  	s8 =	sadd.s32 $0xFFFFE003, lr  }
0x1b: {  	s9 =	sadd.s32 $0xFFFFFEF7, lr;
	s5 =	simm.s32 $0xFFFFFFFF;
	p2 =	slt.u32 s8, $0xFFFFF086  }
0x1c: {  	p1 =	slt.u32 s9, $0xF7A;
	s5 =	simm.s32 @!p2 $0x0  }
0x1d: {  	s5 =	simm.s32 @p1 $0x1;
	p0 =	seq.s32 s7, s2  }
0x1e: {  	s7 =	smul.u32 @!p0 $0xF7A, s2;
	p2 =	seq.s32 @!p0 s5, $0x0  }
0x1f: {  	s9 =	smul.u32 $0xF7A, s1;
	s8 =	simm.s32 @!p0 $0x1BF5;
	p2 =	por !p2, p0  }
0x20: {  	[sflag:s8] =	ssyncset.s32 @!p0 $0xFFFFF086;
	s6 =	sadd.s32 @!p0 s3, s7;
	s7 =	simm.s32 @!p0 $0x108  }
0x21: {  	s3 =	sadd.s32 s3, s9;
	s6 =	sadd.s32 @!p0 $0x88, s6;
	s7 =	simm.s32 @p2 $0x1082  }
0x22: {  	[simem:s7], [sflag:s8] =	dma.local @!p0 [hbm:s6], $0xF7A  }
0x23: {  	s9 =	sor.u32 $0xD0000000, s2;
	s6 =	simm.s32 $0x108;
	_ =	swait.ge @!p0 [sflag:s8], $0x0  }
0x24: {  	s3 =	sadd.s32 $0x88, s3;
	s6 =	simm.s32 @!p1 $0x1082;
	[sflag:s4] =	ssyncset.s32 $0xFFFFF086  }
0x25: {  	[simem:s6], [sflag:s4] =	dma.local [hbm:s3], $0xF7A  }
0x26: {  	[smem:$0x3F94] =	sst s1;
	(tag) =	ssettag s2;
	_ =	strace s9  }
0x27: {  	s1 =	sld [smem:$0x3FA4]  }
0x28: {  	s2 =	sld [smem:$0x3FA5]  }
0x29: {  	s4 =	sld [smem:$0x3FA7]  }
0x2a: {  	p0 =	seq.s32 s5, $0x0;
	s5 =	sld [smem:$0x3FA8]  }
0x2b: {  	s6 =	sld [smem:$0x3FA9]  }
0x2c: {  	s7 =	sld [smem:$0x3FAA]  }
0x2d: {  	s3 =	simm.s32 $0x108;
	s8 =	sld [smem:$0x3FAB]  }
0x2e: {  	s3 =	simm.s32 @!p0 $0x1082;
	s9 =	sld [smem:$0x3FAC]  }
0x2f: {  	lr =	sadd.s32 s0, s3;
	s0 =	sld [smem:$0x3FA3]  }
0x30: {  	s3 =	sld [smem:$0x3FA6]  }
0x31: {  	[smem:$0x3FAF] =	sst s10  }
0x32: {  	s10 =	sld [smem:$0x3FAD];
	_ =	sdelay $0x3  }
0x33: {  	p0 =	seq.s32 s10, $0x1;
	s10 =	sld [smem:$0x3FAF];
	_ =	sdelay $0x3  }
0x34: {  	[smem:$0x3FAF] =	sst s10  }
0x35: {  	s10 =	sld [smem:$0x3FAE];
	_ =	sdelay $0x3  }
0x36: {  	p1 =	seq.s32 s10, $0x1;
	s10 =	sld [smem:$0x3FAF];
	_ =	sdelay $0x3  }
0x37: {  	[smem:$0x3FAF] =	sst s10  }
0x38: {  	s10 =	sld [smem:$0x3FB0]  }
0x39: {  	_ = 	snop;
	(pc) =	sbr.ind lr, $3  }
0x3a: {  	_ = 	snop  }
0x3b: {  	_ = 	snop  }
0x3c: {  	p2 =	seq.s32 s10, $0x1;
	s10 =	sld [smem:$0x3FAF]  }
0x3d: {  	_ =	shalt  }
0x3e: {  	_ =	shalt  }
0x3f: {  	_ =	shalt  }
0x40: {  	_ =	shalt  }
0x41: {  	_ =	shalt  }
0x42: {  	_ =	shalt  }
0x43: {  	_ =	shalt  }
0x44: {  	_ =	shalt  }
0x45: {  	_ =	shalt  }
0x46: {  	_ =	shalt  }
0x47: {  	_ =	shalt  }
0x48: {  	_ =	shalt  }
0x49: {  	_ =	shalt  }
0x4a: {  	_ =	shalt  }
0x4b: {  	_ =	shalt  }
0x4c: {  	_ =	shalt  }
0x4d: {  	_ =	shalt  }
0x4e: {  	_ =	shalt  }
0x4f: {  	_ =	shalt  }
0x50: {  	_ =	shalt  }
0x51: {  	_ =	shalt  }
0x52: {  	_ =	shalt  }
0x53: {  	_ =	shalt  }
0x54: {  	_ =	shalt  }
0x55: {  	_ =	shalt  }
0x56: {  	_ =	shalt  }
0x57: {  	_ =	shalt  }
0x58: {  	_ =	shalt  }
0x59: {  	_ =	shalt  }
0x5a: {  	_ =	shalt  }
0x5b: {  	_ =	shalt  }
0x5c: {  	_ =	shalt  }
0x5d: {  	_ =	shalt  }
0x5e: {  	_ =	shalt  }
0x5f: {  	_ =	shalt  }
0x60: {  	_ =	shalt  }
0x61: {  	_ =	shalt  }
0x62: {  	_ =	shalt  }
0x63: {  	_ =	shalt  }
0x64: {  	_ =	shalt  }
0x65: {  	_ =	shalt  }
0x66: {  	_ =	shalt  }
0x67: {  	_ =	shalt  }
0x68: {  	_ =	shalt  }
0x69: {  	_ =	shalt  }
0x6a: {  	_ =	shalt  }
0x6b: {  	_ =	shalt  }
0x6c: {  	_ =	shalt  }
0x6d: {  	_ =	shalt  }
0x6e: {  	_ =	shalt  }
0x6f: {  	_ =	shalt  }
0x70: {  	_ =	shalt  }
0x71: {  	_ =	shalt  }
0x72: {  	_ =	shalt  }
0x73: {  	_ =	shalt  }
0x74: {  	_ =	shalt  }
0x75: {  	_ =	shalt  }
0x76: {  	_ =	shalt  }
0x77: {  	_ =	shalt  }
0x78: {  	_ =	shalt  }
0x79: {  	_ =	shalt  }
0x7a: {  	_ =	shalt  }
0x7b: {  	_ =	shalt  }
0x7c: {  	_ =	shalt  }
0x7d: {  	_ =	shalt  }
0x7e: {  	_ =	shalt  }
0x7f: {  	_ =	shalt  }
0x80: {  	_ =	shalt  }
0x81: {  	_ =	shalt  }
0x82: {  	_ =	shalt  }
0x83: {  	_ =	shalt  }
0x84: {  	_ =	shalt  }
0x85: {  	_ =	shalt  }
0x86: {  	_ =	shalt  }
0x87: {  	_ =	shalt  }
.Lfunc_end0:
.L_simem_size_0:
called_computation.3_lowered:
.L_overlay_start_0:
0x88: {  	s2 =	sld [smem:$0x3FD9]  }
0x89: {  	s3 =	sld [smem:$0x3FFE];
	_ =	sdelay $0x1  }
0x8a: {  	s1 =	srdreg.scid  }
0x8b: {  	s0 =	sand.u32 $0x1, s1  }
0x8c: {  	s10 =	sshll.u32 s0, $0xA;
	s2 =	sadd.s32 s3, s2  }
0x8d: {  	s2 =	sadd.s32 s2, s10  }
0x8e: {  	[smem:$0x3FBB] =	sst s2  }
0x8f: {  	_ = 	snop  }
0x90: {  	s2 =	sld [smem:$0x3FD0];
	_ =	sdelay $0x2  }
0x91: {  	s11 =	simm.s32 $0xF;
	s4 =	simm.s32 $0x10  }
0x92: {  	[smem:s4], [sflag:s11] =	dma.local [hbm:s2], $0x1  }
0x93: {  	_ =	swait.eq [sflag:s11], $0x1  }
0x94: {  	[sflag:s11] =	ssyncset.done $0x0  }
0x95: {  	[sflag:s11] =	ssyncadd.s32 $0xFFFFFFFF  }
0x96: {  	s12 =	sld [smem:$0x10];
	(tm) =	ssettm $0x1  }
0x97: {  	s13 =	sld [smem:$0x3FFB];
	_ =	sdelay $0x3  }
0x98: {  	_ =	strace s13  }
0x99: {  	s2 =	sld [smem:$0x3FFC];
	_ =	sdelay $0x3  }
0x9a: {  	_ =	strace s2  }
0x9b: {  	s2 =	sld [smem:$0x3FFD];
	_ =	sdelay $0x3  }
0x9c: {  	_ =	strace s2  }
0x9d: {  	_ =	strace $0x8FFFFFFF  }
0x9e: {  	s14 =	sld [smem:$0x3FDB];
	_ =	sdelay $0x1  }
0x9f: {  	s15 =	simm.s32 $_scs_section_size  }
0xa0: {  	s5 =	simm.s32 $_size__tile_overlayer_lowered;
	s6 =	simm.s32 $_tile_overlayer_lowered  }
0xa1: {  	s19 =	simm.s32 $0x1BFF;
	s17 =	sshll.u32 s6, $0x1;
	s7 =	sadd.s32 s15, s14  }
0xa2: {  	s20 =	simm.s32 $0x0;
	s16 =	sshll.u32 s5, $0x1;
	s18 =	sadd.s32 s17, s7  }
0xa3: {  	[timem:s20], [sflag:s19] =	dma.local [hbm:s18], s16  }
0xa4: {  	_ =	swait.ge [sflag:s19], s16  }
0xa5: {  	s4 =	ssub.s32 $0x0, s16;
	[sflag:s19] =	ssyncset.done $0x0  }
0xa6: {  	[sflag:s19] =	ssyncadd.s32 s4;
	_ =	sdelay $0x1  }
0xa7: {  	s21 =	simm.s32 $0x1B8B  }
0xa8: {  	_ =	swait.ge [sflag:s21], $0x1  }
0xa9: {  	[sflag:s21] =	ssyncset.done $0x0  }
0xaa: {  	[sflag:s21] =	ssyncadd.s32 $0xFFFFFFFF  }
0xab: {  	s4 =	sld [smem:$0x0]  }
0xac: {  	s5 =	sand.u32 $0xFFFFFFFE, s1  }
0xad: {  	p0 =	sne.s32 s1, s5  }
0xae: {  	s5 =	sshll.u32 @p0 s5, $0xE  }
0xaf: {  	s6 =	sadd.s32 @p0 $0x11B8D, s5;
	s8 =	sshll.u32 @p0 s4, $0x11  }
0xb0: {  	s6 =	sor.u32 @p0 s8, s6  }
0xb1: {  	[sflag:s6] =	ssyncadd.remote.s32 @p0 $0x1;
	_ =	sdelay $0x1  }
0xb2: {  	s6 =	simm.s32 @p0 $0x1B8D  }
0xb3: {  	_ =	swait.eq @p0 [sflag:s6], $0x1  }
0xb4: {  	[sflag:s6] =	ssyncadd.s32 @p0 $0xFFFFFFFF  }
0xb5: {  	s8 =	sshll.u32 @!p0 s1, $0xE  }
0xb6: {  	s8 =	sor.u32 @!p0 $0x4000, s8;
	s6 =	simm.s32 @!p0 $0x1B8D  }
0xb7: {  	s10 =	sshll.u32 @!p0 s4, $0x11;
	s9 =	sadd.s32 @!p0 $0x11B8D, s8;
	_ =	swait.eq @!p0 [sflag:s6], $0x1  }
0xb8: {  	[sflag:s6] =	ssyncadd.s32 @!p0 $0xFFFFFFFF;
	s6 =	sor.u32 @!p0 s10, s9  }
0xb9: {  	s23 =	simm.s32 $0x1B8E;
	s22 =	sld [smem:$0x3FFE];
	[sflag:s6] =	ssyncadd.remote.s32 @!p0 $0x1  }
0xba: {  	s24 =	simm.s32 $execute0_lowered;
	[smem:$0x3FD2] =	sst s23  }
0xbb: {  	s9 =	sshll.u32 s24, $0x1;
	_ =	strace $0x8000004F;
	[dreg:$0x1] =	wrdreg $0xFFFFFFFF  }
0xbc: {  	s25 =	simm.s32 $_size_execute0_lowered;
	s9 =	sadd.s32 s7, s9;
	[dreg:$0x0] =	wrdreg $0x0  }
0xbd: {  	s10 =	sshll.u32 s25, $0x1;
	[dreg:$0x2] =	wrdreg s9  }
0xbe: {  	[dreg:$0x3] =	wrdreg s10  }
0xbf: {  	[dreg:$0x4] =	wrdreg $0xC0  }
0xc0: {  	s26 =	simm.s32 $execute1_lowered;
	_ =	task [dreg:s20], $0x5FFFF  }
0xc1: {  	s9 =	sshll.u32 s26, $0x1;
	[dreg:$0x1] =	wrdreg $0xFFFFFFFF  }
0xc2: {  	s7 =	sadd.s32 s7, s9;
	[dreg:$0x0] =	wrdreg $0x60  }
0xc3: {  	[dreg:$0x2] =	wrdreg s7  }
0xc4: {  	[dreg:$0x3] =	wrdreg s22  }
0xc5: {  	[dreg:$0x4] =	wrdreg $0xD  }
0xc6: {  	_ =	task.clear_ibuf [dreg:s20], $0x5FFFF;
	_ =	strace $0x9000004F  }
0xc7: {  	s28 =	simm.s32 $0xD;
	_ =	strace $0x80000051  }
0xc8: {  	_ =	swait.ge [sflag:s28], $0x1  }
0xc9: {  	[sflag:s28] =	ssyncadd.s32 $0xFFFFFFFF  }
0xca: {  	_ =	strace $0x90000051  }
0xcb: {  	s7 =	sld [smem:$0x0];
	_ =	sdelay $0x3  }
0xcc: {  	s5 =	sadd.s32 @p0 $0x11BF3, s5;
	s9 =	sshll.u32 @p0 s7, $0x11  }
0xcd: {  	s5 =	sor.u32 @p0 s9, s5  }
0xce: {  	[sflag:s5] =	ssyncadd.remote.s32 @p0 $0x1;
	_ =	sdelay $0x1  }
0xcf: {  	s5 =	simm.s32 @p0 $0x1BF3  }
0xd0: {  	_ =	swait.eq @p0 [sflag:s5], $0x1  }
0xd1: {  	[sflag:s5] =	ssyncadd.s32 @p0 $0xFFFFFFFF;
	_ =	sdelay $0x1  }
0xd2: {  	s5 =	simm.s32 @!p0 $0x1BF3  }
0xd3: {  	s8 =	sadd.s32 @!p0 $0x11BF3, s8;
	s7 =	sshll.u32 @!p0 s7, $0x11;
	_ =	swait.eq @!p0 [sflag:s5], $0x1  }
0xd4: {  	[sflag:s5] =	ssyncadd.s32 @!p0 $0xFFFFFFFF;
	s5 =	sor.u32 @!p0 s7, s8  }
0xd5: {  	[sflag:s5] =	ssyncadd.remote.s32 @!p0 $0x1  }
0xd6: {  	_ =	strace $0x80000052;
	[dreg:$0x1] =	wrdreg $0xFFFFFFFF  }
0xd7: {  	[dreg:$0x0] =	wrdreg $0x2030  }
0xd8: {  	[dreg:$0x2] =	wrdreg s22  }
0xd9: {  	[dreg:$0x3] =	wrdreg s12  }
0xda: {  	[dreg:$0x4] =	wrdreg s1  }
0xdb: {  	[dreg:$0x5] =	wrdreg s4  }
0xdc: {  	[dreg:$0x6] =	wrdreg $0xE  }
0xdd: {  	_ =	task.clear_ibuf [dreg:s20], $0x7FFFF;
	_ =	strace $0x90000052  }
0xde: {  	s29 =	simm.s32 $0xE;
	_ =	strace $0x80000054  }
0xdf: {  	_ =	swait.ge [sflag:s29], $0x1  }
0xe0: {  	[sflag:s29] =	ssyncadd.s32 $0xFFFFFFFF  }
0xe1: {  	_ =	strace $0x90000054  }
0xe2: {  	_ =	sfence  }
0xe3: {  	s30 =	sld [smem:$0x0];
	_ =	sdelay $0x2  }
0xe4: {  	s31 =	sshll.u32 s1, $0xD;
	s1 =	sshrl.u32 s1, $0x2  }
0xe5: {  	s4 =	sand.u32 $0x4000, s31;
	s1 =	sadd.s32 s1, s30  }
0xe6: {  	s0 =	sor.u32 s4, s0;
	s1 =	sshll.u32 s1, $0x11  }
0xe7: {  	s0 =	sor.u32 s1, s0  }
0xe8: {  	s0 =	sadd.s32 $0x8F2B, s0  }
0xe9: {  	[sflag:s0] =	ssyncadd.remote.s32 $0x1  }
0xea: {  	_ =	sfence.sel $0xFFFF  }
0xeb: {  	[dreg:$0x0] =	wrdreg $0xFFFFFFFF;
	(pc) =	sbr.abs _section_cstart, $3  }
0xec: {  	[dreg:$0x1] =	wrdreg $0xFFFFFFFF  }
0xed: {  	_ =	task.clear_ibuf [dreg:s20], $0x2FFFF;
	_ =	strace $0x9FFFFFFF  }
0xee: {  	(tm) =	ssettm $0x7FFFFFFF  }
0xef: {  	_ =	shalt  }
tec
execute0_lowered:
.L_overlay_start_1:
0x0: {  	(tag) =	ssettag $0x1  }
0x1: {  	s3 =	rddreg [dreg:$0x0]  }
0x2: {  	s2 =	rddreg [dreg:$0x1]  }
0x3: {  	s0 =	rddreg [dreg:$0x2];
	s4 =	stileid.u32;
	[bflag:$0x3] =	sbarrier.arrive $0xFFFF  }
0x4: {  	s1 =	simm.s32 $_size_execute1_lowered;
	s29 =	srdreg.scid;
	p0 =	sne.s32 s4, $0x0  }
0x5: {  	s1 =	sshll.u32 s1, $0x1;
	s5 =	simm.s32 @!p0 $0x1C3F;
	s6 =	simm.s32 @!p0 $0x4060  }
0x6: {  	[timem:s6], [sflag:s5] =	dma.local @!p0 [hbm:s3], s1  }
0x7: {  	s3 =	sshll.u32 s29, $0x7  }
0x8: {  	s8 =	simm.s32 $0x2;
	s4 =	sshll.u32 s4, $0x8;
	s3 =	sand.u32 $0x80, s3  }
0x9: {  	s9 =	simm.s32 $0x0;
	s11 =	simm.s32 $0x0;
	s3 =	sor.u32 s4, s3  }
0xa: {  	s10 =	simm.s32 $0x0;
	_ =	strace $0x80000050;
	s30 =	ssub.s32 $0x1000, s3  }
.Ltmp0:
0xb: {  	s4 =	simm.s32 $0x1;
	s7 =	sand.u32 $0xF80, s30;
	(pc) =	sbr.rel .LBB2_1-.Ltmp0, $4  }
0xc: {  	s31 =	sshll.u32 s3, $0x4;
	p1 =	sne.s32 s7, $0x0;
	s7 =	simm.s32 $0x1  }
0xd: {  	[sflag:s4] =	ssyncpa.u1 $0x0;
	s5 =	sshrl.u32 s30, $0xC;
	s7 =	simm.s32 @!p1 $0x0  }
0xe: {  	s6 =	sadd.s32 s31, s2;
	[sflag:s8] =	ssyncpa.u1 $0x0;
	s5 =	sadd.s32 s7, s5  }
0xf: {  	s8 =	simm.s32 $0x0;
	s6 =	sadd.s32 $0x62000, s6;
	s7 =	sadd.s32 $0x1, s5  }
.LBB2_4:
0x10: {  	_ =	sdelay $0x3  }
0x11: {  	[tilespmem:v0+s13+$0xFFFFFFA0 ss:$0x1] =	vst.idx.msk $0xffff, v6  }
0x12: {  	v56 =	vld.idx.msk [tilespmem:v1+s14+$0x30 ss:$0x1], $0xffff;
	[tilespmem:v0+s13+$0xFFFFFFB0 ss:$0x1] =	vst.idx.msk $0xffff, v4  }
0x13: {  	v57 =	vld.idx.msk [tilespmem:v1+s14+$0xFFFFFFC0 ss:$0x1], $0xffff;
	[tilespmem:v0+s13+$0xFFFFFFC0 ss:$0x1] =	vst.idx.msk $0xffff, v2  }
0x14: {  	v58 =	vld.idx.msk [tilespmem:v1+s14+$0xFFFFFFD0 ss:$0x1], $0xffff;
	[tilespmem:v0+s13+$0xFFFFFFD0 ss:$0x1] =	vst.idx.msk $0xffff, v3  }
0x15: {  	v59 =	vld.idx.msk [tilespmem:v1+s14+$0xFFFFFFE0 ss:$0x1], $0xffff;
	[tilespmem:v0+s13+$0xFFFFFFE0 ss:$0x1] =	vst.idx.msk $0xffff, v5  }
0x16: {  	v60 =	vld.idx.msk [tilespmem:v1+s14+$0xFFFFFFF0 ss:$0x1], $0xffff;
	[tilespmem:v0+s13+$0xFFFFFFF0 ss:$0x1] =	vst.idx.msk $0xffff, v7  }
0x17: {  	v61 =	vld.idx.msk [tilespmem:v1+s14+$0x0 ss:$0x1], $0xffff;
	[tilespmem:v0+s14+$0x0 ss:$0x1] =	vst.idx.msk $0xffff, v56  }
0x18: {  	v62 =	vld.idx.msk [tilespmem:v1+s14+$0x10 ss:$0x1], $0xffff;
	[tilespmem:v0+s14+$0xFFFFFF90 ss:$0x1] =	vst.idx.msk $0xffff, v57  }
0x19: {  	v63 =	vld.idx.msk [tilespmem:v1+s14+$0x20 ss:$0x1], $0xffff;
	[tilespmem:v0+s14+$0xFFFFFFA0 ss:$0x1] =	vst.idx.msk $0xffff, v58  }
0x1a: {  	[tilespmem:v0+s14+$0xFFFFFFB0 ss:$0x1] =	vst.idx.msk $0xffff, v59  }
0x1b: {  	[tilespmem:v0+s14+$0xFFFFFFC0 ss:$0x1] =	vst.idx.msk $0xffff, v60  }
0x1c: {  	s11 =	sshll.u32 s11, $0x4;
	[tilespmem:v0+s14+$0xFFFFFFD0 ss:$0x1] =	vst.idx.msk $0xffff, v61  }
0x1d: {  	s11 =	sand.u32 $0xFFF0, s11;
	[tilespmem:v0+s14+$0xFFFFFFE0 ss:$0x1] =	vst.idx.msk $0xffff, v62  }
0x1e: {  	s11 =	sadd.s32 s2, s11;
	[tilespmem:v0+s14+$0xFFFFFFF0 ss:$0x1] =	vst.idx.msk $0xffff, v63  }
0x1f: {  	[hbm4b:s11+s8] =	stream.linear.scatter [tilespmem:s12], [sflag:$0x2], $0x4000, $0x38;
	[tilespmem:$0x10000] =	vst v63  }
.LBB2_5:
0x20: {  	p2 =	sne.s32 s10, s7  }
.Ltmp1:
0x21: {  	p1 =	slt.u32 s10, $0x2;
	(pc) =	sbr.rel @!p2 .LBB2_6-.Ltmp1, $4  }
0x22: {  	s11 =	simm.s32 @!p1 $0x2  }
0x23: {  	_ =	swait.ge @!p1 [sflag:s11], $0x4000  }
0x24: {  	s12 =	sadd.s32 $0x1, s10;
	s9 =	sadd.s32 $0x4000, s9;
	[sflag:s11] =	ssyncset.done @!p1 $0x0  }
0x25: {  	s10 =	smov.u32 s12;
	[sflag:s11] =	ssyncadd.s32 @!p1 $0xFFFFC000;
	s11 =	smov.u32 s3  }
.LBB2_1:
0x26: {  	p1 =	sge.u32 s10, s5  }
0x27: {  	s12 =	sxor.u32 @!p1 $0xFFFFFFFF, s10  }
0x28: {  	s12 =	sshll.u32 @!p1 s12, $0xE  }
0x29: {  	s31 =	sadd.s32 $0xFFFFFFFF, s10;
	s13 =	simm.s32 @!p1 $0x0;
	s12 =	sand.u32 @!p1 $0x4000, s12  }
0x2a: {  	[tilespmem:s12], [sflag:$0x1] =	stream.linear.gather @!p1 [hbm4b:s6+s13], $0x4000, $0x38;
	[tilespmem:$0x10000] =	vst v63  }
0x2b: {  	p1 =	sge.u32 s31, s5  }
.Ltmp2:
0x2c: {  	_ = 	snop;
	(pc) =	sbr.rel @p1 .LBB2_5-.Ltmp2, $1  }
0x2d: {  	_ =	sdelay $0x3  }
0x2e: {  	s12 =	sand.u32 $0x4000, s9  }
0x2f: {  	s13 =	sor.u32 $0x40, s12  }
0x30: {  	v1 =	vmov s13;
	_ =	sdelay $0x1  }
0x31: {  	_ =	swait.ge [sflag:s4], $0x4000  }
0x32: {  	[sflag:s4] =	ssyncset.done $0x0  }
0x33: {  	[sflag:s4] =	ssyncadd.s32 $0xFFFFC000;
	s13 =	simm.s32 $0x0  }
0x34: {  	s12 =	sor.u32 $0x8070, s12;
	v7 =	vld.idx.msk [tilespmem:v1+s13+$0x30 ss:$0x1], $0xffff  }
0x35: {  	v0 =	vmov s12;
	v8 =	vld.idx.msk [tilespmem:v1+s13+$0xFFFFFFC0 ss:$0x1], $0xffff  }
0x36: {  	v6 =	vld.idx.msk [tilespmem:v1+s13+$0xFFFFFFD0 ss:$0x1], $0xffff  }
0x37: {  	v4 =	vld.idx.msk [tilespmem:v1+s13+$0xFFFFFFE0 ss:$0x1], $0xffff  }
0x38: {  	v2 =	vld.idx.msk [tilespmem:v1+s13+$0xFFFFFFF0 ss:$0x1], $0xffff  }
0x39: {  	s31 =	sshll.u32 s10, $0xE;
	v3 =	vld.idx.msk [tilespmem:v1+s13+$0x0 ss:$0x1], $0xffff  }
0x3a: {  	s12 =	sand.u32 $0x4000, s31;
	v5 =	vld.idx.msk [tilespmem:v1+s13+$0x10 ss:$0x1], $0xffff;
	[tilespmem:v0+s13+$0x0 ss:$0x1] =	vst.idx.msk $0xffff, v7  }
0x3b: {  	s14 =	simm.s32 $0x80;
	s15 =	simm.s32 $0x400;
	s12 =	sor.u32 $0x8000, s12;
	[tilespmem:v0+s13+$0xFFFFFF90 ss:$0x1] =	vst.idx.msk $0xffff, v8;
	v7 =	vld.idx.msk [tilespmem:v1+s13+$0x20 ss:$0x1], $0xffff  }
.LBB2_3:
0x3c: {  	p1 =	sne.s32 s15, $0xFE00;
	v8 =	vld.idx.msk [tilespmem:v1+s14+$0x30 ss:$0x1], $0xffff;
	[tilespmem:v0+s13+$0xFFFFFFA0 ss:$0x1] =	vst.idx.msk $0xffff, v6  }
0x3d: {  	v9 =	vld.idx.msk [tilespmem:v1+s14+$0xFFFFFFC0 ss:$0x1], $0xffff;
	[tilespmem:v0+s13+$0xFFFFFFB0 ss:$0x1] =	vst.idx.msk $0xffff, v4  }
0x3e: {  	v6 =	vld.idx.msk [tilespmem:v1+s14+$0xFFFFFFD0 ss:$0x1], $0xffff;
	[tilespmem:v0+s13+$0xFFFFFFC0 ss:$0x1] =	vst.idx.msk $0xffff, v2  }
.Ltmp3:
0x3f: {  	v4 =	vld.idx.msk [tilespmem:v1+s14+$0xFFFFFFE0 ss:$0x1], $0xffff;
	[tilespmem:v0+s13+$0xFFFFFFD0 ss:$0x1] =	vst.idx.msk $0xffff, v3;
	(pc) =	sbr.rel @p1 .LBB2_3-.Ltmp3, $4  }
0x40: {  	v2 =	vld.idx.msk [tilespmem:v1+s14+$0xFFFFFFF0 ss:$0x1], $0xffff;
	[tilespmem:v0+s13+$0xFFFFFFE0 ss:$0x1] =	vst.idx.msk $0xffff, v5  }
0x41: {  	v3 =	vld.idx.msk [tilespmem:v1+s14+$0x0 ss:$0x1], $0xffff;
	[tilespmem:v0+s13+$0xFFFFFFF0 ss:$0x1] =	vst.idx.msk $0xffff, v7;
	s13 =	smov.u32 s14  }
0x42: {  	v5 =	vld.idx.msk [tilespmem:v1+s13+$0x10 ss:$0x1], $0xffff;
	[tilespmem:v0+s13+$0x0 ss:$0x1] =	vst.idx.msk $0xffff, v8  }
0x43: {  	s14 =	sshra.s32 s15, $0x2;
	s15 =	sadd.s32 $0x200, s15;
	[tilespmem:v0+s13+$0xFFFFFF90 ss:$0x1] =	vst.idx.msk $0xffff, v9;
	v7 =	vld.idx.msk [tilespmem:v1+s13+$0x20 ss:$0x1], $0xffff  }
.Ltmp4:
0x44: {  	_ = 	snop;
	(pc) =	sbr.rel .LBB2_4-.Ltmp4, $1  }
0x45: {  	_ =	sdelay $0x3  }
.LBB2_6:
0x46: {  	_ =	sfence.sel $0x180000  }
0x47: {  	s2 =	simm.s32 $0x1;
	[bflag:$0x0] =	sbarrier.arrive $0xFFFF  }
0x48: {  	s31 =	simm.s32 $0x2;
	[sflag:s2] =	ssyncpa.u1 $0x1  }
0x49: {  	[sflag:s31] =	ssyncpa.u1 $0x1  }
0x4a: {  	_ =	strace $0x90000050  }
0x4b: {  	s0 =	sadd.s32 @!p0 $0x100000, s0;
	[bflag:$0x2] =	sbarrier.arrive $0xFFFF  }
0x4c: {  	[sflag:s0] =	ssyncadd.tile.s32 @!p0 $0x1;
	s0 =	simm.s32 @!p0 $0x3F  }
0x4d: {  	_ =	swait.ge @!p0 [sflag:s0], s1  }
0x4e: {  	s1 =	ssub.s32 @!p0 $0x0, s1;
	[sflag:s0] =	ssyncset.done @!p0 $0x0  }
0x4f: {  	[sflag:s0] =	ssyncadd.s32 @!p0 s1  }
0x50: {  	[bflag:$0x3] =	sbarrier.arrive $0xFFFF  }
0x51: {  	_ =	shalt  }
.Lfunc_end2:
execute1_lowered:
.L_overlay_start_2:
0x52: {  	(tag) =	ssettag $0x2  }
0x53: {  	s1 =	rddreg [dreg:$0x0]  }
0x54: {  	s9 =	rddreg [dreg:$0x1]  }
0x55: {  	s2 =	rddreg [dreg:$0x2];
	_ =	strace $0x80000053;
	s0 =	simm.s32 $0x1  }
0x56: {  	v0 =	vimm.s32 $0x0;
	[sflag:s0] =	ssyncpa.u1 $0x0;
	s0 =	simm.s32 $0x108  }
0x57: {  	[tilespmem:s0+$0x70] =	vst v0  }
0x58: {  	[tilespmem:s0+$0x60] =	vst v0  }
0x59: {  	[tilespmem:s0+$0x50] =	vst v0  }
0x5a: {  	[tilespmem:s0+$0x40] =	vst v0  }
0x5b: {  	[tilespmem:s0+$0x30] =	vst v0  }
0x5c: {  	s3 =	simm.s32 $0x40;
	s15 =	sadd.s32 $0x41800, s1;
	s2 =	sand.u32 $0x1, s2;
	[tilespmem:s0+$0x20] =	vst v0  }
0x5d: {  	s14 =	sadd.s32 $0x41C00, s1;
	[dreg:$0x5] =	wrdreg s2;
	s16 =	sshll.u32 s2, $0x9;
	[tilespmem:s0+$0x10] =	vst v0  }
.LBB3_1:
0x5e: {  	s3 =	sadd.s32 $0x40, s3;
	[tilespmem:s0+$0x0] =	vst v0;
	s0 =	sadd.s32 $0x80, s0  }
0x5f: {  	p0 =	slt.u32 s3, $0x3C40;
	[tilespmem:s0+$0x70] =	vst v0  }
0x60: {  	[tilespmem:s0+$0x60] =	vst v0  }
.Ltmp5:
0x61: {  	[tilespmem:s0+$0x50] =	vst v0;
	(pc) =	sbr.rel @p0 .LBB3_1-.Ltmp5, $4  }
0x62: {  	[tilespmem:s0+$0x40] =	vst v0  }
0x63: {  	[tilespmem:s0+$0x30] =	vst v0  }
0x64: {  	[tilespmem:s0+$0x20] =	vst v0  }
0x65: {  	[tilespmem:s0+$0x10] =	vst v0  }
0x66: {  	s5 =	stileid.u32  }
0x67: {  	s2 =	smin.u32 s5, $0x2  }
0x68: {  	s2 =	sadd.s32 s5, s2  }
0x69: {  	p0 =	slt.u32 s5, $0x2;
	s7 =	smul.u32 $0xF0, s2;
	s2 =	simm.s32 $0x1E0  }
0x6a: {  	s2 =	simm.s32 @!p0 $0xF0  }
0x6b: {  	s2 =	sadd.s32 s2, s7  }
0x6c: {  	s8 =	smin.u32 s2, $0x1000  }
0x6d: {  	s2 =	ssub.s32 s8, s7  }
0x6e: {  	p0 =	sgt.s32 s2, $0x0  }
0x6f: {  	s2 =	simm.s32 @!p0 $0x0  }
0x70: {  	s30 =	simm.s32 $0x2;
	s10 =	simm.s32 $0x9;
	s3 =	smul.u32 $0x8889, s2  }
0x71: {  	s4 =	simm.s32 $0xA;
	s11 =	simm.s32 $0xB;
	s12 =	simm.s32 $0x1  }
0x72: {  	s14 =	sadd.s32 s16, s14;
	s15 =	sadd.s32 s16, s15;
	s31 =	sshrl.u32 s3, $0x17  }
0x73: {  	s22 =	simm.s32 $0x0;
	s18 =	simm.s32 $0xC;
	s3 =	smul.u32 $0xF0, s31  }
.Ltmp6:
0x74: {  	[tilespmem:s0+$0x0] =	vst v0;
	v0 =	vimm.s32 $0xFFFFFFFF;
	s20 =	simm.s32 $0x0;
	[sflag:s30] =	ssyncpa.u1 $0x0;
	(pc) =	sbr.rel .LBB3_3-.Ltmp6, $4  }
0x75: {  	[tilespmem:$0xF208] =	vst v0;
	[sflag:s10] =	ssyncpa.u1 $0x0;
	p0 =	sne.s32 s2, s3;
	s2 =	simm.s32 $0x1  }
0x76: {  	s21 =	simm.s32 $0x0;
	[sflag:s4] =	ssyncpa.u1 $0x0;
	s2 =	simm.s32 @!p0 $0x0  }
0x77: {  	s16 =	sshll.u32 s5, $0x8;
	[sflag:s11] =	ssyncpa.u1 $0x0;
	s13 =	sadd.s32 s31, s2  }
0x78: {  	v0 =	vlaneseq.u32;
	s19 =	smov.u32 s7;
	p0 =	por $0x0, $0x0;
	s17 =	sadd.s32 $0x1, s13  }
.LBB3_18:
0x79: {  	s0 =	sshrl.u32 s31, $0x2  }
.LBB3_20:
0x7a: {  	_ =	swait.ge [sflag:s18], s0  }
0x7b: {  	s31 =	ssub.s32 $0x0, s0;
	v1 =	vmov s25;
	vm0 =	veq.s32 v0, $0x0;
	[sflag:s18] =	ssyncset.done $0x0  }
0x7c: {  	vm15 =	veq.s32 v0, $0x2;
	v1 =	vsel vm0, s30, v1;
	[sflag:s18] =	ssyncadd.s32 s31  }
0x7d: {  	v1 =	vsel vm15, s22, v1;
	[sflag:s18] =	ssyncpa.u1 $0x1  }
0x7e: {  	[tilespmem:$0xF208] =	vst v1  }
.LBB3_21:
0x7f: {  	s0 =	sadd.s32 $0xF0, s19  }
0x80: {  	s2 =	smov.u32 s7;
	p1 =	slt.s32 s0, s8  }
0x81: {  	s2 =	smov.u32 @p1 s0;
	p1 =	sne.s32 s21, s17  }
.Ltmp7:
0x82: {  	_ = 	snop;
	(pc) =	sbr.rel @!p1 .LBB3_22-.Ltmp7, $3  }
0x83: {  	_ =	sdelay $0x1  }
0x84: {  	s22 =	smov.u32 s20;
	s31 =	sadd.s32 $0x1, s21;
	s20 =	smov.u32 s19  }
0x85: {  	p0 =	por !p0, !p0;
	s21 =	smov.u32 s31;
	s19 =	smov.u32 s2  }
.LBB3_3:
0x86: {  	p1 =	sge.u32 s21, s13  }
0x87: {  	s0 =	smulhi.u32 @!p1 $0xAAAAAAAB, s21  }
0x88: {  	s2 =	smov.u32 s19;
	p2 =	sgt.s32 @!p1 s19, $0xF10  }
0x89: {  	s3 =	sshra.s32 @!p1 s19, $0x1F;
	p2 =	por !p2, p1;
	s0 =	sshrl.u32 @!p1 s0, $0x1  }
0x8a: {  	s3 =	sand.u32 @!p1 s3, s19;
	s2 =	simm.s32 @p2 $0xF10;
	s0 =	smul.u32 @!p1 $0x3, s0  }
0x8b: {  	s2 =	ssub.s32 @!p1 s2, s3  }
0x8c: {  	s2 =	sadd.s32 @!p1 $0xFFFFF0F0, s2;
	s0 =	ssub.s32 @!p1 s21, s0  }
0x8d: {  	s3 =	sshll.u32 @!p1 s2, $0x2;
	p2 =	sgt.s32 @!p1 s2, $0xEF;
	s0 =	smul.u32 @!p1 $0x3C0, s0  }
0x8e: {  	s4 =	sand.u32 @!p1 $0x7, s19;
	s2 =	ssub.s32 @!p1 $0x3C0, s3;
	p2 =	por !p2, p1  }
0x8f: {  	s3 =	sshrl.u32 @!p1 s19, $0x3;
	s2 =	sshrl.u32 @!p1 s2, $0x2;
	s0 =	sshrl.u32 @!p1 s0, $0x2  }
0x90: {  	s3 =	sadd.s32 @!p1 s3, s14;
	s2 =	simm.s32 @!p2 $0x0;
	s0 =	sadd.s32 @!p1 $0x10248, s0  }
0x91: {  	[tilespmem:s0], [sflag:$0xA] =	stream.linear.gather @!p1 [hbm4b:s3+s4], s2, $0x38;
	[tilespmem:$0x1F6F8] =	vst v63  }
0x92: {  	s0 =	sadd.s32 $0xFFFFFFFF, s21  }
0x93: {  	p1 =	sge.u32 s0, s13  }
0x94: {  	p2 =	sgt.s32 @!p1 s20, $0xF10  }
0x95: {  	s2 =	smov.u32 s20;
	s3 =	sshra.s32 @!p1 s20, $0x1F;
	p2 =	por !p2, p1  }
0x96: {  	s3 =	sand.u32 @!p1 s3, s20;
	s2 =	simm.s32 @p2 $0xF10  }
0x97: {  	s2 =	ssub.s32 @!p1 s2, s3  }
0x98: {  	s2 =	sadd.s32 @!p1 $0xFFFFF0F0, s2  }
0x99: {  	s4 =	sand.u32 @!p1 $0x1, s0;
	s3 =	sshll.u32 @!p1 s2, $0x2  }
0x9a: {  	p2 =	sgt.s32 @!p1 s2, $0xEF;
	s2 =	ssub.s32 @!p1 $0x3C0, s3;
	s3 =	smulhi.u32 @!p1 $0xAAAAAAAB, s0  }
0x9b: {  	s23 =	smul.u32 @!p1 $0x3C0, s4;
	p2 =	por !p2, p1;
	s2 =	sshrl.u32 @!p1 s2, $0x2  }
0x9c: {  	s5 =	simm.s32 @!p1 $0xA;
	s2 =	simm.s32 @!p2 $0x0;
	s3 =	sshrl.u32 @!p1 s3, $0x1  }
0x9d: {  	s23 =	sshrl.u32 @!p1 s23, $0x2;
	_ =	swait.ge @!p1 [sflag:s5], s2;
	s3 =	smul.u32 @!p1 $0x3, s3  }
0x9e: {  	s23 =	sadd.s32 @!p1 $0x10518, s23;
	s24 =	ssub.s32 @!p1 $0x0, s2;
	[sflag:s5] =	ssyncset.done @!p1 $0x0  }
0x9f: {  	[sflag:s5] =	ssyncadd.s32 @!p1 s24;
	s5 =	sshrl.u32 @!p1 s20, $0x3;
	s0 =	ssub.s32 @!p1 s0, s3  }
0xa0: {  	s24 =	sand.u32 @!p1 $0x7, s20;
	s5 =	sadd.s32 @!p1 s5, s15;
	s0 =	smul.u32 @!p1 $0x3C0, s0  }
0xa1: {  	[tilespmem:s23], [sflag:$0xB] =	stream.linear.gather @!p1 [hbm4b:s5+s24], s2, $0x38;
	[tilespmem:$0x1F6F8] =	vst v63  }
0xa2: {  	s3 =	ssub.s32 @!p1 $0x1000, s20;
	s2 =	smul.u32 @!p1 $0x1E000, s4  }
0xa3: {  	p2 =	slt.s32 @!p1 s3, $0xF0  }
0xa4: {  	p2 =	por !p2, p1;
	s0 =	sshrl.u32 @!p1 s0, $0x2;
	s2 =	sshrl.u32 @!p1 s2, $0x2  }
0xa5: {  	s3 =	simm.s32 @p2 $0xF0;
	s0 =	sadd.s32 @!p1 $0x10248, s0;
	s2 =	sor.u32 @!p1 $0x106F8, s2  }
0xa6: {  	[tilespmem:s2], [sflag:$0x9] =	stream.indirect.gather @!p1 [hbm4b:s9+s3], $0x80, s0, s3, $0xb8;
	[tilespmem:$0x1F6F8] =	vst v63  }
0xa7: {  	p1 =	slt.u32 s21, $0x2  }
.Ltmp8:
0xa8: {  	_ = 	snop;
	(pc) =	sbr.rel @p1 .LBB3_21-.Ltmp8, $1  }
0xa9: {  	_ =	sdelay $0x3  }
0xaa: {  	p1 =	sgt.s32 s22, $0xF10  }
0xab: {  	s0 =	smov.u32 s22;
	s2 =	sshra.s32 s22, $0x1F;
	s3 =	ssub.s32 $0x1000, s22  }
0xac: {  	s0 =	simm.s32 @!p1 $0xF10;
	s2 =	sand.u32 s2, s22;
	p1 =	slt.s32 s3, $0xF0  }
0xad: {  	s0 =	ssub.s32 s0, s2;
	s3 =	simm.s32 @!p1 $0xF0  }
0xae: {  	s0 =	sadd.s32 $0xFFFFF0F0, s0;
	s25 =	sshll.u32 s3, $0x7  }
0xaf: {  	s26 =	sshll.u32 s0, $0x2;
	s2 =	sand.u32 $0x3FFFFF80, s25  }
0xb0: {  	p1 =	sgt.s32 s0, $0xEF;
	s29 =	ssub.s32 $0x3C0, s26;
	_ =	swait.ge [sflag:s10], s2  }
0xb1: {  	s2 =	ssub.s32 $0x0, s2;
	[sflag:s10] =	ssyncset.done $0x0;
	s0 =	sshrl.u32 s29, $0x2  }
0xb2: {  	[sflag:s10] =	ssyncadd.s32 s2;
	s0 =	simm.s32 @p1 $0x0  }
0xb3: {  	_ =	swait.ge [sflag:s11], s0  }
0xb4: {  	s0 =	ssub.s32 $0x0, s0;
	[sflag:s11] =	ssyncset.done $0x0  }
0xb5: {  	[sflag:s11] =	ssyncadd.s32 s0  }
0xb6: {  	v1 =	vld [tilespmem:$0xF208];
	_ =	sdelay $0x4  }
0xb7: {  	(v2sf) =	vpush v1, $0x0  }
0xb8: {  	(v2sf) =	vpush v1, $0x1  }
0xb9: {  	(v2sf) =	vpush v1, $0x2;
	_ =	sdelay $0x3  }
0xba: {  	s0 =	sadd.s32 $0xF0, s22  }
0xbb: {  	s2 =	ssub.s32 $0x2000, s22;
	p1 =	slt.s32 s8, s0  }
0xbc: {  	s0 =	smov.u32 @p1 s8;
	p1 =	sgt.s32 s2, $0x0  }
0xbd: {  	s23 =	ssub.s32 s0, s22;
	s2 =	simm.s32 @!p1 $0x0  }
0xbe: {  	p1 =	slt.s32 s2, s23  }
0xbf: {  	s23 =	smov.u32 @p1 s2  }
0xc0: {  	s26 =	simm.s32 $0x1;
	p1 =	slt.s32 s23, $0x1  }
.Ltmp9:
0xc1: {  	s26 =	simm.s32 @!p0 $0x0;
	(pc) =	sbr.rel @p1 .LBB3_8-.Ltmp9, $4  }
0xc2: {  	s31 =	smul.u32 $0x3C0, s26  }
0xc3: {  	s28 =	spop (v2sf)  }
0xc4: {  	s0 =	sshrl.u32 s31, $0x2;
	s30 =	spop (v2sf)  }
0xc5: {  	s24 =	sadd.s32 $0x10518, s0;
	s22 =	spop (v2sf)  }
0xc6: {  	s0 =	smin.u32 s23, $0x10  }
0xc7: {  	v1 =	vmov s0  }
0xc8: {  	p2 =	sgt.s32 s23, $0x10;
	vm1 =	vgt.u32 v1, v0  }
.Ltmp10:
0xc9: {  	_ = 	snop;
	(pc) =	sbr.rel @!p2 .LBB3_7-.Ltmp10, $2  }
0xca: {  	_ =	sdelay $0x2  }
0xcb: {  	s4 =	simm.s32 $0x10;
	s25 =	sadd.s32 $0xFFFFFFF0, s23;
	s0 =	smov.u32 s24;
	vm0 =	vmmov vm1  }
.LBB3_6:
0xcc: {  	s2 =	smin.u32 s25, $0x10;
	s4 =	sadd.s32 $0x10, s4;
	v1 =	vld.msk [tilespmem:s0+$0x0 ss:$0x1], vm1  }
0xcd: {  	v2 =	vmov s2;
	p2 =	slt.s32 s4, s23  }
0xce: {  	vm1 =	vgt.u32 v2, v0  }
.Ltmp11:
0xcf: {  	(pc) =	sbr.rel @p2 .LBB3_6-.Ltmp11, $3  }
0xd0: {  	_ =	sdelay $0x1  }
0xd1: {  	v1 =	vshll.u32 v1, $0x4  }
0xd2: {  	s25 =	sadd.s32 $0xFFFFFFF0, s25;
	[tilespmem:s0+$0x0] =	vst.msk vm0, v1;
	s0 =	sadd.s32 $0x10, s0;
	vm0 =	vmmov vm1  }
.LBB3_7:
0xd3: {  	_ =	sdelay $0x4  }
0xd4: {  	v1 =	vld.msk [tilespmem:s0+$0x0 ss:$0x1], vm1;
	_ =	sdelay $0x4  }
0xd5: {  	v1 =	vshll.u32 v1, $0x4  }
0xd6: {  	[tilespmem:s0+$0x0] =	vst.msk vm0, v1  }
.LBB3_8:
0xd7: {  	s0 =	sand.u32 $0x1, s21  }
0xd8: {  	s0 =	smul.u32 $0xF0, s0  }
0xd9: {  	p2 =	sne.s32 s30, $0xFFFFFFFF  }
0xda: {  	v1 =	vld.msk @!p2 [tilespmem:s0+$0x10518], $0x1;
	_ =	sdelay $0x4  }
0xdb: {  	(v2sf) =	vpush @!p2 v1, $0x0;
	_ =	sdelay $0xc  }
.Ltmp12:
0xdc: {  	_ = 	snop;
	(pc) =	sbr.rel @p1 .LBB3_19-.Ltmp12, $4  }
0xdd: {  	_ = 	snop  }
0xde: {  	s29 =	spop @!p2 (v2sf)  }
0xdf: {  	s22 =	simm.s32 @!p2 $0x0;
	s25 =	smov.u32 s29  }
0xe0: {  	[sflag:s18] =	ssyncpa.u1 $0x0;
	s29 =	smov.u32 @p2 s28;
	s25 =	smov.u32 @p2 s30  }
0xe1: {  	v1 =	vld.msk [tilespmem:s24+$0x0], $0x1;
	_ =	sdelay $0x4  }
0xe2: {  	(v2sf) =	vpush v1, $0x0;
	_ =	sdelay $0xe  }
0xe3: {  	s2 =	smul.u32 $0x1E000, s26;
	s0 =	spop (v2sf)  }
0xe4: {  	p1 =	seq.s32 s29, s0  }
0xe5: {  	s30 =	sadd.s32 $0xFFFFFFFF, s23;
	s2 =	sshrl.u32 s2, $0x2;
	p2 =	sgt.s32 @!p1 s29, $0x0  }
0xe6: {  	s26 =	sor.u32 $0x10738, s2;
	s2 =	smov.u32 s29;
	p2 =	por !p2, p1  }
0xe7: {  	s2 =	simm.s32 @p2 $0x0;
	p2 =	sne.s32 s30, $0x0  }
.Ltmp13:
0xe8: {  	_ = 	snop;
	(pc) =	sbr.rel @!p2 .LBB3_11-.Ltmp13, $4  }
0xe9: {  	_ = 	snop  }
0xea: {  	s28 =	simm.s32 $0x0;
	s31 =	sadd.s32 $0x1, s24;
	s2 =	smin.u32 @!p1 s2, $0xFFF0  }
0xeb: {  	s4 =	simm.s32 @!p1 $0x1;
	s5 =	simm.s32 @!p1 $0x7988;
	s3 =	sand.u32 @!p1 $0xFFF8, s2  }
0xec: {  	s4 =	smov.u32 @p1 s28;
	s2 =	sand.u32 @!p1 $0x7, s2;
	s3 =	sadd.s32 @!p1 s1, s3  }
.LBB3_10:
0xed: {  	s6 =	smov.u32 s4  }
0xee: {  	[tilespmem:s5], [sflag:$0x2] =	stream.linear.gather @!p1 [hbm4b:s3+s2], $0x80, $0x38;
	[tilespmem:$0x1F6F8] =	vst v63  }
0xef: {  	s30 =	sadd.s32 $0xFFFFFFFF, s30;
	s2 =	smov.u32 s0;
	v1 =	vld.msk [tilespmem:s31+$0x0], $0x1  }
0xf0: {  	p2 =	sne.s32 s30, $0x0;
	_ =	sdelay $0x3  }
0xf1: {  	(v2sf) =	vpush v1, $0x0;
	_ =	sdelay $0xe  }
0xf2: {  	s0 =	spop (v2sf)  }
0xf3: {  	p1 =	seq.s32 s2, s0  }
0xf4: {  	p3 =	sgt.s32 @!p1 s2, $0x0;
	s3 =	sshll.u32 @!p1 s4, $0x9;
	s4 =	sadd.s32 @!p1 $0x1, s4  }
.Ltmp14:
0xf5: {  	p3 =	por !p3, p1;
	s3 =	sshra.s32 @!p1 s3, $0x2;
	(pc) =	sbr.rel @p2 .LBB3_10-.Ltmp14, $4  }
0xf6: {  	s4 =	smov.u32 @p1 s6;
	s2 =	simm.s32 @p3 $0x0;
	s5 =	sadd.s32 @!p1 $0x7988, s3  }
0xf7: {  	s2 =	smin.u32 @!p1 s2, $0xFFF0  }
0xf8: {  	s3 =	sand.u32 @!p1 $0xFFF8, s2;
	s2 =	sand.u32 @!p1 $0x7, s2  }
0xf9: {  	s31 =	sadd.s32 $0x1, s31;
	s3 =	sadd.s32 @!p1 s1, s3  }
.LBB3_11:
0xfa: {  	[tilespmem:s5], [sflag:$0x2] =	stream.linear.gather @!p1 [hbm4b:s3+s2], $0x80, $0x38;
	[tilespmem:$0x1F6F8] =	vst v63  }
.Ltmp15:
0xfb: {  	s0 =	sshll.u32 s4, $0x7;
	(pc) =	sbr.rel .LBB3_12-.Ltmp15, $4  }
0xfc: {  	s30 =	simm.s32 $0x2;
	s0 =	sand.u32 $0x3FFFFF80, s0  }
0xfd: {  	_ =	swait.ge [sflag:s30], s0  }
0xfe: {  	s0 =	ssub.s32 $0x0, s0;
	[sflag:s30] =	ssyncset.done $0x0  }
0xff: {  	s31 =	simm.s32 $0x0;
	[sflag:s30] =	ssyncadd.s32 s0  }
.LBB3_13:
0x100: {  	v1 =	vld [tilespmem:s26+$0xFFFFFFC0];
	_ =	sdelay $0x3  }
0x101: {  	s0 =	sshra.s32 s0, $0x2  }
0x102: {  	[tilespmem:s0+$0x108] =	vst.add.f32.msk $0xffff, v1  }
0x103: {  	v1 =	vld [tilespmem:s26+$0xFFFFFFD0];
	_ =	sdelay $0x4  }
0x104: {  	[tilespmem:s0+$0x118] =	vst.add.f32.msk $0xffff, v1  }
0x105: {  	v1 =	vld [tilespmem:s26+$0xFFFFFFE0];
	_ =	sdelay $0x4  }
0x106: {  	[tilespmem:s0+$0x128] =	vst.add.f32.msk $0xffff, v1  }
0x107: {  	v1 =	vld [tilespmem:s26+$0xFFFFFFF0];
	_ =	sdelay $0x4  }
0x108: {  	[tilespmem:s0+$0x138] =	vst.add.f32.msk $0xffff, v1  }
0x109: {  	v1 =	vld [tilespmem:s26+$0x0];
	_ =	sdelay $0x4  }
0x10a: {  	[tilespmem:s0+$0x148] =	vst.add.f32.msk $0xffff, v1  }
0x10b: {  	v1 =	vld [tilespmem:s26+$0x10];
	_ =	sdelay $0x4  }
0x10c: {  	[tilespmem:s0+$0x158] =	vst.add.f32.msk $0xffff, v1  }
0x10d: {  	v1 =	vld [tilespmem:s26+$0x20];
	_ =	sdelay $0x4  }
0x10e: {  	[tilespmem:s0+$0x168] =	vst.add.f32.msk $0xffff, v1  }
0x10f: {  	v1 =	vld [tilespmem:s26+$0x30];
	_ =	sdelay $0x4  }
0x110: {  	[tilespmem:s0+$0x178] =	vst.add.f32.msk $0xffff, v1  }
.LBB3_17:
0x111: {  	s23 =	sadd.s32 $0xFFFFFFFF, s23  }
0x112: {  	p1 =	sne.s32 s23, $0x0  }
.Ltmp16:
0x113: {  	_ = 	snop;
	(pc) =	sbr.rel @!p1 .LBB3_18-.Ltmp16, $2  }
0x114: {  	_ =	sdelay $0x2  }
0x115: {  	s24 =	sadd.s32 $0x1, s24;
	s26 =	sadd.s32 $0x80, s26;
	s29 =	smov.u32 s30  }
.LBB3_12:
0x116: {  	v1 =	vld.msk [tilespmem:s24+$0x0], $0x1;
	_ =	sdelay $0x4  }
0x117: {  	(v2sf) =	vpush v1, $0x0;
	_ =	sdelay $0xe  }
0x118: {  	s30 =	spop (v2sf)  }
0x119: {  	p1 =	sne.s32 s29, s30  }
.Ltmp17:
0x11a: {  	_ = 	snop;
	(pc) =	sbr.rel @!p1 .LBB3_13-.Ltmp17, $2  }
0x11b: {  	_ =	sdelay $0x2  }
0x11c: {  	s0 =	sshll.u32 s22, $0x9  }
0x11d: {  	p1 =	seq.s32 s29, s25  }
.Ltmp18:
0x11e: {  	_ = 	snop;
	(pc) =	sbr.rel @!p1 .LBB3_15-.Ltmp18, $1  }
0x11f: {  	_ =	sdelay $0x3  }
0x120: {  	s0 =	sshra.s32 s0, $0x2  }
.Ltmp19:
0x121: {  	s0 =	sadd.s32 $0x108, s0;
	(pc) =	sbr.rel .LBB3_16-.Ltmp19, $4  }
0x122: {  	[spmem:s16] =	stream.linear.scatter [tilespmem:s0], [sflag:$0x1], $0x80, $0x38;
	[tilespmem:$0x1F6F8] =	vst v63  }
0x123: {  	_ =	swait.ge [sflag:s12], $0x80  }
0x124: {  	[sflag:s12] =	ssyncset.done $0x0  }
0x125: {  	[sflag:s12] =	ssyncadd.s32 $0xFFFFFF80  }
.LBB3_15:
0x126: {  	s2 =	sshll.u32 s28, $0x9  }
0x127: {  	s2 =	sshra.s32 s2, $0x2  }
0x128: {  	v1 =	vld [tilespmem:s2+$0x7988];
	_ =	sdelay $0x3  }
0x129: {  	s0 =	sshra.s32 s0, $0x2  }
0x12a: {  	[tilespmem:s0+$0x108] =	vst.add.f32.msk $0xffff, v1  }
0x12b: {  	v1 =	vld [tilespmem:s2+$0x7998];
	_ =	sdelay $0x4  }
0x12c: {  	[tilespmem:s0+$0x118] =	vst.add.f32.msk $0xffff, v1  }
0x12d: {  	v1 =	vld [tilespmem:s2+$0x79A8];
	_ =	sdelay $0x4  }
0x12e: {  	[tilespmem:s0+$0x128] =	vst.add.f32.msk $0xffff, v1  }
0x12f: {  	v1 =	vld [tilespmem:s2+$0x79B8];
	_ =	sdelay $0x4  }
0x130: {  	[tilespmem:s0+$0x138] =	vst.add.f32.msk $0xffff, v1  }
0x131: {  	v1 =	vld [tilespmem:s2+$0x79C8];
	_ =	sdelay $0x4  }
0x132: {  	[tilespmem:s0+$0x148] =	vst.add.f32.msk $0xffff, v1  }
0x133: {  	v1 =	vld [tilespmem:s2+$0x79D8];
	_ =	sdelay $0x4  }
0x134: {  	[tilespmem:s0+$0x158] =	vst.add.f32.msk $0xffff, v1  }
0x135: {  	v1 =	vld [tilespmem:s2+$0x79E8];
	_ =	sdelay $0x4  }
0x136: {  	[tilespmem:s0+$0x168] =	vst.add.f32.msk $0xffff, v1  }
0x137: {  	v1 =	vld [tilespmem:s2+$0x79F8];
	_ =	sdelay $0x2  }
0x138: {  	p1 =	sgt.u32 s29, $0xFFF0  }
0x139: {  	s2 =	sand.u32 @!p1 $0xFFF8, s29  }
0x13a: {  	s3 =	sadd.s32 $0x108, s0;
	[tilespmem:s0+$0x178] =	vst.add.f32.msk $0xffff, v1;
	s0 =	sadd.s32 @!p1 s1, s2;
	s2 =	sand.u32 @!p1 $0x7, s29  }
0x13b: {  	[hbm4b:s0+s2] =	stream.linear.scatter @!p1 [tilespmem:s3], [sflag:$0xC], $0x80, $0x38;
	[tilespmem:$0x1F6F8] =	vst v63  }
0x13c: {  	s0 =	simm.s32 $0x0  }
0x13d: {  	s0 =	simm.s32 @!p1 $0x200  }
0x13e: {  	s31 =	sadd.s32 s0, s31  }
.LBB3_16:
0x13f: {  	s0 =	sadd.s32 $0x1, s22  }
0x140: {  	s2 =	smulhi.u32 $0x88888889, s0;
	_ =	sdelay $0x1  }
0x141: {  	v1 =	vld [tilespmem:s26+$0xFFFFFFC0];
	s2 =	sshrl.u32 s2, $0x7  }
0x142: {  	s2 =	smul.u32 $0xF0, s2;
	_ =	sdelay $0x1  }
0x143: {  	s22 =	ssub.s32 s0, s2  }
0x144: {  	s0 =	sshll.u32 s22, $0x7  }
0x145: {  	[tilespmem:s0+$0x108] =	vst v1  }
0x146: {  	v1 =	vld [tilespmem:s26+$0xFFFFFFD0];
	_ =	sdelay $0x4  }
0x147: {  	[tilespmem:s0+$0x118] =	vst v1  }
0x148: {  	v1 =	vld [tilespmem:s26+$0xFFFFFFE0];
	_ =	sdelay $0x4  }
0x149: {  	[tilespmem:s0+$0x128] =	vst v1  }
0x14a: {  	v1 =	vld [tilespmem:s26+$0xFFFFFFF0];
	_ =	sdelay $0x4  }
0x14b: {  	[tilespmem:s0+$0x138] =	vst v1  }
0x14c: {  	v1 =	vld [tilespmem:s26+$0x0];
	_ =	sdelay $0x4  }
0x14d: {  	[tilespmem:s0+$0x148] =	vst v1  }
0x14e: {  	v1 =	vld [tilespmem:s26+$0x10];
	_ =	sdelay $0x4  }
0x14f: {  	[tilespmem:s0+$0x158] =	vst v1  }
0x150: {  	v1 =	vld [tilespmem:s26+$0x20];
	_ =	sdelay $0x4  }
0x151: {  	[tilespmem:s0+$0x168] =	vst v1  }
0x152: {  	v1 =	vld [tilespmem:s26+$0x30]  }
.Ltmp20:
0x153: {  	_ = 	snop;
	(pc) =	sbr.rel .LBB3_17-.Ltmp20, $2  }
0x154: {  	_ =	sdelay $0x2  }
0x155: {  	s28 =	sadd.s32 $0x1, s28;
	[tilespmem:s0+$0x178] =	vst v1  }
.LBB3_19:
.Ltmp21:
0x156: {  	(pc) =	sbr.rel .LBB3_20-.Ltmp21, $4  }
0x157: {  	_ = 	snop  }
0x158: {  	s0 =	simm.s32 $0x2  }
0x159: {  	_ =	swait.ge [sflag:s0], $0x0  }
0x15a: {  	s30 =	smov.u32 s29;
	[sflag:s0] =	ssyncset.done $0x0;
	s0 =	simm.s32 $0x0  }
.LBB3_22:
0x15b: {  	_ =	sfence.sel $0x180000  }
0x15c: {  	s0 =	simm.s32 $0x9;
	[bflag:$0x0] =	sbarrier.arrive $0xFFFF  }
0x15d: {  	s24 =	simm.s32 $0xA;
	[sflag:s0] =	ssyncpa.u1 $0x1  }
0x15e: {  	s25 =	simm.s32 $0xB;
	[sflag:s24] =	ssyncpa.u1 $0x1  }
0x15f: {  	s26 =	simm.s32 $0x2;
	[sflag:s25] =	ssyncpa.u1 $0x1  }
0x160: {  	[sflag:s26] =	ssyncpa.u1 $0x1  }
0x161: {  	v0 =	vld [tilespmem:$0xF208];
	_ =	sdelay $0x4  }
0x162: {  	(v2sf) =	vpush v0, $0x0  }
0x163: {  	(v2sf) =	vpush v0, $0x1;
	_ =	sdelay $0x1  }
0x164: {  	(v2sf) =	vpush v0, $0x2;
	_ =	sdelay $0xb  }
0x165: {  	s0 =	spop (v2sf)  }
0x166: {  	s2 =	spop (v2sf)  }
0x167: {  	s3 =	smov.u32 s0;
	p0 =	sne.s32 s0, s2  }
0x168: {  	s4 =	spop (v2sf);
	s3 =	simm.s32 @!p0 $0xFFFFFFFF  }
0x169: {  	v2 =	vimm.s32 $0x1;
	v3 =	vlaneseq.u32;
	p0 =	seq.s32 s4, $0xFFFFFFFF;
	v1 =	vmov s3  }
0x16a: {  	s16 =	stileid.u32;
	v0 =	vperm.xlane v0, v2;
	p1 =	sne.s32 @!p0 s0, s2;
	v1 =	vperm.xlane v1, v3  }
0x16b: {  	vm0 =	vcmask $0x3F04;
	s6 =	simm.s32 $0xF208;
	s0 =	simm.s32 @!p0 $0x1;
	p1 =	por !p1, p0  }
0x16c: {  	s3 =	sshll.u32 s16, $0x1;
	s2 =	sshll.u32 @!p0 s4, $0x9;
	s0 =	simm.s32 @p1 $0x0;
	v0 =	vsel vm0, v1, v0  }
0x16d: {  	s5 =	sor.u32 $0x1000, s3;
	s2 =	sshra.s32 @!p0 s2, $0x2;
	s0 =	sor.u32 @!p0 s0, s3;
	[tilespmem:$0xF208] =	vst v0  }
0x16e: {  	[spmem:s5] =	stream.linear.scatter [tilespmem:s6], [sflag:$0x1], $0x2, $0x38;
	[tilespmem:$0x1F6F8] =	vst v63  }
0x16f: {  	s2 =	sadd.s32 @!p0 $0x108, s2;
	s0 =	sshll.u32 @!p0 s0, $0x7  }
0x170: {  	[spmem:s0] =	stream.linear.scatter @!p0 [tilespmem:s2], [sflag:$0x1], $0x80, $0x38;
	[tilespmem:$0x1F6F8] =	vst v63  }
0x171: {  	s0 =	simm.s32 @!p0 $0x82  }
0x172: {  	s28 =	simm.s32 $0x1;
	s0 =	simm.s32 @p0 $0x2  }
0x173: {  	_ =	swait.ge [sflag:s28], s0  }
0x174: {  	s0 =	ssub.s32 $0x0, s0;
	[sflag:s28] =	ssyncset.done $0x0  }
0x175: {  	p0 =	sne.s32 s16, $0x0;
	[sflag:s28] =	ssyncadd.s32 s0  }
.Ltmp22:
0x176: {  	_ =	sfence.stream.spmem;
	(pc) =	sbr.rel @p0 .LBB3_39-.Ltmp22, $4  }
0x177: {  	s29 =	simm.s32 $0x3;
	[bflag:$0x0] =	sbarrier.arrive $0xFFFF  }
0x178: {  	s30 =	simm.s32 $0x4;
	[sflag:s29] =	ssyncpa.u1 $0x1  }
0x179: {  	s31 =	simm.s32 $0x3C;
	[sflag:s30] =	ssyncpa.u1 $0x1  }
0x17a: {  	s15 =	rddreg [dreg:$0x5];
	[sflag:s31] =	ssyncpa.u1 $0x1  }
0x17b: {  	_ =	sfence.stream.spmem;
	s0 =	simm.s32 $0x5  }
0x17c: {  	s2 =	simm.s32 $0x1000;
	s3 =	simm.s32 $0xF218;
	[sflag:s0] =	ssyncpa.u1 $0x0  }
0x17d: {  	[tilespmem:s3], [sflag:$0x5] =	stream.linear.gather [spmem:s2], $0x20, $0x38;
	[tilespmem:$0x1F6F8] =	vst v63  }
0x17e: {  	s26 =	simm.s32 $0x0;
	s28 =	simm.s32 $0xF238  }
0x17f: {  	[tilespmem:s28], [sflag:$0x5] =	stream.linear.gather [spmem:s26], $0x1000, $0x38;
	[tilespmem:$0x1F6F8] =	vst v63  }
0x180: {  	_ =	swait.ge [sflag:s0], $0x1020  }
0x181: {  	[sflag:s0] =	ssyncset.done $0x0  }
0x182: {  	s29 =	simm.s32 $0x0;
	[sflag:s0] =	ssyncadd.s32 $0xFFFFEFE0  }
0x183: {  	v0 =	vld.msk [tilespmem:s29+$0xF218], $0x1;
	_ =	sdelay $0x1  }
0x184: {  	s30 =	simm.s32 $0x1  }
0x185: {  	v1 =	vld.msk [tilespmem:s30+$0xF218], $0x1;
	_ =	sdelay $0x1  }
0x186: {  	(v2sf) =	vpush v0, $0x0;
	_ =	sdelay $0x2  }
0x187: {  	(v2sf) =	vpush v1, $0x0;
	_ =	sdelay $0x2  }
0x188: {  	s31 =	simm.s32 $0x2  }
0x189: {  	v0 =	vld.msk [tilespmem:s31+$0xF218], $0x1;
	_ =	sdelay $0x2  }
0x18a: {  	s4 =	simm.s32 $0xFFFFFFFF;
	s5 =	simm.s32 $0xFFFFFFFF;
	s0 =	simm.s32 $0xC  }
.LBB3_24:
0x18b: {  	s2 =	smov.u32 s5;
	s3 =	smov.u32 s4  }
0x18c: {  	s4 =	sshra.s32 s0, $0x2;
	p1 =	sne.s32 s0, $0x7C;
	s0 =	sadd.s32 $0x4, s0;
	(v2sf) =	vpush v0, $0x0  }
0x18d: {  	v0 =	vld.msk [tilespmem:s4+$0xF218], $0x1  }
.Ltmp23:
0x18e: {  	(pc) =	sbr.rel @p1 .LBB3_24-.Ltmp23, $4  }
0x18f: {  	s5 =	spop (v2sf)  }
0x190: {  	p2 =	sne.s32 s3, $0xFFFFFFFF;
	s4 =	smov.u32 s5  }
0x191: {  	p3 =	seq.s32 s5, $0xFFFFFFFF;
	s4 =	smov.u32 @p2 s3  }
0x192: {  	s5 =	smov.u32 @p3 s2;
	s4 =	smov.u32 @p3 s3  }
0x193: {  	(v2sf) =	vpush v0, $0x0;
	_ =	sdelay $0x8  }
0x194: {  	s0 =	spop (v2sf)  }
0x195: {  	p1 =	sne.s32 s4, $0xFFFFFFFF;
	s2 =	smov.u32 s0  }
0x196: {  	s9 =	simm.s32 $0x6;
	p2 =	seq.s32 s0, $0xFFFFFFFF;
	s2 =	smov.u32 @p1 s4  }
0x197: {  	s6 =	simm.s32 $0x0;
	s2 =	smov.u32 @p2 s4;
	s3 =	spop (v2sf)  }
0x198: {  	s0 =	smov.u32 @p2 s5;
	p1 =	sne.s32 s2, $0xFFFFFFFF;
	s4 =	smov.u32 s3  }
.Ltmp24:
0x199: {  	p2 =	seq.s32 s3, $0xFFFFFFFF;
	s4 =	smov.u32 @p1 s2;
	(pc) =	sbr.rel .LBB3_26-.Ltmp24, $4  }
0x19a: {  	s10 =	simm.s32 $0xF188;
	s4 =	smov.u32 @p2 s2;
	s7 =	spop (v2sf)  }
0x19b: {  	s11 =	simm.s32 $0x0;
	p1 =	sne.s32 s4, $0xFFFFFFFF;
	s8 =	smov.u32 s7  }
0x19c: {  	s3 =	smov.u32 @p2 s0;
	p2 =	seq.s32 s7, $0xFFFFFFFF;
	s8 =	smov.u32 @p1 s4  }
0x19d: {  	[sflag:s9] =	ssyncpa.u1 $0x0;
	s7 =	smov.u32 @p2 s3;
	s8 =	smov.u32 @p2 s4  }
.LBB3_32:
0x19e: {  	p1 =	sgt.u32 s12, $0xFFF0  }
0x19f: {  	p2 =	seq.s32 @!p1 s12, s8  }
0x1a0: {  	p1 =	por p1, p2  }
0x1a1: {  	p2 =	sne.s32 @!p1 s12, s7  }
0x1a2: {  	p1 =	por p1, !p2  }
0x1a3: {  	s0 =	sshll.u32 @p1 s11, $0x9  }
0x1a4: {  	s0 =	sand.u32 @!p1 $0xFFF8, s12  }
0x1a5: {  	s2 =	sand.u32 @!p1 $0x7, s12;
	s0 =	sadd.s32 @!p1 s1, s0  }
0x1a6: {  	[tilespmem:s10], [sflag:$0x6] =	stream.linear.gather @!p1 [hbm4b:s0+s2], $0x80, $0x38;
	[tilespmem:$0x1F6F8] =	vst v63  }
0x1a7: {  	_ =	swait.ge @!p1 [sflag:s9], $0x80  }
0x1a8: {  	[sflag:s9] =	ssyncset.done @!p1 $0x0  }
0x1a9: {  	[sflag:s9] =	ssyncadd.s32 @!p1 $0xFFFFFF80  }
0x1aa: {  	v1 =	vld @!p1 [tilespmem:$0xF188];
	_ =	sdelay $0x2  }
0x1ab: {  	s0 =	sshll.u32 @!p1 s11, $0x9  }
0x1ac: {  	s2 =	sshrl.u32 @!p1 s0, $0x2  }
0x1ad: {  	[tilespmem:s2+$0xF238] =	vst.add.f32.msk @!p1 $0xffff, v1  }
0x1ae: {  	v1 =	vld @!p1 [tilespmem:$0xF198];
	_ =	sdelay $0x4  }
0x1af: {  	[tilespmem:s2+$0xF248] =	vst.add.f32.msk @!p1 $0xffff, v1  }
0x1b0: {  	v1 =	vld @!p1 [tilespmem:$0xF1A8];
	_ =	sdelay $0x4  }
0x1b1: {  	[tilespmem:s2+$0xF258] =	vst.add.f32.msk @!p1 $0xffff, v1  }
0x1b2: {  	v1 =	vld @!p1 [tilespmem:$0xF1B8];
	_ =	sdelay $0x4  }
0x1b3: {  	[tilespmem:s2+$0xF268] =	vst.add.f32.msk @!p1 $0xffff, v1  }
0x1b4: {  	v1 =	vld @!p1 [tilespmem:$0xF1C8];
	_ =	sdelay $0x4  }
0x1b5: {  	[tilespmem:s2+$0xF278] =	vst.add.f32.msk @!p1 $0xffff, v1  }
0x1b6: {  	v1 =	vld @!p1 [tilespmem:$0xF1D8];
	_ =	sdelay $0x4  }
0x1b7: {  	[tilespmem:s2+$0xF288] =	vst.add.f32.msk @!p1 $0xffff, v1  }
0x1b8: {  	v1 =	vld @!p1 [tilespmem:$0xF1E8];
	_ =	sdelay $0x4  }
0x1b9: {  	[tilespmem:s2+$0xF298] =	vst.add.f32.msk @!p1 $0xffff, v1  }
0x1ba: {  	v1 =	vld @!p1 [tilespmem:$0xF1F8];
	_ =	sdelay $0x4  }
0x1bb: {  	[tilespmem:s2+$0xF2A8] =	vst.add.f32.msk @!p1 $0xffff, v1  }
0x1bc: {  	s0 =	sshrl.u32 s0, $0x2;
	[tilespmem:s6+$0xF218] =	vst.msk $0x1, v0  }
0x1bd: {  	v0 =	vld [tilespmem:s0+$0xF238];
	_ =	sdelay $0x2  }
0x1be: {  	s31 =	sshll.u32 s6, $0x9  }
0x1bf: {  	s2 =	sshra.s32 s31, $0x2  }
0x1c0: {  	[tilespmem:s2+$0xF238] =	vst v0  }
0x1c1: {  	v0 =	vld [tilespmem:s0+$0xF248];
	_ =	sdelay $0x4  }
0x1c2: {  	[tilespmem:s2+$0xF248] =	vst v0  }
0x1c3: {  	v0 =	vld [tilespmem:s0+$0xF258];
	_ =	sdelay $0x4  }
0x1c4: {  	[tilespmem:s2+$0xF258] =	vst v0  }
0x1c5: {  	v0 =	vld [tilespmem:s0+$0xF268];
	_ =	sdelay $0x4  }
0x1c6: {  	[tilespmem:s2+$0xF268] =	vst v0  }
0x1c7: {  	v0 =	vld [tilespmem:s0+$0xF278];
	_ =	sdelay $0x4  }
0x1c8: {  	[tilespmem:s2+$0xF278] =	vst v0  }
0x1c9: {  	v0 =	vld [tilespmem:s0+$0xF288];
	_ =	sdelay $0x4  }
0x1ca: {  	[tilespmem:s2+$0xF288] =	vst v0  }
0x1cb: {  	v0 =	vld [tilespmem:s0+$0xF298];
	_ =	sdelay $0x4  }
0x1cc: {  	[tilespmem:s2+$0xF298] =	vst v0  }
0x1cd: {  	v0 =	vld [tilespmem:s0+$0xF2A8];
	_ =	sdelay $0x4  }
0x1ce: {  	s6 =	sadd.s32 $0x1, s6;
	[tilespmem:s2+$0xF2A8] =	vst v0  }
.LBB3_33:
0x1cf: {  	s11 =	sadd.s32 $0x1, s11  }
0x1d0: {  	p1 =	sne.s32 s11, $0x20  }
.Ltmp25:
0x1d1: {  	_ = 	snop;
	(pc) =	sbr.rel @!p1 .LBB3_34-.Ltmp25, $1  }
0x1d2: {  	_ =	sdelay $0x3  }
.LBB3_26:
0x1d3: {  	v0 =	vld.msk [tilespmem:s11+$0xF218], $0x1;
	_ =	sdelay $0x4  }
0x1d4: {  	(v2sf) =	vpush v0, $0x0;
	_ =	sdelay $0xe  }
0x1d5: {  	s12 =	spop (v2sf)  }
0x1d6: {  	p1 =	seq.s32 s12, $0xFFFFFFFF  }
.Ltmp26:
0x1d7: {  	_ = 	snop;
	(pc) =	sbr.rel @p1 .LBB3_33-.Ltmp26, $1  }
0x1d8: {  	_ =	sdelay $0x3  }
0x1d9: {  	p1 =	slt.s32 s6, $0x1  }
.Ltmp27:
0x1da: {  	_ = 	snop;
	(pc) =	sbr.rel @p1 .LBB3_32-.Ltmp27, $1  }
0x1db: {  	_ =	sdelay $0x3  }
0x1dc: {  	s13 =	simm.s32 $0xF218;
	p1 =	por $0x0, $0x0  }
0x1dd: {  	v1 =	vld.msk @!p1 [tilespmem:s13+$0x0], $0x1;
	_ =	sdelay $0x4  }
0x1de: {  	(v2sf) =	vpush @!p1 v1, $0x0;
	_ =	sdelay $0xd  }
0x1df: {  	p3 =	sne.s32 s6, $0x1  }
.Ltmp28:
0x1e0: {  	s0 =	spop @!p1 (v2sf);
	(pc) =	sbr.rel @!p3 .LBB3_30-.Ltmp28, $4  }
0x1e1: {  	p2 =	seq.s32 @!p1 s12, s0  }
0x1e2: {  	s14 =	simm.s32 $0x0;
	p2 =	por !p2, p1  }
0x1e3: {  	s2 =	simm.s32 $0xFFFFFFFF;
	s14 =	simm.s32 @p2 $0xFFFFFFFF  }
0x1e4: {  	s0 =	simm.s32 $0x1;
	s14 =	smov.u32 @p1 s2  }
.LBB3_29:
0x1e5: {  	s2 =	smov.u32 s14;
	p1 =	sne.s32 s14, $0xFFFFFFFF  }
0x1e6: {  	s13 =	sadd.s32 $0x1, s13;
	s14 =	smov.u32 s0;
	s0 =	sadd.s32 $0x1, s0  }
0x1e7: {  	p2 =	sne.s32 s6, s0;
	v1 =	vld.msk @!p1 [tilespmem:s13+$0x0], $0x1;
	_ =	sdelay $0x4  }
0x1e8: {  	(v2sf) =	vpush @!p1 v1, $0x0;
	_ =	sdelay $0xe  }
.Ltmp29:
0x1e9: {  	s3 =	spop @!p1 (v2sf);
	(pc) =	sbr.rel @p2 .LBB3_29-.Ltmp29, $4  }
0x1ea: {  	p3 =	seq.s32 @!p1 s12, s3  }
0x1eb: {  	p3 =	por !p3, p1  }
0x1ec: {  	s14 =	simm.s32 @p3 $0xFFFFFFFF  }
0x1ed: {  	s14 =	smov.u32 @p1 s2  }
.LBB3_30:
0x1ee: {  	p1 =	seq.s32 s14, $0xFFFFFFFF  }
.Ltmp30:
0x1ef: {  	_ = 	snop;
	(pc) =	sbr.rel @p1 .LBB3_32-.Ltmp30, $1  }
0x1f0: {  	_ =	sdelay $0x3  }
0x1f1: {  	s0 =	sshll.u32 s11, $0x7  }
0x1f2: {  	s0 =	sand.u32 $0x3FFFFF80, s0  }
0x1f3: {  	v0 =	vld [tilespmem:s0+$0xF238];
	_ =	sdelay $0x2  }
0x1f4: {  	s2 =	sshll.u32 s14, $0x9  }
0x1f5: {  	s2 =	sshra.s32 s2, $0x2  }
0x1f6: {  	[tilespmem:s2+$0xF238] =	vst.add.f32.msk $0xffff, v0  }
0x1f7: {  	v0 =	vld [tilespmem:s0+$0xF248];
	_ =	sdelay $0x4  }
0x1f8: {  	[tilespmem:s2+$0xF248] =	vst.add.f32.msk $0xffff, v0  }
0x1f9: {  	v0 =	vld [tilespmem:s0+$0xF258];
	_ =	sdelay $0x4  }
0x1fa: {  	[tilespmem:s2+$0xF258] =	vst.add.f32.msk $0xffff, v0  }
0x1fb: {  	v0 =	vld [tilespmem:s0+$0xF268];
	_ =	sdelay $0x4  }
0x1fc: {  	[tilespmem:s2+$0xF268] =	vst.add.f32.msk $0xffff, v0  }
0x1fd: {  	v0 =	vld [tilespmem:s0+$0xF278];
	_ =	sdelay $0x4  }
0x1fe: {  	[tilespmem:s2+$0xF278] =	vst.add.f32.msk $0xffff, v0  }
0x1ff: {  	v0 =	vld [tilespmem:s0+$0xF288];
	_ =	sdelay $0x4  }
0x200: {  	[tilespmem:s2+$0xF288] =	vst.add.f32.msk $0xffff, v0  }
0x201: {  	v0 =	vld [tilespmem:s0+$0xF298];
	_ =	sdelay $0x4  }
0x202: {  	[tilespmem:s2+$0xF298] =	vst.add.f32.msk $0xffff, v0  }
0x203: {  	v0 =	vld [tilespmem:s0+$0xF2A8]  }
.Ltmp31:
0x204: {  	_ = 	snop;
	(pc) =	sbr.rel .LBB3_33-.Ltmp31, $2  }
0x205: {  	_ =	sdelay $0x2  }
0x206: {  	[tilespmem:s2+$0xF2A8] =	vst.add.f32.msk $0xffff, v0  }
.LBB3_34:
0x207: {  	s0 =	simm.s32 $0x6;
	p1 =	seq.s32 s6, $0x0  }
0x208: {  	[sflag:s0] =	ssyncpa.u1 $0x1;
	v0 =	vimm.s32 @p1 $0xFFFFFFFF  }
0x209: {  	s9 =	sadd.s32 $0xFFFFFFFF, s6;
	[tilespmem:$0x10238] =	vst @p1 v0  }
0x20a: {  	v0 =	vld.msk @!p1 [tilespmem:s9+$0xF218], $0x1;
	_ =	sdelay $0x1  }
0x20b: {  	v1 =	vld.msk @!p1 [tilespmem:$0xF218], $0x1;
	_ =	sdelay $0x2  }
0x20c: {  	p2 =	seq.s32 @!p1 s9, $0x0;
	v0 =	vbroadcast @!p1 v0, $0x0  }
0x20d: {  	vm0 =	vmmov @!p1 $0x1;
	p2 =	por !p2, p1  }
0x20e: {  	v1 =	vnsel @!p1 vm0, $0xFFFFFFFF, v1;
	vm0 =	vcmask @!p1 $0x308;
	v0 =	vpsel !p2, $0xFFFFFFFF, v0  }
0x20f: {  	p2 =	sne.s32 @!p1 s8, s7;
	v0 =	vsel @!p1 vm0, v1, v0  }
0x210: {  	s0 =	simm.s32 @!p1 $0xF238;
	s2 =	simm.s32 @!p1 $0x0;
	p3 =	por !p2, p1;
	[tilespmem:$0x10238] =	vst @!p1 v0  }
0x211: {  	[spmem:s2] =	stream.linear.scatter @!p1 [tilespmem:s0], [sflag:$0x1], $0x80, $0x38;
	[tilespmem:$0x1F6F8] =	vst v63  }
0x212: {  	s0 =	sshll.u32 @!p3 s9, $0x9  }
0x213: {  	s0 =	sshra.s32 @!p3 s0, $0x2  }
0x214: {  	s2 =	simm.s32 @!p3 $0x80;
	s0 =	sadd.s32 @!p3 $0xF238, s0  }
0x215: {  	[spmem:s2] =	stream.linear.scatter @!p3 [tilespmem:s0], [sflag:$0x1], $0x80, $0x38;
	[tilespmem:$0x1F6F8] =	vst v63  }
0x216: {  	s0 =	simm.s32 @!p3 $0x1  }
0x217: {  	_ =	swait.ge @!p3 [sflag:s0], $0x100  }
0x218: {  	p1 =	por p2, p1;
	[sflag:s0] =	ssyncset.done @!p3 $0x0  }
0x219: {  	[sflag:s0] =	ssyncadd.s32 @!p3 $0xFFFFFF00;
	s0 =	simm.s32 @!p1 $0x1  }
0x21a: {  	_ =	swait.ge @!p1 [sflag:s0], $0x80  }
0x21b: {  	s29 =	simm.s32 $0x10238;
	[sflag:s0] =	ssyncset.done @!p1 $0x0  }
0x21c: {  	s30 =	simm.s32 $0x1000;
	s31 =	simm.s32 $0x1;
	[sflag:s0] =	ssyncadd.s32 @!p1 $0xFFFFFF80  }
0x21d: {  	[spmem:s30] =	stream.linear.scatter [tilespmem:s29], [sflag:$0x1], $0x10, $0x38;
	[tilespmem:$0x1F6F8] =	vst v63  }
0x21e: {  	_ =	swait.ge [sflag:s31], $0x10  }
0x21f: {  	[sflag:s31] =	ssyncset.done $0x0  }
0x220: {  	p1 =	seq.s32 s15, $0x0;
	s8 =	rddreg [dreg:$0x2];
	[sflag:s31] =	ssyncadd.s32 $0xFFFFFFF0  }
0x221: {  	s2 =	sshll.u32 @p1 s8, $0xE;
	s7 =	rddreg [dreg:$0x3]  }
0x222: {  	s0 =	sadd.s32 @p1 $0x15C3C, s2;
	s2 =	sshll.u32 @p1 s7, $0x11  }
0x223: {  	_ =	sfence.stream.spmem;
	s0 =	sor.u32 @p1 s2, s0  }
0x224: {  	[sflag:s0] =	ssyncadd.remote.s32 @p1 $0x1;
	s0 =	simm.s32 @p1 $0x4  }
0x225: {  	s3 =	simm.s32 @!p1 $0x3C;
	s2 =	sand.u32 $0xFFFFFFFE, s8;
	_ =	swait.ge @p1 [sflag:s0], $0x22  }
0x226: {  	s4 =	simm.s32 @!p1 $0x0;
	s2 =	sadd.s32 @!p1 $0x4, s2;
	[sflag:s0] =	ssyncset.done @p1 $0x0  }
0x227: {  	s5 =	simm.s32 @!p1 $0x100;
	[sflag:s0] =	ssyncadd.s32 @p1 $0xFFFFFFDE;
	s0 =	sshll.u32 @!p1 s2, $0x1A  }
0x228: {  	s2 =	sshll.u32 @!p1 s2, $0xD;
	s0 =	sor.u32 @!p1 s0, s7;
	_ =	swait.eq @!p1 [sflag:s3], $0x1  }
0x229: {  	s2 =	sor.u32 @!p1 $0x1C04, s2;
	s3 =	simm.s32 @!p1 $0x1C03;
	s0 =	sor.u32 @!p1 $0x80004000, s0  }
0x22a: {  	[spmem:s5], [sflag:s2] =	dma.general @!p1 [spmem:s4], [sflag:s3], length:$0x20, [dreg:$0x0], stride_count:$0x0, ici_dest:s0, dma_misc:DstOpCode:WRITE  }
0x22b: {  	p2 =	slt.s32 s9, $0x2;
	s4 =	simm.s32 @!p1 $0x200;
	s5 =	simm.s32 @!p1 $0x202  }
0x22c: {  	[spmem:s5], [sflag:s2] =	dma.general @!p1 [spmem:s4], [sflag:s3], length:$0x2, [dreg:$0x0], stride_count:$0x0, ici_dest:s0, dma_misc:DstOpCode:WRITE  }
.Ltmp32:
0x22d: {  	s0 =	simm.s32 @!p1 $0x3;
	(pc) =	sbr.rel @p2 .LBB3_38-.Ltmp32, $4  }
0x22e: {  	s2 =	sshll.u32 @!p1 s8, $0xE;
	_ =	swait.ge @!p1 [sflag:s0], $0x22  }
0x22f: {  	s3 =	sshll.u32 @!p1 s7, $0x11;
	s2 =	sadd.s32 @!p1 $0x11C3C, s2;
	[sflag:s0] =	ssyncset.done @!p1 $0x0  }
0x230: {  	[sflag:s0] =	ssyncadd.s32 @!p1 $0xFFFFFFDE;
	s0 =	sor.u32 @!p1 s3, s2  }
0x231: {  	[sflag:s0] =	ssyncadd.remote.s32 @!p1 $0xFFFFFFFF;
	s0 =	simm.s32 $0x0  }
0x232: {  	s0 =	simm.s32 $0xF219  }
0x233: {  	v0 =	vld.msk [tilespmem:s0+$0x0], $0x1;
	_ =	sdelay $0x4  }
0x234: {  	(v2sf) =	vpush v0, $0x0;
	_ =	sdelay $0xc  }
0x235: {  	s2 =	sadd.s32 $0xFFFFFFFE, s6  }
0x236: {  	s5 =	sadd.s32 $0xFFFFFFFF, s2  }
0x237: {  	p2 =	sne.s32 s5, $0x0;
	s0 =	spop (v2sf)  }
.Ltmp33:
0x238: {  	p1 =	sgt.u32 s0, $0xFFF0;
	(pc) =	sbr.rel @!p2 .LBB3_37-.Ltmp33, $4  }
0x239: {  	s4 =	simm.s32 $0xF2B8;
	s3 =	sand.u32 @!p1 $0xFFF8, s0  }
0x23a: {  	s7 =	simm.s32 $0x0;
	s0 =	sand.u32 @!p1 $0x7, s0;
	s2 =	sadd.s32 @!p1 s1, s3  }
0x23b: {  	[hbm4b:s2+s0] =	stream.linear.scatter @!p1 [tilespmem:s4], [sflag:$0x5], $0x80, $0x38;
	[tilespmem:$0x1F6F8] =	vst v63  }
0x23c: {  	s6 =	simm.s32 $0xF21A;
	s7 =	simm.s32 @!p1 $0x200;
	s0 =	simm.s32 $0x0  }
.LBB3_36:
0x23d: {  	v0 =	vld.msk [tilespmem:s6+$0x0], $0x1;
	s5 =	sadd.s32 $0xFFFFFFFF, s5;
	s0 =	sadd.s32 s0, s7  }
0x23e: {  	p1 =	sne.s32 s5, $0x0;
	_ =	sdelay $0x3  }
0x23f: {  	(v2sf) =	vpush v0, $0x0;
	_ =	sdelay $0xe  }
.Ltmp34:
0x240: {  	s2 =	spop (v2sf);
	(pc) =	sbr.rel @p1 .LBB3_36-.Ltmp34, $4  }
0x241: {  	s7 =	simm.s32 $0x0;
	p2 =	sgt.u32 s2, $0xFFF0  }
0x242: {  	s4 =	sadd.s32 $0x80, s4;
	s7 =	simm.s32 @!p2 $0x200;
	s3 =	sand.u32 @!p2 $0xFFF8, s2  }
0x243: {  	s6 =	sadd.s32 $0x1, s6;
	s2 =	sand.u32 @!p2 $0x7, s2;
	s3 =	sadd.s32 @!p2 s1, s3  }
0x244: {  	[hbm4b:s3+s2] =	stream.linear.scatter @!p2 [tilespmem:s4], [sflag:$0x5], $0x80, $0x38;
	[tilespmem:$0x1F6F8] =	vst v63  }
.LBB3_37:
0x245: {  	s0 =	sadd.s32 s0, s7  }
0x246: {  	s0 =	sshrl.u32 s0, $0x2  }
.LBB3_38:
0x247: {  	s2 =	simm.s32 $0x5  }
0x248: {  	_ =	swait.ge [sflag:s2], s0  }
0x249: {  	s31 =	ssub.s32 $0x0, s0;
	[sflag:s2] =	ssyncset.done $0x0  }
0x24a: {  	[sflag:s2] =	ssyncadd.s32 s31  }
0x24b: {  	[sflag:s2] =	ssyncpa.u1 $0x1  }
.LBB3_39:
0x24c: {  	s0 =	sor.u32 s15, s16  }
0x24d: {  	p1 =	sne.s32 s0, $0x0  }
.Ltmp35:
0x24e: {  	_ = 	snop;
	(pc) =	sbr.rel @p1 .LBB3_54-.Ltmp35, $3  }
0x24f: {  	_ =	sdelay $0x1  }
0x250: {  	[bflag:$0x0] =	sbarrier.arrive $0xFFFF  }
0x251: {  	_ =	sfence  }
0x252: {  	s0 =	simm.s32 $0x7  }
0x253: {  	s2 =	simm.s32 $0x1000;
	s3 =	simm.s32 $0xF218;
	[sflag:s0] =	ssyncpa.u1 $0x0  }
0x254: {  	[tilespmem:s3], [sflag:$0x7] =	stream.linear.gather [spmem:s2], $0x20, $0x38;
	[tilespmem:$0x1F6F8] =	vst v63  }
0x255: {  	s30 =	simm.s32 $0xF238;
	s2 =	simm.s32 $0x0  }
0x256: {  	[tilespmem:s30], [sflag:$0x7] =	stream.linear.gather [spmem:s2], $0x1000, $0x38;
	[tilespmem:$0x1F6F8] =	vst v63  }
.Ltmp36:
0x257: {  	_ = 	snop;
	(pc) =	sbr.rel .LBB3_41-.Ltmp36, $4  }
0x258: {  	_ =	swait.ge [sflag:s0], $0x1020  }
0x259: {  	[sflag:s0] =	ssyncset.done $0x0  }
0x25a: {  	s31 =	simm.s32 $0x8;
	[sflag:s0] =	ssyncadd.s32 $0xFFFFEFE0  }
0x25b: {  	s3 =	simm.s32 $0x0;
	[sflag:s31] =	ssyncpa.u1 $0x0  }
.LBB3_47:
0x25c: {  	p1 =	slt.u32 s4, $0xFFF1  }
0x25d: {  	s0 =	sand.u32 @p1 $0xFFF8, s4  }
0x25e: {  	s4 =	sand.u32 @p1 $0x7, s4;
	s5 =	simm.s32 @p1 $0xF188;
	s0 =	sadd.s32 @p1 s1, s0  }
0x25f: {  	[tilespmem:s5], [sflag:$0x8] =	stream.linear.gather @p1 [hbm4b:s0+s4], $0x80, $0x38;
	[tilespmem:$0x1F6F8] =	vst v63  }
0x260: {  	s0 =	simm.s32 @p1 $0x8  }
0x261: {  	_ =	swait.ge @p1 [sflag:s0], $0x80  }
0x262: {  	[sflag:s0] =	ssyncset.done @p1 $0x0  }
0x263: {  	[sflag:s0] =	ssyncadd.s32 @p1 $0xFFFFFF80  }
0x264: {  	v1 =	vld @p1 [tilespmem:$0xF188];
	_ =	sdelay $0x2  }
0x265: {  	s0 =	sshll.u32 @p1 s3, $0x9  }
0x266: {  	s4 =	sshrl.u32 @p1 s0, $0x2  }
0x267: {  	[tilespmem:s4+$0xF238] =	vst.add.f32.msk @p1 $0xffff, v1  }
0x268: {  	v1 =	vld @p1 [tilespmem:$0xF198];
	_ =	sdelay $0x4  }
0x269: {  	[tilespmem:s4+$0xF248] =	vst.add.f32.msk @p1 $0xffff, v1  }
0x26a: {  	v1 =	vld @p1 [tilespmem:$0xF1A8];
	_ =	sdelay $0x4  }
0x26b: {  	[tilespmem:s4+$0xF258] =	vst.add.f32.msk @p1 $0xffff, v1  }
0x26c: {  	v1 =	vld @p1 [tilespmem:$0xF1B8];
	_ =	sdelay $0x4  }
0x26d: {  	[tilespmem:s4+$0xF268] =	vst.add.f32.msk @p1 $0xffff, v1  }
0x26e: {  	v1 =	vld @p1 [tilespmem:$0xF1C8];
	_ =	sdelay $0x4  }
0x26f: {  	[tilespmem:s4+$0xF278] =	vst.add.f32.msk @p1 $0xffff, v1  }
0x270: {  	v1 =	vld @p1 [tilespmem:$0xF1D8];
	_ =	sdelay $0x4  }
0x271: {  	[tilespmem:s4+$0xF288] =	vst.add.f32.msk @p1 $0xffff, v1  }
0x272: {  	v1 =	vld @p1 [tilespmem:$0xF1E8];
	_ =	sdelay $0x4  }
0x273: {  	[tilespmem:s4+$0xF298] =	vst.add.f32.msk @p1 $0xffff, v1  }
0x274: {  	v1 =	vld @p1 [tilespmem:$0xF1F8];
	_ =	sdelay $0x3  }
0x275: {  	s5 =	sshll.u32 @!p1 s3, $0x9  }
0x276: {  	s5 =	smov.u32 @p1 s0;
	[tilespmem:s4+$0xF2A8] =	vst.add.f32.msk @p1 $0xffff, v1  }
0x277: {  	s0 =	sshrl.u32 s5, $0x2;
	[tilespmem:s2+$0xF218] =	vst.msk $0x1, v0  }
0x278: {  	v0 =	vld [tilespmem:s0+$0xF238];
	_ =	sdelay $0x2  }
0x279: {  	s31 =	sshll.u32 s2, $0x9  }
0x27a: {  	s4 =	sshra.s32 s31, $0x2  }
0x27b: {  	[tilespmem:s4+$0xF238] =	vst v0  }
0x27c: {  	v0 =	vld [tilespmem:s0+$0xF248];
	_ =	sdelay $0x4  }
0x27d: {  	[tilespmem:s4+$0xF248] =	vst v0  }
0x27e: {  	v0 =	vld [tilespmem:s0+$0xF258];
	_ =	sdelay $0x4  }
0x27f: {  	[tilespmem:s4+$0xF258] =	vst v0  }
0x280: {  	v0 =	vld [tilespmem:s0+$0xF268];
	_ =	sdelay $0x4  }
0x281: {  	[tilespmem:s4+$0xF268] =	vst v0  }
0x282: {  	v0 =	vld [tilespmem:s0+$0xF278];
	_ =	sdelay $0x4  }
0x283: {  	[tilespmem:s4+$0xF278] =	vst v0  }
0x284: {  	v0 =	vld [tilespmem:s0+$0xF288];
	_ =	sdelay $0x4  }
0x285: {  	[tilespmem:s4+$0xF288] =	vst v0  }
0x286: {  	v0 =	vld [tilespmem:s0+$0xF298];
	_ =	sdelay $0x4  }
0x287: {  	[tilespmem:s4+$0xF298] =	vst v0  }
0x288: {  	v0 =	vld [tilespmem:s0+$0xF2A8];
	_ =	sdelay $0x4  }
0x289: {  	s2 =	sadd.s32 $0x1, s2;
	[tilespmem:s4+$0xF2A8] =	vst v0  }
.LBB3_48:
0x28a: {  	s3 =	sadd.s32 $0x1, s3  }
0x28b: {  	p1 =	sne.s32 s3, $0x20  }
.Ltmp37:
0x28c: {  	_ = 	snop;
	(pc) =	sbr.rel @!p1 .LBB3_49-.Ltmp37, $1  }
0x28d: {  	_ =	sdelay $0x3  }
.LBB3_41:
0x28e: {  	v0 =	vld.msk [tilespmem:s3+$0xF218], $0x1;
	_ =	sdelay $0x4  }
0x28f: {  	(v2sf) =	vpush v0, $0x0;
	_ =	sdelay $0xe  }
0x290: {  	s4 =	spop (v2sf)  }
0x291: {  	p1 =	seq.s32 s4, $0xFFFFFFFF  }
.Ltmp38:
0x292: {  	_ = 	snop;
	(pc) =	sbr.rel @p1 .LBB3_48-.Ltmp38, $1  }
0x293: {  	_ =	sdelay $0x3  }
0x294: {  	p1 =	slt.s32 s2, $0x1  }
.Ltmp39:
0x295: {  	_ = 	snop;
	(pc) =	sbr.rel @p1 .LBB3_47-.Ltmp39, $1  }
0x296: {  	_ =	sdelay $0x3  }
0x297: {  	s5 =	simm.s32 $0xF218;
	p1 =	por $0x0, $0x0  }
0x298: {  	v1 =	vld.msk @!p1 [tilespmem:s5+$0x0], $0x1;
	_ =	sdelay $0x4  }
0x299: {  	(v2sf) =	vpush @!p1 v1, $0x0;
	_ =	sdelay $0xd  }
0x29a: {  	p3 =	sne.s32 s2, $0x1  }
.Ltmp40:
0x29b: {  	s0 =	spop @!p1 (v2sf);
	(pc) =	sbr.rel @!p3 .LBB3_45-.Ltmp40, $4  }
0x29c: {  	p2 =	seq.s32 @!p1 s4, s0  }
0x29d: {  	s6 =	simm.s32 $0x0;
	p2 =	por !p2, p1  }
0x29e: {  	s7 =	simm.s32 $0xFFFFFFFF;
	s6 =	simm.s32 @p2 $0xFFFFFFFF  }
0x29f: {  	s0 =	simm.s32 $0x1;
	s6 =	smov.u32 @p1 s7  }
.LBB3_44:
0x2a0: {  	s7 =	smov.u32 s6;
	p1 =	sne.s32 s6, $0xFFFFFFFF  }
0x2a1: {  	s5 =	sadd.s32 $0x1, s5;
	s6 =	smov.u32 s0;
	s0 =	sadd.s32 $0x1, s0  }
0x2a2: {  	p2 =	sne.s32 s2, s0;
	v1 =	vld.msk @!p1 [tilespmem:s5+$0x0], $0x1;
	_ =	sdelay $0x4  }
0x2a3: {  	(v2sf) =	vpush @!p1 v1, $0x0;
	_ =	sdelay $0xe  }
.Ltmp41:
0x2a4: {  	s8 =	spop @!p1 (v2sf);
	(pc) =	sbr.rel @p2 .LBB3_44-.Ltmp41, $4  }
0x2a5: {  	p3 =	seq.s32 @!p1 s4, s8  }
0x2a6: {  	p3 =	por !p3, p1  }
0x2a7: {  	s6 =	simm.s32 @p3 $0xFFFFFFFF  }
0x2a8: {  	s6 =	smov.u32 @p1 s7  }
.LBB3_45:
0x2a9: {  	p1 =	seq.s32 s6, $0xFFFFFFFF  }
.Ltmp42:
0x2aa: {  	_ = 	snop;
	(pc) =	sbr.rel @p1 .LBB3_47-.Ltmp42, $1  }
0x2ab: {  	_ =	sdelay $0x3  }
0x2ac: {  	s0 =	sshll.u32 s3, $0x7  }
0x2ad: {  	s0 =	sand.u32 $0x3FFFFF80, s0  }
0x2ae: {  	v0 =	vld [tilespmem:s0+$0xF238];
	_ =	sdelay $0x2  }
0x2af: {  	s4 =	sshll.u32 s6, $0x9  }
0x2b0: {  	s4 =	sshra.s32 s4, $0x2  }
0x2b1: {  	[tilespmem:s4+$0xF238] =	vst.add.f32.msk $0xffff, v0  }
0x2b2: {  	v0 =	vld [tilespmem:s0+$0xF248];
	_ =	sdelay $0x4  }
0x2b3: {  	[tilespmem:s4+$0xF248] =	vst.add.f32.msk $0xffff, v0  }
0x2b4: {  	v0 =	vld [tilespmem:s0+$0xF258];
	_ =	sdelay $0x4  }
0x2b5: {  	[tilespmem:s4+$0xF258] =	vst.add.f32.msk $0xffff, v0  }
0x2b6: {  	v0 =	vld [tilespmem:s0+$0xF268];
	_ =	sdelay $0x4  }
0x2b7: {  	[tilespmem:s4+$0xF268] =	vst.add.f32.msk $0xffff, v0  }
0x2b8: {  	v0 =	vld [tilespmem:s0+$0xF278];
	_ =	sdelay $0x4  }
0x2b9: {  	[tilespmem:s4+$0xF278] =	vst.add.f32.msk $0xffff, v0  }
0x2ba: {  	v0 =	vld [tilespmem:s0+$0xF288];
	_ =	sdelay $0x4  }
0x2bb: {  	[tilespmem:s4+$0xF288] =	vst.add.f32.msk $0xffff, v0  }
0x2bc: {  	v0 =	vld [tilespmem:s0+$0xF298];
	_ =	sdelay $0x4  }
0x2bd: {  	[tilespmem:s4+$0xF298] =	vst.add.f32.msk $0xffff, v0  }
0x2be: {  	v0 =	vld [tilespmem:s0+$0xF2A8]  }
.Ltmp43:
0x2bf: {  	_ = 	snop;
	(pc) =	sbr.rel .LBB3_48-.Ltmp43, $2  }
0x2c0: {  	_ =	sdelay $0x2  }
0x2c1: {  	[tilespmem:s4+$0xF2A8] =	vst.add.f32.msk $0xffff, v0  }
.LBB3_49:
0x2c2: {  	p1 =	slt.s32 s2, $0x1  }
.Ltmp44:
0x2c3: {  	_ = 	snop;
	(pc) =	sbr.rel @p1 .LBB3_53-.Ltmp44, $3  }
0x2c4: {  	_ =	sdelay $0x1  }
0x2c5: {  	s0 =	simm.s32 $0x8  }
0x2c6: {  	s3 =	simm.s32 $0x0;
	[sflag:s0] =	ssyncpa.u1 $0x1  }
0x2c7: {  	s0 =	simm.s32 $0xF218  }
0x2c8: {  	v0 =	vld.msk [tilespmem:s0+$0x0], $0x1;
	_ =	sdelay $0x4  }
0x2c9: {  	(v2sf) =	vpush v0, $0x0;
	_ =	sdelay $0xe  }
0x2ca: {  	s2 =	sadd.s32 $0xFFFFFFFF, s2;
	s0 =	spop (v2sf)  }
0x2cb: {  	p2 =	sne.s32 s2, $0x0;
	p1 =	sgt.u32 s0, $0xFFF0  }
.Ltmp45:
0x2cc: {  	s5 =	sand.u32 @!p1 $0xFFF8, s0;
	(pc) =	sbr.rel @!p2 .LBB3_52-.Ltmp45, $4  }
0x2cd: {  	s4 =	simm.s32 $0xF238;
	s0 =	sand.u32 @!p1 $0x7, s0;
	s5 =	sadd.s32 @!p1 s1, s5  }
0x2ce: {  	[hbm4b:s5+s0] =	stream.linear.scatter @!p1 [tilespmem:s4], [sflag:$0x7], $0x80, $0x38;
	[tilespmem:$0x1F6F8] =	vst v63  }
0x2cf: {  	s5 =	simm.s32 $0x0  }
0x2d0: {  	s0 =	simm.s32 $0xF219;
	s5 =	simm.s32 @!p1 $0x200  }
.LBB3_51:
0x2d1: {  	v0 =	vld.msk [tilespmem:s0+$0x0], $0x1;
	s2 =	sadd.s32 $0xFFFFFFFF, s2;
	s3 =	sadd.s32 s3, s5  }
0x2d2: {  	p1 =	sne.s32 s2, $0x0;
	_ =	sdelay $0x3  }
0x2d3: {  	(v2sf) =	vpush v0, $0x0;
	_ =	sdelay $0xe  }
.Ltmp46:
0x2d4: {  	s6 =	spop (v2sf);
	(pc) =	sbr.rel @p1 .LBB3_51-.Ltmp46, $4  }
0x2d5: {  	s5 =	simm.s32 $0x0;
	p2 =	sgt.u32 s6, $0xFFF0  }
0x2d6: {  	s4 =	sadd.s32 $0x80, s4;
	s5 =	simm.s32 @!p2 $0x200;
	s7 =	sand.u32 @!p2 $0xFFF8, s6  }
0x2d7: {  	s0 =	sadd.s32 $0x1, s0;
	s6 =	sand.u32 @!p2 $0x7, s6;
	s7 =	sadd.s32 @!p2 s1, s7  }
0x2d8: {  	[hbm4b:s7+s6] =	stream.linear.scatter @!p2 [tilespmem:s4], [sflag:$0x7], $0x80, $0x38;
	[tilespmem:$0x1F6F8] =	vst v63  }
.LBB3_52:
0x2d9: {  	s0 =	sadd.s32 s3, s5  }
0x2da: {  	s3 =	sshrl.u32 s0, $0x2  }
.LBB3_53:
0x2db: {  	s0 =	simm.s32 $0x7  }
0x2dc: {  	_ =	swait.ge [sflag:s0], s3  }
0x2dd: {  	s1 =	ssub.s32 $0x0, s3;
	[sflag:s0] =	ssyncset.done $0x0  }
0x2de: {  	[sflag:s0] =	ssyncadd.s32 s1  }
0x2df: {  	[sflag:s0] =	ssyncpa.u1 $0x1  }
.LBB3_54:
0x2e0: {  	_ =	sfence;
	s0 =	simm.s32 $0x1  }
0x2e1: {  	[sflag:s0] =	ssyncpa.u1 $0x1  }
0x2e2: {  	_ =	strace $0x90000053  }
0x2e3: {  	[bflag:$0x2] =	sbarrier.arrive $0xFFFF  }
0x2e4: {  	s0 =	rddreg [dreg:$0x4]  }
0x2e5: {  	s0 =	sadd.s32 @!p0 $0x100000, s0  }
0x2e6: {  	[sflag:s0] =	ssyncadd.tile.s32 @!p0 $0x1;
	_ =	shalt  }
.Lfunc_end3:
_tile_overlayer_lowered:
.L_overlay_start_3:
0x2e7: {  	(tag) =	ssettag $0x3  }
0x2e8: {  	s0 =	rddreg [dreg:$0x0];
	s2 =	stileid.u32  }
0x2e9: {  	s1 =	rddreg [dreg:$0x1];
	p0 =	sne.s32 s2, $0x0  }
0x2ea: {  	s3 =	rddreg [dreg:$0x2];
	[bflag:$0x3] =	sbarrier.arrive $0xFFFF;
	s2 =	simm.s32 @!p0 $0x1C01  }
0x2eb: {  	[timem:s3], [sflag:s2] =	dma.local @!p0 [hbm:s0], s1  }
0x2ec: {  	s0 =	simm.s32 @!p0 $0x1  }
0x2ed: {  	_ =	swait.ge @!p0 [sflag:s0], s1  }
0x2ee: {  	s1 =	ssub.s32 @!p0 $0x0, s1;
	[sflag:s0] =	ssyncset.done @!p0 $0x0  }
0x2ef: {  	[sflag:s0] =	ssyncadd.s32 @!p0 s1  }
0x2f0: {  	[bflag:$0x3] =	sbarrier.arrive $0xFFFF  }
0x2f1: {  	_ =	shalt  }

// kernel: scatter_offload_async_start
scs
__scs_entry_jumppad:
0x0: {  	(pc) =	sbr.rel $0x88, $3  }
0x1: {  	(tag) =	ssettag $0x0;
	lr =	simm.s32 $0x1  }
0x2: {  	[smem:$0x3F94] =	sst lr;
	_ =	strace $0xD0000000  }
0x3: {  	_ = 	snop  }
0x4: {  	_ = 	snop  }
0x5: {  	_ = 	snop  }
0x6: {  	_ = 	snop  }
0x7: {  	_ = 	snop  }
__scs_overlays_trampoline_lowered:
0x8: {  	[smem:$0x3FA3] =	sst s0  }
0x9: {  	[smem:$0x3FA4] =	sst s1  }
0xa: {  	[smem:$0x3FA5] =	sst s2  }
0xb: {  	[smem:$0x3FA6] =	sst s3  }
0xc: {  	[smem:$0x3FA7] =	sst s4  }
0xd: {  	[smem:$0x3FA8] =	sst s5  }
0xe: {  	[smem:$0x3FA9] =	sst s6  }
0xf: {  	[smem:$0x3FAA] =	sst s7  }
0x10: {  	[smem:$0x3FAB] =	sst s8  }
0x11: {  	[smem:$0x3FAC] =	sst s9;
	s0 =	simm.s32 @!p0 $0x0  }
0x12: {  	s1 =	sld [smem:$0x3F92];
	s0 =	simm.s32 @p0 $0x1  }
0x13: {  	[smem:$0x3FAD] =	sst s0;
	s0 =	simm.s32 @!p1 $0x0  }
0x14: {  	s2 =	sld [smem:$0x3F91];
	s0 =	simm.s32 @p1 $0x1  }
0x15: {  	[smem:$0x3FAE] =	sst s0;
	s0 =	simm.s32 @!p2 $0x0  }
0x16: {  	s3 =	sld [smem:$0x3FDB];
	s0 =	simm.s32 @p2 $0x1  }
0x17: {  	s4 =	simm.s32 $0x1BF5;
	[smem:$0x3FB0] =	sst s0  }
0x18: {  	s0 =	sld [smem:$0x3F93];
	_ =	swait.ge [sflag:s4], $0x0  }
0x19: {  	s7 =	sld [smem:$0x3F94]  }
0x1a: {  	s8 =	sadd.s32 $0xFFFFE003, lr  }
0x1b: {  	s9 =	sadd.s32 $0xFFFFFEF7, lr;
	s5 =	simm.s32 $0xFFFFFFFF;
	p2 =	slt.u32 s8, $0xFFFFF086  }
0x1c: {  	p1 =	slt.u32 s9, $0xF7A;
	s5 =	simm.s32 @!p2 $0x0  }
0x1d: {  	s5 =	simm.s32 @p1 $0x1;
	p0 =	seq.s32 s7, s2  }
0x1e: {  	s7 =	smul.u32 @!p0 $0xF7A, s2;
	p2 =	seq.s32 @!p0 s5, $0x0  }
0x1f: {  	s9 =	smul.u32 $0xF7A, s1;
	s8 =	simm.s32 @!p0 $0x1BF5;
	p2 =	por !p2, p0  }
0x20: {  	[sflag:s8] =	ssyncset.s32 @!p0 $0xFFFFF086;
	s6 =	sadd.s32 @!p0 s3, s7;
	s7 =	simm.s32 @!p0 $0x108  }
0x21: {  	s3 =	sadd.s32 s3, s9;
	s6 =	sadd.s32 @!p0 $0x88, s6;
	s7 =	simm.s32 @p2 $0x1082  }
0x22: {  	[simem:s7], [sflag:s8] =	dma.local @!p0 [hbm:s6], $0xF7A  }
0x23: {  	s9 =	sor.u32 $0xD0000000, s2;
	s6 =	simm.s32 $0x108;
	_ =	swait.ge @!p0 [sflag:s8], $0x0  }
0x24: {  	s3 =	sadd.s32 $0x88, s3;
	s6 =	simm.s32 @!p1 $0x1082;
	[sflag:s4] =	ssyncset.s32 $0xFFFFF086  }
0x25: {  	[simem:s6], [sflag:s4] =	dma.local [hbm:s3], $0xF7A  }
0x26: {  	[smem:$0x3F94] =	sst s1;
	(tag) =	ssettag s2;
	_ =	strace s9  }
0x27: {  	s1 =	sld [smem:$0x3FA4]  }
0x28: {  	s2 =	sld [smem:$0x3FA5]  }
0x29: {  	s4 =	sld [smem:$0x3FA7]  }
0x2a: {  	p0 =	seq.s32 s5, $0x0;
	s5 =	sld [smem:$0x3FA8]  }
0x2b: {  	s6 =	sld [smem:$0x3FA9]  }
0x2c: {  	s7 =	sld [smem:$0x3FAA]  }
0x2d: {  	s3 =	simm.s32 $0x108;
	s8 =	sld [smem:$0x3FAB]  }
0x2e: {  	s3 =	simm.s32 @!p0 $0x1082;
	s9 =	sld [smem:$0x3FAC]  }
0x2f: {  	lr =	sadd.s32 s0, s3;
	s0 =	sld [smem:$0x3FA3]  }
0x30: {  	s3 =	sld [smem:$0x3FA6]  }
0x31: {  	[smem:$0x3FAF] =	sst s10  }
0x32: {  	s10 =	sld [smem:$0x3FAD];
	_ =	sdelay $0x3  }
0x33: {  	p0 =	seq.s32 s10, $0x1;
	s10 =	sld [smem:$0x3FAF];
	_ =	sdelay $0x3  }
0x34: {  	[smem:$0x3FAF] =	sst s10  }
0x35: {  	s10 =	sld [smem:$0x3FAE];
	_ =	sdelay $0x3  }
0x36: {  	p1 =	seq.s32 s10, $0x1;
	s10 =	sld [smem:$0x3FAF];
	_ =	sdelay $0x3  }
0x37: {  	[smem:$0x3FAF] =	sst s10  }
0x38: {  	s10 =	sld [smem:$0x3FB0]  }
0x39: {  	_ = 	snop;
	(pc) =	sbr.ind lr, $3  }
0x3a: {  	_ = 	snop  }
0x3b: {  	_ = 	snop  }
0x3c: {  	p2 =	seq.s32 s10, $0x1;
	s10 =	sld [smem:$0x3FAF]  }
0x3d: {  	_ =	shalt  }
0x3e: {  	_ =	shalt  }
0x3f: {  	_ =	shalt  }
0x40: {  	_ =	shalt  }
0x41: {  	_ =	shalt  }
0x42: {  	_ =	shalt  }
0x43: {  	_ =	shalt  }
0x44: {  	_ =	shalt  }
0x45: {  	_ =	shalt  }
0x46: {  	_ =	shalt  }
0x47: {  	_ =	shalt  }
0x48: {  	_ =	shalt  }
0x49: {  	_ =	shalt  }
0x4a: {  	_ =	shalt  }
0x4b: {  	_ =	shalt  }
0x4c: {  	_ =	shalt  }
0x4d: {  	_ =	shalt  }
0x4e: {  	_ =	shalt  }
0x4f: {  	_ =	shalt  }
0x50: {  	_ =	shalt  }
0x51: {  	_ =	shalt  }
0x52: {  	_ =	shalt  }
0x53: {  	_ =	shalt  }
0x54: {  	_ =	shalt  }
0x55: {  	_ =	shalt  }
0x56: {  	_ =	shalt  }
0x57: {  	_ =	shalt  }
0x58: {  	_ =	shalt  }
0x59: {  	_ =	shalt  }
0x5a: {  	_ =	shalt  }
0x5b: {  	_ =	shalt  }
0x5c: {  	_ =	shalt  }
0x5d: {  	_ =	shalt  }
0x5e: {  	_ =	shalt  }
0x5f: {  	_ =	shalt  }
0x60: {  	_ =	shalt  }
0x61: {  	_ =	shalt  }
0x62: {  	_ =	shalt  }
0x63: {  	_ =	shalt  }
0x64: {  	_ =	shalt  }
0x65: {  	_ =	shalt  }
0x66: {  	_ =	shalt  }
0x67: {  	_ =	shalt  }
0x68: {  	_ =	shalt  }
0x69: {  	_ =	shalt  }
0x6a: {  	_ =	shalt  }
0x6b: {  	_ =	shalt  }
0x6c: {  	_ =	shalt  }
0x6d: {  	_ =	shalt  }
0x6e: {  	_ =	shalt  }
0x6f: {  	_ =	shalt  }
0x70: {  	_ =	shalt  }
0x71: {  	_ =	shalt  }
0x72: {  	_ =	shalt  }
0x73: {  	_ =	shalt  }
0x74: {  	_ =	shalt  }
0x75: {  	_ =	shalt  }
0x76: {  	_ =	shalt  }
0x77: {  	_ =	shalt  }
0x78: {  	_ =	shalt  }
0x79: {  	_ =	shalt  }
0x7a: {  	_ =	shalt  }
0x7b: {  	_ =	shalt  }
0x7c: {  	_ =	shalt  }
0x7d: {  	_ =	shalt  }
0x7e: {  	_ =	shalt  }
0x7f: {  	_ =	shalt  }
0x80: {  	_ =	shalt  }
0x81: {  	_ =	shalt  }
0x82: {  	_ =	shalt  }
0x83: {  	_ =	shalt  }
0x84: {  	_ =	shalt  }
0x85: {  	_ =	shalt  }
0x86: {  	_ =	shalt  }
0x87: {  	_ =	shalt  }
.Lfunc_end0:
.L_simem_size_0:
called_computation_lowered:
.L_overlay_start_0:
0x88: {  	s2 =	sld [smem:$0x3FD9]  }
0x89: {  	s3 =	sld [smem:$0x3FFE];
	_ =	sdelay $0x1  }
0x8a: {  	s1 =	srdreg.scid  }
0x8b: {  	s0 =	sand.u32 $0x1, s1  }
0x8c: {  	s12 =	sshll.u32 s0, $0xA;
	s2 =	sadd.s32 s3, s2  }
0x8d: {  	s2 =	sadd.s32 s2, s12  }
0x8e: {  	[smem:$0x3FBB] =	sst s2  }
0x8f: {  	_ = 	snop  }
0x90: {  	(tm) =	ssettm $0x1  }
0x91: {  	s13 =	sld [smem:$0x3FFB];
	_ =	sdelay $0x3  }
0x92: {  	_ =	strace s13  }
0x93: {  	s2 =	sld [smem:$0x3FFC];
	_ =	sdelay $0x3  }
0x94: {  	_ =	strace s2  }
0x95: {  	s2 =	sld [smem:$0x3FFD];
	_ =	sdelay $0x3  }
0x96: {  	_ =	strace s2  }
0x97: {  	_ =	strace $0x8FFFFFFF  }
0x98: {  	s14 =	sld [smem:$0x3FDB];
	_ =	sdelay $0x1  }
0x99: {  	s15 =	simm.s32 $_scs_section_size  }
0x9a: {  	s4 =	simm.s32 $_size__tile_overlayer_lowered;
	s5 =	simm.s32 $_tile_overlayer_lowered  }
0x9b: {  	s19 =	simm.s32 $0x1BFF;
	s17 =	sshll.u32 s5, $0x1;
	s6 =	sadd.s32 s15, s14  }
0x9c: {  	s20 =	simm.s32 $0x0;
	s16 =	sshll.u32 s4, $0x1;
	s18 =	sadd.s32 s17, s6  }
0x9d: {  	[timem:s20], [sflag:s19] =	dma.local [hbm:s18], s16  }
0x9e: {  	_ =	swait.ge [sflag:s19], s16  }
0x9f: {  	s3 =	ssub.s32 $0x0, s16;
	[sflag:s19] =	ssyncset.done $0x0  }
0xa0: {  	[sflag:s19] =	ssyncadd.s32 s3;
	_ =	sdelay $0x1  }
0xa1: {  	s21 =	simm.s32 $0x1B8B  }
0xa2: {  	_ =	swait.ge [sflag:s21], $0x1  }
0xa3: {  	[sflag:s21] =	ssyncset.done $0x0  }
0xa4: {  	[sflag:s21] =	ssyncadd.s32 $0xFFFFFFFF  }
0xa5: {  	s3 =	sld [smem:$0x0]  }
0xa6: {  	s4 =	sand.u32 $0xFFFFFFFE, s1  }
0xa7: {  	p0 =	sne.s32 s1, s4  }
0xa8: {  	s4 =	sshll.u32 @p0 s4, $0xE  }
0xa9: {  	s5 =	sadd.s32 @p0 $0x11B8D, s4;
	s7 =	sshll.u32 @p0 s3, $0x11  }
0xaa: {  	s5 =	sor.u32 @p0 s7, s5  }
0xab: {  	[sflag:s5] =	ssyncadd.remote.s32 @p0 $0x1;
	_ =	sdelay $0x1  }
0xac: {  	s5 =	simm.s32 @p0 $0x1B8D  }
0xad: {  	_ =	swait.eq @p0 [sflag:s5], $0x1  }
0xae: {  	[sflag:s5] =	ssyncadd.s32 @p0 $0xFFFFFFFF  }
0xaf: {  	s7 =	sshll.u32 @!p0 s1, $0xE  }
0xb0: {  	s7 =	sor.u32 @!p0 $0x4000, s7;
	s5 =	simm.s32 @!p0 $0x1B8D  }
0xb1: {  	s9 =	sshll.u32 @!p0 s3, $0x11;
	s8 =	sadd.s32 @!p0 $0x11B8D, s7;
	_ =	swait.eq @!p0 [sflag:s5], $0x1  }
0xb2: {  	[sflag:s5] =	ssyncadd.s32 @!p0 $0xFFFFFFFF;
	s5 =	sor.u32 @!p0 s9, s8  }
0xb3: {  	s23 =	simm.s32 $0x1B8E;
	s22 =	sld [smem:$0x3FFE];
	[sflag:s5] =	ssyncadd.remote.s32 @!p0 $0x1  }
0xb4: {  	s24 =	simm.s32 $execute0_lowered;
	[smem:$0x3FD2] =	sst s23  }
0xb5: {  	s8 =	sshll.u32 s24, $0x1;
	_ =	strace $0x80000049;
	[dreg:$0x1] =	wrdreg $0xFFFFFFFF  }
0xb6: {  	s25 =	simm.s32 $_size_execute0_lowered;
	s8 =	sadd.s32 s6, s8;
	[dreg:$0x0] =	wrdreg $0x0  }
0xb7: {  	s9 =	sshll.u32 s25, $0x1;
	[dreg:$0x2] =	wrdreg s8  }
0xb8: {  	[dreg:$0x3] =	wrdreg s9  }
0xb9: {  	[dreg:$0x4] =	wrdreg $0xC0  }
0xba: {  	s26 =	simm.s32 $execute1_lowered;
	_ =	task [dreg:s20], $0x5FFFF  }
0xbb: {  	s8 =	sshll.u32 s26, $0x1;
	[dreg:$0x1] =	wrdreg $0xFFFFFFFF  }
0xbc: {  	s6 =	sadd.s32 s6, s8;
	[dreg:$0x0] =	wrdreg $0x60  }
0xbd: {  	[dreg:$0x2] =	wrdreg s6  }
0xbe: {  	[dreg:$0x3] =	wrdreg s22  }
0xbf: {  	[dreg:$0x4] =	wrdreg $0x9  }
0xc0: {  	_ =	task.clear_ibuf [dreg:s20], $0x5FFFF;
	_ =	strace $0x90000049  }
0xc1: {  	s28 =	simm.s32 $0x9;
	_ =	strace $0x8000004B  }
0xc2: {  	_ =	swait.ge [sflag:s28], $0x1  }
0xc3: {  	[sflag:s28] =	ssyncadd.s32 $0xFFFFFFFF  }
0xc4: {  	_ =	strace $0x9000004B  }
0xc5: {  	s6 =	sld [smem:$0x0];
	_ =	sdelay $0x3  }
0xc6: {  	s4 =	sadd.s32 @p0 $0x11BF3, s4;
	s8 =	sshll.u32 @p0 s6, $0x11  }
0xc7: {  	s4 =	sor.u32 @p0 s8, s4  }
0xc8: {  	[sflag:s4] =	ssyncadd.remote.s32 @p0 $0x1;
	_ =	sdelay $0x1  }
0xc9: {  	s4 =	simm.s32 @p0 $0x1BF3  }
0xca: {  	_ =	swait.eq @p0 [sflag:s4], $0x1  }
0xcb: {  	[sflag:s4] =	ssyncadd.s32 @p0 $0xFFFFFFFF;
	_ =	sdelay $0x1  }
0xcc: {  	s4 =	simm.s32 @!p0 $0x1BF3  }
0xcd: {  	s7 =	sadd.s32 @!p0 $0x11BF3, s7;
	s6 =	sshll.u32 @!p0 s6, $0x11;
	_ =	swait.eq @!p0 [sflag:s4], $0x1  }
0xce: {  	[sflag:s4] =	ssyncadd.s32 @!p0 $0xFFFFFFFF;
	s4 =	sor.u32 @!p0 s6, s7  }
0xcf: {  	[sflag:s4] =	ssyncadd.remote.s32 @!p0 $0x1  }
0xd0: {  	_ =	strace $0x8000004C;
	[dreg:$0x1] =	wrdreg $0xFFFFFFFF  }
0xd1: {  	[dreg:$0x0] =	wrdreg $0x2030  }
0xd2: {  	[dreg:$0x2] =	wrdreg s22  }
0xd3: {  	[dreg:$0x3] =	wrdreg s1  }
0xd4: {  	[dreg:$0x4] =	wrdreg s3  }
0xd5: {  	[dreg:$0x5] =	wrdreg $0xA  }
0xd6: {  	_ =	task.clear_ibuf [dreg:s20], $0x6FFFF;
	_ =	strace $0x9000004C  }
0xd7: {  	s29 =	simm.s32 $0xA;
	_ =	strace $0x8000004E  }
0xd8: {  	_ =	swait.ge [sflag:s29], $0x1  }
0xd9: {  	[sflag:s29] =	ssyncadd.s32 $0xFFFFFFFF  }
0xda: {  	_ =	strace $0x9000004E  }
0xdb: {  	_ =	sfence  }
0xdc: {  	s30 =	sld [smem:$0x0];
	_ =	sdelay $0x2  }
0xdd: {  	s31 =	sshll.u32 s1, $0xD;
	s1 =	sshrl.u32 s1, $0x2  }
0xde: {  	s4 =	sand.u32 $0x4000, s31;
	s1 =	sadd.s32 s1, s30  }
0xdf: {  	s0 =	sor.u32 s4, s0;
	s1 =	sshll.u32 s1, $0x11  }
0xe0: {  	s0 =	sor.u32 s1, s0  }
0xe1: {  	s0 =	sadd.s32 $0x8F2B, s0  }
0xe2: {  	[sflag:s0] =	ssyncadd.remote.s32 $0x1  }
0xe3: {  	_ =	sfence.sel $0xFFFF  }
0xe4: {  	[dreg:$0x0] =	wrdreg $0xFFFFFFFF;
	(pc) =	sbr.abs _section_cstart, $3  }
0xe5: {  	[dreg:$0x1] =	wrdreg $0xFFFFFFFF  }
0xe6: {  	_ =	task.clear_ibuf [dreg:s20], $0x2FFFF;
	_ =	strace $0x9FFFFFFF  }
0xe7: {  	(tm) =	ssettm $0x7FFFFFFF  }
tec
execute0_lowered:
.L_overlay_start_1:
0x0: {  	(tag) =	ssettag $0x1  }
0x1: {  	s2 =	rddreg [dreg:$0x0]  }
0x2: {  	s4 =	rddreg [dreg:$0x1]  }
0x3: {  	s0 =	rddreg [dreg:$0x2];
	s3 =	stileid.u32;
	[bflag:$0x3] =	sbarrier.arrive $0xFFFF  }
0x4: {  	s1 =	simm.s32 $_size_execute1_lowered;
	s29 =	srdreg.scid;
	p0 =	sne.s32 s3, $0x0  }
0x5: {  	s1 =	sshll.u32 s1, $0x1;
	s5 =	simm.s32 @!p0 $0x1C3F;
	s6 =	simm.s32 @!p0 $0x4060  }
0x6: {  	[timem:s6], [sflag:s5] =	dma.local @!p0 [hbm:s2], s1  }
0x7: {  	s8 =	simm.s32 $0x2;
	s2 =	sshll.u32 s29, $0x7  }
0x8: {  	s9 =	simm.s32 $0x0;
	s3 =	sshll.u32 s3, $0x8;
	s2 =	sand.u32 $0x80, s2  }
0x9: {  	s11 =	simm.s32 $0x0;
	s10 =	simm.s32 $0x0;
	s2 =	sor.u32 s3, s2  }
0xa: {  	_ =	strace $0x8000004A;
	s3 =	sshll.u32 s2, $0x4;
	s30 =	ssub.s32 $0x1000, s2  }
.Ltmp0:
0xb: {  	s31 =	sadd.s32 s3, s4;
	s7 =	sand.u32 $0xF80, s30;
	(pc) =	sbr.rel .LBB2_1-.Ltmp0, $4  }
0xc: {  	s3 =	simm.s32 $0x1;
	p1 =	sne.s32 s7, $0x0;
	s7 =	simm.s32 $0x1  }
0xd: {  	s5 =	sshrl.u32 s30, $0xC;
	s4 =	sadd.s32 $0x72000, s4;
	s7 =	simm.s32 @!p1 $0x0  }
0xe: {  	[sflag:s3] =	ssyncpa.u1 $0x0;
	s6 =	sadd.s32 $0x62000, s31;
	s5 =	sadd.s32 s7, s5  }
0xf: {  	[sflag:s8] =	ssyncpa.u1 $0x0;
	s8 =	simm.s32 $0x0;
	s7 =	sadd.s32 $0x1, s5  }
.LBB2_4:
0x10: {  	_ =	sdelay $0x3  }
0x11: {  	[tilespmem:v0+s13+$0xFFFFFFA0 ss:$0x1] =	vst.idx.msk $0xffff, v6  }
0x12: {  	v56 =	vld.idx.msk [tilespmem:v1+s14+$0x30 ss:$0x1], $0xffff;
	[tilespmem:v0+s13+$0xFFFFFFB0 ss:$0x1] =	vst.idx.msk $0xffff, v4  }
0x13: {  	v57 =	vld.idx.msk [tilespmem:v1+s14+$0xFFFFFFC0 ss:$0x1], $0xffff;
	[tilespmem:v0+s13+$0xFFFFFFC0 ss:$0x1] =	vst.idx.msk $0xffff, v2  }
0x14: {  	v58 =	vld.idx.msk [tilespmem:v1+s14+$0xFFFFFFD0 ss:$0x1], $0xffff;
	[tilespmem:v0+s13+$0xFFFFFFD0 ss:$0x1] =	vst.idx.msk $0xffff, v3  }
0x15: {  	v59 =	vld.idx.msk [tilespmem:v1+s14+$0xFFFFFFE0 ss:$0x1], $0xffff;
	[tilespmem:v0+s13+$0xFFFFFFE0 ss:$0x1] =	vst.idx.msk $0xffff, v5  }
0x16: {  	v60 =	vld.idx.msk [tilespmem:v1+s14+$0xFFFFFFF0 ss:$0x1], $0xffff;
	[tilespmem:v0+s13+$0xFFFFFFF0 ss:$0x1] =	vst.idx.msk $0xffff, v7  }
0x17: {  	v61 =	vld.idx.msk [tilespmem:v1+s14+$0x0 ss:$0x1], $0xffff;
	[tilespmem:v0+s14+$0x0 ss:$0x1] =	vst.idx.msk $0xffff, v56  }
0x18: {  	v62 =	vld.idx.msk [tilespmem:v1+s14+$0x10 ss:$0x1], $0xffff;
	[tilespmem:v0+s14+$0xFFFFFF90 ss:$0x1] =	vst.idx.msk $0xffff, v57  }
0x19: {  	v63 =	vld.idx.msk [tilespmem:v1+s14+$0x20 ss:$0x1], $0xffff;
	[tilespmem:v0+s14+$0xFFFFFFA0 ss:$0x1] =	vst.idx.msk $0xffff, v58  }
0x1a: {  	[tilespmem:v0+s14+$0xFFFFFFB0 ss:$0x1] =	vst.idx.msk $0xffff, v59  }
0x1b: {  	[tilespmem:v0+s14+$0xFFFFFFC0 ss:$0x1] =	vst.idx.msk $0xffff, v60  }
0x1c: {  	s11 =	sshll.u32 s11, $0x4;
	[tilespmem:v0+s14+$0xFFFFFFD0 ss:$0x1] =	vst.idx.msk $0xffff, v61  }
0x1d: {  	s11 =	sand.u32 $0xFFF0, s11;
	[tilespmem:v0+s14+$0xFFFFFFE0 ss:$0x1] =	vst.idx.msk $0xffff, v62  }
0x1e: {  	s11 =	sadd.s32 s4, s11;
	[tilespmem:v0+s14+$0xFFFFFFF0 ss:$0x1] =	vst.idx.msk $0xffff, v63  }
0x1f: {  	[hbm4b:s11+s8] =	stream.linear.scatter [tilespmem:s12], [sflag:$0x2], $0x4000, $0x38;
	[tilespmem:$0x10000] =	vst v63  }
.LBB2_5:
0x20: {  	p2 =	sne.s32 s10, s7  }
.Ltmp1:
0x21: {  	p1 =	slt.u32 s10, $0x2;
	(pc) =	sbr.rel @!p2 .LBB2_6-.Ltmp1, $4  }
0x22: {  	s11 =	simm.s32 @!p1 $0x2  }
0x23: {  	_ =	swait.ge @!p1 [sflag:s11], $0x4000  }
0x24: {  	s12 =	sadd.s32 $0x1, s10;
	s9 =	sadd.s32 $0x4000, s9;
	[sflag:s11] =	ssyncset.done @!p1 $0x0  }
0x25: {  	s10 =	smov.u32 s12;
	[sflag:s11] =	ssyncadd.s32 @!p1 $0xFFFFC000;
	s11 =	smov.u32 s2  }
.LBB2_1:
0x26: {  	p1 =	sge.u32 s10, s5  }
0x27: {  	s12 =	sxor.u32 @!p1 $0xFFFFFFFF, s10  }
0x28: {  	s12 =	sshll.u32 @!p1 s12, $0xE  }
0x29: {  	s31 =	sadd.s32 $0xFFFFFFFF, s10;
	s13 =	simm.s32 @!p1 $0x0;
	s12 =	sand.u32 @!p1 $0x4000, s12  }
0x2a: {  	[tilespmem:s12], [sflag:$0x1] =	stream.linear.gather @!p1 [hbm4b:s6+s13], $0x4000, $0x38;
	[tilespmem:$0x10000] =	vst v63  }
0x2b: {  	p1 =	sge.u32 s31, s5  }
.Ltmp2:
0x2c: {  	_ = 	snop;
	(pc) =	sbr.rel @p1 .LBB2_5-.Ltmp2, $1  }
0x2d: {  	_ =	sdelay $0x3  }
0x2e: {  	s12 =	sand.u32 $0x4000, s9  }
0x2f: {  	s13 =	sor.u32 $0x40, s12  }
0x30: {  	v1 =	vmov s13;
	_ =	sdelay $0x1  }
0x31: {  	_ =	swait.ge [sflag:s3], $0x4000  }
0x32: {  	[sflag:s3] =	ssyncset.done $0x0  }
0x33: {  	[sflag:s3] =	ssyncadd.s32 $0xFFFFC000;
	s13 =	simm.s32 $0x0  }
0x34: {  	s12 =	sor.u32 $0x8070, s12;
	v7 =	vld.idx.msk [tilespmem:v1+s13+$0x30 ss:$0x1], $0xffff  }
0x35: {  	v0 =	vmov s12;
	v8 =	vld.idx.msk [tilespmem:v1+s13+$0xFFFFFFC0 ss:$0x1], $0xffff  }
0x36: {  	v6 =	vld.idx.msk [tilespmem:v1+s13+$0xFFFFFFD0 ss:$0x1], $0xffff  }
0x37: {  	v4 =	vld.idx.msk [tilespmem:v1+s13+$0xFFFFFFE0 ss:$0x1], $0xffff  }
0x38: {  	v2 =	vld.idx.msk [tilespmem:v1+s13+$0xFFFFFFF0 ss:$0x1], $0xffff  }
0x39: {  	s31 =	sshll.u32 s10, $0xE;
	v3 =	vld.idx.msk [tilespmem:v1+s13+$0x0 ss:$0x1], $0xffff  }
0x3a: {  	s12 =	sand.u32 $0x4000, s31;
	v5 =	vld.idx.msk [tilespmem:v1+s13+$0x10 ss:$0x1], $0xffff;
	[tilespmem:v0+s13+$0x0 ss:$0x1] =	vst.idx.msk $0xffff, v7  }
0x3b: {  	s14 =	simm.s32 $0x80;
	s15 =	simm.s32 $0x400;
	s12 =	sor.u32 $0x8000, s12;
	[tilespmem:v0+s13+$0xFFFFFF90 ss:$0x1] =	vst.idx.msk $0xffff, v8;
	v7 =	vld.idx.msk [tilespmem:v1+s13+$0x20 ss:$0x1], $0xffff  }
.LBB2_3:
0x3c: {  	p1 =	sne.s32 s15, $0xFE00;
	v8 =	vld.idx.msk [tilespmem:v1+s14+$0x30 ss:$0x1], $0xffff;
	[tilespmem:v0+s13+$0xFFFFFFA0 ss:$0x1] =	vst.idx.msk $0xffff, v6  }
0x3d: {  	v9 =	vld.idx.msk [tilespmem:v1+s14+$0xFFFFFFC0 ss:$0x1], $0xffff;
	[tilespmem:v0+s13+$0xFFFFFFB0 ss:$0x1] =	vst.idx.msk $0xffff, v4  }
0x3e: {  	v6 =	vld.idx.msk [tilespmem:v1+s14+$0xFFFFFFD0 ss:$0x1], $0xffff;
	[tilespmem:v0+s13+$0xFFFFFFC0 ss:$0x1] =	vst.idx.msk $0xffff, v2  }
.Ltmp3:
0x3f: {  	v4 =	vld.idx.msk [tilespmem:v1+s14+$0xFFFFFFE0 ss:$0x1], $0xffff;
	[tilespmem:v0+s13+$0xFFFFFFD0 ss:$0x1] =	vst.idx.msk $0xffff, v3;
	(pc) =	sbr.rel @p1 .LBB2_3-.Ltmp3, $4  }
0x40: {  	v2 =	vld.idx.msk [tilespmem:v1+s14+$0xFFFFFFF0 ss:$0x1], $0xffff;
	[tilespmem:v0+s13+$0xFFFFFFE0 ss:$0x1] =	vst.idx.msk $0xffff, v5  }
0x41: {  	v3 =	vld.idx.msk [tilespmem:v1+s14+$0x0 ss:$0x1], $0xffff;
	[tilespmem:v0+s13+$0xFFFFFFF0 ss:$0x1] =	vst.idx.msk $0xffff, v7;
	s13 =	smov.u32 s14  }
0x42: {  	v5 =	vld.idx.msk [tilespmem:v1+s13+$0x10 ss:$0x1], $0xffff;
	[tilespmem:v0+s13+$0x0 ss:$0x1] =	vst.idx.msk $0xffff, v8  }
0x43: {  	s14 =	sshra.s32 s15, $0x2;
	s15 =	sadd.s32 $0x200, s15;
	[tilespmem:v0+s13+$0xFFFFFF90 ss:$0x1] =	vst.idx.msk $0xffff, v9;
	v7 =	vld.idx.msk [tilespmem:v1+s13+$0x20 ss:$0x1], $0xffff  }
.Ltmp4:
0x44: {  	_ = 	snop;
	(pc) =	sbr.rel .LBB2_4-.Ltmp4, $1  }
0x45: {  	_ =	sdelay $0x3  }
.LBB2_6:
0x46: {  	_ =	sfence.sel $0x180000  }
0x47: {  	s2 =	simm.s32 $0x1;
	[bflag:$0x0] =	sbarrier.arrive $0xFFFF  }
0x48: {  	s31 =	simm.s32 $0x2;
	[sflag:s2] =	ssyncpa.u1 $0x1  }
0x49: {  	[sflag:s31] =	ssyncpa.u1 $0x1  }
0x4a: {  	_ =	strace $0x9000004A  }
0x4b: {  	s0 =	sadd.s32 @!p0 $0x100000, s0;
	[bflag:$0x2] =	sbarrier.arrive $0xFFFF  }
0x4c: {  	[sflag:s0] =	ssyncadd.tile.s32 @!p0 $0x1;
	s0 =	simm.s32 @!p0 $0x3F  }
0x4d: {  	_ =	swait.ge @!p0 [sflag:s0], s1  }
0x4e: {  	s1 =	ssub.s32 @!p0 $0x0, s1;
	[sflag:s0] =	ssyncset.done @!p0 $0x0  }
0x4f: {  	[sflag:s0] =	ssyncadd.s32 @!p0 s1  }
0x50: {  	[bflag:$0x3] =	sbarrier.arrive $0xFFFF  }
0x51: {  	_ =	shalt  }
.Lfunc_end2:
execute1_lowered:
.L_overlay_start_2:
0x52: {  	(tag) =	ssettag $0x2  }
0x53: {  	s0 =	rddreg [dreg:$0x0]  }
0x54: {  	s2 =	rddreg [dreg:$0x1];
	_ =	strace $0x8000004D;
	s1 =	simm.s32 $0x1  }
0x55: {  	s9 =	simm.s32 $0x108;
	v0 =	vimm.s32 $0x0;
	[sflag:s1] =	ssyncpa.u1 $0x0  }
0x56: {  	[tilespmem:s9+$0x70] =	vst v0  }
0x57: {  	[tilespmem:s9+$0x60] =	vst v0  }
0x58: {  	[tilespmem:s9+$0x50] =	vst v0  }
0x59: {  	[tilespmem:s9+$0x40] =	vst v0  }
0x5a: {  	s1 =	sadd.s32 $0x72000, s0;
	s15 =	sadd.s32 $0x41800, s0;
	[tilespmem:s9+$0x30] =	vst v0  }
0x5b: {  	s6 =	sadd.s32 $0x42000, s0;
	s2 =	sand.u32 $0x1, s2;
	s14 =	sadd.s32 $0x41C00, s0;
	[tilespmem:s9+$0x20] =	vst v0  }
0x5c: {  	s0 =	simm.s32 $0x40;
	[dreg:$0x4] =	wrdreg s2;
	s16 =	sshll.u32 s2, $0x9;
	[tilespmem:s9+$0x10] =	vst v0  }
.LBB3_1:
0x5d: {  	s0 =	sadd.s32 $0x40, s0;
	[tilespmem:s9+$0x0] =	vst v0;
	s9 =	sadd.s32 $0x80, s9  }
0x5e: {  	p0 =	slt.u32 s0, $0x3C40;
	[tilespmem:s9+$0x70] =	vst v0  }
0x5f: {  	[tilespmem:s9+$0x60] =	vst v0  }
.Ltmp5:
0x60: {  	[tilespmem:s9+$0x50] =	vst v0;
	(pc) =	sbr.rel @p0 .LBB3_1-.Ltmp5, $4  }
0x61: {  	[tilespmem:s9+$0x40] =	vst v0  }
0x62: {  	[tilespmem:s9+$0x30] =	vst v0  }
0x63: {  	[tilespmem:s9+$0x20] =	vst v0  }
0x64: {  	[tilespmem:s9+$0x10] =	vst v0  }
0x65: {  	s5 =	stileid.u32  }
0x66: {  	s0 =	smin.u32 s5, $0x2  }
0x67: {  	s0 =	sadd.s32 s5, s0  }
0x68: {  	p0 =	slt.u32 s5, $0x2;
	s7 =	smul.u32 $0xF0, s0;
	s0 =	simm.s32 $0x1E0  }
0x69: {  	s0 =	simm.s32 @!p0 $0xF0  }
0x6a: {  	s0 =	sadd.s32 s0, s7  }
0x6b: {  	s8 =	smin.u32 s0, $0x1000  }
0x6c: {  	s0 =	ssub.s32 s8, s7  }
0x6d: {  	p0 =	sgt.s32 s0, $0x0  }
0x6e: {  	s0 =	simm.s32 @!p0 $0x0  }
0x6f: {  	s3 =	simm.s32 $0x2;
	s10 =	simm.s32 $0x9;
	s2 =	smul.u32 $0x8889, s0  }
0x70: {  	s4 =	simm.s32 $0xA;
	s11 =	simm.s32 $0xB;
	s12 =	simm.s32 $0x1  }
0x71: {  	s14 =	sadd.s32 s16, s14;
	s15 =	sadd.s32 s16, s15;
	s2 =	sshrl.u32 s2, $0x17  }
0x72: {  	s22 =	simm.s32 $0x0;
	s18 =	simm.s32 $0xC;
	s31 =	smul.u32 $0xF0, s2  }
.Ltmp6:
0x73: {  	[tilespmem:s9+$0x0] =	vst v0;
	v0 =	vimm.s32 $0xFFFFFFFF;
	s20 =	simm.s32 $0x0;
	[sflag:s3] =	ssyncpa.u1 $0x0;
	(pc) =	sbr.rel .LBB3_3-.Ltmp6, $4  }
0x74: {  	[tilespmem:$0xF208] =	vst v0;
	[sflag:s10] =	ssyncpa.u1 $0x0;
	p0 =	sne.s32 s0, s31;
	s0 =	simm.s32 $0x1  }
0x75: {  	s21 =	simm.s32 $0x0;
	[sflag:s4] =	ssyncpa.u1 $0x0;
	s0 =	simm.s32 @!p0 $0x0  }
0x76: {  	s16 =	sshll.u32 s5, $0x8;
	[sflag:s11] =	ssyncpa.u1 $0x0;
	s13 =	sadd.s32 s2, s0  }
0x77: {  	v0 =	vlaneseq.u32;
	s19 =	smov.u32 s7;
	p0 =	por $0x0, $0x0;
	s17 =	sadd.s32 $0x1, s13  }
.LBB3_18:
0x78: {  	s0 =	sshrl.u32 s31, $0x2  }
.LBB3_20:
0x79: {  	_ =	swait.ge [sflag:s18], s0  }
0x7a: {  	s31 =	ssub.s32 $0x0, s0;
	v1 =	vmov s25;
	vm0 =	veq.s32 v0, $0x0;
	[sflag:s18] =	ssyncset.done $0x0  }
0x7b: {  	vm15 =	veq.s32 v0, $0x2;
	v1 =	vsel vm0, s30, v1;
	[sflag:s18] =	ssyncadd.s32 s31  }
0x7c: {  	v1 =	vsel vm15, s22, v1;
	[sflag:s18] =	ssyncpa.u1 $0x1  }
0x7d: {  	[tilespmem:$0xF208] =	vst v1  }
.LBB3_21:
0x7e: {  	s0 =	sadd.s32 $0xF0, s19  }
0x7f: {  	s2 =	smov.u32 s7;
	p1 =	slt.s32 s0, s8  }
0x80: {  	s2 =	smov.u32 @p1 s0;
	p1 =	sne.s32 s21, s17  }
.Ltmp7:
0x81: {  	_ = 	snop;
	(pc) =	sbr.rel @!p1 .LBB3_22-.Ltmp7, $3  }
0x82: {  	_ =	sdelay $0x1  }
0x83: {  	s22 =	smov.u32 s20;
	s31 =	sadd.s32 $0x1, s21;
	s20 =	smov.u32 s19  }
0x84: {  	p0 =	por !p0, !p0;
	s21 =	smov.u32 s31;
	s19 =	smov.u32 s2  }
.LBB3_3:
0x85: {  	p1 =	sge.u32 s21, s13  }
0x86: {  	s0 =	smulhi.u32 @!p1 $0xAAAAAAAB, s21  }
0x87: {  	s2 =	smov.u32 s19;
	p2 =	sgt.s32 @!p1 s19, $0xF10  }
0x88: {  	s3 =	sshra.s32 @!p1 s19, $0x1F;
	p2 =	por !p2, p1;
	s0 =	sshrl.u32 @!p1 s0, $0x1  }
0x89: {  	s3 =	sand.u32 @!p1 s3, s19;
	s2 =	simm.s32 @p2 $0xF10;
	s0 =	smul.u32 @!p1 $0x3, s0  }
0x8a: {  	s2 =	ssub.s32 @!p1 s2, s3  }
0x8b: {  	s2 =	sadd.s32 @!p1 $0xFFFFF0F0, s2;
	s0 =	ssub.s32 @!p1 s21, s0  }
0x8c: {  	s3 =	sshll.u32 @!p1 s2, $0x2;
	p2 =	sgt.s32 @!p1 s2, $0xEF;
	s0 =	smul.u32 @!p1 $0x3C0, s0  }
0x8d: {  	s4 =	sand.u32 @!p1 $0x7, s19;
	s2 =	ssub.s32 @!p1 $0x3C0, s3;
	p2 =	por !p2, p1  }
0x8e: {  	s3 =	sshrl.u32 @!p1 s19, $0x3;
	s2 =	sshrl.u32 @!p1 s2, $0x2;
	s0 =	sshrl.u32 @!p1 s0, $0x2  }
0x8f: {  	s3 =	sadd.s32 @!p1 s3, s14;
	s2 =	simm.s32 @!p2 $0x0;
	s0 =	sadd.s32 @!p1 $0x10248, s0  }
0x90: {  	[tilespmem:s0], [sflag:$0xA] =	stream.linear.gather @!p1 [hbm4b:s3+s4], s2, $0x38;
	[tilespmem:$0x1F6F8] =	vst v63  }
0x91: {  	s0 =	sadd.s32 $0xFFFFFFFF, s21  }
0x92: {  	p1 =	sge.u32 s0, s13  }
0x93: {  	p2 =	sgt.s32 @!p1 s20, $0xF10  }
0x94: {  	s2 =	smov.u32 s20;
	s3 =	sshra.s32 @!p1 s20, $0x1F;
	p2 =	por !p2, p1  }
0x95: {  	s3 =	sand.u32 @!p1 s3, s20;
	s2 =	simm.s32 @p2 $0xF10  }
0x96: {  	s2 =	ssub.s32 @!p1 s2, s3  }
0x97: {  	s2 =	sadd.s32 @!p1 $0xFFFFF0F0, s2  }
0x98: {  	s4 =	sand.u32 @!p1 $0x1, s0;
	s3 =	sshll.u32 @!p1 s2, $0x2  }
0x99: {  	p2 =	sgt.s32 @!p1 s2, $0xEF;
	s2 =	ssub.s32 @!p1 $0x3C0, s3;
	s3 =	smulhi.u32 @!p1 $0xAAAAAAAB, s0  }
0x9a: {  	s23 =	smul.u32 @!p1 $0x3C0, s4;
	p2 =	por !p2, p1;
	s2 =	sshrl.u32 @!p1 s2, $0x2  }
0x9b: {  	s5 =	simm.s32 @!p1 $0xA;
	s2 =	simm.s32 @!p2 $0x0;
	s3 =	sshrl.u32 @!p1 s3, $0x1  }
0x9c: {  	s23 =	sshrl.u32 @!p1 s23, $0x2;
	_ =	swait.ge @!p1 [sflag:s5], s2;
	s3 =	smul.u32 @!p1 $0x3, s3  }
0x9d: {  	s23 =	sadd.s32 @!p1 $0x10518, s23;
	s24 =	ssub.s32 @!p1 $0x0, s2;
	[sflag:s5] =	ssyncset.done @!p1 $0x0  }
0x9e: {  	[sflag:s5] =	ssyncadd.s32 @!p1 s24;
	s5 =	sshrl.u32 @!p1 s20, $0x3;
	s0 =	ssub.s32 @!p1 s0, s3  }
0x9f: {  	s24 =	sand.u32 @!p1 $0x7, s20;
	s5 =	sadd.s32 @!p1 s5, s15;
	s0 =	smul.u32 @!p1 $0x3C0, s0  }
0xa0: {  	[tilespmem:s23], [sflag:$0xB] =	stream.linear.gather @!p1 [hbm4b:s5+s24], s2, $0x38;
	[tilespmem:$0x1F6F8] =	vst v63  }
0xa1: {  	s3 =	ssub.s32 @!p1 $0x1000, s20;
	s2 =	smul.u32 @!p1 $0x1E000, s4  }
0xa2: {  	p2 =	slt.s32 @!p1 s3, $0xF0  }
0xa3: {  	p2 =	por !p2, p1;
	s0 =	sshrl.u32 @!p1 s0, $0x2;
	s2 =	sshrl.u32 @!p1 s2, $0x2  }
0xa4: {  	s3 =	simm.s32 @p2 $0xF0;
	s0 =	sadd.s32 @!p1 $0x10248, s0;
	s2 =	sor.u32 @!p1 $0x106F8, s2  }
0xa5: {  	[tilespmem:s2], [sflag:$0x9] =	stream.indirect.gather @!p1 [hbm4b:s6+s3], $0x80, s0, s3, $0xb8;
	[tilespmem:$0x1F6F8] =	vst v63  }
0xa6: {  	p1 =	slt.u32 s21, $0x2  }
.Ltmp8:
0xa7: {  	_ = 	snop;
	(pc) =	sbr.rel @p1 .LBB3_21-.Ltmp8, $1  }
0xa8: {  	_ =	sdelay $0x3  }
0xa9: {  	p1 =	sgt.s32 s22, $0xF10  }
0xaa: {  	s0 =	smov.u32 s22;
	s2 =	sshra.s32 s22, $0x1F;
	s3 =	ssub.s32 $0x1000, s22  }
0xab: {  	s0 =	simm.s32 @!p1 $0xF10;
	s2 =	sand.u32 s2, s22;
	p1 =	slt.s32 s3, $0xF0  }
0xac: {  	s0 =	ssub.s32 s0, s2;
	s3 =	simm.s32 @!p1 $0xF0  }
0xad: {  	s0 =	sadd.s32 $0xFFFFF0F0, s0;
	s25 =	sshll.u32 s3, $0x7  }
0xae: {  	s26 =	sshll.u32 s0, $0x2;
	s2 =	sand.u32 $0x3FFFFF80, s25  }
0xaf: {  	p1 =	sgt.s32 s0, $0xEF;
	s29 =	ssub.s32 $0x3C0, s26;
	_ =	swait.ge [sflag:s10], s2  }
0xb0: {  	s2 =	ssub.s32 $0x0, s2;
	[sflag:s10] =	ssyncset.done $0x0;
	s0 =	sshrl.u32 s29, $0x2  }
0xb1: {  	[sflag:s10] =	ssyncadd.s32 s2;
	s0 =	simm.s32 @p1 $0x0  }
0xb2: {  	_ =	swait.ge [sflag:s11], s0  }
0xb3: {  	s0 =	ssub.s32 $0x0, s0;
	[sflag:s11] =	ssyncset.done $0x0  }
0xb4: {  	[sflag:s11] =	ssyncadd.s32 s0  }
0xb5: {  	v1 =	vld [tilespmem:$0xF208];
	_ =	sdelay $0x4  }
0xb6: {  	(v2sf) =	vpush v1, $0x0  }
0xb7: {  	(v2sf) =	vpush v1, $0x1  }
0xb8: {  	(v2sf) =	vpush v1, $0x2;
	_ =	sdelay $0x3  }
0xb9: {  	s0 =	sadd.s32 $0xF0, s22  }
0xba: {  	s2 =	ssub.s32 $0x2000, s22;
	p1 =	slt.s32 s8, s0  }
0xbb: {  	s0 =	smov.u32 @p1 s8;
	p1 =	sgt.s32 s2, $0x0  }
0xbc: {  	s23 =	ssub.s32 s0, s22;
	s2 =	simm.s32 @!p1 $0x0  }
0xbd: {  	p1 =	slt.s32 s2, s23  }
0xbe: {  	s23 =	smov.u32 @p1 s2  }
0xbf: {  	s26 =	simm.s32 $0x1;
	p1 =	slt.s32 s23, $0x1  }
.Ltmp9:
0xc0: {  	s26 =	simm.s32 @!p0 $0x0;
	(pc) =	sbr.rel @p1 .LBB3_8-.Ltmp9, $4  }
0xc1: {  	s31 =	smul.u32 $0x3C0, s26  }
0xc2: {  	s28 =	spop (v2sf)  }
0xc3: {  	s0 =	sshrl.u32 s31, $0x2;
	s30 =	spop (v2sf)  }
0xc4: {  	s24 =	sadd.s32 $0x10518, s0;
	s22 =	spop (v2sf)  }
0xc5: {  	s0 =	smin.u32 s23, $0x10  }
0xc6: {  	v1 =	vmov s0  }
0xc7: {  	p2 =	sgt.s32 s23, $0x10;
	vm1 =	vgt.u32 v1, v0  }
.Ltmp10:
0xc8: {  	_ = 	snop;
	(pc) =	sbr.rel @!p2 .LBB3_7-.Ltmp10, $2  }
0xc9: {  	_ =	sdelay $0x2  }
0xca: {  	s4 =	simm.s32 $0x10;
	s25 =	sadd.s32 $0xFFFFFFF0, s23;
	s0 =	smov.u32 s24;
	vm0 =	vmmov vm1  }
.LBB3_6:
0xcb: {  	s2 =	smin.u32 s25, $0x10;
	s4 =	sadd.s32 $0x10, s4;
	v1 =	vld.msk [tilespmem:s0+$0x0 ss:$0x1], vm1  }
0xcc: {  	v2 =	vmov s2;
	p2 =	slt.s32 s4, s23  }
0xcd: {  	vm1 =	vgt.u32 v2, v0  }
.Ltmp11:
0xce: {  	(pc) =	sbr.rel @p2 .LBB3_6-.Ltmp11, $3  }
0xcf: {  	_ =	sdelay $0x1  }
0xd0: {  	v1 =	vshll.u32 v1, $0x4  }
0xd1: {  	s25 =	sadd.s32 $0xFFFFFFF0, s25;
	[tilespmem:s0+$0x0] =	vst.msk vm0, v1;
	s0 =	sadd.s32 $0x10, s0;
	vm0 =	vmmov vm1  }
.LBB3_7:
0xd2: {  	_ =	sdelay $0x4  }
0xd3: {  	v1 =	vld.msk [tilespmem:s0+$0x0 ss:$0x1], vm1;
	_ =	sdelay $0x4  }
0xd4: {  	v1 =	vshll.u32 v1, $0x4  }
0xd5: {  	[tilespmem:s0+$0x0] =	vst.msk vm0, v1  }
.LBB3_8:
0xd6: {  	s0 =	sand.u32 $0x1, s21  }
0xd7: {  	s0 =	smul.u32 $0xF0, s0  }
0xd8: {  	p2 =	sne.s32 s30, $0xFFFFFFFF  }
0xd9: {  	v1 =	vld.msk @!p2 [tilespmem:s0+$0x10518], $0x1;
	_ =	sdelay $0x4  }
0xda: {  	(v2sf) =	vpush @!p2 v1, $0x0;
	_ =	sdelay $0xc  }
.Ltmp12:
0xdb: {  	_ = 	snop;
	(pc) =	sbr.rel @p1 .LBB3_19-.Ltmp12, $4  }
0xdc: {  	_ = 	snop  }
0xdd: {  	s29 =	spop @!p2 (v2sf)  }
0xde: {  	s22 =	simm.s32 @!p2 $0x0;
	s25 =	smov.u32 s29  }
0xdf: {  	[sflag:s18] =	ssyncpa.u1 $0x0;
	s29 =	smov.u32 @p2 s28;
	s25 =	smov.u32 @p2 s30  }
0xe0: {  	v1 =	vld.msk [tilespmem:s24+$0x0], $0x1;
	_ =	sdelay $0x4  }
0xe1: {  	(v2sf) =	vpush v1, $0x0;
	_ =	sdelay $0xe  }
0xe2: {  	s2 =	smul.u32 $0x1E000, s26;
	s0 =	spop (v2sf)  }
0xe3: {  	p1 =	seq.s32 s29, s0  }
0xe4: {  	s30 =	sadd.s32 $0xFFFFFFFF, s23;
	s2 =	sshrl.u32 s2, $0x2;
	p2 =	sgt.s32 @!p1 s29, $0x0  }
0xe5: {  	s26 =	sor.u32 $0x10738, s2;
	s2 =	smov.u32 s29;
	p2 =	por !p2, p1  }
0xe6: {  	s2 =	simm.s32 @p2 $0x0;
	p2 =	sne.s32 s30, $0x0  }
.Ltmp13:
0xe7: {  	_ = 	snop;
	(pc) =	sbr.rel @!p2 .LBB3_11-.Ltmp13, $4  }
0xe8: {  	_ = 	snop  }
0xe9: {  	s28 =	simm.s32 $0x0;
	s31 =	sadd.s32 $0x1, s24;
	s2 =	smin.u32 @!p1 s2, $0xFFF0  }
0xea: {  	s4 =	simm.s32 @!p1 $0x1;
	s5 =	simm.s32 @!p1 $0x7988;
	s3 =	sand.u32 @!p1 $0xFFF8, s2  }
0xeb: {  	s4 =	smov.u32 @p1 s28;
	s2 =	sand.u32 @!p1 $0x7, s2;
	s3 =	sadd.s32 @!p1 s1, s3  }
.LBB3_10:
0xec: {  	s9 =	smov.u32 s4  }
0xed: {  	[tilespmem:s5], [sflag:$0x2] =	stream.linear.gather @!p1 [hbm4b:s3+s2], $0x80, $0x38;
	[tilespmem:$0x1F6F8] =	vst v63  }
0xee: {  	s30 =	sadd.s32 $0xFFFFFFFF, s30;
	s2 =	smov.u32 s0;
	v1 =	vld.msk [tilespmem:s31+$0x0], $0x1  }
0xef: {  	p2 =	sne.s32 s30, $0x0;
	_ =	sdelay $0x3  }
0xf0: {  	(v2sf) =	vpush v1, $0x0;
	_ =	sdelay $0xe  }
0xf1: {  	s0 =	spop (v2sf)  }
0xf2: {  	p1 =	seq.s32 s2, s0  }
0xf3: {  	p3 =	sgt.s32 @!p1 s2, $0x0;
	s3 =	sshll.u32 @!p1 s4, $0x9;
	s4 =	sadd.s32 @!p1 $0x1, s4  }
.Ltmp14:
0xf4: {  	p3 =	por !p3, p1;
	s3 =	sshra.s32 @!p1 s3, $0x2;
	(pc) =	sbr.rel @p2 .LBB3_10-.Ltmp14, $4  }
0xf5: {  	s4 =	smov.u32 @p1 s9;
	s2 =	simm.s32 @p3 $0x0;
	s5 =	sadd.s32 @!p1 $0x7988, s3  }
0xf6: {  	s2 =	smin.u32 @!p1 s2, $0xFFF0  }
0xf7: {  	s3 =	sand.u32 @!p1 $0xFFF8, s2;
	s2 =	sand.u32 @!p1 $0x7, s2  }
0xf8: {  	s31 =	sadd.s32 $0x1, s31;
	s3 =	sadd.s32 @!p1 s1, s3  }
.LBB3_11:
0xf9: {  	[tilespmem:s5], [sflag:$0x2] =	stream.linear.gather @!p1 [hbm4b:s3+s2], $0x80, $0x38;
	[tilespmem:$0x1F6F8] =	vst v63  }
.Ltmp15:
0xfa: {  	s0 =	sshll.u32 s4, $0x7;
	(pc) =	sbr.rel .LBB3_12-.Ltmp15, $4  }
0xfb: {  	s30 =	simm.s32 $0x2;
	s0 =	sand.u32 $0x3FFFFF80, s0  }
0xfc: {  	_ =	swait.ge [sflag:s30], s0  }
0xfd: {  	s0 =	ssub.s32 $0x0, s0;
	[sflag:s30] =	ssyncset.done $0x0  }
0xfe: {  	s31 =	simm.s32 $0x0;
	[sflag:s30] =	ssyncadd.s32 s0  }
.LBB3_13:
0xff: {  	v1 =	vld [tilespmem:s26+$0xFFFFFFC0];
	_ =	sdelay $0x3  }
0x100: {  	s0 =	sshra.s32 s0, $0x2  }
0x101: {  	[tilespmem:s0+$0x108] =	vst.add.f32.msk $0xffff, v1  }
0x102: {  	v1 =	vld [tilespmem:s26+$0xFFFFFFD0];
	_ =	sdelay $0x4  }
0x103: {  	[tilespmem:s0+$0x118] =	vst.add.f32.msk $0xffff, v1  }
0x104: {  	v1 =	vld [tilespmem:s26+$0xFFFFFFE0];
	_ =	sdelay $0x4  }
0x105: {  	[tilespmem:s0+$0x128] =	vst.add.f32.msk $0xffff, v1  }
0x106: {  	v1 =	vld [tilespmem:s26+$0xFFFFFFF0];
	_ =	sdelay $0x4  }
0x107: {  	[tilespmem:s0+$0x138] =	vst.add.f32.msk $0xffff, v1  }
0x108: {  	v1 =	vld [tilespmem:s26+$0x0];
	_ =	sdelay $0x4  }
0x109: {  	[tilespmem:s0+$0x148] =	vst.add.f32.msk $0xffff, v1  }
0x10a: {  	v1 =	vld [tilespmem:s26+$0x10];
	_ =	sdelay $0x4  }
0x10b: {  	[tilespmem:s0+$0x158] =	vst.add.f32.msk $0xffff, v1  }
0x10c: {  	v1 =	vld [tilespmem:s26+$0x20];
	_ =	sdelay $0x4  }
0x10d: {  	[tilespmem:s0+$0x168] =	vst.add.f32.msk $0xffff, v1  }
0x10e: {  	v1 =	vld [tilespmem:s26+$0x30];
	_ =	sdelay $0x4  }
0x10f: {  	[tilespmem:s0+$0x178] =	vst.add.f32.msk $0xffff, v1  }
.LBB3_17:
0x110: {  	s23 =	sadd.s32 $0xFFFFFFFF, s23  }
0x111: {  	p1 =	sne.s32 s23, $0x0  }
.Ltmp16:
0x112: {  	_ = 	snop;
	(pc) =	sbr.rel @!p1 .LBB3_18-.Ltmp16, $2  }
0x113: {  	_ =	sdelay $0x2  }
0x114: {  	s24 =	sadd.s32 $0x1, s24;
	s26 =	sadd.s32 $0x80, s26;
	s29 =	smov.u32 s30  }
.LBB3_12:
0x115: {  	v1 =	vld.msk [tilespmem:s24+$0x0], $0x1;
	_ =	sdelay $0x4  }
0x116: {  	(v2sf) =	vpush v1, $0x0;
	_ =	sdelay $0xe  }
0x117: {  	s30 =	spop (v2sf)  }
0x118: {  	p1 =	sne.s32 s29, s30  }
.Ltmp17:
0x119: {  	_ = 	snop;
	(pc) =	sbr.rel @!p1 .LBB3_13-.Ltmp17, $2  }
0x11a: {  	_ =	sdelay $0x2  }
0x11b: {  	s0 =	sshll.u32 s22, $0x9  }
0x11c: {  	p1 =	seq.s32 s29, s25  }
.Ltmp18:
0x11d: {  	_ = 	snop;
	(pc) =	sbr.rel @!p1 .LBB3_15-.Ltmp18, $1  }
0x11e: {  	_ =	sdelay $0x3  }
0x11f: {  	s0 =	sshra.s32 s0, $0x2  }
.Ltmp19:
0x120: {  	s0 =	sadd.s32 $0x108, s0;
	(pc) =	sbr.rel .LBB3_16-.Ltmp19, $4  }
0x121: {  	[spmem:s16] =	stream.linear.scatter [tilespmem:s0], [sflag:$0x1], $0x80, $0x38;
	[tilespmem:$0x1F6F8] =	vst v63  }
0x122: {  	_ =	swait.ge [sflag:s12], $0x80  }
0x123: {  	[sflag:s12] =	ssyncset.done $0x0  }
0x124: {  	[sflag:s12] =	ssyncadd.s32 $0xFFFFFF80  }
.LBB3_15:
0x125: {  	s2 =	sshll.u32 s28, $0x9  }
0x126: {  	s2 =	sshra.s32 s2, $0x2  }
0x127: {  	v1 =	vld [tilespmem:s2+$0x7988];
	_ =	sdelay $0x3  }
0x128: {  	s0 =	sshra.s32 s0, $0x2  }
0x129: {  	[tilespmem:s0+$0x108] =	vst.add.f32.msk $0xffff, v1  }
0x12a: {  	v1 =	vld [tilespmem:s2+$0x7998];
	_ =	sdelay $0x4  }
0x12b: {  	[tilespmem:s0+$0x118] =	vst.add.f32.msk $0xffff, v1  }
0x12c: {  	v1 =	vld [tilespmem:s2+$0x79A8];
	_ =	sdelay $0x4  }
0x12d: {  	[tilespmem:s0+$0x128] =	vst.add.f32.msk $0xffff, v1  }
0x12e: {  	v1 =	vld [tilespmem:s2+$0x79B8];
	_ =	sdelay $0x4  }
0x12f: {  	[tilespmem:s0+$0x138] =	vst.add.f32.msk $0xffff, v1  }
0x130: {  	v1 =	vld [tilespmem:s2+$0x79C8];
	_ =	sdelay $0x4  }
0x131: {  	[tilespmem:s0+$0x148] =	vst.add.f32.msk $0xffff, v1  }
0x132: {  	v1 =	vld [tilespmem:s2+$0x79D8];
	_ =	sdelay $0x4  }
0x133: {  	[tilespmem:s0+$0x158] =	vst.add.f32.msk $0xffff, v1  }
0x134: {  	v1 =	vld [tilespmem:s2+$0x79E8];
	_ =	sdelay $0x4  }
0x135: {  	[tilespmem:s0+$0x168] =	vst.add.f32.msk $0xffff, v1  }
0x136: {  	v1 =	vld [tilespmem:s2+$0x79F8];
	_ =	sdelay $0x2  }
0x137: {  	p1 =	sgt.u32 s29, $0xFFF0  }
0x138: {  	s2 =	sand.u32 @!p1 $0xFFF8, s29  }
0x139: {  	s3 =	sadd.s32 $0x108, s0;
	[tilespmem:s0+$0x178] =	vst.add.f32.msk $0xffff, v1;
	s0 =	sadd.s32 @!p1 s1, s2;
	s2 =	sand.u32 @!p1 $0x7, s29  }
0x13a: {  	[hbm4b:s0+s2] =	stream.linear.scatter @!p1 [tilespmem:s3], [sflag:$0xC], $0x80, $0x38;
	[tilespmem:$0x1F6F8] =	vst v63  }
0x13b: {  	s0 =	simm.s32 $0x0  }
0x13c: {  	s0 =	simm.s32 @!p1 $0x200  }
0x13d: {  	s31 =	sadd.s32 s0, s31  }
.LBB3_16:
0x13e: {  	s0 =	sadd.s32 $0x1, s22  }
0x13f: {  	s2 =	smulhi.u32 $0x88888889, s0;
	_ =	sdelay $0x1  }
0x140: {  	v1 =	vld [tilespmem:s26+$0xFFFFFFC0];
	s2 =	sshrl.u32 s2, $0x7  }
0x141: {  	s2 =	smul.u32 $0xF0, s2;
	_ =	sdelay $0x1  }
0x142: {  	s22 =	ssub.s32 s0, s2  }
0x143: {  	s0 =	sshll.u32 s22, $0x7  }
0x144: {  	[tilespmem:s0+$0x108] =	vst v1  }
0x145: {  	v1 =	vld [tilespmem:s26+$0xFFFFFFD0];
	_ =	sdelay $0x4  }
0x146: {  	[tilespmem:s0+$0x118] =	vst v1  }
0x147: {  	v1 =	vld [tilespmem:s26+$0xFFFFFFE0];
	_ =	sdelay $0x4  }
0x148: {  	[tilespmem:s0+$0x128] =	vst v1  }
0x149: {  	v1 =	vld [tilespmem:s26+$0xFFFFFFF0];
	_ =	sdelay $0x4  }
0x14a: {  	[tilespmem:s0+$0x138] =	vst v1  }
0x14b: {  	v1 =	vld [tilespmem:s26+$0x0];
	_ =	sdelay $0x4  }
0x14c: {  	[tilespmem:s0+$0x148] =	vst v1  }
0x14d: {  	v1 =	vld [tilespmem:s26+$0x10];
	_ =	sdelay $0x4  }
0x14e: {  	[tilespmem:s0+$0x158] =	vst v1  }
0x14f: {  	v1 =	vld [tilespmem:s26+$0x20];
	_ =	sdelay $0x4  }
0x150: {  	[tilespmem:s0+$0x168] =	vst v1  }
0x151: {  	v1 =	vld [tilespmem:s26+$0x30]  }
.Ltmp20:
0x152: {  	_ = 	snop;
	(pc) =	sbr.rel .LBB3_17-.Ltmp20, $2  }
0x153: {  	_ =	sdelay $0x2  }
0x154: {  	s28 =	sadd.s32 $0x1, s28;
	[tilespmem:s0+$0x178] =	vst v1  }
.LBB3_19:
.Ltmp21:
0x155: {  	(pc) =	sbr.rel .LBB3_20-.Ltmp21, $4  }
0x156: {  	_ = 	snop  }
0x157: {  	s0 =	simm.s32 $0x2  }
0x158: {  	_ =	swait.ge [sflag:s0], $0x0  }
0x159: {  	s30 =	smov.u32 s29;
	[sflag:s0] =	ssyncset.done $0x0;
	s0 =	simm.s32 $0x0  }
.LBB3_22:
0x15a: {  	_ =	sfence.sel $0x180000  }
0x15b: {  	s0 =	simm.s32 $0x9;
	[bflag:$0x0] =	sbarrier.arrive $0xFFFF  }
0x15c: {  	s24 =	simm.s32 $0xA;
	[sflag:s0] =	ssyncpa.u1 $0x1  }
0x15d: {  	s25 =	simm.s32 $0xB;
	[sflag:s24] =	ssyncpa.u1 $0x1  }
0x15e: {  	s26 =	simm.s32 $0x2;
	[sflag:s25] =	ssyncpa.u1 $0x1  }
0x15f: {  	[sflag:s26] =	ssyncpa.u1 $0x1  }
0x160: {  	v0 =	vld [tilespmem:$0xF208];
	_ =	sdelay $0x4  }
0x161: {  	(v2sf) =	vpush v0, $0x0  }
0x162: {  	(v2sf) =	vpush v0, $0x1;
	_ =	sdelay $0x1  }
0x163: {  	(v2sf) =	vpush v0, $0x2;
	_ =	sdelay $0xb  }
0x164: {  	s0 =	spop (v2sf)  }
0x165: {  	s2 =	spop (v2sf)  }
0x166: {  	s3 =	smov.u32 s0;
	p0 =	sne.s32 s0, s2  }
0x167: {  	s4 =	spop (v2sf);
	s3 =	simm.s32 @!p0 $0xFFFFFFFF  }
0x168: {  	v2 =	vimm.s32 $0x1;
	v3 =	vlaneseq.u32;
	p0 =	seq.s32 s4, $0xFFFFFFFF;
	v1 =	vmov s3  }
0x169: {  	s16 =	stileid.u32;
	v0 =	vperm.xlane v0, v2;
	p1 =	sne.s32 @!p0 s0, s2;
	v1 =	vperm.xlane v1, v3  }
0x16a: {  	vm0 =	vcmask $0x3F04;
	s6 =	simm.s32 $0xF208;
	s0 =	simm.s32 @!p0 $0x1;
	p1 =	por !p1, p0  }
0x16b: {  	s3 =	sshll.u32 s16, $0x1;
	s2 =	sshll.u32 @!p0 s4, $0x9;
	s0 =	simm.s32 @p1 $0x0;
	v0 =	vsel vm0, v1, v0  }
0x16c: {  	s5 =	sor.u32 $0x1000, s3;
	s2 =	sshra.s32 @!p0 s2, $0x2;
	s0 =	sor.u32 @!p0 s0, s3;
	[tilespmem:$0xF208] =	vst v0  }
0x16d: {  	[spmem:s5] =	stream.linear.scatter [tilespmem:s6], [sflag:$0x1], $0x2, $0x38;
	[tilespmem:$0x1F6F8] =	vst v63  }
0x16e: {  	s2 =	sadd.s32 @!p0 $0x108, s2;
	s0 =	sshll.u32 @!p0 s0, $0x7  }
0x16f: {  	[spmem:s0] =	stream.linear.scatter @!p0 [tilespmem:s2], [sflag:$0x1], $0x80, $0x38;
	[tilespmem:$0x1F6F8] =	vst v63  }
0x170: {  	s0 =	simm.s32 @!p0 $0x82  }
0x171: {  	s28 =	simm.s32 $0x1;
	s0 =	simm.s32 @p0 $0x2  }
0x172: {  	_ =	swait.ge [sflag:s28], s0  }
0x173: {  	s0 =	ssub.s32 $0x0, s0;
	[sflag:s28] =	ssyncset.done $0x0  }
0x174: {  	p0 =	sne.s32 s16, $0x0;
	[sflag:s28] =	ssyncadd.s32 s0  }
.Ltmp22:
0x175: {  	_ =	sfence.stream.spmem;
	(pc) =	sbr.rel @p0 .LBB3_39-.Ltmp22, $4  }
0x176: {  	s29 =	simm.s32 $0x3;
	[bflag:$0x0] =	sbarrier.arrive $0xFFFF  }
0x177: {  	s30 =	simm.s32 $0x4;
	[sflag:s29] =	ssyncpa.u1 $0x1  }
0x178: {  	s31 =	simm.s32 $0x3C;
	[sflag:s30] =	ssyncpa.u1 $0x1  }
0x179: {  	s15 =	rddreg [dreg:$0x4];
	[sflag:s31] =	ssyncpa.u1 $0x1  }
0x17a: {  	_ =	sfence.stream.spmem;
	s0 =	simm.s32 $0x5  }
0x17b: {  	s2 =	simm.s32 $0x1000;
	s3 =	simm.s32 $0xF218;
	[sflag:s0] =	ssyncpa.u1 $0x0  }
0x17c: {  	[tilespmem:s3], [sflag:$0x5] =	stream.linear.gather [spmem:s2], $0x20, $0x38;
	[tilespmem:$0x1F6F8] =	vst v63  }
0x17d: {  	s26 =	simm.s32 $0x0;
	s28 =	simm.s32 $0xF238  }
0x17e: {  	[tilespmem:s28], [sflag:$0x5] =	stream.linear.gather [spmem:s26], $0x1000, $0x38;
	[tilespmem:$0x1F6F8] =	vst v63  }
0x17f: {  	_ =	swait.ge [sflag:s0], $0x1020  }
0x180: {  	[sflag:s0] =	ssyncset.done $0x0  }
0x181: {  	s29 =	simm.s32 $0x0;
	[sflag:s0] =	ssyncadd.s32 $0xFFFFEFE0  }
0x182: {  	v0 =	vld.msk [tilespmem:s29+$0xF218], $0x1;
	_ =	sdelay $0x1  }
0x183: {  	s30 =	simm.s32 $0x1  }
0x184: {  	v1 =	vld.msk [tilespmem:s30+$0xF218], $0x1;
	_ =	sdelay $0x1  }
0x185: {  	(v2sf) =	vpush v0, $0x0;
	_ =	sdelay $0x2  }
0x186: {  	(v2sf) =	vpush v1, $0x0;
	_ =	sdelay $0x2  }
0x187: {  	s31 =	simm.s32 $0x2  }
0x188: {  	v0 =	vld.msk [tilespmem:s31+$0xF218], $0x1;
	_ =	sdelay $0x2  }
0x189: {  	s4 =	simm.s32 $0xFFFFFFFF;
	s5 =	simm.s32 $0xFFFFFFFF;
	s0 =	simm.s32 $0xC  }
.LBB3_24:
0x18a: {  	s2 =	smov.u32 s5;
	s3 =	smov.u32 s4  }
0x18b: {  	s4 =	sshra.s32 s0, $0x2;
	p1 =	sne.s32 s0, $0x7C;
	s0 =	sadd.s32 $0x4, s0;
	(v2sf) =	vpush v0, $0x0  }
0x18c: {  	v0 =	vld.msk [tilespmem:s4+$0xF218], $0x1  }
.Ltmp23:
0x18d: {  	(pc) =	sbr.rel @p1 .LBB3_24-.Ltmp23, $4  }
0x18e: {  	s5 =	spop (v2sf)  }
0x18f: {  	p2 =	sne.s32 s3, $0xFFFFFFFF;
	s4 =	smov.u32 s5  }
0x190: {  	p3 =	seq.s32 s5, $0xFFFFFFFF;
	s4 =	smov.u32 @p2 s3  }
0x191: {  	s5 =	smov.u32 @p3 s2;
	s4 =	smov.u32 @p3 s3  }
0x192: {  	(v2sf) =	vpush v0, $0x0;
	_ =	sdelay $0x8  }
0x193: {  	s0 =	spop (v2sf)  }
0x194: {  	p1 =	sne.s32 s4, $0xFFFFFFFF;
	s2 =	smov.u32 s0  }
0x195: {  	s9 =	simm.s32 $0x6;
	p2 =	seq.s32 s0, $0xFFFFFFFF;
	s2 =	smov.u32 @p1 s4  }
0x196: {  	s6 =	simm.s32 $0x0;
	s2 =	smov.u32 @p2 s4;
	s3 =	spop (v2sf)  }
0x197: {  	s0 =	smov.u32 @p2 s5;
	p1 =	sne.s32 s2, $0xFFFFFFFF;
	s4 =	smov.u32 s3  }
.Ltmp24:
0x198: {  	p2 =	seq.s32 s3, $0xFFFFFFFF;
	s4 =	smov.u32 @p1 s2;
	(pc) =	sbr.rel .LBB3_26-.Ltmp24, $4  }
0x199: {  	s10 =	simm.s32 $0xF188;
	s4 =	smov.u32 @p2 s2;
	s7 =	spop (v2sf)  }
0x19a: {  	s11 =	simm.s32 $0x0;
	p1 =	sne.s32 s4, $0xFFFFFFFF;
	s8 =	smov.u32 s7  }
0x19b: {  	s3 =	smov.u32 @p2 s0;
	p2 =	seq.s32 s7, $0xFFFFFFFF;
	s8 =	smov.u32 @p1 s4  }
0x19c: {  	[sflag:s9] =	ssyncpa.u1 $0x0;
	s7 =	smov.u32 @p2 s3;
	s8 =	smov.u32 @p2 s4  }
.LBB3_32:
0x19d: {  	p1 =	sgt.u32 s12, $0xFFF0  }
0x19e: {  	p2 =	seq.s32 @!p1 s12, s8  }
0x19f: {  	p1 =	por p1, p2  }
0x1a0: {  	p2 =	sne.s32 @!p1 s12, s7  }
0x1a1: {  	p1 =	por p1, !p2  }
0x1a2: {  	s0 =	sshll.u32 @p1 s11, $0x9  }
0x1a3: {  	s0 =	sand.u32 @!p1 $0xFFF8, s12  }
0x1a4: {  	s2 =	sand.u32 @!p1 $0x7, s12;
	s0 =	sadd.s32 @!p1 s1, s0  }
0x1a5: {  	[tilespmem:s10], [sflag:$0x6] =	stream.linear.gather @!p1 [hbm4b:s0+s2], $0x80, $0x38;
	[tilespmem:$0x1F6F8] =	vst v63  }
0x1a6: {  	_ =	swait.ge @!p1 [sflag:s9], $0x80  }
0x1a7: {  	[sflag:s9] =	ssyncset.done @!p1 $0x0  }
0x1a8: {  	[sflag:s9] =	ssyncadd.s32 @!p1 $0xFFFFFF80  }
0x1a9: {  	v1 =	vld @!p1 [tilespmem:$0xF188];
	_ =	sdelay $0x2  }
0x1aa: {  	s0 =	sshll.u32 @!p1 s11, $0x9  }
0x1ab: {  	s2 =	sshrl.u32 @!p1 s0, $0x2  }
0x1ac: {  	[tilespmem:s2+$0xF238] =	vst.add.f32.msk @!p1 $0xffff, v1  }
0x1ad: {  	v1 =	vld @!p1 [tilespmem:$0xF198];
	_ =	sdelay $0x4  }
0x1ae: {  	[tilespmem:s2+$0xF248] =	vst.add.f32.msk @!p1 $0xffff, v1  }
0x1af: {  	v1 =	vld @!p1 [tilespmem:$0xF1A8];
	_ =	sdelay $0x4  }
0x1b0: {  	[tilespmem:s2+$0xF258] =	vst.add.f32.msk @!p1 $0xffff, v1  }
0x1b1: {  	v1 =	vld @!p1 [tilespmem:$0xF1B8];
	_ =	sdelay $0x4  }
0x1b2: {  	[tilespmem:s2+$0xF268] =	vst.add.f32.msk @!p1 $0xffff, v1  }
0x1b3: {  	v1 =	vld @!p1 [tilespmem:$0xF1C8];
	_ =	sdelay $0x4  }
0x1b4: {  	[tilespmem:s2+$0xF278] =	vst.add.f32.msk @!p1 $0xffff, v1  }
0x1b5: {  	v1 =	vld @!p1 [tilespmem:$0xF1D8];
	_ =	sdelay $0x4  }
0x1b6: {  	[tilespmem:s2+$0xF288] =	vst.add.f32.msk @!p1 $0xffff, v1  }
0x1b7: {  	v1 =	vld @!p1 [tilespmem:$0xF1E8];
	_ =	sdelay $0x4  }
0x1b8: {  	[tilespmem:s2+$0xF298] =	vst.add.f32.msk @!p1 $0xffff, v1  }
0x1b9: {  	v1 =	vld @!p1 [tilespmem:$0xF1F8];
	_ =	sdelay $0x4  }
0x1ba: {  	[tilespmem:s2+$0xF2A8] =	vst.add.f32.msk @!p1 $0xffff, v1  }
0x1bb: {  	s0 =	sshrl.u32 s0, $0x2;
	[tilespmem:s6+$0xF218] =	vst.msk $0x1, v0  }
0x1bc: {  	v0 =	vld [tilespmem:s0+$0xF238];
	_ =	sdelay $0x2  }
0x1bd: {  	s31 =	sshll.u32 s6, $0x9  }
0x1be: {  	s2 =	sshra.s32 s31, $0x2  }
0x1bf: {  	[tilespmem:s2+$0xF238] =	vst v0  }
0x1c0: {  	v0 =	vld [tilespmem:s0+$0xF248];
	_ =	sdelay $0x4  }
0x1c1: {  	[tilespmem:s2+$0xF248] =	vst v0  }
0x1c2: {  	v0 =	vld [tilespmem:s0+$0xF258];
	_ =	sdelay $0x4  }
0x1c3: {  	[tilespmem:s2+$0xF258] =	vst v0  }
0x1c4: {  	v0 =	vld [tilespmem:s0+$0xF268];
	_ =	sdelay $0x4  }
0x1c5: {  	[tilespmem:s2+$0xF268] =	vst v0  }
0x1c6: {  	v0 =	vld [tilespmem:s0+$0xF278];
	_ =	sdelay $0x4  }
0x1c7: {  	[tilespmem:s2+$0xF278] =	vst v0  }
0x1c8: {  	v0 =	vld [tilespmem:s0+$0xF288];
	_ =	sdelay $0x4  }
0x1c9: {  	[tilespmem:s2+$0xF288] =	vst v0  }
0x1ca: {  	v0 =	vld [tilespmem:s0+$0xF298];
	_ =	sdelay $0x4  }
0x1cb: {  	[tilespmem:s2+$0xF298] =	vst v0  }
0x1cc: {  	v0 =	vld [tilespmem:s0+$0xF2A8];
	_ =	sdelay $0x4  }
0x1cd: {  	s6 =	sadd.s32 $0x1, s6;
	[tilespmem:s2+$0xF2A8] =	vst v0  }
.LBB3_33:
0x1ce: {  	s11 =	sadd.s32 $0x1, s11  }
0x1cf: {  	p1 =	sne.s32 s11, $0x20  }
.Ltmp25:
0x1d0: {  	_ = 	snop;
	(pc) =	sbr.rel @!p1 .LBB3_34-.Ltmp25, $1  }
0x1d1: {  	_ =	sdelay $0x3  }
.LBB3_26:
0x1d2: {  	v0 =	vld.msk [tilespmem:s11+$0xF218], $0x1;
	_ =	sdelay $0x4  }
0x1d3: {  	(v2sf) =	vpush v0, $0x0;
	_ =	sdelay $0xe  }
0x1d4: {  	s12 =	spop (v2sf)  }
0x1d5: {  	p1 =	seq.s32 s12, $0xFFFFFFFF  }
.Ltmp26:
0x1d6: {  	_ = 	snop;
	(pc) =	sbr.rel @p1 .LBB3_33-.Ltmp26, $1  }
0x1d7: {  	_ =	sdelay $0x3  }
0x1d8: {  	p1 =	slt.s32 s6, $0x1  }
.Ltmp27:
0x1d9: {  	_ = 	snop;
	(pc) =	sbr.rel @p1 .LBB3_32-.Ltmp27, $1  }
0x1da: {  	_ =	sdelay $0x3  }
0x1db: {  	s13 =	simm.s32 $0xF218;
	p1 =	por $0x0, $0x0  }
0x1dc: {  	v1 =	vld.msk @!p1 [tilespmem:s13+$0x0], $0x1;
	_ =	sdelay $0x4  }
0x1dd: {  	(v2sf) =	vpush @!p1 v1, $0x0;
	_ =	sdelay $0xd  }
0x1de: {  	p3 =	sne.s32 s6, $0x1  }
.Ltmp28:
0x1df: {  	s0 =	spop @!p1 (v2sf);
	(pc) =	sbr.rel @!p3 .LBB3_30-.Ltmp28, $4  }
0x1e0: {  	p2 =	seq.s32 @!p1 s12, s0  }
0x1e1: {  	s14 =	simm.s32 $0x0;
	p2 =	por !p2, p1  }
0x1e2: {  	s2 =	simm.s32 $0xFFFFFFFF;
	s14 =	simm.s32 @p2 $0xFFFFFFFF  }
0x1e3: {  	s0 =	simm.s32 $0x1;
	s14 =	smov.u32 @p1 s2  }
.LBB3_29:
0x1e4: {  	s2 =	smov.u32 s14;
	p1 =	sne.s32 s14, $0xFFFFFFFF  }
0x1e5: {  	s13 =	sadd.s32 $0x1, s13;
	s14 =	smov.u32 s0;
	s0 =	sadd.s32 $0x1, s0  }
0x1e6: {  	p2 =	sne.s32 s6, s0;
	v1 =	vld.msk @!p1 [tilespmem:s13+$0x0], $0x1;
	_ =	sdelay $0x4  }
0x1e7: {  	(v2sf) =	vpush @!p1 v1, $0x0;
	_ =	sdelay $0xe  }
.Ltmp29:
0x1e8: {  	s3 =	spop @!p1 (v2sf);
	(pc) =	sbr.rel @p2 .LBB3_29-.Ltmp29, $4  }
0x1e9: {  	p3 =	seq.s32 @!p1 s12, s3  }
0x1ea: {  	p3 =	por !p3, p1  }
0x1eb: {  	s14 =	simm.s32 @p3 $0xFFFFFFFF  }
0x1ec: {  	s14 =	smov.u32 @p1 s2  }
.LBB3_30:
0x1ed: {  	p1 =	seq.s32 s14, $0xFFFFFFFF  }
.Ltmp30:
0x1ee: {  	_ = 	snop;
	(pc) =	sbr.rel @p1 .LBB3_32-.Ltmp30, $1  }
0x1ef: {  	_ =	sdelay $0x3  }
0x1f0: {  	s0 =	sshll.u32 s11, $0x7  }
0x1f1: {  	s0 =	sand.u32 $0x3FFFFF80, s0  }
0x1f2: {  	v0 =	vld [tilespmem:s0+$0xF238];
	_ =	sdelay $0x2  }
0x1f3: {  	s2 =	sshll.u32 s14, $0x9  }
0x1f4: {  	s2 =	sshra.s32 s2, $0x2  }
0x1f5: {  	[tilespmem:s2+$0xF238] =	vst.add.f32.msk $0xffff, v0  }
0x1f6: {  	v0 =	vld [tilespmem:s0+$0xF248];
	_ =	sdelay $0x4  }
0x1f7: {  	[tilespmem:s2+$0xF248] =	vst.add.f32.msk $0xffff, v0  }
0x1f8: {  	v0 =	vld [tilespmem:s0+$0xF258];
	_ =	sdelay $0x4  }
0x1f9: {  	[tilespmem:s2+$0xF258] =	vst.add.f32.msk $0xffff, v0  }
0x1fa: {  	v0 =	vld [tilespmem:s0+$0xF268];
	_ =	sdelay $0x4  }
0x1fb: {  	[tilespmem:s2+$0xF268] =	vst.add.f32.msk $0xffff, v0  }
0x1fc: {  	v0 =	vld [tilespmem:s0+$0xF278];
	_ =	sdelay $0x4  }
0x1fd: {  	[tilespmem:s2+$0xF278] =	vst.add.f32.msk $0xffff, v0  }
0x1fe: {  	v0 =	vld [tilespmem:s0+$0xF288];
	_ =	sdelay $0x4  }
0x1ff: {  	[tilespmem:s2+$0xF288] =	vst.add.f32.msk $0xffff, v0  }
0x200: {  	v0 =	vld [tilespmem:s0+$0xF298];
	_ =	sdelay $0x4  }
0x201: {  	[tilespmem:s2+$0xF298] =	vst.add.f32.msk $0xffff, v0  }
0x202: {  	v0 =	vld [tilespmem:s0+$0xF2A8]  }
.Ltmp31:
0x203: {  	_ = 	snop;
	(pc) =	sbr.rel .LBB3_33-.Ltmp31, $2  }
0x204: {  	_ =	sdelay $0x2  }
0x205: {  	[tilespmem:s2+$0xF2A8] =	vst.add.f32.msk $0xffff, v0  }
.LBB3_34:
0x206: {  	s0 =	simm.s32 $0x6;
	p1 =	seq.s32 s6, $0x0  }
0x207: {  	[sflag:s0] =	ssyncpa.u1 $0x1;
	v0 =	vimm.s32 @p1 $0xFFFFFFFF  }
0x208: {  	s9 =	sadd.s32 $0xFFFFFFFF, s6;
	[tilespmem:$0x10238] =	vst @p1 v0  }
0x209: {  	v0 =	vld.msk @!p1 [tilespmem:s9+$0xF218], $0x1;
	_ =	sdelay $0x1  }
0x20a: {  	v1 =	vld.msk @!p1 [tilespmem:$0xF218], $0x1;
	_ =	sdelay $0x2  }
0x20b: {  	p2 =	seq.s32 @!p1 s9, $0x0;
	v0 =	vbroadcast @!p1 v0, $0x0  }
0x20c: {  	vm0 =	vmmov @!p1 $0x1;
	p2 =	por !p2, p1  }
0x20d: {  	v1 =	vnsel @!p1 vm0, $0xFFFFFFFF, v1;
	vm0 =	vcmask @!p1 $0x308;
	v0 =	vpsel !p2, $0xFFFFFFFF, v0  }
0x20e: {  	p2 =	sne.s32 @!p1 s8, s7;
	v0 =	vsel @!p1 vm0, v1, v0  }
0x20f: {  	s0 =	simm.s32 @!p1 $0xF238;
	s2 =	simm.s32 @!p1 $0x0;
	p3 =	por !p2, p1;
	[tilespmem:$0x10238] =	vst @!p1 v0  }
0x210: {  	[spmem:s2] =	stream.linear.scatter @!p1 [tilespmem:s0], [sflag:$0x1], $0x80, $0x38;
	[tilespmem:$0x1F6F8] =	vst v63  }
0x211: {  	s0 =	sshll.u32 @!p3 s9, $0x9  }
0x212: {  	s0 =	sshra.s32 @!p3 s0, $0x2  }
0x213: {  	s2 =	simm.s32 @!p3 $0x80;
	s0 =	sadd.s32 @!p3 $0xF238, s0  }
0x214: {  	[spmem:s2] =	stream.linear.scatter @!p3 [tilespmem:s0], [sflag:$0x1], $0x80, $0x38;
	[tilespmem:$0x1F6F8] =	vst v63  }
0x215: {  	s0 =	simm.s32 @!p3 $0x1  }
0x216: {  	_ =	swait.ge @!p3 [sflag:s0], $0x100  }
0x217: {  	p1 =	por p2, p1;
	[sflag:s0] =	ssyncset.done @!p3 $0x0  }
0x218: {  	[sflag:s0] =	ssyncadd.s32 @!p3 $0xFFFFFF00;
	s0 =	simm.s32 @!p1 $0x1  }
0x219: {  	_ =	swait.ge @!p1 [sflag:s0], $0x80  }
0x21a: {  	s29 =	simm.s32 $0x10238;
	[sflag:s0] =	ssyncset.done @!p1 $0x0  }
0x21b: {  	s30 =	simm.s32 $0x1000;
	s31 =	simm.s32 $0x1;
	[sflag:s0] =	ssyncadd.s32 @!p1 $0xFFFFFF80  }
0x21c: {  	[spmem:s30] =	stream.linear.scatter [tilespmem:s29], [sflag:$0x1], $0x10, $0x38;
	[tilespmem:$0x1F6F8] =	vst v63  }
0x21d: {  	_ =	swait.ge [sflag:s31], $0x10  }
0x21e: {  	[sflag:s31] =	ssyncset.done $0x0  }
0x21f: {  	p1 =	seq.s32 s15, $0x0;
	s8 =	rddreg [dreg:$0x1];
	[sflag:s31] =	ssyncadd.s32 $0xFFFFFFF0  }
0x220: {  	s2 =	sshll.u32 @p1 s8, $0xE;
	s7 =	rddreg [dreg:$0x2]  }
0x221: {  	s0 =	sadd.s32 @p1 $0x15C3C, s2;
	s2 =	sshll.u32 @p1 s7, $0x11  }
0x222: {  	_ =	sfence.stream.spmem;
	s0 =	sor.u32 @p1 s2, s0  }
0x223: {  	[sflag:s0] =	ssyncadd.remote.s32 @p1 $0x1;
	s0 =	simm.s32 @p1 $0x4  }
0x224: {  	s3 =	simm.s32 @!p1 $0x3C;
	s2 =	sand.u32 $0xFFFFFFFE, s8;
	_ =	swait.ge @p1 [sflag:s0], $0x22  }
0x225: {  	s4 =	simm.s32 @!p1 $0x0;
	s2 =	sadd.s32 @!p1 $0x4, s2;
	[sflag:s0] =	ssyncset.done @p1 $0x0  }
0x226: {  	s5 =	simm.s32 @!p1 $0x100;
	[sflag:s0] =	ssyncadd.s32 @p1 $0xFFFFFFDE;
	s0 =	sshll.u32 @!p1 s2, $0x1A  }
0x227: {  	s2 =	sshll.u32 @!p1 s2, $0xD;
	s0 =	sor.u32 @!p1 s0, s7;
	_ =	swait.eq @!p1 [sflag:s3], $0x1  }
0x228: {  	s2 =	sor.u32 @!p1 $0x1C04, s2;
	s3 =	simm.s32 @!p1 $0x1C03;
	s0 =	sor.u32 @!p1 $0x80004000, s0  }
0x229: {  	[spmem:s5], [sflag:s2] =	dma.general @!p1 [spmem:s4], [sflag:s3], length:$0x20, [dreg:$0x0], stride_count:$0x0, ici_dest:s0, dma_misc:DstOpCode:WRITE  }
0x22a: {  	p2 =	slt.s32 s9, $0x2;
	s4 =	simm.s32 @!p1 $0x200;
	s5 =	simm.s32 @!p1 $0x202  }
0x22b: {  	[spmem:s5], [sflag:s2] =	dma.general @!p1 [spmem:s4], [sflag:s3], length:$0x2, [dreg:$0x0], stride_count:$0x0, ici_dest:s0, dma_misc:DstOpCode:WRITE  }
.Ltmp32:
0x22c: {  	s0 =	simm.s32 @!p1 $0x3;
	(pc) =	sbr.rel @p2 .LBB3_38-.Ltmp32, $4  }
0x22d: {  	s2 =	sshll.u32 @!p1 s8, $0xE;
	_ =	swait.ge @!p1 [sflag:s0], $0x22  }
0x22e: {  	s3 =	sshll.u32 @!p1 s7, $0x11;
	s2 =	sadd.s32 @!p1 $0x11C3C, s2;
	[sflag:s0] =	ssyncset.done @!p1 $0x0  }
0x22f: {  	[sflag:s0] =	ssyncadd.s32 @!p1 $0xFFFFFFDE;
	s0 =	sor.u32 @!p1 s3, s2  }
0x230: {  	[sflag:s0] =	ssyncadd.remote.s32 @!p1 $0xFFFFFFFF;
	s0 =	simm.s32 $0x0  }
0x231: {  	s0 =	simm.s32 $0xF219  }
0x232: {  	v0 =	vld.msk [tilespmem:s0+$0x0], $0x1;
	_ =	sdelay $0x4  }
0x233: {  	(v2sf) =	vpush v0, $0x0;
	_ =	sdelay $0xc  }
0x234: {  	s2 =	sadd.s32 $0xFFFFFFFE, s6  }
0x235: {  	s5 =	sadd.s32 $0xFFFFFFFF, s2  }
0x236: {  	p2 =	sne.s32 s5, $0x0;
	s0 =	spop (v2sf)  }
.Ltmp33:
0x237: {  	p1 =	sgt.u32 s0, $0xFFF0;
	(pc) =	sbr.rel @!p2 .LBB3_37-.Ltmp33, $4  }
0x238: {  	s4 =	simm.s32 $0xF2B8;
	s3 =	sand.u32 @!p1 $0xFFF8, s0  }
0x239: {  	s7 =	simm.s32 $0x0;
	s0 =	sand.u32 @!p1 $0x7, s0;
	s2 =	sadd.s32 @!p1 s1, s3  }
0x23a: {  	[hbm4b:s2+s0] =	stream.linear.scatter @!p1 [tilespmem:s4], [sflag:$0x5], $0x80, $0x38;
	[tilespmem:$0x1F6F8] =	vst v63  }
0x23b: {  	s6 =	simm.s32 $0xF21A;
	s7 =	simm.s32 @!p1 $0x200;
	s0 =	simm.s32 $0x0  }
.LBB3_36:
0x23c: {  	v0 =	vld.msk [tilespmem:s6+$0x0], $0x1;
	s5 =	sadd.s32 $0xFFFFFFFF, s5;
	s0 =	sadd.s32 s0, s7  }
0x23d: {  	p1 =	sne.s32 s5, $0x0;
	_ =	sdelay $0x3  }
0x23e: {  	(v2sf) =	vpush v0, $0x0;
	_ =	sdelay $0xe  }
.Ltmp34:
0x23f: {  	s2 =	spop (v2sf);
	(pc) =	sbr.rel @p1 .LBB3_36-.Ltmp34, $4  }
0x240: {  	s7 =	simm.s32 $0x0;
	p2 =	sgt.u32 s2, $0xFFF0  }
0x241: {  	s4 =	sadd.s32 $0x80, s4;
	s7 =	simm.s32 @!p2 $0x200;
	s3 =	sand.u32 @!p2 $0xFFF8, s2  }
0x242: {  	s6 =	sadd.s32 $0x1, s6;
	s2 =	sand.u32 @!p2 $0x7, s2;
	s3 =	sadd.s32 @!p2 s1, s3  }
0x243: {  	[hbm4b:s3+s2] =	stream.linear.scatter @!p2 [tilespmem:s4], [sflag:$0x5], $0x80, $0x38;
	[tilespmem:$0x1F6F8] =	vst v63  }
.LBB3_37:
0x244: {  	s0 =	sadd.s32 s0, s7  }
0x245: {  	s0 =	sshrl.u32 s0, $0x2  }
.LBB3_38:
0x246: {  	s2 =	simm.s32 $0x5  }
0x247: {  	_ =	swait.ge [sflag:s2], s0  }
0x248: {  	s31 =	ssub.s32 $0x0, s0;
	[sflag:s2] =	ssyncset.done $0x0  }
0x249: {  	[sflag:s2] =	ssyncadd.s32 s31  }
0x24a: {  	[sflag:s2] =	ssyncpa.u1 $0x1  }
.LBB3_39:
0x24b: {  	s0 =	sor.u32 s15, s16  }
0x24c: {  	p1 =	sne.s32 s0, $0x0  }
.Ltmp35:
0x24d: {  	_ = 	snop;
	(pc) =	sbr.rel @p1 .LBB3_54-.Ltmp35, $3  }
0x24e: {  	_ =	sdelay $0x1  }
0x24f: {  	[bflag:$0x0] =	sbarrier.arrive $0xFFFF  }
0x250: {  	_ =	sfence  }
0x251: {  	s0 =	simm.s32 $0x7  }
0x252: {  	s2 =	simm.s32 $0x1000;
	s3 =	simm.s32 $0xF218;
	[sflag:s0] =	ssyncpa.u1 $0x0  }
0x253: {  	[tilespmem:s3], [sflag:$0x7] =	stream.linear.gather [spmem:s2], $0x20, $0x38;
	[tilespmem:$0x1F6F8] =	vst v63  }
0x254: {  	s30 =	simm.s32 $0xF238;
	s2 =	simm.s32 $0x0  }
0x255: {  	[tilespmem:s30], [sflag:$0x7] =	stream.linear.gather [spmem:s2], $0x1000, $0x38;
	[tilespmem:$0x1F6F8] =	vst v63  }
.Ltmp36:
0x256: {  	_ = 	snop;
	(pc) =	sbr.rel .LBB3_41-.Ltmp36, $4  }
0x257: {  	_ =	swait.ge [sflag:s0], $0x1020  }
0x258: {  	[sflag:s0] =	ssyncset.done $0x0  }
0x259: {  	s31 =	simm.s32 $0x8;
	[sflag:s0] =	ssyncadd.s32 $0xFFFFEFE0  }
0x25a: {  	s3 =	simm.s32 $0x0;
	[sflag:s31] =	ssyncpa.u1 $0x0  }
.LBB3_47:
0x25b: {  	p1 =	slt.u32 s4, $0xFFF1  }
0x25c: {  	s0 =	sand.u32 @p1 $0xFFF8, s4  }
0x25d: {  	s4 =	sand.u32 @p1 $0x7, s4;
	s5 =	simm.s32 @p1 $0xF188;
	s0 =	sadd.s32 @p1 s1, s0  }
0x25e: {  	[tilespmem:s5], [sflag:$0x8] =	stream.linear.gather @p1 [hbm4b:s0+s4], $0x80, $0x38;
	[tilespmem:$0x1F6F8] =	vst v63  }
0x25f: {  	s0 =	simm.s32 @p1 $0x8  }
0x260: {  	_ =	swait.ge @p1 [sflag:s0], $0x80  }
0x261: {  	[sflag:s0] =	ssyncset.done @p1 $0x0  }
0x262: {  	[sflag:s0] =	ssyncadd.s32 @p1 $0xFFFFFF80  }
0x263: {  	v1 =	vld @p1 [tilespmem:$0xF188];
	_ =	sdelay $0x2  }
0x264: {  	s0 =	sshll.u32 @p1 s3, $0x9  }
0x265: {  	s4 =	sshrl.u32 @p1 s0, $0x2  }
0x266: {  	[tilespmem:s4+$0xF238] =	vst.add.f32.msk @p1 $0xffff, v1  }
0x267: {  	v1 =	vld @p1 [tilespmem:$0xF198];
	_ =	sdelay $0x4  }
0x268: {  	[tilespmem:s4+$0xF248] =	vst.add.f32.msk @p1 $0xffff, v1  }
0x269: {  	v1 =	vld @p1 [tilespmem:$0xF1A8];
	_ =	sdelay $0x4  }
0x26a: {  	[tilespmem:s4+$0xF258] =	vst.add.f32.msk @p1 $0xffff, v1  }
0x26b: {  	v1 =	vld @p1 [tilespmem:$0xF1B8];
	_ =	sdelay $0x4  }
0x26c: {  	[tilespmem:s4+$0xF268] =	vst.add.f32.msk @p1 $0xffff, v1  }
0x26d: {  	v1 =	vld @p1 [tilespmem:$0xF1C8];
	_ =	sdelay $0x4  }
0x26e: {  	[tilespmem:s4+$0xF278] =	vst.add.f32.msk @p1 $0xffff, v1  }
0x26f: {  	v1 =	vld @p1 [tilespmem:$0xF1D8];
	_ =	sdelay $0x4  }
0x270: {  	[tilespmem:s4+$0xF288] =	vst.add.f32.msk @p1 $0xffff, v1  }
0x271: {  	v1 =	vld @p1 [tilespmem:$0xF1E8];
	_ =	sdelay $0x4  }
0x272: {  	[tilespmem:s4+$0xF298] =	vst.add.f32.msk @p1 $0xffff, v1  }
0x273: {  	v1 =	vld @p1 [tilespmem:$0xF1F8];
	_ =	sdelay $0x3  }
0x274: {  	s5 =	sshll.u32 @!p1 s3, $0x9  }
0x275: {  	s5 =	smov.u32 @p1 s0;
	[tilespmem:s4+$0xF2A8] =	vst.add.f32.msk @p1 $0xffff, v1  }
0x276: {  	s0 =	sshrl.u32 s5, $0x2;
	[tilespmem:s2+$0xF218] =	vst.msk $0x1, v0  }
0x277: {  	v0 =	vld [tilespmem:s0+$0xF238];
	_ =	sdelay $0x2  }
0x278: {  	s31 =	sshll.u32 s2, $0x9  }
0x279: {  	s4 =	sshra.s32 s31, $0x2  }
0x27a: {  	[tilespmem:s4+$0xF238] =	vst v0  }
0x27b: {  	v0 =	vld [tilespmem:s0+$0xF248];
	_ =	sdelay $0x4  }
0x27c: {  	[tilespmem:s4+$0xF248] =	vst v0  }
0x27d: {  	v0 =	vld [tilespmem:s0+$0xF258];
	_ =	sdelay $0x4  }
0x27e: {  	[tilespmem:s4+$0xF258] =	vst v0  }
0x27f: {  	v0 =	vld [tilespmem:s0+$0xF268];
	_ =	sdelay $0x4  }
0x280: {  	[tilespmem:s4+$0xF268] =	vst v0  }
0x281: {  	v0 =	vld [tilespmem:s0+$0xF278];
	_ =	sdelay $0x4  }
0x282: {  	[tilespmem:s4+$0xF278] =	vst v0  }
0x283: {  	v0 =	vld [tilespmem:s0+$0xF288];
	_ =	sdelay $0x4  }
0x284: {  	[tilespmem:s4+$0xF288] =	vst v0  }
0x285: {  	v0 =	vld [tilespmem:s0+$0xF298];
	_ =	sdelay $0x4  }
0x286: {  	[tilespmem:s4+$0xF298] =	vst v0  }
0x287: {  	v0 =	vld [tilespmem:s0+$0xF2A8];
	_ =	sdelay $0x4  }
0x288: {  	s2 =	sadd.s32 $0x1, s2;
	[tilespmem:s4+$0xF2A8] =	vst v0  }
.LBB3_48:
0x289: {  	s3 =	sadd.s32 $0x1, s3  }
0x28a: {  	p1 =	sne.s32 s3, $0x20  }
.Ltmp37:
0x28b: {  	_ = 	snop;
	(pc) =	sbr.rel @!p1 .LBB3_49-.Ltmp37, $1  }
0x28c: {  	_ =	sdelay $0x3  }
.LBB3_41:
0x28d: {  	v0 =	vld.msk [tilespmem:s3+$0xF218], $0x1;
	_ =	sdelay $0x4  }
0x28e: {  	(v2sf) =	vpush v0, $0x0;
	_ =	sdelay $0xe  }
0x28f: {  	s4 =	spop (v2sf)  }
0x290: {  	p1 =	seq.s32 s4, $0xFFFFFFFF  }
.Ltmp38:
0x291: {  	_ = 	snop;
	(pc) =	sbr.rel @p1 .LBB3_48-.Ltmp38, $1  }
0x292: {  	_ =	sdelay $0x3  }
0x293: {  	p1 =	slt.s32 s2, $0x1  }
.Ltmp39:
0x294: {  	_ = 	snop;
	(pc) =	sbr.rel @p1 .LBB3_47-.Ltmp39, $1  }
0x295: {  	_ =	sdelay $0x3  }
0x296: {  	s5 =	simm.s32 $0xF218;
	p1 =	por $0x0, $0x0  }
0x297: {  	v1 =	vld.msk @!p1 [tilespmem:s5+$0x0], $0x1;
	_ =	sdelay $0x4  }
0x298: {  	(v2sf) =	vpush @!p1 v1, $0x0;
	_ =	sdelay $0xd  }
0x299: {  	p3 =	sne.s32 s2, $0x1  }
.Ltmp40:
0x29a: {  	s0 =	spop @!p1 (v2sf);
	(pc) =	sbr.rel @!p3 .LBB3_45-.Ltmp40, $4  }
0x29b: {  	p2 =	seq.s32 @!p1 s4, s0  }
0x29c: {  	s6 =	simm.s32 $0x0;
	p2 =	por !p2, p1  }
0x29d: {  	s7 =	simm.s32 $0xFFFFFFFF;
	s6 =	simm.s32 @p2 $0xFFFFFFFF  }
0x29e: {  	s0 =	simm.s32 $0x1;
	s6 =	smov.u32 @p1 s7  }
.LBB3_44:
0x29f: {  	s7 =	smov.u32 s6;
	p1 =	sne.s32 s6, $0xFFFFFFFF  }
0x2a0: {  	s5 =	sadd.s32 $0x1, s5;
	s6 =	smov.u32 s0;
	s0 =	sadd.s32 $0x1, s0  }
0x2a1: {  	p2 =	sne.s32 s2, s0;
	v1 =	vld.msk @!p1 [tilespmem:s5+$0x0], $0x1;
	_ =	sdelay $0x4  }
0x2a2: {  	(v2sf) =	vpush @!p1 v1, $0x0;
	_ =	sdelay $0xe  }
.Ltmp41:
0x2a3: {  	s8 =	spop @!p1 (v2sf);
	(pc) =	sbr.rel @p2 .LBB3_44-.Ltmp41, $4  }
0x2a4: {  	p3 =	seq.s32 @!p1 s4, s8  }
0x2a5: {  	p3 =	por !p3, p1  }
0x2a6: {  	s6 =	simm.s32 @p3 $0xFFFFFFFF  }
0x2a7: {  	s6 =	smov.u32 @p1 s7  }
.LBB3_45:
0x2a8: {  	p1 =	seq.s32 s6, $0xFFFFFFFF  }
.Ltmp42:
0x2a9: {  	_ = 	snop;
	(pc) =	sbr.rel @p1 .LBB3_47-.Ltmp42, $1  }
0x2aa: {  	_ =	sdelay $0x3  }
0x2ab: {  	s0 =	sshll.u32 s3, $0x7  }
0x2ac: {  	s0 =	sand.u32 $0x3FFFFF80, s0  }
0x2ad: {  	v0 =	vld [tilespmem:s0+$0xF238];
	_ =	sdelay $0x2  }
0x2ae: {  	s4 =	sshll.u32 s6, $0x9  }
0x2af: {  	s4 =	sshra.s32 s4, $0x2  }
0x2b0: {  	[tilespmem:s4+$0xF238] =	vst.add.f32.msk $0xffff, v0  }
0x2b1: {  	v0 =	vld [tilespmem:s0+$0xF248];
	_ =	sdelay $0x4  }
0x2b2: {  	[tilespmem:s4+$0xF248] =	vst.add.f32.msk $0xffff, v0  }
0x2b3: {  	v0 =	vld [tilespmem:s0+$0xF258];
	_ =	sdelay $0x4  }
0x2b4: {  	[tilespmem:s4+$0xF258] =	vst.add.f32.msk $0xffff, v0  }
0x2b5: {  	v0 =	vld [tilespmem:s0+$0xF268];
	_ =	sdelay $0x4  }
0x2b6: {  	[tilespmem:s4+$0xF268] =	vst.add.f32.msk $0xffff, v0  }
0x2b7: {  	v0 =	vld [tilespmem:s0+$0xF278];
	_ =	sdelay $0x4  }
0x2b8: {  	[tilespmem:s4+$0xF278] =	vst.add.f32.msk $0xffff, v0  }
0x2b9: {  	v0 =	vld [tilespmem:s0+$0xF288];
	_ =	sdelay $0x4  }
0x2ba: {  	[tilespmem:s4+$0xF288] =	vst.add.f32.msk $0xffff, v0  }
0x2bb: {  	v0 =	vld [tilespmem:s0+$0xF298];
	_ =	sdelay $0x4  }
0x2bc: {  	[tilespmem:s4+$0xF298] =	vst.add.f32.msk $0xffff, v0  }
0x2bd: {  	v0 =	vld [tilespmem:s0+$0xF2A8]  }
.Ltmp43:
0x2be: {  	_ = 	snop;
	(pc) =	sbr.rel .LBB3_48-.Ltmp43, $2  }
0x2bf: {  	_ =	sdelay $0x2  }
0x2c0: {  	[tilespmem:s4+$0xF2A8] =	vst.add.f32.msk $0xffff, v0  }
.LBB3_49:
0x2c1: {  	p1 =	slt.s32 s2, $0x1  }
.Ltmp44:
0x2c2: {  	_ = 	snop;
	(pc) =	sbr.rel @p1 .LBB3_53-.Ltmp44, $3  }
0x2c3: {  	_ =	sdelay $0x1  }
0x2c4: {  	s0 =	simm.s32 $0x8  }
0x2c5: {  	s3 =	simm.s32 $0x0;
	[sflag:s0] =	ssyncpa.u1 $0x1  }
0x2c6: {  	s0 =	simm.s32 $0xF218  }
0x2c7: {  	v0 =	vld.msk [tilespmem:s0+$0x0], $0x1;
	_ =	sdelay $0x4  }
0x2c8: {  	(v2sf) =	vpush v0, $0x0;
	_ =	sdelay $0xe  }
0x2c9: {  	s2 =	sadd.s32 $0xFFFFFFFF, s2;
	s0 =	spop (v2sf)  }
0x2ca: {  	p2 =	sne.s32 s2, $0x0;
	p1 =	sgt.u32 s0, $0xFFF0  }
.Ltmp45:
0x2cb: {  	s5 =	sand.u32 @!p1 $0xFFF8, s0;
	(pc) =	sbr.rel @!p2 .LBB3_52-.Ltmp45, $4  }
0x2cc: {  	s4 =	simm.s32 $0xF238;
	s0 =	sand.u32 @!p1 $0x7, s0;
	s5 =	sadd.s32 @!p1 s1, s5  }
0x2cd: {  	[hbm4b:s5+s0] =	stream.linear.scatter @!p1 [tilespmem:s4], [sflag:$0x7], $0x80, $0x38;
	[tilespmem:$0x1F6F8] =	vst v63  }
0x2ce: {  	s5 =	simm.s32 $0x0  }
0x2cf: {  	s0 =	simm.s32 $0xF219;
	s5 =	simm.s32 @!p1 $0x200  }
.LBB3_51:
0x2d0: {  	v0 =	vld.msk [tilespmem:s0+$0x0], $0x1;
	s2 =	sadd.s32 $0xFFFFFFFF, s2;
	s3 =	sadd.s32 s3, s5  }
0x2d1: {  	p1 =	sne.s32 s2, $0x0;
	_ =	sdelay $0x3  }
0x2d2: {  	(v2sf) =	vpush v0, $0x0;
	_ =	sdelay $0xe  }
.Ltmp46:
0x2d3: {  	s6 =	spop (v2sf);
	(pc) =	sbr.rel @p1 .LBB3_51-.Ltmp46, $4  }
0x2d4: {  	s5 =	simm.s32 $0x0;
	p2 =	sgt.u32 s6, $0xFFF0  }
0x2d5: {  	s4 =	sadd.s32 $0x80, s4;
	s5 =	simm.s32 @!p2 $0x200;
	s7 =	sand.u32 @!p2 $0xFFF8, s6  }
0x2d6: {  	s0 =	sadd.s32 $0x1, s0;
	s6 =	sand.u32 @!p2 $0x7, s6;
	s7 =	sadd.s32 @!p2 s1, s7  }
0x2d7: {  	[hbm4b:s7+s6] =	stream.linear.scatter @!p2 [tilespmem:s4], [sflag:$0x7], $0x80, $0x38;
	[tilespmem:$0x1F6F8] =	vst v63  }
.LBB3_52:
0x2d8: {  	s0 =	sadd.s32 s3, s5  }
0x2d9: {  	s3 =	sshrl.u32 s0, $0x2  }
.LBB3_53:
0x2da: {  	s0 =	simm.s32 $0x7  }
0x2db: {  	_ =	swait.ge [sflag:s0], s3  }
0x2dc: {  	s1 =	ssub.s32 $0x0, s3;
	[sflag:s0] =	ssyncset.done $0x0  }
0x2dd: {  	[sflag:s0] =	ssyncadd.s32 s1  }
0x2de: {  	[sflag:s0] =	ssyncpa.u1 $0x1  }
.LBB3_54:
0x2df: {  	_ =	sfence;
	s0 =	simm.s32 $0x1  }
0x2e0: {  	[sflag:s0] =	ssyncpa.u1 $0x1  }
0x2e1: {  	_ =	strace $0x9000004D  }
0x2e2: {  	[bflag:$0x2] =	sbarrier.arrive $0xFFFF  }
0x2e3: {  	s0 =	rddreg [dreg:$0x3]  }
0x2e4: {  	s0 =	sadd.s32 @!p0 $0x100000, s0  }
0x2e5: {  	[sflag:s0] =	ssyncadd.tile.s32 @!p0 $0x1;
	_ =	shalt  }
.Lfunc_end3:
_tile_overlayer_lowered:
.L_overlay_start_3:
0x2e6: {  	(tag) =	ssettag $0x3  }
0x2e7: {  	s0 =	rddreg [dreg:$0x0];
	s2 =	stileid.u32  }
0x2e8: {  	s1 =	rddreg [dreg:$0x1];
	p0 =	sne.s32 s2, $0x0  }
0x2e9: {  	s3 =	rddreg [dreg:$0x2];
	[bflag:$0x3] =	sbarrier.arrive $0xFFFF;
	s2 =	simm.s32 @!p0 $0x1C01  }
0x2ea: {  	[timem:s3], [sflag:s2] =	dma.local @!p0 [hbm:s0], s1  }
0x2eb: {  	s0 =	simm.s32 @!p0 $0x1  }
0x2ec: {  	_ =	swait.ge @!p0 [sflag:s0], s1  }
0x2ed: {  	s1 =	ssub.s32 @!p0 $0x0, s1;
	[sflag:s0] =	ssyncset.done @!p0 $0x0  }
0x2ee: {  	[sflag:s0] =	ssyncadd.s32 @!p0 s1  }
0x2ef: {  	[bflag:$0x3] =	sbarrier.arrive $0xFFFF  }
0x2f0: {  	_ =	shalt  }

</sc_bundles>
